<compile_context>
chip_gen: v7x
topology: tpu7x:2x2x1
jax: 0.10.2.dev20260603
libtpu: 0.0.44.dev20260713+nightly
codegen_flags: <defaults>
</compile_context>

<pallas_src>
import functools

import jax
import jax.numpy as jnp
from jax import lax
from jax.experimental import pallas as pl
from jax.experimental.pallas import tpu as pltpu
from jax.experimental.pallas import tpu_sc as plsc

_B = 4096
_NF = 26
_VOCAB = 100000
_D = 64
_CONT = 13
_OUT_ROWS = _CONT + _NF * _D
_NROWS = _NF * _D

_NC = 2
_NS = 16
_NW = _NC * _NS
_NPAIR = _NROWS // (2 * _NW)

_QUARTER = 25088
_LAST = 24704
_ALIGNED = 3 * _QUARTER + _LAST
_TAIL = _VOCAB - _ALIGNED
_GROUPS = _B // 16
_LENS = (_QUARTER, _QUARTER, _QUARTER, _LAST)


@functools.partial(
    pl.kernel,
    out_type=jax.ShapeDtypeStruct((_OUT_ROWS, _B), jnp.float32),
    mesh=plsc.VectorSubcoreMesh(core_axis_name="c", subcore_axis_name="s"),
    scratch_types=[
        pltpu.VMEM((2, _QUARTER), jnp.float32),
        pltpu.VMEM((2, _QUARTER), jnp.float32),
        pltpu.VMEM((_B,), jnp.int32),
        pltpu.VMEM((_B,), jnp.int32),
        pltpu.VMEM((_TAIL,), jnp.float32),
        pltpu.VMEM((_TAIL,), jnp.float32),
        pltpu.VMEM((_TAIL,), jnp.float32),
        pltpu.VMEM((_TAIL,), jnp.float32),
        pltpu.VMEM((_B,), jnp.float32),
        pltpu.VMEM((_B,), jnp.float32),
        pltpu.SemaphoreType.DMA,
        pltpu.SemaphoreType.DMA,
        pltpu.SemaphoreType.DMA,
        pltpu.SemaphoreType.DMA,
    ],
    compiler_params=pltpu.CompilerParams(
        needs_layout_passes=False, disable_bounds_checks=True,
        disable_semaphore_checks=True),
)
def _embed(tbl_hbm, idx_hbm, cont_hbm, out_hbm, bufa, bufb,
           idx0_v, idx1_v, t00, t01, t10, t11, row0_v, row1_v,
           sema, semb, semi, semo):
    wid = lax.axis_index("s") * _NC + lax.axis_index("c")
    a = wid >> 2
    j = wid & 3
    rows = (row0_v, row1_v)
    idxs = (idx0_v, idx1_v)
    tails = ((t00, t01), (t10, t11))

    def pair_q(p):
        return (4 * (a + 8 * p) + j) * 2

    def issue_chunk(c, q, buf, sem):
        return pltpu.async_copy(
            tbl_hbm.at[pl.ds(q, 2), pl.ds(c * _QUARTER, _LENS[c])],
            buf.at[:, pl.ds(0, _LENS[c])], sem)

    def issue_aux(q, pb):
        pltpu.async_copy(idx_hbm.at[pl.ds((q >> 6) * _B, _B)], idxs[pb],
                         semi)
        for r in range(2):
            pltpu.async_copy(tbl_hbm.at[q + r, pl.ds(_ALIGNED, _TAIL)],
                             tails[pb][r], semi)

    def wait_aux(pb):
        pltpu.make_async_copy(
            idx_hbm.at[pl.ds(0, _B)], idxs[pb], semi).wait()
        for r in range(2):
            pltpu.make_async_copy(
                tbl_hbm.at[0, pl.ds(_ALIGNED, _TAIL)], tails[pb][r],
                semi).wait()

    def wait_chunk(c, buf, sem):
        pltpu.make_async_copy(
            tbl_hbm.at[pl.ds(0, 2), pl.ds(c * _QUARTER, _LENS[c])],
            buf.at[:, pl.ds(0, _LENS[c])], sem).wait()

    def gather_pass(c, buf, pb):
        base = c * _QUARTER
        n = _LENS[c]
        idx_v = idxs[pb]

        def g_body(g, _):
            v = idx_v[pl.ds(g * 16, 16)]
            w = v - base
            m = w.astype(jnp.uint32) < jnp.uint32(n)
            if c == 3:
                wt = v - _ALIGNED
                mt = wt >= 0
            for r in range(2):
                rsplat = jnp.full((16,), r, jnp.int32)
                got = plsc.load_gather(buf, [rsplat, w], mask=m)
                if c == 0:
                    rows[r][pl.ds(g * 16, 16)] = got
                else:
                    plsc.addupdate(rows[r].at[pl.ds(g * 16, 16)], got)
                    if c == 3:
                        gt = plsc.load_gather(tails[pb][r], [wt], mask=mt)
                        plsc.addupdate(rows[r].at[pl.ds(g * 16, 16)], gt)
            return ()

        lax.fori_loop(0, _GROUPS, g_body, (), unroll=8)

    def drain_row_writes():
        for r in range(2):
            pltpu.make_async_copy(rows[r], out_hbm.at[0], semo).wait()

    def process(i, pb, more):
        q = pair_q(i)
        qn = pair_q(i + 1)
        wait_aux(pb)

        wait_chunk(0, bufa, sema)

        @pl.when(i > 0)
        def _drain_prev():
            drain_row_writes()

        gather_pass(0, bufa, pb)
        issue_chunk(2, q, bufa, sema)

        wait_chunk(1, bufb, semb)
        gather_pass(1, bufb, pb)
        issue_chunk(3, q, bufb, semb)

        wait_chunk(2, bufa, sema)
        gather_pass(2, bufa, pb)

        @pl.when(more)
        def _pre_a():
            issue_chunk(0, qn, bufa, sema)
            issue_aux(qn, 1 - pb)

        wait_chunk(3, bufb, semb)
        gather_pass(3, bufb, pb)

        @pl.when(more)
        def _pre_b():
            issue_chunk(1, qn, bufb, semb)

        pltpu.async_copy(row0_v, out_hbm.at[_CONT + q], semo)
        pltpu.async_copy(row1_v, out_hbm.at[_CONT + q + 1], semo)

    q0 = pair_q(0)
    issue_chunk(0, q0, bufa, sema)
    issue_chunk(1, q0, bufb, semb)
    issue_aux(q0, 0)

    def pair2_body(p, _):
        process(2 * p, 0, 2 * p + 1 < _NPAIR)
        process(2 * p + 1, 1, 2 * p + 2 < _NPAIR)
        return ()

    lax.fori_loop(0, _NPAIR // 2, pair2_body, ())
    drain_row_writes()

    @pl.when(wid == _NW - 1)
    def _copy_cont():
        def cont_body(r, _):
            pltpu.sync_copy(cont_hbm.at[r], row0_v)
            pltpu.sync_copy(row0_v, out_hbm.at[r])
            return ()

        lax.fori_loop(0, _CONT, cont_body, ())


def kernel(continuous, categorical, tables):
    tbl2d = jnp.transpose(tables, (0, 2, 1)).reshape(_NF * _D, _VOCAB)
    idx_t = categorical.astype(jnp.int32).T.reshape(-1)
    cont_t = continuous.T
    out_t = _embed(tbl2d, idx_t, cont_t)
    return out_t.T

# --- scband reference (transcript-rebuilt; emitter-appended) ---
"""Pipeline reference for scband-embedding-layer-86431921865176 (READ-ONLY COPY).

The authoritative reference and input builder live on the scoring server;
editing this copy changes nothing except your own understanding.
"""

import jax, jax.numpy as jnp
import numpy as np

B = 4096
N_FIELDS = 26
VOCAB = 100000
EMB_DIM = 64
CONT_DIM = 13


def setup_inputs(seed: int = 0) -> dict:
    key = jax.random.key(seed)
    k_cont, k_cat, k_tab = jax.random.split(key, 3)
    continuous = jax.random.normal(k_cont, (B, CONT_DIM), dtype=jnp.float32)
    categorical = jax.random.randint(k_cat, (B, N_FIELDS), 0, VOCAB, dtype=jnp.int64)
    # one embedding table per categorical field, stacked: [N_FIELDS, VOCAB, EMB_DIM]
    tables = jax.random.normal(k_tab, (N_FIELDS, VOCAB, EMB_DIM), dtype=jnp.float32) * 0.01
    return {"continuous": continuous, "categorical": categorical, "tables": tables}


def reference(continuous, categorical, tables):
    # Original forward: x = {'continuous': ..., 'categorical': ...}
    # embedding_dropout=0.0 and batch_norm_continuous_input=False, so neither is applied.
    # continuous passes through; each categorical column is looked up in its own
    # embedding table and results are concatenated along dim 1.
    field_idx = jnp.arange(N_FIELDS)[None, :]              # [1, N_FIELDS]
    cat_embed = tables[field_idx, categorical]             # gather -> [B, N_FIELDS, EMB_DIM]
    cat_embed = cat_embed.reshape(continuous.shape[0], N_FIELDS * EMB_DIM)
    embed = jnp.concatenate([continuous, cat_embed], axis=1)  # [B, CONT_DIM + N_FIELDS*EMB_DIM]
    return embed

if __name__ == "__main__":
    import jax
    _d = setup_inputs()
    print(jax.jit(kernel)(*tuple(_d.values())))

</pallas_src>

<mosaic_0001>
#map = affine_map<(d0, d1) -> (0, 0)>
#map1 = affine_map<(d0, d1) -> (0)>
module attributes {stable_mosaic.version = 14 : i64} {
  func.func @_embed(%arg0: i32, %arg1: i32, %arg2: memref<1664x100000xf32, #tpu.memory_space<hbm>>, %arg3: memref<106496xi32, #tpu.memory_space<hbm>>, %arg4: memref<13x4096xf32, #tpu.memory_space<hbm>>, %arg5: memref<1677x4096xf32, #tpu.memory_space<hbm>>, %arg6: memref<2x25088xf32, #tpu.memory_space<vmem>>, %arg7: memref<2x25088xf32, #tpu.memory_space<vmem>>, %arg8: memref<4096xi32, #tpu.memory_space<vmem>>, %arg9: memref<4096xi32, #tpu.memory_space<vmem>>, %arg10: memref<32xf32, #tpu.memory_space<vmem>>, %arg11: memref<32xf32, #tpu.memory_space<vmem>>, %arg12: memref<32xf32, #tpu.memory_space<vmem>>, %arg13: memref<32xf32, #tpu.memory_space<vmem>>, %arg14: memref<4096xf32, #tpu.memory_space<vmem>>, %arg15: memref<4096xf32, #tpu.memory_space<vmem>>, %arg16: memref<!tpu.dma_semaphore, #tpu.memory_space<semaphore_mem>>, %arg17: memref<!tpu.dma_semaphore, #tpu.memory_space<semaphore_mem>>, %arg18: memref<!tpu.dma_semaphore, #tpu.memory_space<semaphore_mem>>, %arg19: memref<!tpu.dma_semaphore, #tpu.memory_space<semaphore_mem>>) attributes {dimension_semantics = [#tpu.dimension_semantics<core_parallel>, #tpu.dimension_semantics<subcore_parallel>], iteration_bounds = array<i64: 2, 16>, scalar_prefetch = 0 : i64, scratch_operands = 14 : i64, tpu.core_type = #tpu.core_type<sc_vector_subcore>, window_params = [{transform_indices = #map}, {transform_indices = #map1}, {transform_indices = #map}, {transform_indices = #map}]} {
    %mul3A = arith.constant 2 : i32
    %mul3A_0 = arith.muli %arg1, %mul3A : i32
    %add3A = arith.addi %mul3A_0, %arg0 : i32
    %shift_right_arithmetic3A = arith.constant 2 : i32
    %shift_right_arithmetic3A_1 = arith.shrsi %add3A, %shift_right_arithmetic3A : i32
    %and3A = arith.constant 3 : i32
    %and3A_2 = arith.andi %add3A, %and3A : i32
    %add3A_3 = arith.constant 0 : i32
    %add3A_4 = arith.addi %shift_right_arithmetic3A_1, %add3A_3 : i32
    %mul3A_5 = arith.constant 4 : i32
    %mul3A_6 = arith.muli %mul3A_5, %add3A_4 : i32
    %add3A_7 = arith.addi %mul3A_6, %and3A_2 : i32
    %mul3A_8 = arith.constant 2 : i32
    %mul3A_9 = arith.muli %add3A_7, %mul3A_8 : i32
    %dma_start3A = arith.constant 0 : i32
    %dma_start3A_10 = arith.constant 0 : i32
    %dma_start3A_11 = tpu.memref_slice %arg6[%dma_start3A, %dma_start3A_10] : memref<2x25088xf32, #tpu.memory_space<vmem>> -> memref<2x25088xf32, #tpu.memory_space<vmem>>
    %dma_start3A_12 = arith.constant 0 : i32
    %dma_start3A_13 = tpu.memref_slice %arg2[%mul3A_9, %dma_start3A_12] : memref<1664x100000xf32, #tpu.memory_space<hbm>> -> memref<2x25088xf32, #tpu.memory_space<hbm>>
    %dma_start3A_14 = arith.constant 0 : i32
    %dma_start3A_15 = arith.constant 0 : i32
    %dma_start3A_16 = tpu.memref_slice %arg6[%dma_start3A_14, %dma_start3A_15] : memref<2x25088xf32, #tpu.memory_space<vmem>> -> memref<2x25088xf32, #tpu.memory_space<vmem>>
    %dma_start3A_17 = arith.constant 0 : i32
    %dma_start3A_18 = tpu.memref_slice %arg2[%mul3A_9, %dma_start3A_17] : memref<1664x100000xf32, #tpu.memory_space<hbm>> -> memref<2x25088xf32, #tpu.memory_space<hbm>>
    tpu.enqueue_dma source(%dma_start3A_18 : memref<2x25088xf32, #tpu.memory_space<hbm>>) target(%dma_start3A_16 : memref<2x25088xf32, #tpu.memory_space<vmem>>) target_semaphore(%arg16 : memref<!tpu.dma_semaphore, #tpu.memory_space<semaphore_mem>>)
    %dma_start3A_19 = arith.constant 0 : i32
    %dma_start3A_20 = arith.constant 0 : i32
    %dma_start3A_21 = tpu.memref_slice %arg7[%dma_start3A_19, %dma_start3A_20] : memref<2x25088xf32, #tpu.memory_space<vmem>> -> memref<2x25088xf32, #tpu.memory_space<vmem>>
    %dma_start3A_22 = arith.constant 25088 : i32
    %dma_start3A_23 = tpu.memref_slice %arg2[%mul3A_9, %dma_start3A_22] : memref<1664x100000xf32, #tpu.memory_space<hbm>> -> memref<2x25088xf32, #tpu.memory_space<hbm>>
    %dma_start3A_24 = arith.constant 0 : i32
    %dma_start3A_25 = arith.constant 0 : i32
    %dma_start3A_26 = tpu.memref_slice %arg7[%dma_start3A_24, %dma_start3A_25] : memref<2x25088xf32, #tpu.memory_space<vmem>> -> memref<2x25088xf32, #tpu.memory_space<vmem>>
    %dma_start3A_27 = arith.constant 25088 : i32
    %dma_start3A_28 = tpu.memref_slice %arg2[%mul3A_9, %dma_start3A_27] : memref<1664x100000xf32, #tpu.memory_space<hbm>> -> memref<2x25088xf32, #tpu.memory_space<hbm>>
    tpu.enqueue_dma source(%dma_start3A_28 : memref<2x25088xf32, #tpu.memory_space<hbm>>) target(%dma_start3A_26 : memref<2x25088xf32, #tpu.memory_space<vmem>>) target_semaphore(%arg17 : memref<!tpu.dma_semaphore, #tpu.memory_space<semaphore_mem>>)
    %shift_right_arithmetic3A_29 = arith.constant 6 : i32
    %shift_right_arithmetic3A_30 = arith.shrsi %mul3A_9, %shift_right_arithmetic3A_29 : i32
    %mul3A_31 = arith.constant 4096 : i32
    %mul3A_32 = arith.muli %shift_right_arithmetic3A_30, %mul3A_31 : i32
    %dma_start3A_33 = tpu.memref_slice %arg3[%mul3A_32] : memref<106496xi32, #tpu.memory_space<hbm>> -> memref<4096xi32, #tpu.memory_space<hbm>>
    %dma_start3A_34 = tpu.memref_slice %arg3[%mul3A_32] : memref<106496xi32, #tpu.memory_space<hbm>> -> memref<4096xi32, #tpu.memory_space<hbm>>
    tpu.enqueue_dma source(%dma_start3A_34 : memref<4096xi32, #tpu.memory_space<hbm>>) target(%arg8 : memref<4096xi32, #tpu.memory_space<vmem>>) target_semaphore(%arg18 : memref<!tpu.dma_semaphore, #tpu.memory_space<semaphore_mem>>)
    %add3A_35 = arith.constant 0 : i32
    %add3A_36 = arith.addi %mul3A_9, %add3A_35 : i32
    %dma_start3A_37 = arith.constant 99968 : i32
    %dma_start3A_38 = tpu.memref_slice %arg2[%add3A_36, %dma_start3A_37] : memref<1664x100000xf32, #tpu.memory_space<hbm>> -> memref<1x32xf32, #tpu.memory_space<hbm>>
    %dma_start3A_39 = tpu.memref_squeeze %dma_start3A_38 : memref<1x32xf32, #tpu.memory_space<hbm>> -> memref<32xf32, #tpu.memory_space<hbm>>
    %dma_start3A_40 = arith.constant 99968 : i32
    %dma_start3A_41 = tpu.memref_slice %arg2[%add3A_36, %dma_start3A_40] : memref<1664x100000xf32, #tpu.memory_space<hbm>> -> memref<1x32xf32, #tpu.memory_space<hbm>>
    %dma_start3A_42 = tpu.memref_squeeze %dma_start3A_41 : memref<1x32xf32, #tpu.memory_space<hbm>> -> memref<32xf32, #tpu.memory_space<hbm>>
    tpu.enqueue_dma source(%dma_start3A_42 : memref<32xf32, #tpu.memory_space<hbm>>) target(%arg10 : memref<32xf32, #tpu.memory_space<vmem>>) target_semaphore(%arg18 : memref<!tpu.dma_semaphore, #tpu.memory_space<semaphore_mem>>)
    %add3A_43 = arith.constant 1 : i32
    %add3A_44 = arith.addi %mul3A_9, %add3A_43 : i32
    %dma_start3A_45 = arith.constant 99968 : i32
    %dma_start3A_46 = tpu.memref_slice %arg2[%add3A_44, %dma_start3A_45] : memref<1664x100000xf32, #tpu.memory_space<hbm>> -> memref<1x32xf32, #tpu.memory_space<hbm>>
    %dma_start3A_47 = tpu.memref_squeeze %dma_start3A_46 : memref<1x32xf32, #tpu.memory_space<hbm>> -> memref<32xf32, #tpu.memory_space<hbm>>
    %dma_start3A_48 = arith.constant 99968 : i32
    %dma_start3A_49 = tpu.memref_slice %arg2[%add3A_44, %dma_start3A_48] : memref<1664x100000xf32, #tpu.memory_space<hbm>> -> memref<1x32xf32, #tpu.memory_space<hbm>>
    %dma_start3A_50 = tpu.memref_squeeze %dma_start3A_49 : memref<1x32xf32, #tpu.memory_space<hbm>> -> memref<32xf32, #tpu.memory_space<hbm>>
    tpu.enqueue_dma source(%dma_start3A_50 : memref<32xf32, #tpu.memory_space<hbm>>) target(%arg11 : memref<32xf32, #tpu.memory_space<vmem>>) target_semaphore(%arg18 : memref<!tpu.dma_semaphore, #tpu.memory_space<semaphore_mem>>)
    %scan3A = arith.constant 0 : i32
    %scan3A_51 = arith.constant 13 : i32
    %scan3A_52 = arith.addi %scan3A, %scan3A_51 : i32
    %scan3A_53 = arith.constant 1 : i32
    scf.for %scan3A_70 = %scan3A to %scan3A_52 step %scan3A_53  : i32 {
      %mul3A_71 = arith.constant 2 : i32
      %mul3A_72 = arith.muli %mul3A_71, %scan3A_70 : i32
      %mul3A_73 = arith.constant 2 : i32
      %mul3A_74 = arith.muli %mul3A_73, %scan3A_70 : i32
      %add3A_75 = arith.constant 1 : i32
      %add3A_76 = arith.addi %mul3A_74, %add3A_75 : i32
      %lt3A = arith.constant 26 : i32
      %lt3A_77 = arith.cmpi slt, %add3A_76, %lt3A : i32
      %mul3A_78 = arith.constant 8 : i32
      %mul3A_79 = arith.muli %mul3A_78, %mul3A_72 : i32
      %add3A_80 = arith.addi %shift_right_arithmetic3A_1, %mul3A_79 : i32
      %mul3A_81 = arith.constant 4 : i32
      %mul3A_82 = arith.muli %mul3A_81, %add3A_80 : i32
      %add3A_83 = arith.addi %mul3A_82, %and3A_2 : i32
      %mul3A_84 = arith.constant 2 : i32
      %mul3A_85 = arith.muli %add3A_83, %mul3A_84 : i32
      %add3A_86 = arith.constant 1 : i32
      %add3A_87 = arith.addi %mul3A_72, %add3A_86 : i32
      %mul3A_88 = arith.constant 8 : i32
      %mul3A_89 = arith.muli %mul3A_88, %add3A_87 : i32
      %add3A_90 = arith.addi %shift_right_arithmetic3A_1, %mul3A_89 : i32
      %mul3A_91 = arith.constant 4 : i32
      %mul3A_92 = arith.muli %mul3A_91, %add3A_90 : i32
      %add3A_93 = arith.addi %mul3A_92, %and3A_2 : i32
      %mul3A_94 = arith.constant 2 : i32
      %mul3A_95 = arith.muli %add3A_93, %mul3A_94 : i32
      %dma_wait3A_96 = arith.constant 0 : i32
      %dma_wait3A_97 = tpu.memref_slice %arg3[%dma_wait3A_96] : memref<106496xi32, #tpu.memory_space<hbm>> -> memref<4096xi32, #tpu.memory_space<hbm>>
      %dma_wait3A_98 = arith.constant 0 : i32
      %dma_wait3A_99 = tpu.memref_slice %arg3[%dma_wait3A_98] : memref<106496xi32, #tpu.memory_space<hbm>> -> memref<4096xi32, #tpu.memory_space<hbm>>
      tpu.wait_dma2 semaphore(%arg18 : memref<!tpu.dma_semaphore, #tpu.memory_space<semaphore_mem>>) src(%dma_wait3A_99 : memref<4096xi32, #tpu.memory_space<hbm>>) dst(%arg8 : memref<4096xi32, #tpu.memory_space<vmem>>)
      %dma_wait3A_100 = arith.constant 0 : i32
      %dma_wait3A_101 = arith.constant 99968 : i32
      %dma_wait3A_102 = tpu.memref_slice %arg2[%dma_wait3A_100, %dma_wait3A_101] : memref<1664x100000xf32, #tpu.memory_space<hbm>> -> memref<1x32xf32, #tpu.memory_space<hbm>>
      %dma_wait3A_103 = tpu.memref_squeeze %dma_wait3A_102 : memref<1x32xf32, #tpu.memory_space<hbm>> -> memref<32xf32, #tpu.memory_space<hbm>>
      %dma_wait3A_104 = arith.constant 99968 : i32
      %dma_wait3A_105 = tpu.memref_slice %arg2[%dma_wait3A_100, %dma_wait3A_104] : memref<1664x100000xf32, #tpu.memory_space<hbm>> -> memref<1x32xf32, #tpu.memory_space<hbm>>
      %dma_wait3A_106 = tpu.memref_squeeze %dma_wait3A_105 : memref<1x32xf32, #tpu.memory_space<hbm>> -> memref<32xf32, #tpu.memory_space<hbm>>
      tpu.wait_dma2 semaphore(%arg18 : memref<!tpu.dma_semaphore, #tpu.memory_space<semaphore_mem>>) src(%dma_wait3A_106 : memref<32xf32, #tpu.memory_space<hbm>>) dst(%arg10 : memref<32xf32, #tpu.memory_space<vmem>>)
      %dma_wait3A_107 = arith.constant 0 : i32
      %dma_wait3A_108 = arith.constant 99968 : i32
      %dma_wait3A_109 = tpu.memref_slice %arg2[%dma_wait3A_107, %dma_wait3A_108] : memref<1664x100000xf32, #tpu.memory_space<hbm>> -> memref<1x32xf32, #tpu.memory_space<hbm>>
      %dma_wait3A_110 = tpu.memref_squeeze %dma_wait3A_109 : memref<1x32xf32, #tpu.memory_space<hbm>> -> memref<32xf32, #tpu.memory_space<hbm>>
      %dma_wait3A_111 = arith.constant 99968 : i32
      %dma_wait3A_112 = tpu.memref_slice %arg2[%dma_wait3A_107, %dma_wait3A_111] : memref<1664x100000xf32, #tpu.memory_space<hbm>> -> memref<1x32xf32, #tpu.memory_space<hbm>>
      %dma_wait3A_113 = tpu.memref_squeeze %dma_wait3A_112 : memref<1x32xf32, #tpu.memory_space<hbm>> -> memref<32xf32, #tpu.memory_space<hbm>>
      tpu.wait_dma2 semaphore(%arg18 : memref<!tpu.dma_semaphore, #tpu.memory_space<semaphore_mem>>) src(%dma_wait3A_113 : memref<32xf32, #tpu.memory_space<hbm>>) dst(%arg11 : memref<32xf32, #tpu.memory_space<vmem>>)
      %dma_wait3A_114 = arith.constant 0 : i32
      %dma_wait3A_115 = arith.constant 0 : i32
      %dma_wait3A_116 = tpu.memref_slice %arg6[%dma_wait3A_114, %dma_wait3A_115] : memref<2x25088xf32, #tpu.memory_space<vmem>> -> memref<2x25088xf32, #tpu.memory_space<vmem>>
      %dma_wait3A_117 = arith.constant 0 : i32
      %dma_wait3A_118 = arith.constant 0 : i32
      %dma_wait3A_119 = tpu.memref_slice %arg2[%dma_wait3A_117, %dma_wait3A_118] : memref<1664x100000xf32, #tpu.memory_space<hbm>> -> memref<2x25088xf32, #tpu.memory_space<hbm>>
      %dma_wait3A_120 = arith.constant 0 : i32
      %dma_wait3A_121 = arith.constant 0 : i32
      %dma_wait3A_122 = tpu.memref_slice %arg6[%dma_wait3A_120, %dma_wait3A_121] : memref<2x25088xf32, #tpu.memory_space<vmem>> -> memref<2x25088xf32, #tpu.memory_space<vmem>>
      %dma_wait3A_123 = arith.constant 0 : i32
      %dma_wait3A_124 = arith.constant 0 : i32
      %dma_wait3A_125 = tpu.memref_slice %arg2[%dma_wait3A_123, %dma_wait3A_124] : memref<1664x100000xf32, #tpu.memory_space<hbm>> -> memref<2x25088xf32, #tpu.memory_space<hbm>>
      tpu.wait_dma2 semaphore(%arg16 : memref<!tpu.dma_semaphore, #tpu.memory_space<semaphore_mem>>) src(%dma_wait3A_125 : memref<2x25088xf32, #tpu.memory_space<hbm>>) dst(%dma_wait3A_122 : memref<2x25088xf32, #tpu.memory_space<vmem>>)
      %gt3A = arith.constant 0 : i32
      %gt3A_126 = arith.cmpi sgt, %mul3A_72, %gt3A : i32
      %convert_element_type3A_127 = arith.extui %gt3A_126 : i1 to i32
      %cond3A_128 = arith.constant 0 : i32
      %cond3A_129 = arith.cmpi ne, %convert_element_type3A_127, %cond3A_128 : i32
      scf.if %cond3A_129 {
        %dma_wait3A_393 = arith.constant 0 : i32
        %dma_wait3A_394 = arith.constant 0 : i32
        %dma_wait3A_395 = tpu.memref_slice %arg5[%dma_wait3A_393, %dma_wait3A_394] : memref<1677x4096xf32, #tpu.memory_space<hbm>> -> memref<1x4096xf32, #tpu.memory_space<hbm>>
        %dma_wait3A_396 = tpu.memref_squeeze %dma_wait3A_395 : memref<1x4096xf32, #tpu.memory_space<hbm>> -> memref<4096xf32, #tpu.memory_space<hbm>>
        %dma_wait3A_397 = arith.constant 0 : i32
        %dma_wait3A_398 = tpu.memref_slice %arg5[%dma_wait3A_393, %dma_wait3A_397] : memref<1677x4096xf32, #tpu.memory_space<hbm>> -> memref<1x4096xf32, #tpu.memory_space<hbm>>
        %dma_wait3A_399 = tpu.memref_squeeze %dma_wait3A_398 : memref<1x4096xf32, #tpu.memory_space<hbm>> -> memref<4096xf32, #tpu.memory_space<hbm>>
        tpu.wait_dma2 semaphore(%arg19 : memref<!tpu.dma_semaphore, #tpu.memory_space<semaphore_mem>>) src(%arg14 : memref<4096xf32, #tpu.memory_space<vmem>>) dst(%dma_wait3A_399 : memref<4096xf32, #tpu.memory_space<hbm>>)
        %dma_wait3A_400 = arith.constant 0 : i32
        %dma_wait3A_401 = arith.constant 0 : i32
        %dma_wait3A_402 = tpu.memref_slice %arg5[%dma_wait3A_400, %dma_wait3A_401] : memref<1677x4096xf32, #tpu.memory_space<hbm>> -> memref<1x4096xf32, #tpu.memory_space<hbm>>
        %dma_wait3A_403 = tpu.memref_squeeze %dma_wait3A_402 : memref<1x4096xf32, #tpu.memory_space<hbm>> -> memref<4096xf32, #tpu.memory_space<hbm>>
        %dma_wait3A_404 = arith.constant 0 : i32
        %dma_wait3A_405 = tpu.memref_slice %arg5[%dma_wait3A_400, %dma_wait3A_404] : memref<1677x4096xf32, #tpu.memory_space<hbm>> -> memref<1x4096xf32, #tpu.memory_space<hbm>>
        %dma_wait3A_406 = tpu.memref_squeeze %dma_wait3A_405 : memref<1x4096xf32, #tpu.memory_space<hbm>> -> memref<4096xf32, #tpu.memory_space<hbm>>
        tpu.wait_dma2 semaphore(%arg19 : memref<!tpu.dma_semaphore, #tpu.memory_space<semaphore_mem>>) src(%arg15 : memref<4096xf32, #tpu.memory_space<vmem>>) dst(%dma_wait3A_406 : memref<4096xf32, #tpu.memory_space<hbm>>)
      } else {
      }
      %scan3A_130 = arith.constant 0 : i32
      %scan3A_131 = arith.constant 256 : i32
      %scan3A_132 = arith.addi %scan3A_130, %scan3A_131 : i32
      %scan3A_133 = arith.constant 8 : i32
      scf.for %scan3A_393 = %scan3A_130 to %scan3A_132 step %scan3A_133  : i32 {
        %mul3A_394 = arith.constant 16 : i32
        %mul3A_395 = arith.muli %scan3A_393, %mul3A_394 : i32
        %get3A = arith.index_cast %mul3A_395 : i32 to index
        %get3A_396 = tpu.vector_load %arg8[%get3A] {strides = array<i32>} : memref<4096xi32, #tpu.memory_space<vmem>>, vector<16xi32>,
        %sub3A = arith.constant 0 : i32
        %sub3A_397 = vector.broadcast %sub3A : i32 to vector<16xi32>
        %sub3A_398 = arith.subi %get3A_396, %sub3A_397 : vector<16xi32>
        %lt3A_399 = arith.constant 25088 : i32
        %lt3A_400 = vector.broadcast %lt3A_399 : i32 to vector<16xi32>
        %lt3A_401 = arith.cmpi ult, %sub3A_398, %lt3A_400 : vector<16xi32>
        %broadcast_in_dim3A = arith.constant 0 : i32
        %broadcast_in_dim3A_402 = vector.broadcast %broadcast_in_dim3A : i32 to vector<16xi32>
        %gather3A = tpu.vector_load_idx %arg6[%broadcast_in_dim3A_402, %sub3A_398] masked %lt3A_401 : memref<2x25088xf32, #tpu.memory_space<vmem>>[vector<16xi32>, vector<16xi32>], vector<16xf32>, vector<16xi1>
        %mul3A_403 = arith.constant 16 : i32
        %mul3A_404 = arith.muli %scan3A_393, %mul3A_403 : i32
        %swap3A = arith.index_cast %mul3A_404 : i32 to index
        %swap3A_405 = tpu.vector_load %arg14[%swap3A] {strides = array<i32>} : memref<4096xf32, #tpu.memory_space<vmem>>, vector<16xf32>,
        tpu.vector_store %arg14[%swap3A], %gather3A {strides = array<i32>} : memref<4096xf32, #tpu.memory_space<vmem>>, vector<16xf32>,
        %broadcast_in_dim3A_406 = arith.constant 1 : i32
        %broadcast_in_dim3A_407 = vector.broadcast %broadcast_in_dim3A_406 : i32 to vector<16xi32>
        %gather3A_408 = tpu.vector_load_idx %arg6[%broadcast_in_dim3A_407, %sub3A_398] masked %lt3A_401 : memref<2x25088xf32, #tpu.memory_space<vmem>>[vector<16xi32>, vector<16xi32>], vector<16xf32>, vector<16xi1>
        %mul3A_409 = arith.constant 16 : i32
        %mul3A_410 = arith.muli %scan3A_393, %mul3A_409 : i32
        %swap3A_411 = arith.index_cast %mul3A_410 : i32 to index
        %swap3A_412 = tpu.vector_load %arg15[%swap3A_411] {strides = array<i32>} : memref<4096xf32, #tpu.memory_space<vmem>>, vector<16xf32>,
        tpu.vector_store %arg15[%swap3A_411], %gather3A_408 {strides = array<i32>} : memref<4096xf32, #tpu.memory_space<vmem>>, vector<16xf32>,
        %scan3A_413 = arith.constant 1 : i32
        %scan3A_414 = arith.addi %scan3A_393, %scan3A_413 : i32
        %mul3A_415 = arith.constant 16 : i32
        %mul3A_416 = arith.muli %scan3A_414, %mul3A_415 : i32
        %get3A_417 = arith.index_cast %mul3A_416 : i32 to index
        %get3A_418 = tpu.vector_load %arg8[%get3A_417] {strides = array<i32>} : memref<4096xi32, #tpu.memory_space<vmem>>, vector<16xi32>,
        %sub3A_419 = arith.constant 0 : i32
        %sub3A_420 = vector.broadcast %sub3A_419 : i32 to vector<16xi32>
        %sub3A_421 = arith.subi %get3A_418, %sub3A_420 : vector<16xi32>
        %lt3A_422 = arith.constant 25088 : i32
        %lt3A_423 = vector.broadcast %lt3A_422 : i32 to vector<16xi32>
        %lt3A_424 = arith.cmpi ult, %sub3A_421, %lt3A_423 : vector<16xi32>
        %broadcast_in_dim3A_425 = arith.constant 0 : i32
        %broadcast_in_dim3A_426 = vector.broadcast %broadcast_in_dim3A_425 : i32 to vector<16xi32>
        %gather3A_427 = tpu.vector_load_idx %arg6[%broadcast_in_dim3A_426, %sub3A_421] masked %lt3A_424 : memref<2x25088xf32, #tpu.memory_space<vmem>>[vector<16xi32>, vector<16xi32>], vector<16xf32>, vector<16xi1>
        %mul3A_428 = arith.constant 16 : i32
        %mul3A_429 = arith.muli %scan3A_414, %mul3A_428 : i32
        %swap3A_430 = arith.index_cast %mul3A_429 : i32 to index
        %swap3A_431 = tpu.vector_load %arg14[%swap3A_430] {strides = array<i32>} : memref<4096xf32, #tpu.memory_space<vmem>>, vector<16xf32>,
        tpu.vector_store %arg14[%swap3A_430], %gather3A_427 {strides = array<i32>} : memref<4096xf32, #tpu.memory_space<vmem>>, vector<16xf32>,
        %broadcast_in_dim3A_432 = arith.constant 1 : i32
        %broadcast_in_dim3A_433 = vector.broadcast %broadcast_in_dim3A_432 : i32 to vector<16xi32>
        %gather3A_434 = tpu.vector_load_idx %arg6[%broadcast_in_dim3A_433, %sub3A_421] masked %lt3A_424 : memref<2x25088xf32, #tpu.memory_space<vmem>>[vector<16xi32>, vector<16xi32>], vector<16xf32>, vector<16xi1>
        %mul3A_435 = arith.constant 16 : i32
        %mul3A_436 = arith.muli %scan3A_414, %mul3A_435 : i32
        %swap3A_437 = arith.index_cast %mul3A_436 : i32 to index
        %swap3A_438 = tpu.vector_load %arg15[%swap3A_437] {strides = array<i32>} : memref<4096xf32, #tpu.memory_space<vmem>>, vector<16xf32>,
        tpu.vector_store %arg15[%swap3A_437], %gather3A_434 {strides = array<i32>} : memref<4096xf32, #tpu.memory_space<vmem>>, vector<16xf32>,
        %scan3A_439 = arith.constant 2 : i32
        %scan3A_440 = arith.addi %scan3A_393, %scan3A_439 : i32
        %mul3A_441 = arith.constant 16 : i32
        %mul3A_442 = arith.muli %scan3A_440, %mul3A_441 : i32
        %get3A_443 = arith.index_cast %mul3A_442 : i32 to index
        %get3A_444 = tpu.vector_load %arg8[%get3A_443] {strides = array<i32>} : memref<4096xi32, #tpu.memory_space<vmem>>, vector<16xi32>,
        %sub3A_445 = arith.constant 0 : i32
        %sub3A_446 = vector.broadcast %sub3A_445 : i32 to vector<16xi32>
        %sub3A_447 = arith.subi %get3A_444, %sub3A_446 : vector<16xi32>
        %lt3A_448 = arith.constant 25088 : i32
        %lt3A_449 = vector.broadcast %lt3A_448 : i32 to vector<16xi32>
        %lt3A_450 = arith.cmpi ult, %sub3A_447, %lt3A_449 : vector<16xi32>
        %broadcast_in_dim3A_451 = arith.constant 0 : i32
        %broadcast_in_dim3A_452 = vector.broadcast %broadcast_in_dim3A_451 : i32 to vector<16xi32>
        %gather3A_453 = tpu.vector_load_idx %arg6[%broadcast_in_dim3A_452, %sub3A_447] masked %lt3A_450 : memref<2x25088xf32, #tpu.memory_space<vmem>>[vector<16xi32>, vector<16xi32>], vector<16xf32>, vector<16xi1>
        %mul3A_454 = arith.constant 16 : i32
        %mul3A_455 = arith.muli %scan3A_440, %mul3A_454 : i32
        %swap3A_456 = arith.index_cast %mul3A_455 : i32 to index
        %swap3A_457 = tpu.vector_load %arg14[%swap3A_456] {strides = array<i32>} : memref<4096xf32, #tpu.memory_space<vmem>>, vector<16xf32>,
        tpu.vector_store %arg14[%swap3A_456], %gather3A_453 {strides = array<i32>} : memref<4096xf32, #tpu.memory_space<vmem>>, vector<16xf32>,
        %broadcast_in_dim3A_458 = arith.constant 1 : i32
        %broadcast_in_dim3A_459 = vector.broadcast %broadcast_in_dim3A_458 : i32 to vector<16xi32>
        %gather3A_460 = tpu.vector_load_idx %arg6[%broadcast_in_dim3A_459, %sub3A_447] masked %lt3A_450 : memref<2x25088xf32, #tpu.memory_space<vmem>>[vector<16xi32>, vector<16xi32>], vector<16xf32>, vector<16xi1>
        %mul3A_461 = arith.constant 16 : i32
        %mul3A_462 = arith.muli %scan3A_440, %mul3A_461 : i32
        %swap3A_463 = arith.index_cast %mul3A_462 : i32 to index
        %swap3A_464 = tpu.vector_load %arg15[%swap3A_463] {strides = array<i32>} : memref<4096xf32, #tpu.memory_space<vmem>>, vector<16xf32>,
        tpu.vector_store %arg15[%swap3A_463], %gather3A_460 {strides = array<i32>} : memref<4096xf32, #tpu.memory_space<vmem>>, vector<16xf32>,
        %scan3A_465 = arith.constant 3 : i32
        %scan3A_466 = arith.addi %scan3A_393, %scan3A_465 : i32
        %mul3A_467 = arith.constant 16 : i32
        %mul3A_468 = arith.muli %scan3A_466, %mul3A_467 : i32
        %get3A_469 = arith.index_cast %mul3A_468 : i32 to index
        %get3A_470 = tpu.vector_load %arg8[%get3A_469] {strides = array<i32>} : memref<4096xi32, #tpu.memory_space<vmem>>, vector<16xi32>,
        %sub3A_471 = arith.constant 0 : i32
        %sub3A_472 = vector.broadcast %sub3A_471 : i32 to vector<16xi32>
        %sub3A_473 = arith.subi %get3A_470, %sub3A_472 : vector<16xi32>
        %lt3A_474 = arith.constant 25088 : i32
        %lt3A_475 = vector.broadcast %lt3A_474 : i32 to vector<16xi32>
        %lt3A_476 = arith.cmpi ult, %sub3A_473, %lt3A_475 : vector<16xi32>
        %broadcast_in_dim3A_477 = arith.constant 0 : i32
        %broadcast_in_dim3A_478 = vector.broadcast %broadcast_in_dim3A_477 : i32 to vector<16xi32>
        %gather3A_479 = tpu.vector_load_idx %arg6[%broadcast_in_dim3A_478, %sub3A_473] masked %lt3A_476 : memref<2x25088xf32, #tpu.memory_space<vmem>>[vector<16xi32>, vector<16xi32>], vector<16xf32>, vector<16xi1>
        %mul3A_480 = arith.constant 16 : i32
        %mul3A_481 = arith.muli %scan3A_466, %mul3A_480 : i32
        %swap3A_482 = arith.index_cast %mul3A_481 : i32 to index
        %swap3A_483 = tpu.vector_load %arg14[%swap3A_482] {strides = array<i32>} : memref<4096xf32, #tpu.memory_space<vmem>>, vector<16xf32>,
        tpu.vector_store %arg14[%swap3A_482], %gather3A_479 {strides = array<i32>} : memref<4096xf32, #tpu.memory_space<vmem>>, vector<16xf32>,
        %broadcast_in_dim3A_484 = arith.constant 1 : i32
        %broadcast_in_dim3A_485 = vector.broadcast %broadcast_in_dim3A_484 : i32 to vector<16xi32>
        %gather3A_486 = tpu.vector_load_idx %arg6[%broadcast_in_dim3A_485, %sub3A_473] masked %lt3A_476 : memref<2x25088xf32, #tpu.memory_space<vmem>>[vector<16xi32>, vector<16xi32>], vector<16xf32>, vector<16xi1>
        %mul3A_487 = arith.constant 16 : i32
        %mul3A_488 = arith.muli %scan3A_466, %mul3A_487 : i32
        %swap3A_489 = arith.index_cast %mul3A_488 : i32 to index
        %swap3A_490 = tpu.vector_load %arg15[%swap3A_489] {strides = array<i32>} : memref<4096xf32, #tpu.memory_space<vmem>>, vector<16xf32>,
        tpu.vector_store %arg15[%swap3A_489], %gather3A_486 {strides = array<i32>} : memref<4096xf32, #tpu.memory_space<vmem>>, vector<16xf32>,
        %scan3A_491 = arith.constant 4 : i32
        %scan3A_492 = arith.addi %scan3A_393, %scan3A_491 : i32
        %mul3A_493 = arith.constant 16 : i32
        %mul3A_494 = arith.muli %scan3A_492, %mul3A_493 : i32
        %get3A_495 = arith.index_cast %mul3A_494 : i32 to index
        %get3A_496 = tpu.vector_load %arg8[%get3A_495] {strides = array<i32>} : memref<4096xi32, #tpu.memory_space<vmem>>, vector<16xi32>,
        %sub3A_497 = arith.constant 0 : i32
        %sub3A_498 = vector.broadcast %sub3A_497 : i32 to vector<16xi32>
        %sub3A_499 = arith.subi %get3A_496, %sub3A_498 : vector<16xi32>
        %lt3A_500 = arith.constant 25088 : i32
        %lt3A_501 = vector.broadcast %lt3A_500 : i32 to vector<16xi32>
        %lt3A_502 = arith.cmpi ult, %sub3A_499, %lt3A_501 : vector<16xi32>
        %broadcast_in_dim3A_503 = arith.constant 0 : i32
        %broadcast_in_dim3A_504 = vector.broadcast %broadcast_in_dim3A_503 : i32 to vector<16xi32>
        %gather3A_505 = tpu.vector_load_idx %arg6[%broadcast_in_dim3A_504, %sub3A_499] masked %lt3A_502 : memref<2x25088xf32, #tpu.memory_space<vmem>>[vector<16xi32>, vector<16xi32>], vector<16xf32>, vector<16xi1>
        %mul3A_506 = arith.constant 16 : i32
        %mul3A_507 = arith.muli %scan3A_492, %mul3A_506 : i32
        %swap3A_508 = arith.index_cast %mul3A_507 : i32 to index
        %swap3A_509 = tpu.vector_load %arg14[%swap3A_508] {strides = array<i32>} : memref<4096xf32, #tpu.memory_space<vmem>>, vector<16xf32>,
        tpu.vector_store %arg14[%swap3A_508], %gather3A_505 {strides = array<i32>} : memref<4096xf32, #tpu.memory_space<vmem>>, vector<16xf32>,
        %broadcast_in_dim3A_510 = arith.constant 1 : i32
        %broadcast_in_dim3A_511 = vector.broadcast %broadcast_in_dim3A_510 : i32 to vector<16xi32>
        %gather3A_512 = tpu.vector_load_idx %arg6[%broadcast_in_dim3A_511, %sub3A_499] masked %lt3A_502 : memref<2x25088xf32, #tpu.memory_space<vmem>>[vector<16xi32>, vector<16xi32>], vector<16xf32>, vector<16xi1>
        %mul3A_513 = arith.constant 16 : i32
        %mul3A_514 = arith.muli %scan3A_492, %mul3A_513 : i32
        %swap3A_515 = arith.index_cast %mul3A_514 : i32 to index
        %swap3A_516 = tpu.vector_load %arg15[%swap3A_515] {strides = array<i32>} : memref<4096xf32, #tpu.memory_space<vmem>>, vector<16xf32>,
        tpu.vector_store %arg15[%swap3A_515], %gather3A_512 {strides = array<i32>} : memref<4096xf32, #tpu.memory_space<vmem>>, vector<16xf32>,
        %scan3A_517 = arith.constant 5 : i32
        %scan3A_518 = arith.addi %scan3A_393, %scan3A_517 : i32
        %mul3A_519 = arith.constant 16 : i32
        %mul3A_520 = arith.muli %scan3A_518, %mul3A_519 : i32
        %get3A_521 = arith.index_cast %mul3A_520 : i32 to index
        %get3A_522 = tpu.vector_load %arg8[%get3A_521] {strides = array<i32>} : memref<4096xi32, #tpu.memory_space<vmem>>, vector<16xi32>,
        %sub3A_523 = arith.constant 0 : i32
        %sub3A_524 = vector.broadcast %sub3A_523 : i32 to vector<16xi32>
        %sub3A_525 = arith.subi %get3A_522, %sub3A_524 : vector<16xi32>
        %lt3A_526 = arith.constant 25088 : i32
        %lt3A_527 = vector.broadcast %lt3A_526 : i32 to vector<16xi32>
        %lt3A_528 = arith.cmpi ult, %sub3A_525, %lt3A_527 : vector<16xi32>
        %broadcast_in_dim3A_529 = arith.constant 0 : i32
        %broadcast_in_dim3A_530 = vector.broadcast %broadcast_in_dim3A_529 : i32 to vector<16xi32>
        %gather3A_531 = tpu.vector_load_idx %arg6[%broadcast_in_dim3A_530, %sub3A_525] masked %lt3A_528 : memref<2x25088xf32, #tpu.memory_space<vmem>>[vector<16xi32>, vector<16xi32>], vector<16xf32>, vector<16xi1>
        %mul3A_532 = arith.constant 16 : i32
        %mul3A_533 = arith.muli %scan3A_518, %mul3A_532 : i32
        %swap3A_534 = arith.index_cast %mul3A_533 : i32 to index
        %swap3A_535 = tpu.vector_load %arg14[%swap3A_534] {strides = array<i32>} : memref<4096xf32, #tpu.memory_space<vmem>>, vector<16xf32>,
        tpu.vector_store %arg14[%swap3A_534], %gather3A_531 {strides = array<i32>} : memref<4096xf32, #tpu.memory_space<vmem>>, vector<16xf32>,
        %broadcast_in_dim3A_536 = arith.constant 1 : i32
        %broadcast_in_dim3A_537 = vector.broadcast %broadcast_in_dim3A_536 : i32 to vector<16xi32>
        %gather3A_538 = tpu.vector_load_idx %arg6[%broadcast_in_dim3A_537, %sub3A_525] masked %lt3A_528 : memref<2x25088xf32, #tpu.memory_space<vmem>>[vector<16xi32>, vector<16xi32>], vector<16xf32>, vector<16xi1>
        %mul3A_539 = arith.constant 16 : i32
        %mul3A_540 = arith.muli %scan3A_518, %mul3A_539 : i32
        %swap3A_541 = arith.index_cast %mul3A_540 : i32 to index
        %swap3A_542 = tpu.vector_load %arg15[%swap3A_541] {strides = array<i32>} : memref<4096xf32, #tpu.memory_space<vmem>>, vector<16xf32>,
        tpu.vector_store %arg15[%swap3A_541], %gather3A_538 {strides = array<i32>} : memref<4096xf32, #tpu.memory_space<vmem>>, vector<16xf32>,
        %scan3A_543 = arith.constant 6 : i32
        %scan3A_544 = arith.addi %scan3A_393, %scan3A_543 : i32
        %mul3A_545 = arith.constant 16 : i32
        %mul3A_546 = arith.muli %scan3A_544, %mul3A_545 : i32
        %get3A_547 = arith.index_cast %mul3A_546 : i32 to index
        %get3A_548 = tpu.vector_load %arg8[%get3A_547] {strides = array<i32>} : memref<4096xi32, #tpu.memory_space<vmem>>, vector<16xi32>,
        %sub3A_549 = arith.constant 0 : i32
        %sub3A_550 = vector.broadcast %sub3A_549 : i32 to vector<16xi32>
        %sub3A_551 = arith.subi %get3A_548, %sub3A_550 : vector<16xi32>
        %lt3A_552 = arith.constant 25088 : i32
        %lt3A_553 = vector.broadcast %lt3A_552 : i32 to vector<16xi32>
        %lt3A_554 = arith.cmpi ult, %sub3A_551, %lt3A_553 : vector<16xi32>
        %broadcast_in_dim3A_555 = arith.constant 0 : i32
        %broadcast_in_dim3A_556 = vector.broadcast %broadcast_in_dim3A_555 : i32 to vector<16xi32>
        %gather3A_557 = tpu.vector_load_idx %arg6[%broadcast_in_dim3A_556, %sub3A_551] masked %lt3A_554 : memref<2x25088xf32, #tpu.memory_space<vmem>>[vector<16xi32>, vector<16xi32>], vector<16xf32>, vector<16xi1>
        %mul3A_558 = arith.constant 16 : i32
        %mul3A_559 = arith.muli %scan3A_544, %mul3A_558 : i32
        %swap3A_560 = arith.index_cast %mul3A_559 : i32 to index
        %swap3A_561 = tpu.vector_load %arg14[%swap3A_560] {strides = array<i32>} : memref<4096xf32, #tpu.memory_space<vmem>>, vector<16xf32>,
        tpu.vector_store %arg14[%swap3A_560], %gather3A_557 {strides = array<i32>} : memref<4096xf32, #tpu.memory_space<vmem>>, vector<16xf32>,
        %broadcast_in_dim3A_562 = arith.constant 1 : i32
        %broadcast_in_dim3A_563 = vector.broadcast %broadcast_in_dim3A_562 : i32 to vector<16xi32>
        %gather3A_564 = tpu.vector_load_idx %arg6[%broadcast_in_dim3A_563, %sub3A_551] masked %lt3A_554 : memref<2x25088xf32, #tpu.memory_space<vmem>>[vector<16xi32>, vector<16xi32>], vector<16xf32>, vector<16xi1>
        %mul3A_565 = arith.constant 16 : i32
        %mul3A_566 = arith.muli %scan3A_544, %mul3A_565 : i32
        %swap3A_567 = arith.index_cast %mul3A_566 : i32 to index
        %swap3A_568 = tpu.vector_load %arg15[%swap3A_567] {strides = array<i32>} : memref<4096xf32, #tpu.memory_space<vmem>>, vector<16xf32>,
        tpu.vector_store %arg15[%swap3A_567], %gather3A_564 {strides = array<i32>} : memref<4096xf32, #tpu.memory_space<vmem>>, vector<16xf32>,
        %scan3A_569 = arith.constant 7 : i32
        %scan3A_570 = arith.addi %scan3A_393, %scan3A_569 : i32
        %mul3A_571 = arith.constant 16 : i32
        %mul3A_572 = arith.muli %scan3A_570, %mul3A_571 : i32
        %get3A_573 = arith.index_cast %mul3A_572 : i32 to index
        %get3A_574 = tpu.vector_load %arg8[%get3A_573] {strides = array<i32>} : memref<4096xi32, #tpu.memory_space<vmem>>, vector<16xi32>,
        %sub3A_575 = arith.constant 0 : i32
        %sub3A_576 = vector.broadcast %sub3A_575 : i32 to vector<16xi32>
        %sub3A_577 = arith.subi %get3A_574, %sub3A_576 : vector<16xi32>
        %lt3A_578 = arith.constant 25088 : i32
        %lt3A_579 = vector.broadcast %lt3A_578 : i32 to vector<16xi32>
        %lt3A_580 = arith.cmpi ult, %sub3A_577, %lt3A_579 : vector<16xi32>
        %broadcast_in_dim3A_581 = arith.constant 0 : i32
        %broadcast_in_dim3A_582 = vector.broadcast %broadcast_in_dim3A_581 : i32 to vector<16xi32>
        %gather3A_583 = tpu.vector_load_idx %arg6[%broadcast_in_dim3A_582, %sub3A_577] masked %lt3A_580 : memref<2x25088xf32, #tpu.memory_space<vmem>>[vector<16xi32>, vector<16xi32>], vector<16xf32>, vector<16xi1>
        %mul3A_584 = arith.constant 16 : i32
        %mul3A_585 = arith.muli %scan3A_570, %mul3A_584 : i32
        %swap3A_586 = arith.index_cast %mul3A_585 : i32 to index
        %swap3A_587 = tpu.vector_load %arg14[%swap3A_586] {strides = array<i32>} : memref<4096xf32, #tpu.memory_space<vmem>>, vector<16xf32>,
        tpu.vector_store %arg14[%swap3A_586], %gather3A_583 {strides = array<i32>} : memref<4096xf32, #tpu.memory_space<vmem>>, vector<16xf32>,
        %broadcast_in_dim3A_588 = arith.constant 1 : i32
        %broadcast_in_dim3A_589 = vector.broadcast %broadcast_in_dim3A_588 : i32 to vector<16xi32>
        %gather3A_590 = tpu.vector_load_idx %arg6[%broadcast_in_dim3A_589, %sub3A_577] masked %lt3A_580 : memref<2x25088xf32, #tpu.memory_space<vmem>>[vector<16xi32>, vector<16xi32>], vector<16xf32>, vector<16xi1>
        %mul3A_591 = arith.constant 16 : i32
        %mul3A_592 = arith.muli %scan3A_570, %mul3A_591 : i32
        %swap3A_593 = arith.index_cast %mul3A_592 : i32 to index
        %swap3A_594 = tpu.vector_load %arg15[%swap3A_593] {strides = array<i32>} : memref<4096xf32, #tpu.memory_space<vmem>>, vector<16xf32>,
        tpu.vector_store %arg15[%swap3A_593], %gather3A_590 {strides = array<i32>} : memref<4096xf32, #tpu.memory_space<vmem>>, vector<16xf32>,
      }
      %scan3A_134 = arith.constant 256 : i32
      %dma_start3A_135 = arith.constant 0 : i32
      %dma_start3A_136 = arith.constant 0 : i32
      %dma_start3A_137 = tpu.memref_slice %arg6[%dma_start3A_135, %dma_start3A_136] : memref<2x25088xf32, #tpu.memory_space<vmem>> -> memref<2x25088xf32, #tpu.memory_space<vmem>>
      %dma_start3A_138 = arith.constant 50176 : i32
      %dma_start3A_139 = tpu.memref_slice %arg2[%mul3A_85, %dma_start3A_138] : memref<1664x100000xf32, #tpu.memory_space<hbm>> -> memref<2x25088xf32, #tpu.memory_space<hbm>>
      %dma_start3A_140 = arith.constant 0 : i32
      %dma_start3A_141 = arith.constant 0 : i32
      %dma_start3A_142 = tpu.memref_slice %arg6[%dma_start3A_140, %dma_start3A_141] : memref<2x25088xf32, #tpu.memory_space<vmem>> -> memref<2x25088xf32, #tpu.memory_space<vmem>>
      %dma_start3A_143 = arith.constant 50176 : i32
      %dma_start3A_144 = tpu.memref_slice %arg2[%mul3A_85, %dma_start3A_143] : memref<1664x100000xf32, #tpu.memory_space<hbm>> -> memref<2x25088xf32, #tpu.memory_space<hbm>>
      tpu.enqueue_dma source(%dma_start3A_144 : memref<2x25088xf32, #tpu.memory_space<hbm>>) target(%dma_start3A_142 : memref<2x25088xf32, #tpu.memory_space<vmem>>) target_semaphore(%arg16 : memref<!tpu.dma_semaphore, #tpu.memory_space<semaphore_mem>>)
      %dma_wait3A_145 = arith.constant 0 : i32
      %dma_wait3A_146 = arith.constant 0 : i32
      %dma_wait3A_147 = tpu.memref_slice %arg7[%dma_wait3A_145, %dma_wait3A_146] : memref<2x25088xf32, #tpu.memory_space<vmem>> -> memref<2x25088xf32, #tpu.memory_space<vmem>>
      %dma_wait3A_148 = arith.constant 0 : i32
      %dma_wait3A_149 = arith.constant 25088 : i32
      %dma_wait3A_150 = tpu.memref_slice %arg2[%dma_wait3A_148, %dma_wait3A_149] : memref<1664x100000xf32, #tpu.memory_space<hbm>> -> memref<2x25088xf32, #tpu.memory_space<hbm>>
      %dma_wait3A_151 = arith.constant 0 : i32
      %dma_wait3A_152 = arith.constant 0 : i32
      %dma_wait3A_153 = tpu.memref_slice %arg7[%dma_wait3A_151, %dma_wait3A_152] : memref<2x25088xf32, #tpu.memory_space<vmem>> -> memref<2x25088xf32, #tpu.memory_space<vmem>>
      %dma_wait3A_154 = arith.constant 0 : i32
      %dma_wait3A_155 = arith.constant 25088 : i32
      %dma_wait3A_156 = tpu.memref_slice %arg2[%dma_wait3A_154, %dma_wait3A_155] : memref<1664x100000xf32, #tpu.memory_space<hbm>> -> memref<2x25088xf32, #tpu.memory_space<hbm>>
      tpu.wait_dma2 semaphore(%arg17 : memref<!tpu.dma_semaphore, #tpu.memory_space<semaphore_mem>>) src(%dma_wait3A_156 : memref<2x25088xf32, #tpu.memory_space<hbm>>) dst(%dma_wait3A_153 : memref<2x25088xf32, #tpu.memory_space<vmem>>)
      %scan3A_157 = arith.constant 0 : i32
      %scan3A_158 = arith.constant 256 : i32
      %scan3A_159 = arith.addi %scan3A_157, %scan3A_158 : i32
      %scan3A_160 = arith.constant 8 : i32
      scf.for %scan3A_393 = %scan3A_157 to %scan3A_159 step %scan3A_160  : i32 {
        %mul3A_394 = arith.constant 16 : i32
        %mul3A_395 = arith.muli %scan3A_393, %mul3A_394 : i32
        %get3A = arith.index_cast %mul3A_395 : i32 to index
        %get3A_396 = tpu.vector_load %arg8[%get3A] {strides = array<i32>} : memref<4096xi32, #tpu.memory_space<vmem>>, vector<16xi32>,
        %sub3A = arith.constant 25088 : i32
        %sub3A_397 = vector.broadcast %sub3A : i32 to vector<16xi32>
        %sub3A_398 = arith.subi %get3A_396, %sub3A_397 : vector<16xi32>
        %lt3A_399 = arith.constant 25088 : i32
        %lt3A_400 = vector.broadcast %lt3A_399 : i32 to vector<16xi32>
        %lt3A_401 = arith.cmpi ult, %sub3A_398, %lt3A_400 : vector<16xi32>
        %broadcast_in_dim3A = arith.constant 0 : i32
        %broadcast_in_dim3A_402 = vector.broadcast %broadcast_in_dim3A : i32 to vector<16xi32>
        %gather3A = tpu.vector_load_idx %arg7[%broadcast_in_dim3A_402, %sub3A_398] masked %lt3A_401 : memref<2x25088xf32, #tpu.memory_space<vmem>>[vector<16xi32>, vector<16xi32>], vector<16xf32>, vector<16xi1>
        %mul3A_403 = arith.constant 16 : i32
        %mul3A_404 = arith.muli %scan3A_393, %mul3A_403 : i32
        %swap3A = arith.index_cast %mul3A_404 : i32 to index
        %swap3A_405 = tpu.vector_load %arg14[%swap3A] {strides = array<i32>} : memref<4096xf32, #tpu.memory_space<vmem>>, vector<16xf32>,
        tpu.vector_store %arg14[%swap3A], %gather3A {add = true, strides = array<i32>} : memref<4096xf32, #tpu.memory_space<vmem>>, vector<16xf32>,
        %broadcast_in_dim3A_406 = arith.constant 1 : i32
        %broadcast_in_dim3A_407 = vector.broadcast %broadcast_in_dim3A_406 : i32 to vector<16xi32>
        %gather3A_408 = tpu.vector_load_idx %arg7[%broadcast_in_dim3A_407, %sub3A_398] masked %lt3A_401 : memref<2x25088xf32, #tpu.memory_space<vmem>>[vector<16xi32>, vector<16xi32>], vector<16xf32>, vector<16xi1>
        %mul3A_409 = arith.constant 16 : i32
        %mul3A_410 = arith.muli %scan3A_393, %mul3A_409 : i32
        %swap3A_411 = arith.index_cast %mul3A_410 : i32 to index
        %swap3A_412 = tpu.vector_load %arg15[%swap3A_411] {strides = array<i32>} : memref<4096xf32, #tpu.memory_space<vmem>>, vector<16xf32>,
        tpu.vector_store %arg15[%swap3A_411], %gather3A_408 {add = true, strides = array<i32>} : memref<4096xf32, #tpu.memory_space<vmem>>, vector<16xf32>,
        %scan3A_413 = arith.constant 1 : i32
        %scan3A_414 = arith.addi %scan3A_393, %scan3A_413 : i32
        %mul3A_415 = arith.constant 16 : i32
        %mul3A_416 = arith.muli %scan3A_414, %mul3A_415 : i32
        %get3A_417 = arith.index_cast %mul3A_416 : i32 to index
        %get3A_418 = tpu.vector_load %arg8[%get3A_417] {strides = array<i32>} : memref<4096xi32, #tpu.memory_space<vmem>>, vector<16xi32>,
        %sub3A_419 = arith.constant 25088 : i32
        %sub3A_420 = vector.broadcast %sub3A_419 : i32 to vector<16xi32>
        %sub3A_421 = arith.subi %get3A_418, %sub3A_420 : vector<16xi32>
        %lt3A_422 = arith.constant 25088 : i32
        %lt3A_423 = vector.broadcast %lt3A_422 : i32 to vector<16xi32>
        %lt3A_424 = arith.cmpi ult, %sub3A_421, %lt3A_423 : vector<16xi32>
        %broadcast_in_dim3A_425 = arith.constant 0 : i32
        %broadcast_in_dim3A_426 = vector.broadcast %broadcast_in_dim3A_425 : i32 to vector<16xi32>
        %gather3A_427 = tpu.vector_load_idx %arg7[%broadcast_in_dim3A_426, %sub3A_421] masked %lt3A_424 : memref<2x25088xf32, #tpu.memory_space<vmem>>[vector<16xi32>, vector<16xi32>], vector<16xf32>, vector<16xi1>
        %mul3A_428 = arith.constant 16 : i32
        %mul3A_429 = arith.muli %scan3A_414, %mul3A_428 : i32
        %swap3A_430 = arith.index_cast %mul3A_429 : i32 to index
        %swap3A_431 = tpu.vector_load %arg14[%swap3A_430] {strides = array<i32>} : memref<4096xf32, #tpu.memory_space<vmem>>, vector<16xf32>,
        tpu.vector_store %arg14[%swap3A_430], %gather3A_427 {add = true, strides = array<i32>} : memref<4096xf32, #tpu.memory_space<vmem>>, vector<16xf32>,
        %broadcast_in_dim3A_432 = arith.constant 1 : i32
        %broadcast_in_dim3A_433 = vector.broadcast %broadcast_in_dim3A_432 : i32 to vector<16xi32>
        %gather3A_434 = tpu.vector_load_idx %arg7[%broadcast_in_dim3A_433, %sub3A_421] masked %lt3A_424 : memref<2x25088xf32, #tpu.memory_space<vmem>>[vector<16xi32>, vector<16xi32>], vector<16xf32>, vector<16xi1>
        %mul3A_435 = arith.constant 16 : i32
        %mul3A_436 = arith.muli %scan3A_414, %mul3A_435 : i32
        %swap3A_437 = arith.index_cast %mul3A_436 : i32 to index
        %swap3A_438 = tpu.vector_load %arg15[%swap3A_437] {strides = array<i32>} : memref<4096xf32, #tpu.memory_space<vmem>>, vector<16xf32>,
        tpu.vector_store %arg15[%swap3A_437], %gather3A_434 {add = true, strides = array<i32>} : memref<4096xf32, #tpu.memory_space<vmem>>, vector<16xf32>,
        %scan3A_439 = arith.constant 2 : i32
        %scan3A_440 = arith.addi %scan3A_393, %scan3A_439 : i32
        %mul3A_441 = arith.constant 16 : i32
        %mul3A_442 = arith.muli %scan3A_440, %mul3A_441 : i32
        %get3A_443 = arith.index_cast %mul3A_442 : i32 to index
        %get3A_444 = tpu.vector_load %arg8[%get3A_443] {strides = array<i32>} : memref<4096xi32, #tpu.memory_space<vmem>>, vector<16xi32>,
        %sub3A_445 = arith.constant 25088 : i32
        %sub3A_446 = vector.broadcast %sub3A_445 : i32 to vector<16xi32>
        %sub3A_447 = arith.subi %get3A_444, %sub3A_446 : vector<16xi32>
        %lt3A_448 = arith.constant 25088 : i32
        %lt3A_449 = vector.broadcast %lt3A_448 : i32 to vector<16xi32>
        %lt3A_450 = arith.cmpi ult, %sub3A_447, %lt3A_449 : vector<16xi32>
        %broadcast_in_dim3A_451 = arith.constant 0 : i32
        %broadcast_in_dim3A_452 = vector.broadcast %broadcast_in_dim3A_451 : i32 to vector<16xi32>
        %gather3A_453 = tpu.vector_load_idx %arg7[%broadcast_in_dim3A_452, %sub3A_447] masked %lt3A_450 : memref<2x25088xf32, #tpu.memory_space<vmem>>[vector<16xi32>, vector<16xi32>], vector<16xf32>, vector<16xi1>
        %mul3A_454 = arith.constant 16 : i32
        %mul3A_455 = arith.muli %scan3A_440, %mul3A_454 : i32
        %swap3A_456 = arith.index_cast %mul3A_455 : i32 to index
        %swap3A_457 = tpu.vector_load %arg14[%swap3A_456] {strides = array<i32>} : memref<4096xf32, #tpu.memory_space<vmem>>, vector<16xf32>,
        tpu.vector_store %arg14[%swap3A_456], %gather3A_453 {add = true, strides = array<i32>} : memref<4096xf32, #tpu.memory_space<vmem>>, vector<16xf32>,
        %broadcast_in_dim3A_458 = arith.constant 1 : i32
        %broadcast_in_dim3A_459 = vector.broadcast %broadcast_in_dim3A_458 : i32 to vector<16xi32>
        %gather3A_460 = tpu.vector_load_idx %arg7[%broadcast_in_dim3A_459, %sub3A_447] masked %lt3A_450 : memref<2x25088xf32, #tpu.memory_space<vmem>>[vector<16xi32>, vector<16xi32>], vector<16xf32>, vector<16xi1>
        %mul3A_461 = arith.constant 16 : i32
        %mul3A_462 = arith.muli %scan3A_440, %mul3A_461 : i32
        %swap3A_463 = arith.index_cast %mul3A_462 : i32 to index
        %swap3A_464 = tpu.vector_load %arg15[%swap3A_463] {strides = array<i32>} : memref<4096xf32, #tpu.memory_space<vmem>>, vector<16xf32>,
        tpu.vector_store %arg15[%swap3A_463], %gather3A_460 {add = true, strides = array<i32>} : memref<4096xf32, #tpu.memory_space<vmem>>, vector<16xf32>,
        %scan3A_465 = arith.constant 3 : i32
        %scan3A_466 = arith.addi %scan3A_393, %scan3A_465 : i32
        %mul3A_467 = arith.constant 16 : i32
        %mul3A_468 = arith.muli %scan3A_466, %mul3A_467 : i32
        %get3A_469 = arith.index_cast %mul3A_468 : i32 to index
        %get3A_470 = tpu.vector_load %arg8[%get3A_469] {strides = array<i32>} : memref<4096xi32, #tpu.memory_space<vmem>>, vector<16xi32>,
        %sub3A_471 = arith.constant 25088 : i32
        %sub3A_472 = vector.broadcast %sub3A_471 : i32 to vector<16xi32>
        %sub3A_473 = arith.subi %get3A_470, %sub3A_472 : vector<16xi32>
        %lt3A_474 = arith.constant 25088 : i32
        %lt3A_475 = vector.broadcast %lt3A_474 : i32 to vector<16xi32>
        %lt3A_476 = arith.cmpi ult, %sub3A_473, %lt3A_475 : vector<16xi32>
        %broadcast_in_dim3A_477 = arith.constant 0 : i32
        %broadcast_in_dim3A_478 = vector.broadcast %broadcast_in_dim3A_477 : i32 to vector<16xi32>
        %gather3A_479 = tpu.vector_load_idx %arg7[%broadcast_in_dim3A_478, %sub3A_473] masked %lt3A_476 : memref<2x25088xf32, #tpu.memory_space<vmem>>[vector<16xi32>, vector<16xi32>], vector<16xf32>, vector<16xi1>
        %mul3A_480 = arith.constant 16 : i32
        %mul3A_481 = arith.muli %scan3A_466, %mul3A_480 : i32
        %swap3A_482 = arith.index_cast %mul3A_481 : i32 to index
        %swap3A_483 = tpu.vector_load %arg14[%swap3A_482] {strides = array<i32>} : memref<4096xf32, #tpu.memory_space<vmem>>, vector<16xf32>,
        tpu.vector_store %arg14[%swap3A_482], %gather3A_479 {add = true, strides = array<i32>} : memref<4096xf32, #tpu.memory_space<vmem>>, vector<16xf32>,
        %broadcast_in_dim3A_484 = arith.constant 1 : i32
        %broadcast_in_dim3A_485 = vector.broadcast %broadcast_in_dim3A_484 : i32 to vector<16xi32>
        %gather3A_486 = tpu.vector_load_idx %arg7[%broadcast_in_dim3A_485, %sub3A_473] masked %lt3A_476 : memref<2x25088xf32, #tpu.memory_space<vmem>>[vector<16xi32>, vector<16xi32>], vector<16xf32>, vector<16xi1>
        %mul3A_487 = arith.constant 16 : i32
        %mul3A_488 = arith.muli %scan3A_466, %mul3A_487 : i32
        %swap3A_489 = arith.index_cast %mul3A_488 : i32 to index
        %swap3A_490 = tpu.vector_load %arg15[%swap3A_489] {strides = array<i32>} : memref<4096xf32, #tpu.memory_space<vmem>>, vector<16xf32>,
        tpu.vector_store %arg15[%swap3A_489], %gather3A_486 {add = true, strides = array<i32>} : memref<4096xf32, #tpu.memory_space<vmem>>, vector<16xf32>,
        %scan3A_491 = arith.constant 4 : i32
        %scan3A_492 = arith.addi %scan3A_393, %scan3A_491 : i32
        %mul3A_493 = arith.constant 16 : i32
        %mul3A_494 = arith.muli %scan3A_492, %mul3A_493 : i32
        %get3A_495 = arith.index_cast %mul3A_494 : i32 to index
        %get3A_496 = tpu.vector_load %arg8[%get3A_495] {strides = array<i32>} : memref<4096xi32, #tpu.memory_space<vmem>>, vector<16xi32>,
        %sub3A_497 = arith.constant 25088 : i32
        %sub3A_498 = vector.broadcast %sub3A_497 : i32 to vector<16xi32>
        %sub3A_499 = arith.subi %get3A_496, %sub3A_498 : vector<16xi32>
        %lt3A_500 = arith.constant 25088 : i32
        %lt3A_501 = vector.broadcast %lt3A_500 : i32 to vector<16xi32>
        %lt3A_502 = arith.cmpi ult, %sub3A_499, %lt3A_501 : vector<16xi32>
        %broadcast_in_dim3A_503 = arith.constant 0 : i32
        %broadcast_in_dim3A_504 = vector.broadcast %broadcast_in_dim3A_503 : i32 to vector<16xi32>
        %gather3A_505 = tpu.vector_load_idx %arg7[%broadcast_in_dim3A_504, %sub3A_499] masked %lt3A_502 : memref<2x25088xf32, #tpu.memory_space<vmem>>[vector<16xi32>, vector<16xi32>], vector<16xf32>, vector<16xi1>
        %mul3A_506 = arith.constant 16 : i32
        %mul3A_507 = arith.muli %scan3A_492, %mul3A_506 : i32
        %swap3A_508 = arith.index_cast %mul3A_507 : i32 to index
        %swap3A_509 = tpu.vector_load %arg14[%swap3A_508] {strides = array<i32>} : memref<4096xf32, #tpu.memory_space<vmem>>, vector<16xf32>,
        tpu.vector_store %arg14[%swap3A_508], %gather3A_505 {add = true, strides = array<i32>} : memref<4096xf32, #tpu.memory_space<vmem>>, vector<16xf32>,
        %broadcast_in_dim3A_510 = arith.constant 1 : i32
        %broadcast_in_dim3A_511 = vector.broadcast %broadcast_in_dim3A_510 : i32 to vector<16xi32>
        %gather3A_512 = tpu.vector_load_idx %arg7[%broadcast_in_dim3A_511, %sub3A_499] masked %lt3A_502 : memref<2x25088xf32, #tpu.memory_space<vmem>>[vector<16xi32>, vector<16xi32>], vector<16xf32>, vector<16xi1>
        %mul3A_513 = arith.constant 16 : i32
        %mul3A_514 = arith.muli %scan3A_492, %mul3A_513 : i32
        %swap3A_515 = arith.index_cast %mul3A_514 : i32 to index
        %swap3A_516 = tpu.vector_load %arg15[%swap3A_515] {strides = array<i32>} : memref<4096xf32, #tpu.memory_space<vmem>>, vector<16xf32>,
        tpu.vector_store %arg15[%swap3A_515], %gather3A_512 {add = true, strides = array<i32>} : memref<4096xf32, #tpu.memory_space<vmem>>, vector<16xf32>,
        %scan3A_517 = arith.constant 5 : i32
        %scan3A_518 = arith.addi %scan3A_393, %scan3A_517 : i32
        %mul3A_519 = arith.constant 16 : i32
        %mul3A_520 = arith.muli %scan3A_518, %mul3A_519 : i32
        %get3A_521 = arith.index_cast %mul3A_520 : i32 to index
        %get3A_522 = tpu.vector_load %arg8[%get3A_521] {strides = array<i32>} : memref<4096xi32, #tpu.memory_space<vmem>>, vector<16xi32>,
        %sub3A_523 = arith.constant 25088 : i32
        %sub3A_524 = vector.broadcast %sub3A_523 : i32 to vector<16xi32>
        %sub3A_525 = arith.subi %get3A_522, %sub3A_524 : vector<16xi32>
        %lt3A_526 = arith.constant 25088 : i32
        %lt3A_527 = vector.broadcast %lt3A_526 : i32 to vector<16xi32>
        %lt3A_528 = arith.cmpi ult, %sub3A_525, %lt3A_527 : vector<16xi32>
        %broadcast_in_dim3A_529 = arith.constant 0 : i32
        %broadcast_in_dim3A_530 = vector.broadcast %broadcast_in_dim3A_529 : i32 to vector<16xi32>
        %gather3A_531 = tpu.vector_load_idx %arg7[%broadcast_in_dim3A_530, %sub3A_525] masked %lt3A_528 : memref<2x25088xf32, #tpu.memory_space<vmem>>[vector<16xi32>, vector<16xi32>], vector<16xf32>, vector<16xi1>
        %mul3A_532 = arith.constant 16 : i32
        %mul3A_533 = arith.muli %scan3A_518, %mul3A_532 : i32
        %swap3A_534 = arith.index_cast %mul3A_533 : i32 to index
        %swap3A_535 = tpu.vector_load %arg14[%swap3A_534] {strides = array<i32>} : memref<4096xf32, #tpu.memory_space<vmem>>, vector<16xf32>,
        tpu.vector_store %arg14[%swap3A_534], %gather3A_531 {add = true, strides = array<i32>} : memref<4096xf32, #tpu.memory_space<vmem>>, vector<16xf32>,
        %broadcast_in_dim3A_536 = arith.constant 1 : i32
        %broadcast_in_dim3A_537 = vector.broadcast %broadcast_in_dim3A_536 : i32 to vector<16xi32>
        %gather3A_538 = tpu.vector_load_idx %arg7[%broadcast_in_dim3A_537, %sub3A_525] masked %lt3A_528 : memref<2x25088xf32, #tpu.memory_space<vmem>>[vector<16xi32>, vector<16xi32>], vector<16xf32>, vector<16xi1>
        %mul3A_539 = arith.constant 16 : i32
        %mul3A_540 = arith.muli %scan3A_518, %mul3A_539 : i32
        %swap3A_541 = arith.index_cast %mul3A_540 : i32 to index
        %swap3A_542 = tpu.vector_load %arg15[%swap3A_541] {strides = array<i32>} : memref<4096xf32, #tpu.memory_space<vmem>>, vector<16xf32>,
        tpu.vector_store %arg15[%swap3A_541], %gather3A_538 {add = true, strides = array<i32>} : memref<4096xf32, #tpu.memory_space<vmem>>, vector<16xf32>,
        %scan3A_543 = arith.constant 6 : i32
        %scan3A_544 = arith.addi %scan3A_393, %scan3A_543 : i32
        %mul3A_545 = arith.constant 16 : i32
        %mul3A_546 = arith.muli %scan3A_544, %mul3A_545 : i32
        %get3A_547 = arith.index_cast %mul3A_546 : i32 to index
        %get3A_548 = tpu.vector_load %arg8[%get3A_547] {strides = array<i32>} : memref<4096xi32, #tpu.memory_space<vmem>>, vector<16xi32>,
        %sub3A_549 = arith.constant 25088 : i32
        %sub3A_550 = vector.broadcast %sub3A_549 : i32 to vector<16xi32>
        %sub3A_551 = arith.subi %get3A_548, %sub3A_550 : vector<16xi32>
        %lt3A_552 = arith.constant 25088 : i32
        %lt3A_553 = vector.broadcast %lt3A_552 : i32 to vector<16xi32>
        %lt3A_554 = arith.cmpi ult, %sub3A_551, %lt3A_553 : vector<16xi32>
        %broadcast_in_dim3A_555 = arith.constant 0 : i32
        %broadcast_in_dim3A_556 = vector.broadcast %broadcast_in_dim3A_555 : i32 to vector<16xi32>
        %gather3A_557 = tpu.vector_load_idx %arg7[%broadcast_in_dim3A_556, %sub3A_551] masked %lt3A_554 : memref<2x25088xf32, #tpu.memory_space<vmem>>[vector<16xi32>, vector<16xi32>], vector<16xf32>, vector<16xi1>
        %mul3A_558 = arith.constant 16 : i32
        %mul3A_559 = arith.muli %scan3A_544, %mul3A_558 : i32
        %swap3A_560 = arith.index_cast %mul3A_559 : i32 to index
        %swap3A_561 = tpu.vector_load %arg14[%swap3A_560] {strides = array<i32>} : memref<4096xf32, #tpu.memory_space<vmem>>, vector<16xf32>,
        tpu.vector_store %arg14[%swap3A_560], %gather3A_557 {add = true, strides = array<i32>} : memref<4096xf32, #tpu.memory_space<vmem>>, vector<16xf32>,
        %broadcast_in_dim3A_562 = arith.constant 1 : i32
        %broadcast_in_dim3A_563 = vector.broadcast %broadcast_in_dim3A_562 : i32 to vector<16xi32>
        %gather3A_564 = tpu.vector_load_idx %arg7[%broadcast_in_dim3A_563, %sub3A_551] masked %lt3A_554 : memref<2x25088xf32, #tpu.memory_space<vmem>>[vector<16xi32>, vector<16xi32>], vector<16xf32>, vector<16xi1>
        %mul3A_565 = arith.constant 16 : i32
        %mul3A_566 = arith.muli %scan3A_544, %mul3A_565 : i32
        %swap3A_567 = arith.index_cast %mul3A_566 : i32 to index
        %swap3A_568 = tpu.vector_load %arg15[%swap3A_567] {strides = array<i32>} : memref<4096xf32, #tpu.memory_space<vmem>>, vector<16xf32>,
        tpu.vector_store %arg15[%swap3A_567], %gather3A_564 {add = true, strides = array<i32>} : memref<4096xf32, #tpu.memory_space<vmem>>, vector<16xf32>,
        %scan3A_569 = arith.constant 7 : i32
        %scan3A_570 = arith.addi %scan3A_393, %scan3A_569 : i32
        %mul3A_571 = arith.constant 16 : i32
        %mul3A_572 = arith.muli %scan3A_570, %mul3A_571 : i32
        %get3A_573 = arith.index_cast %mul3A_572 : i32 to index
        %get3A_574 = tpu.vector_load %arg8[%get3A_573] {strides = array<i32>} : memref<4096xi32, #tpu.memory_space<vmem>>, vector<16xi32>,
        %sub3A_575 = arith.constant 25088 : i32
        %sub3A_576 = vector.broadcast %sub3A_575 : i32 to vector<16xi32>
        %sub3A_577 = arith.subi %get3A_574, %sub3A_576 : vector<16xi32>
        %lt3A_578 = arith.constant 25088 : i32
        %lt3A_579 = vector.broadcast %lt3A_578 : i32 to vector<16xi32>
        %lt3A_580 = arith.cmpi ult, %sub3A_577, %lt3A_579 : vector<16xi32>
        %broadcast_in_dim3A_581 = arith.constant 0 : i32
        %broadcast_in_dim3A_582 = vector.broadcast %broadcast_in_dim3A_581 : i32 to vector<16xi32>
        %gather3A_583 = tpu.vector_load_idx %arg7[%broadcast_in_dim3A_582, %sub3A_577] masked %lt3A_580 : memref<2x25088xf32, #tpu.memory_space<vmem>>[vector<16xi32>, vector<16xi32>], vector<16xf32>, vector<16xi1>
        %mul3A_584 = arith.constant 16 : i32
        %mul3A_585 = arith.muli %scan3A_570, %mul3A_584 : i32
        %swap3A_586 = arith.index_cast %mul3A_585 : i32 to index
        %swap3A_587 = tpu.vector_load %arg14[%swap3A_586] {strides = array<i32>} : memref<4096xf32, #tpu.memory_space<vmem>>, vector<16xf32>,
        tpu.vector_store %arg14[%swap3A_586], %gather3A_583 {add = true, strides = array<i32>} : memref<4096xf32, #tpu.memory_space<vmem>>, vector<16xf32>,
        %broadcast_in_dim3A_588 = arith.constant 1 : i32
        %broadcast_in_dim3A_589 = vector.broadcast %broadcast_in_dim3A_588 : i32 to vector<16xi32>
        %gather3A_590 = tpu.vector_load_idx %arg7[%broadcast_in_dim3A_589, %sub3A_577] masked %lt3A_580 : memref<2x25088xf32, #tpu.memory_space<vmem>>[vector<16xi32>, vector<16xi32>], vector<16xf32>, vector<16xi1>
        %mul3A_591 = arith.constant 16 : i32
        %mul3A_592 = arith.muli %scan3A_570, %mul3A_591 : i32
        %swap3A_593 = arith.index_cast %mul3A_592 : i32 to index
        %swap3A_594 = tpu.vector_load %arg15[%swap3A_593] {strides = array<i32>} : memref<4096xf32, #tpu.memory_space<vmem>>, vector<16xf32>,
        tpu.vector_store %arg15[%swap3A_593], %gather3A_590 {add = true, strides = array<i32>} : memref<4096xf32, #tpu.memory_space<vmem>>, vector<16xf32>,
      }
      %scan3A_161 = arith.constant 256 : i32
      %dma_start3A_162 = arith.constant 0 : i32
      %dma_start3A_163 = arith.constant 0 : i32
      %dma_start3A_164 = tpu.memref_slice %arg7[%dma_start3A_162, %dma_start3A_163] : memref<2x25088xf32, #tpu.memory_space<vmem>> -> memref<2x24704xf32, #tpu.memory_space<vmem>>
      %dma_start3A_165 = arith.constant 75264 : i32
      %dma_start3A_166 = tpu.memref_slice %arg2[%mul3A_85, %dma_start3A_165] : memref<1664x100000xf32, #tpu.memory_space<hbm>> -> memref<2x24704xf32, #tpu.memory_space<hbm>>
      %dma_start3A_167 = arith.constant 0 : i32
      %dma_start3A_168 = arith.constant 0 : i32
      %dma_start3A_169 = tpu.memref_slice %arg7[%dma_start3A_167, %dma_start3A_168] : memref<2x25088xf32, #tpu.memory_space<vmem>> -> memref<2x24704xf32, #tpu.memory_space<vmem>>
      %dma_start3A_170 = arith.constant 75264 : i32
      %dma_start3A_171 = tpu.memref_slice %arg2[%mul3A_85, %dma_start3A_170] : memref<1664x100000xf32, #tpu.memory_space<hbm>> -> memref<2x24704xf32, #tpu.memory_space<hbm>>
      tpu.enqueue_dma source(%dma_start3A_171 : memref<2x24704xf32, #tpu.memory_space<hbm>>) target(%dma_start3A_169 : memref<2x24704xf32, #tpu.memory_space<vmem>>) target_semaphore(%arg17 : memref<!tpu.dma_semaphore, #tpu.memory_space<semaphore_mem>>)
      %dma_wait3A_172 = arith.constant 0 : i32
      %dma_wait3A_173 = arith.constant 0 : i32
      %dma_wait3A_174 = tpu.memref_slice %arg6[%dma_wait3A_172, %dma_wait3A_173] : memref<2x25088xf32, #tpu.memory_space<vmem>> -> memref<2x25088xf32, #tpu.memory_space<vmem>>
      %dma_wait3A_175 = arith.constant 0 : i32
      %dma_wait3A_176 = arith.constant 50176 : i32
      %dma_wait3A_177 = tpu.memref_slice %arg2[%dma_wait3A_175, %dma_wait3A_176] : memref<1664x100000xf32, #tpu.memory_space<hbm>> -> memref<2x25088xf32, #tpu.memory_space<hbm>>
      %dma_wait3A_178 = arith.constant 0 : i32
      %dma_wait3A_179 = arith.constant 0 : i32
      %dma_wait3A_180 = tpu.memref_slice %arg6[%dma_wait3A_178, %dma_wait3A_179] : memref<2x25088xf32, #tpu.memory_space<vmem>> -> memref<2x25088xf32, #tpu.memory_space<vmem>>
      %dma_wait3A_181 = arith.constant 0 : i32
      %dma_wait3A_182 = arith.constant 50176 : i32
      %dma_wait3A_183 = tpu.memref_slice %arg2[%dma_wait3A_181, %dma_wait3A_182] : memref<1664x100000xf32, #tpu.memory_space<hbm>> -> memref<2x25088xf32, #tpu.memory_space<hbm>>
      tpu.wait_dma2 semaphore(%arg16 : memref<!tpu.dma_semaphore, #tpu.memory_space<semaphore_mem>>) src(%dma_wait3A_183 : memref<2x25088xf32, #tpu.memory_space<hbm>>) dst(%dma_wait3A_180 : memref<2x25088xf32, #tpu.memory_space<vmem>>)
      %scan3A_184 = arith.constant 0 : i32
      %scan3A_185 = arith.constant 256 : i32
      %scan3A_186 = arith.addi %scan3A_184, %scan3A_185 : i32
      %scan3A_187 = arith.constant 8 : i32
      scf.for %scan3A_393 = %scan3A_184 to %scan3A_186 step %scan3A_187  : i32 {
        %mul3A_394 = arith.constant 16 : i32
        %mul3A_395 = arith.muli %scan3A_393, %mul3A_394 : i32
        %get3A = arith.index_cast %mul3A_395 : i32 to index
        %get3A_396 = tpu.vector_load %arg8[%get3A] {strides = array<i32>} : memref<4096xi32, #tpu.memory_space<vmem>>, vector<16xi32>,
        %sub3A = arith.constant 50176 : i32
        %sub3A_397 = vector.broadcast %sub3A : i32 to vector<16xi32>
        %sub3A_398 = arith.subi %get3A_396, %sub3A_397 : vector<16xi32>
        %lt3A_399 = arith.constant 25088 : i32
        %lt3A_400 = vector.broadcast %lt3A_399 : i32 to vector<16xi32>
        %lt3A_401 = arith.cmpi ult, %sub3A_398, %lt3A_400 : vector<16xi32>
        %broadcast_in_dim3A = arith.constant 0 : i32
        %broadcast_in_dim3A_402 = vector.broadcast %broadcast_in_dim3A : i32 to vector<16xi32>
        %gather3A = tpu.vector_load_idx %arg6[%broadcast_in_dim3A_402, %sub3A_398] masked %lt3A_401 : memref<2x25088xf32, #tpu.memory_space<vmem>>[vector<16xi32>, vector<16xi32>], vector<16xf32>, vector<16xi1>
        %mul3A_403 = arith.constant 16 : i32
        %mul3A_404 = arith.muli %scan3A_393, %mul3A_403 : i32
        %swap3A = arith.index_cast %mul3A_404 : i32 to index
        %swap3A_405 = tpu.vector_load %arg14[%swap3A] {strides = array<i32>} : memref<4096xf32, #tpu.memory_space<vmem>>, vector<16xf32>,
        tpu.vector_store %arg14[%swap3A], %gather3A {add = true, strides = array<i32>} : memref<4096xf32, #tpu.memory_space<vmem>>, vector<16xf32>,
        %broadcast_in_dim3A_406 = arith.constant 1 : i32
        %broadcast_in_dim3A_407 = vector.broadcast %broadcast_in_dim3A_406 : i32 to vector<16xi32>
        %gather3A_408 = tpu.vector_load_idx %arg6[%broadcast_in_dim3A_407, %sub3A_398] masked %lt3A_401 : memref<2x25088xf32, #tpu.memory_space<vmem>>[vector<16xi32>, vector<16xi32>], vector<16xf32>, vector<16xi1>
        %mul3A_409 = arith.constant 16 : i32
        %mul3A_410 = arith.muli %scan3A_393, %mul3A_409 : i32
        %swap3A_411 = arith.index_cast %mul3A_410 : i32 to index
        %swap3A_412 = tpu.vector_load %arg15[%swap3A_411] {strides = array<i32>} : memref<4096xf32, #tpu.memory_space<vmem>>, vector<16xf32>,
        tpu.vector_store %arg15[%swap3A_411], %gather3A_408 {add = true, strides = array<i32>} : memref<4096xf32, #tpu.memory_space<vmem>>, vector<16xf32>,
        %scan3A_413 = arith.constant 1 : i32
        %scan3A_414 = arith.addi %scan3A_393, %scan3A_413 : i32
        %mul3A_415 = arith.constant 16 : i32
        %mul3A_416 = arith.muli %scan3A_414, %mul3A_415 : i32
        %get3A_417 = arith.index_cast %mul3A_416 : i32 to index
        %get3A_418 = tpu.vector_load %arg8[%get3A_417] {strides = array<i32>} : memref<4096xi32, #tpu.memory_space<vmem>>, vector<16xi32>,
        %sub3A_419 = arith.constant 50176 : i32
        %sub3A_420 = vector.broadcast %sub3A_419 : i32 to vector<16xi32>
        %sub3A_421 = arith.subi %get3A_418, %sub3A_420 : vector<16xi32>
        %lt3A_422 = arith.constant 25088 : i32
        %lt3A_423 = vector.broadcast %lt3A_422 : i32 to vector<16xi32>
        %lt3A_424 = arith.cmpi ult, %sub3A_421, %lt3A_423 : vector<16xi32>
        %broadcast_in_dim3A_425 = arith.constant 0 : i32
        %broadcast_in_dim3A_426 = vector.broadcast %broadcast_in_dim3A_425 : i32 to vector<16xi32>
        %gather3A_427 = tpu.vector_load_idx %arg6[%broadcast_in_dim3A_426, %sub3A_421] masked %lt3A_424 : memref<2x25088xf32, #tpu.memory_space<vmem>>[vector<16xi32>, vector<16xi32>], vector<16xf32>, vector<16xi1>
        %mul3A_428 = arith.constant 16 : i32
        %mul3A_429 = arith.muli %scan3A_414, %mul3A_428 : i32
        %swap3A_430 = arith.index_cast %mul3A_429 : i32 to index
        %swap3A_431 = tpu.vector_load %arg14[%swap3A_430] {strides = array<i32>} : memref<4096xf32, #tpu.memory_space<vmem>>, vector<16xf32>,
        tpu.vector_store %arg14[%swap3A_430], %gather3A_427 {add = true, strides = array<i32>} : memref<4096xf32, #tpu.memory_space<vmem>>, vector<16xf32>,
        %broadcast_in_dim3A_432 = arith.constant 1 : i32
        %broadcast_in_dim3A_433 = vector.broadcast %broadcast_in_dim3A_432 : i32 to vector<16xi32>
        %gather3A_434 = tpu.vector_load_idx %arg6[%broadcast_in_dim3A_433, %sub3A_421] masked %lt3A_424 : memref<2x25088xf32, #tpu.memory_space<vmem>>[vector<16xi32>, vector<16xi32>], vector<16xf32>, vector<16xi1>
        %mul3A_435 = arith.constant 16 : i32
        %mul3A_436 = arith.muli %scan3A_414, %mul3A_435 : i32
        %swap3A_437 = arith.index_cast %mul3A_436 : i32 to index
        %swap3A_438 = tpu.vector_load %arg15[%swap3A_437] {strides = array<i32>} : memref<4096xf32, #tpu.memory_space<vmem>>, vector<16xf32>,
        tpu.vector_store %arg15[%swap3A_437], %gather3A_434 {add = true, strides = array<i32>} : memref<4096xf32, #tpu.memory_space<vmem>>, vector<16xf32>,
        %scan3A_439 = arith.constant 2 : i32
        %scan3A_440 = arith.addi %scan3A_393, %scan3A_439 : i32
        %mul3A_441 = arith.constant 16 : i32
        %mul3A_442 = arith.muli %scan3A_440, %mul3A_441 : i32
        %get3A_443 = arith.index_cast %mul3A_442 : i32 to index
        %get3A_444 = tpu.vector_load %arg8[%get3A_443] {strides = array<i32>} : memref<4096xi32, #tpu.memory_space<vmem>>, vector<16xi32>,
        %sub3A_445 = arith.constant 50176 : i32
        %sub3A_446 = vector.broadcast %sub3A_445 : i32 to vector<16xi32>
        %sub3A_447 = arith.subi %get3A_444, %sub3A_446 : vector<16xi32>
        %lt3A_448 = arith.constant 25088 : i32
        %lt3A_449 = vector.broadcast %lt3A_448 : i32 to vector<16xi32>
        %lt3A_450 = arith.cmpi ult, %sub3A_447, %lt3A_449 : vector<16xi32>
        %broadcast_in_dim3A_451 = arith.constant 0 : i32
        %broadcast_in_dim3A_452 = vector.broadcast %broadcast_in_dim3A_451 : i32 to vector<16xi32>
        %gather3A_453 = tpu.vector_load_idx %arg6[%broadcast_in_dim3A_452, %sub3A_447] masked %lt3A_450 : memref<2x25088xf32, #tpu.memory_space<vmem>>[vector<16xi32>, vector<16xi32>], vector<16xf32>, vector<16xi1>
        %mul3A_454 = arith.constant 16 : i32
        %mul3A_455 = arith.muli %scan3A_440, %mul3A_454 : i32
        %swap3A_456 = arith.index_cast %mul3A_455 : i32 to index
        %swap3A_457 = tpu.vector_load %arg14[%swap3A_456] {strides = array<i32>} : memref<4096xf32, #tpu.memory_space<vmem>>, vector<16xf32>,
        tpu.vector_store %arg14[%swap3A_456], %gather3A_453 {add = true, strides = array<i32>} : memref<4096xf32, #tpu.memory_space<vmem>>, vector<16xf32>,
        %broadcast_in_dim3A_458 = arith.constant 1 : i32
        %broadcast_in_dim3A_459 = vector.broadcast %broadcast_in_dim3A_458 : i32 to vector<16xi32>
        %gather3A_460 = tpu.vector_load_idx %arg6[%broadcast_in_dim3A_459, %sub3A_447] masked %lt3A_450 : memref<2x25088xf32, #tpu.memory_space<vmem>>[vector<16xi32>, vector<16xi32>], vector<16xf32>, vector<16xi1>
        %mul3A_461 = arith.constant 16 : i32
        %mul3A_462 = arith.muli %scan3A_440, %mul3A_461 : i32
        %swap3A_463 = arith.index_cast %mul3A_462 : i32 to index
        %swap3A_464 = tpu.vector_load %arg15[%swap3A_463] {strides = array<i32>} : memref<4096xf32, #tpu.memory_space<vmem>>, vector<16xf32>,
        tpu.vector_store %arg15[%swap3A_463], %gather3A_460 {add = true, strides = array<i32>} : memref<4096xf32, #tpu.memory_space<vmem>>, vector<16xf32>,
        %scan3A_465 = arith.constant 3 : i32
        %scan3A_466 = arith.addi %scan3A_393, %scan3A_465 : i32
        %mul3A_467 = arith.constant 16 : i32
        %mul3A_468 = arith.muli %scan3A_466, %mul3A_467 : i32
        %get3A_469 = arith.index_cast %mul3A_468 : i32 to index
        %get3A_470 = tpu.vector_load %arg8[%get3A_469] {strides = array<i32>} : memref<4096xi32, #tpu.memory_space<vmem>>, vector<16xi32>,
        %sub3A_471 = arith.constant 50176 : i32
        %sub3A_472 = vector.broadcast %sub3A_471 : i32 to vector<16xi32>
        %sub3A_473 = arith.subi %get3A_470, %sub3A_472 : vector<16xi32>
        %lt3A_474 = arith.constant 25088 : i32
        %lt3A_475 = vector.broadcast %lt3A_474 : i32 to vector<16xi32>
        %lt3A_476 = arith.cmpi ult, %sub3A_473, %lt3A_475 : vector<16xi32>
        %broadcast_in_dim3A_477 = arith.constant 0 : i32
        %broadcast_in_dim3A_478 = vector.broadcast %broadcast_in_dim3A_477 : i32 to vector<16xi32>
        %gather3A_479 = tpu.vector_load_idx %arg6[%broadcast_in_dim3A_478, %sub3A_473] masked %lt3A_476 : memref<2x25088xf32, #tpu.memory_space<vmem>>[vector<16xi32>, vector<16xi32>], vector<16xf32>, vector<16xi1>
        %mul3A_480 = arith.constant 16 : i32
        %mul3A_481 = arith.muli %scan3A_466, %mul3A_480 : i32
        %swap3A_482 = arith.index_cast %mul3A_481 : i32 to index
        %swap3A_483 = tpu.vector_load %arg14[%swap3A_482] {strides = array<i32>} : memref<4096xf32, #tpu.memory_space<vmem>>, vector<16xf32>,
        tpu.vector_store %arg14[%swap3A_482], %gather3A_479 {add = true, strides = array<i32>} : memref<4096xf32, #tpu.memory_space<vmem>>, vector<16xf32>,
        %broadcast_in_dim3A_484 = arith.constant 1 : i32
        %broadcast_in_dim3A_485 = vector.broadcast %broadcast_in_dim3A_484 : i32 to vector<16xi32>
        %gather3A_486 = tpu.vector_load_idx %arg6[%broadcast_in_dim3A_485, %sub3A_473] masked %lt3A_476 : memref<2x25088xf32, #tpu.memory_space<vmem>>[vector<16xi32>, vector<16xi32>], vector<16xf32>, vector<16xi1>
        %mul3A_487 = arith.constant 16 : i32
        %mul3A_488 = arith.muli %scan3A_466, %mul3A_487 : i32
        %swap3A_489 = arith.index_cast %mul3A_488 : i32 to index
        %swap3A_490 = tpu.vector_load %arg15[%swap3A_489] {strides = array<i32>} : memref<4096xf32, #tpu.memory_space<vmem>>, vector<16xf32>,
        tpu.vector_store %arg15[%swap3A_489], %gather3A_486 {add = true, strides = array<i32>} : memref<4096xf32, #tpu.memory_space<vmem>>, vector<16xf32>,
        %scan3A_491 = arith.constant 4 : i32
        %scan3A_492 = arith.addi %scan3A_393, %scan3A_491 : i32
        %mul3A_493 = arith.constant 16 : i32
        %mul3A_494 = arith.muli %scan3A_492, %mul3A_493 : i32
        %get3A_495 = arith.index_cast %mul3A_494 : i32 to index
        %get3A_496 = tpu.vector_load %arg8[%get3A_495] {strides = array<i32>} : memref<4096xi32, #tpu.memory_space<vmem>>, vector<16xi32>,
        %sub3A_497 = arith.constant 50176 : i32
        %sub3A_498 = vector.broadcast %sub3A_497 : i32 to vector<16xi32>
        %sub3A_499 = arith.subi %get3A_496, %sub3A_498 : vector<16xi32>
        %lt3A_500 = arith.constant 25088 : i32
        %lt3A_501 = vector.broadcast %lt3A_500 : i32 to vector<16xi32>
        %lt3A_502 = arith.cmpi ult, %sub3A_499, %lt3A_501 : vector<16xi32>
        %broadcast_in_dim3A_503 = arith.constant 0 : i32
        %broadcast_in_dim3A_504 = vector.broadcast %broadcast_in_dim3A_503 : i32 to vector<16xi32>
        %gather3A_505 = tpu.vector_load_idx %arg6[%broadcast_in_dim3A_504, %sub3A_499] masked %lt3A_502 : memref<2x25088xf32, #tpu.memory_space<vmem>>[vector<16xi32>, vector<16xi32>], vector<16xf32>, vector<16xi1>
        %mul3A_506 = arith.constant 16 : i32
        %mul3A_507 = arith.muli %scan3A_492, %mul3A_506 : i32
        %swap3A_508 = arith.index_cast %mul3A_507 : i32 to index
        %swap3A_509 = tpu.vector_load %arg14[%swap3A_508] {strides = array<i32>} : memref<4096xf32, #tpu.memory_space<vmem>>, vector<16xf32>,
        tpu.vector_store %arg14[%swap3A_508], %gather3A_505 {add = true, strides = array<i32>} : memref<4096xf32, #tpu.memory_space<vmem>>, vector<16xf32>,
        %broadcast_in_dim3A_510 = arith.constant 1 : i32
        %broadcast_in_dim3A_511 = vector.broadcast %broadcast_in_dim3A_510 : i32 to vector<16xi32>
        %gather3A_512 = tpu.vector_load_idx %arg6[%broadcast_in_dim3A_511, %sub3A_499] masked %lt3A_502 : memref<2x25088xf32, #tpu.memory_space<vmem>>[vector<16xi32>, vector<16xi32>], vector<16xf32>, vector<16xi1>
        %mul3A_513 = arith.constant 16 : i32
        %mul3A_514 = arith.muli %scan3A_492, %mul3A_513 : i32
        %swap3A_515 = arith.index_cast %mul3A_514 : i32 to index
        %swap3A_516 = tpu.vector_load %arg15[%swap3A_515] {strides = array<i32>} : memref<4096xf32, #tpu.memory_space<vmem>>, vector<16xf32>,
        tpu.vector_store %arg15[%swap3A_515], %gather3A_512 {add = true, strides = array<i32>} : memref<4096xf32, #tpu.memory_space<vmem>>, vector<16xf32>,
        %scan3A_517 = arith.constant 5 : i32
        %scan3A_518 = arith.addi %scan3A_393, %scan3A_517 : i32
        %mul3A_519 = arith.constant 16 : i32
        %mul3A_520 = arith.muli %scan3A_518, %mul3A_519 : i32
        %get3A_521 = arith.index_cast %mul3A_520 : i32 to index
        %get3A_522 = tpu.vector_load %arg8[%get3A_521] {strides = array<i32>} : memref<4096xi32, #tpu.memory_space<vmem>>, vector<16xi32>,
        %sub3A_523 = arith.constant 50176 : i32
        %sub3A_524 = vector.broadcast %sub3A_523 : i32 to vector<16xi32>
        %sub3A_525 = arith.subi %get3A_522, %sub3A_524 : vector<16xi32>
        %lt3A_526 = arith.constant 25088 : i32
        %lt3A_527 = vector.broadcast %lt3A_526 : i32 to vector<16xi32>
        %lt3A_528 = arith.cmpi ult, %sub3A_525, %lt3A_527 : vector<16xi32>
        %broadcast_in_dim3A_529 = arith.constant 0 : i32
        %broadcast_in_dim3A_530 = vector.broadcast %broadcast_in_dim3A_529 : i32 to vector<16xi32>
        %gather3A_531 = tpu.vector_load_idx %arg6[%broadcast_in_dim3A_530, %sub3A_525] masked %lt3A_528 : memref<2x25088xf32, #tpu.memory_space<vmem>>[vector<16xi32>, vector<16xi32>], vector<16xf32>, vector<16xi1>
        %mul3A_532 = arith.constant 16 : i32
        %mul3A_533 = arith.muli %scan3A_518, %mul3A_532 : i32
        %swap3A_534 = arith.index_cast %mul3A_533 : i32 to index
        %swap3A_535 = tpu.vector_load %arg14[%swap3A_534] {strides = array<i32>} : memref<4096xf32, #tpu.memory_space<vmem>>, vector<16xf32>,
        tpu.vector_store %arg14[%swap3A_534], %gather3A_531 {add = true, strides = array<i32>} : memref<4096xf32, #tpu.memory_space<vmem>>, vector<16xf32>,
        %broadcast_in_dim3A_536 = arith.constant 1 : i32
        %broadcast_in_dim3A_537 = vector.broadcast %broadcast_in_dim3A_536 : i32 to vector<16xi32>
        %gather3A_538 = tpu.vector_load_idx %arg6[%broadcast_in_dim3A_537, %sub3A_525] masked %lt3A_528 : memref<2x25088xf32, #tpu.memory_space<vmem>>[vector<16xi32>, vector<16xi32>], vector<16xf32>, vector<16xi1>
        %mul3A_539 = arith.constant 16 : i32
        %mul3A_540 = arith.muli %scan3A_518, %mul3A_539 : i32
        %swap3A_541 = arith.index_cast %mul3A_540 : i32 to index
        %swap3A_542 = tpu.vector_load %arg15[%swap3A_541] {strides = array<i32>} : memref<4096xf32, #tpu.memory_space<vmem>>, vector<16xf32>,
        tpu.vector_store %arg15[%swap3A_541], %gather3A_538 {add = true, strides = array<i32>} : memref<4096xf32, #tpu.memory_space<vmem>>, vector<16xf32>,
        %scan3A_543 = arith.constant 6 : i32
        %scan3A_544 = arith.addi %scan3A_393, %scan3A_543 : i32
        %mul3A_545 = arith.constant 16 : i32
        %mul3A_546 = arith.muli %scan3A_544, %mul3A_545 : i32
        %get3A_547 = arith.index_cast %mul3A_546 : i32 to index
        %get3A_548 = tpu.vector_load %arg8[%get3A_547] {strides = array<i32>} : memref<4096xi32, #tpu.memory_space<vmem>>, vector<16xi32>,
        %sub3A_549 = arith.constant 50176 : i32
        %sub3A_550 = vector.broadcast %sub3A_549 : i32 to vector<16xi32>
        %sub3A_551 = arith.subi %get3A_548, %sub3A_550 : vector<16xi32>
        %lt3A_552 = arith.constant 25088 : i32
        %lt3A_553 = vector.broadcast %lt3A_552 : i32 to vector<16xi32>
        %lt3A_554 = arith.cmpi ult, %sub3A_551, %lt3A_553 : vector<16xi32>
        %broadcast_in_dim3A_555 = arith.constant 0 : i32
        %broadcast_in_dim3A_556 = vector.broadcast %broadcast_in_dim3A_555 : i32 to vector<16xi32>
        %gather3A_557 = tpu.vector_load_idx %arg6[%broadcast_in_dim3A_556, %sub3A_551] masked %lt3A_554 : memref<2x25088xf32, #tpu.memory_space<vmem>>[vector<16xi32>, vector<16xi32>], vector<16xf32>, vector<16xi1>
        %mul3A_558 = arith.constant 16 : i32
        %mul3A_559 = arith.muli %scan3A_544, %mul3A_558 : i32
        %swap3A_560 = arith.index_cast %mul3A_559 : i32 to index
        %swap3A_561 = tpu.vector_load %arg14[%swap3A_560] {strides = array<i32>} : memref<4096xf32, #tpu.memory_space<vmem>>, vector<16xf32>,
        tpu.vector_store %arg14[%swap3A_560], %gather3A_557 {add = true, strides = array<i32>} : memref<4096xf32, #tpu.memory_space<vmem>>, vector<16xf32>,
        %broadcast_in_dim3A_562 = arith.constant 1 : i32
        %broadcast_in_dim3A_563 = vector.broadcast %broadcast_in_dim3A_562 : i32 to vector<16xi32>
        %gather3A_564 = tpu.vector_load_idx %arg6[%broadcast_in_dim3A_563, %sub3A_551] masked %lt3A_554 : memref<2x25088xf32, #tpu.memory_space<vmem>>[vector<16xi32>, vector<16xi32>], vector<16xf32>, vector<16xi1>
        %mul3A_565 = arith.constant 16 : i32
        %mul3A_566 = arith.muli %scan3A_544, %mul3A_565 : i32
        %swap3A_567 = arith.index_cast %mul3A_566 : i32 to index
        %swap3A_568 = tpu.vector_load %arg15[%swap3A_567] {strides = array<i32>} : memref<4096xf32, #tpu.memory_space<vmem>>, vector<16xf32>,
        tpu.vector_store %arg15[%swap3A_567], %gather3A_564 {add = true, strides = array<i32>} : memref<4096xf32, #tpu.memory_space<vmem>>, vector<16xf32>,
        %scan3A_569 = arith.constant 7 : i32
        %scan3A_570 = arith.addi %scan3A_393, %scan3A_569 : i32
        %mul3A_571 = arith.constant 16 : i32
        %mul3A_572 = arith.muli %scan3A_570, %mul3A_571 : i32
        %get3A_573 = arith.index_cast %mul3A_572 : i32 to index
        %get3A_574 = tpu.vector_load %arg8[%get3A_573] {strides = array<i32>} : memref<4096xi32, #tpu.memory_space<vmem>>, vector<16xi32>,
        %sub3A_575 = arith.constant 50176 : i32
        %sub3A_576 = vector.broadcast %sub3A_575 : i32 to vector<16xi32>
        %sub3A_577 = arith.subi %get3A_574, %sub3A_576 : vector<16xi32>
        %lt3A_578 = arith.constant 25088 : i32
        %lt3A_579 = vector.broadcast %lt3A_578 : i32 to vector<16xi32>
        %lt3A_580 = arith.cmpi ult, %sub3A_577, %lt3A_579 : vector<16xi32>
        %broadcast_in_dim3A_581 = arith.constant 0 : i32
        %broadcast_in_dim3A_582 = vector.broadcast %broadcast_in_dim3A_581 : i32 to vector<16xi32>
        %gather3A_583 = tpu.vector_load_idx %arg6[%broadcast_in_dim3A_582, %sub3A_577] masked %lt3A_580 : memref<2x25088xf32, #tpu.memory_space<vmem>>[vector<16xi32>, vector<16xi32>], vector<16xf32>, vector<16xi1>
        %mul3A_584 = arith.constant 16 : i32
        %mul3A_585 = arith.muli %scan3A_570, %mul3A_584 : i32
        %swap3A_586 = arith.index_cast %mul3A_585 : i32 to index
        %swap3A_587 = tpu.vector_load %arg14[%swap3A_586] {strides = array<i32>} : memref<4096xf32, #tpu.memory_space<vmem>>, vector<16xf32>,
        tpu.vector_store %arg14[%swap3A_586], %gather3A_583 {add = true, strides = array<i32>} : memref<4096xf32, #tpu.memory_space<vmem>>, vector<16xf32>,
        %broadcast_in_dim3A_588 = arith.constant 1 : i32
        %broadcast_in_dim3A_589 = vector.broadcast %broadcast_in_dim3A_588 : i32 to vector<16xi32>
        %gather3A_590 = tpu.vector_load_idx %arg6[%broadcast_in_dim3A_589, %sub3A_577] masked %lt3A_580 : memref<2x25088xf32, #tpu.memory_space<vmem>>[vector<16xi32>, vector<16xi32>], vector<16xf32>, vector<16xi1>
        %mul3A_591 = arith.constant 16 : i32
        %mul3A_592 = arith.muli %scan3A_570, %mul3A_591 : i32
        %swap3A_593 = arith.index_cast %mul3A_592 : i32 to index
        %swap3A_594 = tpu.vector_load %arg15[%swap3A_593] {strides = array<i32>} : memref<4096xf32, #tpu.memory_space<vmem>>, vector<16xf32>,
        tpu.vector_store %arg15[%swap3A_593], %gather3A_590 {add = true, strides = array<i32>} : memref<4096xf32, #tpu.memory_space<vmem>>, vector<16xf32>,
      }
      %scan3A_188 = arith.constant 256 : i32
      %convert_element_type3A_189 = arith.extui %lt3A_77 : i1 to i32
      %cond3A_190 = arith.constant 0 : i32
      %cond3A_191 = arith.cmpi ne, %convert_element_type3A_189, %cond3A_190 : i32
      scf.if %cond3A_191 {
        %dma_start3A_393 = arith.constant 0 : i32
        %dma_start3A_394 = arith.constant 0 : i32
        %dma_start3A_395 = tpu.memref_slice %arg6[%dma_start3A_393, %dma_start3A_394] : memref<2x25088xf32, #tpu.memory_space<vmem>> -> memref<2x25088xf32, #tpu.memory_space<vmem>>
        %dma_start3A_396 = arith.constant 0 : i32
        %dma_start3A_397 = tpu.memref_slice %arg2[%mul3A_95, %dma_start3A_396] : memref<1664x100000xf32, #tpu.memory_space<hbm>> -> memref<2x25088xf32, #tpu.memory_space<hbm>>
        %dma_start3A_398 = arith.constant 0 : i32
        %dma_start3A_399 = arith.constant 0 : i32
        %dma_start3A_400 = tpu.memref_slice %arg6[%dma_start3A_398, %dma_start3A_399] : memref<2x25088xf32, #tpu.memory_space<vmem>> -> memref<2x25088xf32, #tpu.memory_space<vmem>>
        %dma_start3A_401 = arith.constant 0 : i32
        %dma_start3A_402 = tpu.memref_slice %arg2[%mul3A_95, %dma_start3A_401] : memref<1664x100000xf32, #tpu.memory_space<hbm>> -> memref<2x25088xf32, #tpu.memory_space<hbm>>
        tpu.enqueue_dma source(%dma_start3A_402 : memref<2x25088xf32, #tpu.memory_space<hbm>>) target(%dma_start3A_400 : memref<2x25088xf32, #tpu.memory_space<vmem>>) target_semaphore(%arg16 : memref<!tpu.dma_semaphore, #tpu.memory_space<semaphore_mem>>)
        %shift_right_arithmetic3A_403 = arith.constant 6 : i32
        %shift_right_arithmetic3A_404 = arith.shrsi %mul3A_95, %shift_right_arithmetic3A_403 : i32
        %mul3A_405 = arith.constant 4096 : i32
        %mul3A_406 = arith.muli %shift_right_arithmetic3A_404, %mul3A_405 : i32
        %dma_start3A_407 = tpu.memref_slice %arg3[%mul3A_406] : memref<106496xi32, #tpu.memory_space<hbm>> -> memref<4096xi32, #tpu.memory_space<hbm>>
        %dma_start3A_408 = tpu.memref_slice %arg3[%mul3A_406] : memref<106496xi32, #tpu.memory_space<hbm>> -> memref<4096xi32, #tpu.memory_space<hbm>>
        tpu.enqueue_dma source(%dma_start3A_408 : memref<4096xi32, #tpu.memory_space<hbm>>) target(%arg9 : memref<4096xi32, #tpu.memory_space<vmem>>) target_semaphore(%arg18 : memref<!tpu.dma_semaphore, #tpu.memory_space<semaphore_mem>>)
        %add3A_409 = arith.constant 0 : i32
        %add3A_410 = arith.addi %mul3A_95, %add3A_409 : i32
        %dma_start3A_411 = arith.constant 99968 : i32
        %dma_start3A_412 = tpu.memref_slice %arg2[%add3A_410, %dma_start3A_411] : memref<1664x100000xf32, #tpu.memory_space<hbm>> -> memref<1x32xf32, #tpu.memory_space<hbm>>
        %dma_start3A_413 = tpu.memref_squeeze %dma_start3A_412 : memref<1x32xf32, #tpu.memory_space<hbm>> -> memref<32xf32, #tpu.memory_space<hbm>>
        %dma_start3A_414 = arith.constant 99968 : i32
        %dma_start3A_415 = tpu.memref_slice %arg2[%add3A_410, %dma_start3A_414] : memref<1664x100000xf32, #tpu.memory_space<hbm>> -> memref<1x32xf32, #tpu.memory_space<hbm>>
        %dma_start3A_416 = tpu.memref_squeeze %dma_start3A_415 : memref<1x32xf32, #tpu.memory_space<hbm>> -> memref<32xf32, #tpu.memory_space<hbm>>
        tpu.enqueue_dma source(%dma_start3A_416 : memref<32xf32, #tpu.memory_space<hbm>>) target(%arg12 : memref<32xf32, #tpu.memory_space<vmem>>) target_semaphore(%arg18 : memref<!tpu.dma_semaphore, #tpu.memory_space<semaphore_mem>>)
        %add3A_417 = arith.constant 1 : i32
        %add3A_418 = arith.addi %mul3A_95, %add3A_417 : i32
        %dma_start3A_419 = arith.constant 99968 : i32
        %dma_start3A_420 = tpu.memref_slice %arg2[%add3A_418, %dma_start3A_419] : memref<1664x100000xf32, #tpu.memory_space<hbm>> -> memref<1x32xf32, #tpu.memory_space<hbm>>
        %dma_start3A_421 = tpu.memref_squeeze %dma_start3A_420 : memref<1x32xf32, #tpu.memory_space<hbm>> -> memref<32xf32, #tpu.memory_space<hbm>>
        %dma_start3A_422 = arith.constant 99968 : i32
        %dma_start3A_423 = tpu.memref_slice %arg2[%add3A_418, %dma_start3A_422] : memref<1664x100000xf32, #tpu.memory_space<hbm>> -> memref<1x32xf32, #tpu.memory_space<hbm>>
        %dma_start3A_424 = tpu.memref_squeeze %dma_start3A_423 : memref<1x32xf32, #tpu.memory_space<hbm>> -> memref<32xf32, #tpu.memory_space<hbm>>
        tpu.enqueue_dma source(%dma_start3A_424 : memref<32xf32, #tpu.memory_space<hbm>>) target(%arg13 : memref<32xf32, #tpu.memory_space<vmem>>) target_semaphore(%arg18 : memref<!tpu.dma_semaphore, #tpu.memory_space<semaphore_mem>>)
      } else {
      }
      %dma_wait3A_192 = arith.constant 0 : i32
      %dma_wait3A_193 = arith.constant 0 : i32
      %dma_wait3A_194 = tpu.memref_slice %arg7[%dma_wait3A_192, %dma_wait3A_193] : memref<2x25088xf32, #tpu.memory_space<vmem>> -> memref<2x24704xf32, #tpu.memory_space<vmem>>
      %dma_wait3A_195 = arith.constant 0 : i32
      %dma_wait3A_196 = arith.constant 75264 : i32
      %dma_wait3A_197 = tpu.memref_slice %arg2[%dma_wait3A_195, %dma_wait3A_196] : memref<1664x100000xf32, #tpu.memory_space<hbm>> -> memref<2x24704xf32, #tpu.memory_space<hbm>>
      %dma_wait3A_198 = arith.constant 0 : i32
      %dma_wait3A_199 = arith.constant 0 : i32
      %dma_wait3A_200 = tpu.memref_slice %arg7[%dma_wait3A_198, %dma_wait3A_199] : memref<2x25088xf32, #tpu.memory_space<vmem>> -> memref<2x24704xf32, #tpu.memory_space<vmem>>
      %dma_wait3A_201 = arith.constant 0 : i32
      %dma_wait3A_202 = arith.constant 75264 : i32
      %dma_wait3A_203 = tpu.memref_slice %arg2[%dma_wait3A_201, %dma_wait3A_202] : memref<1664x100000xf32, #tpu.memory_space<hbm>> -> memref<2x24704xf32, #tpu.memory_space<hbm>>
      tpu.wait_dma2 semaphore(%arg17 : memref<!tpu.dma_semaphore, #tpu.memory_space<semaphore_mem>>) src(%dma_wait3A_203 : memref<2x24704xf32, #tpu.memory_space<hbm>>) dst(%dma_wait3A_200 : memref<2x24704xf32, #tpu.memory_space<vmem>>)
      %scan3A_204 = arith.constant 0 : i32
      %scan3A_205 = arith.constant 256 : i32
      %scan3A_206 = arith.addi %scan3A_204, %scan3A_205 : i32
      %scan3A_207 = arith.constant 8 : i32
      scf.for %scan3A_393 = %scan3A_204 to %scan3A_206 step %scan3A_207  : i32 {
        %mul3A_394 = arith.constant 16 : i32
        %mul3A_395 = arith.muli %scan3A_393, %mul3A_394 : i32
        %get3A = arith.index_cast %mul3A_395 : i32 to index
        %get3A_396 = tpu.vector_load %arg8[%get3A] {strides = array<i32>} : memref<4096xi32, #tpu.memory_space<vmem>>, vector<16xi32>,
        %sub3A = arith.constant 75264 : i32
        %sub3A_397 = vector.broadcast %sub3A : i32 to vector<16xi32>
        %sub3A_398 = arith.subi %get3A_396, %sub3A_397 : vector<16xi32>
        %lt3A_399 = arith.constant 24704 : i32
        %lt3A_400 = vector.broadcast %lt3A_399 : i32 to vector<16xi32>
        %lt3A_401 = arith.cmpi ult, %sub3A_398, %lt3A_400 : vector<16xi32>
        %sub3A_402 = arith.constant 99968 : i32
        %sub3A_403 = vector.broadcast %sub3A_402 : i32 to vector<16xi32>
        %sub3A_404 = arith.subi %get3A_396, %sub3A_403 : vector<16xi32>
        %ge3A = arith.constant 0 : i32
        %ge3A_405 = vector.broadcast %ge3A : i32 to vector<16xi32>
        %ge3A_406 = arith.cmpi sge, %sub3A_404, %ge3A_405 : vector<16xi32>
        %broadcast_in_dim3A = arith.constant 0 : i32
        %broadcast_in_dim3A_407 = vector.broadcast %broadcast_in_dim3A : i32 to vector<16xi32>
        %gather3A = tpu.vector_load_idx %arg7[%broadcast_in_dim3A_407, %sub3A_398] masked %lt3A_401 : memref<2x25088xf32, #tpu.memory_space<vmem>>[vector<16xi32>, vector<16xi32>], vector<16xf32>, vector<16xi1>
        %mul3A_408 = arith.constant 16 : i32
        %mul3A_409 = arith.muli %scan3A_393, %mul3A_408 : i32
        %swap3A = arith.index_cast %mul3A_409 : i32 to index
        %swap3A_410 = tpu.vector_load %arg14[%swap3A] {strides = array<i32>} : memref<4096xf32, #tpu.memory_space<vmem>>, vector<16xf32>,
        tpu.vector_store %arg14[%swap3A], %gather3A {add = true, strides = array<i32>} : memref<4096xf32, #tpu.memory_space<vmem>>, vector<16xf32>,
        %gather3A_411 = tpu.vector_load_idx %arg10[%sub3A_404] masked %ge3A_406 : memref<32xf32, #tpu.memory_space<vmem>>[vector<16xi32>], vector<16xf32>, vector<16xi1>
        %mul3A_412 = arith.constant 16 : i32
        %mul3A_413 = arith.muli %scan3A_393, %mul3A_412 : i32
        %swap3A_414 = arith.index_cast %mul3A_413 : i32 to index
        %swap3A_415 = tpu.vector_load %arg14[%swap3A_414] {strides = array<i32>} : memref<4096xf32, #tpu.memory_space<vmem>>, vector<16xf32>,
        tpu.vector_store %arg14[%swap3A_414], %gather3A_411 {add = true, strides = array<i32>} : memref<4096xf32, #tpu.memory_space<vmem>>, vector<16xf32>,
        %broadcast_in_dim3A_416 = arith.constant 1 : i32
        %broadcast_in_dim3A_417 = vector.broadcast %broadcast_in_dim3A_416 : i32 to vector<16xi32>
        %gather3A_418 = tpu.vector_load_idx %arg7[%broadcast_in_dim3A_417, %sub3A_398] masked %lt3A_401 : memref<2x25088xf32, #tpu.memory_space<vmem>>[vector<16xi32>, vector<16xi32>], vector<16xf32>, vector<16xi1>
        %mul3A_419 = arith.constant 16 : i32
        %mul3A_420 = arith.muli %scan3A_393, %mul3A_419 : i32
        %swap3A_421 = arith.index_cast %mul3A_420 : i32 to index
        %swap3A_422 = tpu.vector_load %arg15[%swap3A_421] {strides = array<i32>} : memref<4096xf32, #tpu.memory_space<vmem>>, vector<16xf32>,
        tpu.vector_store %arg15[%swap3A_421], %gather3A_418 {add = true, strides = array<i32>} : memref<4096xf32, #tpu.memory_space<vmem>>, vector<16xf32>,
        %gather3A_423 = tpu.vector_load_idx %arg11[%sub3A_404] masked %ge3A_406 : memref<32xf32, #tpu.memory_space<vmem>>[vector<16xi32>], vector<16xf32>, vector<16xi1>
        %mul3A_424 = arith.constant 16 : i32
        %mul3A_425 = arith.muli %scan3A_393, %mul3A_424 : i32
        %swap3A_426 = arith.index_cast %mul3A_425 : i32 to index
        %swap3A_427 = tpu.vector_load %arg15[%swap3A_426] {strides = array<i32>} : memref<4096xf32, #tpu.memory_space<vmem>>, vector<16xf32>,
        tpu.vector_store %arg15[%swap3A_426], %gather3A_423 {add = true, strides = array<i32>} : memref<4096xf32, #tpu.memory_space<vmem>>, vector<16xf32>,
        %scan3A_428 = arith.constant 1 : i32
        %scan3A_429 = arith.addi %scan3A_393, %scan3A_428 : i32
        %mul3A_430 = arith.constant 16 : i32
        %mul3A_431 = arith.muli %scan3A_429, %mul3A_430 : i32
        %get3A_432 = arith.index_cast %mul3A_431 : i32 to index
        %get3A_433 = tpu.vector_load %arg8[%get3A_432] {strides = array<i32>} : memref<4096xi32, #tpu.memory_space<vmem>>, vector<16xi32>,
        %sub3A_434 = arith.constant 75264 : i32
        %sub3A_435 = vector.broadcast %sub3A_434 : i32 to vector<16xi32>
        %sub3A_436 = arith.subi %get3A_433, %sub3A_435 : vector<16xi32>
        %lt3A_437 = arith.constant 24704 : i32
        %lt3A_438 = vector.broadcast %lt3A_437 : i32 to vector<16xi32>
        %lt3A_439 = arith.cmpi ult, %sub3A_436, %lt3A_438 : vector<16xi32>
        %sub3A_440 = arith.constant 99968 : i32
        %sub3A_441 = vector.broadcast %sub3A_440 : i32 to vector<16xi32>
        %sub3A_442 = arith.subi %get3A_433, %sub3A_441 : vector<16xi32>
        %ge3A_443 = arith.constant 0 : i32
        %ge3A_444 = vector.broadcast %ge3A_443 : i32 to vector<16xi32>
        %ge3A_445 = arith.cmpi sge, %sub3A_442, %ge3A_444 : vector<16xi32>
        %broadcast_in_dim3A_446 = arith.constant 0 : i32
        %broadcast_in_dim3A_447 = vector.broadcast %broadcast_in_dim3A_446 : i32 to vector<16xi32>
        %gather3A_448 = tpu.vector_load_idx %arg7[%broadcast_in_dim3A_447, %sub3A_436] masked %lt3A_439 : memref<2x25088xf32, #tpu.memory_space<vmem>>[vector<16xi32>, vector<16xi32>], vector<16xf32>, vector<16xi1>
        %mul3A_449 = arith.constant 16 : i32
        %mul3A_450 = arith.muli %scan3A_429, %mul3A_449 : i32
        %swap3A_451 = arith.index_cast %mul3A_450 : i32 to index
        %swap3A_452 = tpu.vector_load %arg14[%swap3A_451] {strides = array<i32>} : memref<4096xf32, #tpu.memory_space<vmem>>, vector<16xf32>,
        tpu.vector_store %arg14[%swap3A_451], %gather3A_448 {add = true, strides = array<i32>} : memref<4096xf32, #tpu.memory_space<vmem>>, vector<16xf32>,
        %gather3A_453 = tpu.vector_load_idx %arg10[%sub3A_442] masked %ge3A_445 : memref<32xf32, #tpu.memory_space<vmem>>[vector<16xi32>], vector<16xf32>, vector<16xi1>
        %mul3A_454 = arith.constant 16 : i32
        %mul3A_455 = arith.muli %scan3A_429, %mul3A_454 : i32
        %swap3A_456 = arith.index_cast %mul3A_455 : i32 to index
        %swap3A_457 = tpu.vector_load %arg14[%swap3A_456] {strides = array<i32>} : memref<4096xf32, #tpu.memory_space<vmem>>, vector<16xf32>,
        tpu.vector_store %arg14[%swap3A_456], %gather3A_453 {add = true, strides = array<i32>} : memref<4096xf32, #tpu.memory_space<vmem>>, vector<16xf32>,
        %broadcast_in_dim3A_458 = arith.constant 1 : i32
        %broadcast_in_dim3A_459 = vector.broadcast %broadcast_in_dim3A_458 : i32 to vector<16xi32>
        %gather3A_460 = tpu.vector_load_idx %arg7[%broadcast_in_dim3A_459, %sub3A_436] masked %lt3A_439 : memref<2x25088xf32, #tpu.memory_space<vmem>>[vector<16xi32>, vector<16xi32>], vector<16xf32>, vector<16xi1>
        %mul3A_461 = arith.constant 16 : i32
        %mul3A_462 = arith.muli %scan3A_429, %mul3A_461 : i32
        %swap3A_463 = arith.index_cast %mul3A_462 : i32 to index
        %swap3A_464 = tpu.vector_load %arg15[%swap3A_463] {strides = array<i32>} : memref<4096xf32, #tpu.memory_space<vmem>>, vector<16xf32>,
        tpu.vector_store %arg15[%swap3A_463], %gather3A_460 {add = true, strides = array<i32>} : memref<4096xf32, #tpu.memory_space<vmem>>, vector<16xf32>,
        %gather3A_465 = tpu.vector_load_idx %arg11[%sub3A_442] masked %ge3A_445 : memref<32xf32, #tpu.memory_space<vmem>>[vector<16xi32>], vector<16xf32>, vector<16xi1>
        %mul3A_466 = arith.constant 16 : i32
        %mul3A_467 = arith.muli %scan3A_429, %mul3A_466 : i32
        %swap3A_468 = arith.index_cast %mul3A_467 : i32 to index
        %swap3A_469 = tpu.vector_load %arg15[%swap3A_468] {strides = array<i32>} : memref<4096xf32, #tpu.memory_space<vmem>>, vector<16xf32>,
        tpu.vector_store %arg15[%swap3A_468], %gather3A_465 {add = true, strides = array<i32>} : memref<4096xf32, #tpu.memory_space<vmem>>, vector<16xf32>,
        %scan3A_470 = arith.constant 2 : i32
        %scan3A_471 = arith.addi %scan3A_393, %scan3A_470 : i32
        %mul3A_472 = arith.constant 16 : i32
        %mul3A_473 = arith.muli %scan3A_471, %mul3A_472 : i32
        %get3A_474 = arith.index_cast %mul3A_473 : i32 to index
        %get3A_475 = tpu.vector_load %arg8[%get3A_474] {strides = array<i32>} : memref<4096xi32, #tpu.memory_space<vmem>>, vector<16xi32>,
        %sub3A_476 = arith.constant 75264 : i32
        %sub3A_477 = vector.broadcast %sub3A_476 : i32 to vector<16xi32>
        %sub3A_478 = arith.subi %get3A_475, %sub3A_477 : vector<16xi32>
        %lt3A_479 = arith.constant 24704 : i32
        %lt3A_480 = vector.broadcast %lt3A_479 : i32 to vector<16xi32>
        %lt3A_481 = arith.cmpi ult, %sub3A_478, %lt3A_480 : vector<16xi32>
        %sub3A_482 = arith.constant 99968 : i32
        %sub3A_483 = vector.broadcast %sub3A_482 : i32 to vector<16xi32>
        %sub3A_484 = arith.subi %get3A_475, %sub3A_483 : vector<16xi32>
        %ge3A_485 = arith.constant 0 : i32
        %ge3A_486 = vector.broadcast %ge3A_485 : i32 to vector<16xi32>
        %ge3A_487 = arith.cmpi sge, %sub3A_484, %ge3A_486 : vector<16xi32>
        %broadcast_in_dim3A_488 = arith.constant 0 : i32
        %broadcast_in_dim3A_489 = vector.broadcast %broadcast_in_dim3A_488 : i32 to vector<16xi32>
        %gather3A_490 = tpu.vector_load_idx %arg7[%broadcast_in_dim3A_489, %sub3A_478] masked %lt3A_481 : memref<2x25088xf32, #tpu.memory_space<vmem>>[vector<16xi32>, vector<16xi32>], vector<16xf32>, vector<16xi1>
        %mul3A_491 = arith.constant 16 : i32
        %mul3A_492 = arith.muli %scan3A_471, %mul3A_491 : i32
        %swap3A_493 = arith.index_cast %mul3A_492 : i32 to index
        %swap3A_494 = tpu.vector_load %arg14[%swap3A_493] {strides = array<i32>} : memref<4096xf32, #tpu.memory_space<vmem>>, vector<16xf32>,
        tpu.vector_store %arg14[%swap3A_493], %gather3A_490 {add = true, strides = array<i32>} : memref<4096xf32, #tpu.memory_space<vmem>>, vector<16xf32>,
        %gather3A_495 = tpu.vector_load_idx %arg10[%sub3A_484] masked %ge3A_487 : memref<32xf32, #tpu.memory_space<vmem>>[vector<16xi32>], vector<16xf32>, vector<16xi1>
        %mul3A_496 = arith.constant 16 : i32
        %mul3A_497 = arith.muli %scan3A_471, %mul3A_496 : i32
        %swap3A_498 = arith.index_cast %mul3A_497 : i32 to index
        %swap3A_499 = tpu.vector_load %arg14[%swap3A_498] {strides = array<i32>} : memref<4096xf32, #tpu.memory_space<vmem>>, vector<16xf32>,
        tpu.vector_store %arg14[%swap3A_498], %gather3A_495 {add = true, strides = array<i32>} : memref<4096xf32, #tpu.memory_space<vmem>>, vector<16xf32>,
        %broadcast_in_dim3A_500 = arith.constant 1 : i32
        %broadcast_in_dim3A_501 = vector.broadcast %broadcast_in_dim3A_500 : i32 to vector<16xi32>
        %gather3A_502 = tpu.vector_load_idx %arg7[%broadcast_in_dim3A_501, %sub3A_478] masked %lt3A_481 : memref<2x25088xf32, #tpu.memory_space<vmem>>[vector<16xi32>, vector<16xi32>], vector<16xf32>, vector<16xi1>
        %mul3A_503 = arith.constant 16 : i32
        %mul3A_504 = arith.muli %scan3A_471, %mul3A_503 : i32
        %swap3A_505 = arith.index_cast %mul3A_504 : i32 to index
        %swap3A_506 = tpu.vector_load %arg15[%swap3A_505] {strides = array<i32>} : memref<4096xf32, #tpu.memory_space<vmem>>, vector<16xf32>,
        tpu.vector_store %arg15[%swap3A_505], %gather3A_502 {add = true, strides = array<i32>} : memref<4096xf32, #tpu.memory_space<vmem>>, vector<16xf32>,
        %gather3A_507 = tpu.vector_load_idx %arg11[%sub3A_484] masked %ge3A_487 : memref<32xf32, #tpu.memory_space<vmem>>[vector<16xi32>], vector<16xf32>, vector<16xi1>
        %mul3A_508 = arith.constant 16 : i32
        %mul3A_509 = arith.muli %scan3A_471, %mul3A_508 : i32
        %swap3A_510 = arith.index_cast %mul3A_509 : i32 to index
        %swap3A_511 = tpu.vector_load %arg15[%swap3A_510] {strides = array<i32>} : memref<4096xf32, #tpu.memory_space<vmem>>, vector<16xf32>,
        tpu.vector_store %arg15[%swap3A_510], %gather3A_507 {add = true, strides = array<i32>} : memref<4096xf32, #tpu.memory_space<vmem>>, vector<16xf32>,
        %scan3A_512 = arith.constant 3 : i32
        %scan3A_513 = arith.addi %scan3A_393, %scan3A_512 : i32
        %mul3A_514 = arith.constant 16 : i32
        %mul3A_515 = arith.muli %scan3A_513, %mul3A_514 : i32
        %get3A_516 = arith.index_cast %mul3A_515 : i32 to index
        %get3A_517 = tpu.vector_load %arg8[%get3A_516] {strides = array<i32>} : memref<4096xi32, #tpu.memory_space<vmem>>, vector<16xi32>,
        %sub3A_518 = arith.constant 75264 : i32
        %sub3A_519 = vector.broadcast %sub3A_518 : i32 to vector<16xi32>
        %sub3A_520 = arith.subi %get3A_517, %sub3A_519 : vector<16xi32>
        %lt3A_521 = arith.constant 24704 : i32
        %lt3A_522 = vector.broadcast %lt3A_521 : i32 to vector<16xi32>
        %lt3A_523 = arith.cmpi ult, %sub3A_520, %lt3A_522 : vector<16xi32>
        %sub3A_524 = arith.constant 99968 : i32
        %sub3A_525 = vector.broadcast %sub3A_524 : i32 to vector<16xi32>
        %sub3A_526 = arith.subi %get3A_517, %sub3A_525 : vector<16xi32>
        %ge3A_527 = arith.constant 0 : i32
        %ge3A_528 = vector.broadcast %ge3A_527 : i32 to vector<16xi32>
        %ge3A_529 = arith.cmpi sge, %sub3A_526, %ge3A_528 : vector<16xi32>
        %broadcast_in_dim3A_530 = arith.constant 0 : i32
        %broadcast_in_dim3A_531 = vector.broadcast %broadcast_in_dim3A_530 : i32 to vector<16xi32>
        %gather3A_532 = tpu.vector_load_idx %arg7[%broadcast_in_dim3A_531, %sub3A_520] masked %lt3A_523 : memref<2x25088xf32, #tpu.memory_space<vmem>>[vector<16xi32>, vector<16xi32>], vector<16xf32>, vector<16xi1>
        %mul3A_533 = arith.constant 16 : i32
        %mul3A_534 = arith.muli %scan3A_513, %mul3A_533 : i32
        %swap3A_535 = arith.index_cast %mul3A_534 : i32 to index
        %swap3A_536 = tpu.vector_load %arg14[%swap3A_535] {strides = array<i32>} : memref<4096xf32, #tpu.memory_space<vmem>>, vector<16xf32>,
        tpu.vector_store %arg14[%swap3A_535], %gather3A_532 {add = true, strides = array<i32>} : memref<4096xf32, #tpu.memory_space<vmem>>, vector<16xf32>,
        %gather3A_537 = tpu.vector_load_idx %arg10[%sub3A_526] masked %ge3A_529 : memref<32xf32, #tpu.memory_space<vmem>>[vector<16xi32>], vector<16xf32>, vector<16xi1>
        %mul3A_538 = arith.constant 16 : i32
        %mul3A_539 = arith.muli %scan3A_513, %mul3A_538 : i32
        %swap3A_540 = arith.index_cast %mul3A_539 : i32 to index
        %swap3A_541 = tpu.vector_load %arg14[%swap3A_540] {strides = array<i32>} : memref<4096xf32, #tpu.memory_space<vmem>>, vector<16xf32>,
        tpu.vector_store %arg14[%swap3A_540], %gather3A_537 {add = true, strides = array<i32>} : memref<4096xf32, #tpu.memory_space<vmem>>, vector<16xf32>,
        %broadcast_in_dim3A_542 = arith.constant 1 : i32
        %broadcast_in_dim3A_543 = vector.broadcast %broadcast_in_dim3A_542 : i32 to vector<16xi32>
        %gather3A_544 = tpu.vector_load_idx %arg7[%broadcast_in_dim3A_543, %sub3A_520] masked %lt3A_523 : memref<2x25088xf32, #tpu.memory_space<vmem>>[vector<16xi32>, vector<16xi32>], vector<16xf32>, vector<16xi1>
        %mul3A_545 = arith.constant 16 : i32
        %mul3A_546 = arith.muli %scan3A_513, %mul3A_545 : i32
        %swap3A_547 = arith.index_cast %mul3A_546 : i32 to index
        %swap3A_548 = tpu.vector_load %arg15[%swap3A_547] {strides = array<i32>} : memref<4096xf32, #tpu.memory_space<vmem>>, vector<16xf32>,
        tpu.vector_store %arg15[%swap3A_547], %gather3A_544 {add = true, strides = array<i32>} : memref<4096xf32, #tpu.memory_space<vmem>>, vector<16xf32>,
        %gather3A_549 = tpu.vector_load_idx %arg11[%sub3A_526] masked %ge3A_529 : memref<32xf32, #tpu.memory_space<vmem>>[vector<16xi32>], vector<16xf32>, vector<16xi1>
        %mul3A_550 = arith.constant 16 : i32
        %mul3A_551 = arith.muli %scan3A_513, %mul3A_550 : i32
        %swap3A_552 = arith.index_cast %mul3A_551 : i32 to index
        %swap3A_553 = tpu.vector_load %arg15[%swap3A_552] {strides = array<i32>} : memref<4096xf32, #tpu.memory_space<vmem>>, vector<16xf32>,
        tpu.vector_store %arg15[%swap3A_552], %gather3A_549 {add = true, strides = array<i32>} : memref<4096xf32, #tpu.memory_space<vmem>>, vector<16xf32>,
        %scan3A_554 = arith.constant 4 : i32
        %scan3A_555 = arith.addi %scan3A_393, %scan3A_554 : i32
        %mul3A_556 = arith.constant 16 : i32
        %mul3A_557 = arith.muli %scan3A_555, %mul3A_556 : i32
        %get3A_558 = arith.index_cast %mul3A_557 : i32 to index
        %get3A_559 = tpu.vector_load %arg8[%get3A_558] {strides = array<i32>} : memref<4096xi32, #tpu.memory_space<vmem>>, vector<16xi32>,
        %sub3A_560 = arith.constant 75264 : i32
        %sub3A_561 = vector.broadcast %sub3A_560 : i32 to vector<16xi32>
        %sub3A_562 = arith.subi %get3A_559, %sub3A_561 : vector<16xi32>
        %lt3A_563 = arith.constant 24704 : i32
        %lt3A_564 = vector.broadcast %lt3A_563 : i32 to vector<16xi32>
        %lt3A_565 = arith.cmpi ult, %sub3A_562, %lt3A_564 : vector<16xi32>
        %sub3A_566 = arith.constant 99968 : i32
        %sub3A_567 = vector.broadcast %sub3A_566 : i32 to vector<16xi32>
        %sub3A_568 = arith.subi %get3A_559, %sub3A_567 : vector<16xi32>
        %ge3A_569 = arith.constant 0 : i32
        %ge3A_570 = vector.broadcast %ge3A_569 : i32 to vector<16xi32>
        %ge3A_571 = arith.cmpi sge, %sub3A_568, %ge3A_570 : vector<16xi32>
        %broadcast_in_dim3A_572 = arith.constant 0 : i32
        %broadcast_in_dim3A_573 = vector.broadcast %broadcast_in_dim3A_572 : i32 to vector<16xi32>
        %gather3A_574 = tpu.vector_load_idx %arg7[%broadcast_in_dim3A_573, %sub3A_562] masked %lt3A_565 : memref<2x25088xf32, #tpu.memory_space<vmem>>[vector<16xi32>, vector<16xi32>], vector<16xf32>, vector<16xi1>
        %mul3A_575 = arith.constant 16 : i32
        %mul3A_576 = arith.muli %scan3A_555, %mul3A_575 : i32
        %swap3A_577 = arith.index_cast %mul3A_576 : i32 to index
        %swap3A_578 = tpu.vector_load %arg14[%swap3A_577] {strides = array<i32>} : memref<4096xf32, #tpu.memory_space<vmem>>, vector<16xf32>,
        tpu.vector_store %arg14[%swap3A_577], %gather3A_574 {add = true, strides = array<i32>} : memref<4096xf32, #tpu.memory_space<vmem>>, vector<16xf32>,
        %gather3A_579 = tpu.vector_load_idx %arg10[%sub3A_568] masked %ge3A_571 : memref<32xf32, #tpu.memory_space<vmem>>[vector<16xi32>], vector<16xf32>, vector<16xi1>
        %mul3A_580 = arith.constant 16 : i32
        %mul3A_581 = arith.muli %scan3A_555, %mul3A_580 : i32
        %swap3A_582 = arith.index_cast %mul3A_581 : i32 to index
        %swap3A_583 = tpu.vector_load %arg14[%swap3A_582] {strides = array<i32>} : memref<4096xf32, #tpu.memory_space<vmem>>, vector<16xf32>,
        tpu.vector_store %arg14[%swap3A_582], %gather3A_579 {add = true, strides = array<i32>} : memref<4096xf32, #tpu.memory_space<vmem>>, vector<16xf32>,
        %broadcast_in_dim3A_584 = arith.constant 1 : i32
        %broadcast_in_dim3A_585 = vector.broadcast %broadcast_in_dim3A_584 : i32 to vector<16xi32>
        %gather3A_586 = tpu.vector_load_idx %arg7[%broadcast_in_dim3A_585, %sub3A_562] masked %lt3A_565 : memref<2x25088xf32, #tpu.memory_space<vmem>>[vector<16xi32>, vector<16xi32>], vector<16xf32>, vector<16xi1>
        %mul3A_587 = arith.constant 16 : i32
        %mul3A_588 = arith.muli %scan3A_555, %mul3A_587 : i32
        %swap3A_589 = arith.index_cast %mul3A_588 : i32 to index
        %swap3A_590 = tpu.vector_load %arg15[%swap3A_589] {strides = array<i32>} : memref<4096xf32, #tpu.memory_space<vmem>>, vector<16xf32>,
        tpu.vector_store %arg15[%swap3A_589], %gather3A_586 {add = true, strides = array<i32>} : memref<4096xf32, #tpu.memory_space<vmem>>, vector<16xf32>,
        %gather3A_591 = tpu.vector_load_idx %arg11[%sub3A_568] masked %ge3A_571 : memref<32xf32, #tpu.memory_space<vmem>>[vector<16xi32>], vector<16xf32>, vector<16xi1>
        %mul3A_592 = arith.constant 16 : i32
        %mul3A_593 = arith.muli %scan3A_555, %mul3A_592 : i32
        %swap3A_594 = arith.index_cast %mul3A_593 : i32 to index
        %swap3A_595 = tpu.vector_load %arg15[%swap3A_594] {strides = array<i32>} : memref<4096xf32, #tpu.memory_space<vmem>>, vector<16xf32>,
        tpu.vector_store %arg15[%swap3A_594], %gather3A_591 {add = true, strides = array<i32>} : memref<4096xf32, #tpu.memory_space<vmem>>, vector<16xf32>,
        %scan3A_596 = arith.constant 5 : i32
        %scan3A_597 = arith.addi %scan3A_393, %scan3A_596 : i32
        %mul3A_598 = arith.constant 16 : i32
        %mul3A_599 = arith.muli %scan3A_597, %mul3A_598 : i32
        %get3A_600 = arith.index_cast %mul3A_599 : i32 to index
        %get3A_601 = tpu.vector_load %arg8[%get3A_600] {strides = array<i32>} : memref<4096xi32, #tpu.memory_space<vmem>>, vector<16xi32>,
        %sub3A_602 = arith.constant 75264 : i32
        %sub3A_603 = vector.broadcast %sub3A_602 : i32 to vector<16xi32>
        %sub3A_604 = arith.subi %get3A_601, %sub3A_603 : vector<16xi32>
        %lt3A_605 = arith.constant 24704 : i32
        %lt3A_606 = vector.broadcast %lt3A_605 : i32 to vector<16xi32>
        %lt3A_607 = arith.cmpi ult, %sub3A_604, %lt3A_606 : vector<16xi32>
        %sub3A_608 = arith.constant 99968 : i32
        %sub3A_609 = vector.broadcast %sub3A_608 : i32 to vector<16xi32>
        %sub3A_610 = arith.subi %get3A_601, %sub3A_609 : vector<16xi32>
        %ge3A_611 = arith.constant 0 : i32
        %ge3A_612 = vector.broadcast %ge3A_611 : i32 to vector<16xi32>
        %ge3A_613 = arith.cmpi sge, %sub3A_610, %ge3A_612 : vector<16xi32>
        %broadcast_in_dim3A_614 = arith.constant 0 : i32
        %broadcast_in_dim3A_615 = vector.broadcast %broadcast_in_dim3A_614 : i32 to vector<16xi32>
        %gather3A_616 = tpu.vector_load_idx %arg7[%broadcast_in_dim3A_615, %sub3A_604] masked %lt3A_607 : memref<2x25088xf32, #tpu.memory_space<vmem>>[vector<16xi32>, vector<16xi32>], vector<16xf32>, vector<16xi1>
        %mul3A_617 = arith.constant 16 : i32
        %mul3A_618 = arith.muli %scan3A_597, %mul3A_617 : i32
        %swap3A_619 = arith.index_cast %mul3A_618 : i32 to index
        %swap3A_620 = tpu.vector_load %arg14[%swap3A_619] {strides = array<i32>} : memref<4096xf32, #tpu.memory_space<vmem>>, vector<16xf32>,
        tpu.vector_store %arg14[%swap3A_619], %gather3A_616 {add = true, strides = array<i32>} : memref<4096xf32, #tpu.memory_space<vmem>>, vector<16xf32>,
        %gather3A_621 = tpu.vector_load_idx %arg10[%sub3A_610] masked %ge3A_613 : memref<32xf32, #tpu.memory_space<vmem>>[vector<16xi32>], vector<16xf32>, vector<16xi1>
        %mul3A_622 = arith.constant 16 : i32
        %mul3A_623 = arith.muli %scan3A_597, %mul3A_622 : i32
        %swap3A_624 = arith.index_cast %mul3A_623 : i32 to index
        %swap3A_625 = tpu.vector_load %arg14[%swap3A_624] {strides = array<i32>} : memref<4096xf32, #tpu.memory_space<vmem>>, vector<16xf32>,
        tpu.vector_store %arg14[%swap3A_624], %gather3A_621 {add = true, strides = array<i32>} : memref<4096xf32, #tpu.memory_space<vmem>>, vector<16xf32>,
        %broadcast_in_dim3A_626 = arith.constant 1 : i32
        %broadcast_in_dim3A_627 = vector.broadcast %broadcast_in_dim3A_626 : i32 to vector<16xi32>
        %gather3A_628 = tpu.vector_load_idx %arg7[%broadcast_in_dim3A_627, %sub3A_604] masked %lt3A_607 : memref<2x25088xf32, #tpu.memory_space<vmem>>[vector<16xi32>, vector<16xi32>], vector<16xf32>, vector<16xi1>
        %mul3A_629 = arith.constant 16 : i32
        %mul3A_630 = arith.muli %scan3A_597, %mul3A_629 : i32
        %swap3A_631 = arith.index_cast %mul3A_630 : i32 to index
        %swap3A_632 = tpu.vector_load %arg15[%swap3A_631] {strides = array<i32>} : memref<4096xf32, #tpu.memory_space<vmem>>, vector<16xf32>,
        tpu.vector_store %arg15[%swap3A_631], %gather3A_628 {add = true, strides = array<i32>} : memref<4096xf32, #tpu.memory_space<vmem>>, vector<16xf32>,
        %gather3A_633 = tpu.vector_load_idx %arg11[%sub3A_610] masked %ge3A_613 : memref<32xf32, #tpu.memory_space<vmem>>[vector<16xi32>], vector<16xf32>, vector<16xi1>
        %mul3A_634 = arith.constant 16 : i32
        %mul3A_635 = arith.muli %scan3A_597, %mul3A_634 : i32
        %swap3A_636 = arith.index_cast %mul3A_635 : i32 to index
        %swap3A_637 = tpu.vector_load %arg15[%swap3A_636] {strides = array<i32>} : memref<4096xf32, #tpu.memory_space<vmem>>, vector<16xf32>,
        tpu.vector_store %arg15[%swap3A_636], %gather3A_633 {add = true, strides = array<i32>} : memref<4096xf32, #tpu.memory_space<vmem>>, vector<16xf32>,
        %scan3A_638 = arith.constant 6 : i32
        %scan3A_639 = arith.addi %scan3A_393, %scan3A_638 : i32
        %mul3A_640 = arith.constant 16 : i32
        %mul3A_641 = arith.muli %scan3A_639, %mul3A_640 : i32
        %get3A_642 = arith.index_cast %mul3A_641 : i32 to index
        %get3A_643 = tpu.vector_load %arg8[%get3A_642] {strides = array<i32>} : memref<4096xi32, #tpu.memory_space<vmem>>, vector<16xi32>,
        %sub3A_644 = arith.constant 75264 : i32
        %sub3A_645 = vector.broadcast %sub3A_644 : i32 to vector<16xi32>
        %sub3A_646 = arith.subi %get3A_643, %sub3A_645 : vector<16xi32>
        %lt3A_647 = arith.constant 24704 : i32
        %lt3A_648 = vector.broadcast %lt3A_647 : i32 to vector<16xi32>
        %lt3A_649 = arith.cmpi ult, %sub3A_646, %lt3A_648 : vector<16xi32>
        %sub3A_650 = arith.constant 99968 : i32
        %sub3A_651 = vector.broadcast %sub3A_650 : i32 to vector<16xi32>
        %sub3A_652 = arith.subi %get3A_643, %sub3A_651 : vector<16xi32>
        %ge3A_653 = arith.constant 0 : i32
        %ge3A_654 = vector.broadcast %ge3A_653 : i32 to vector<16xi32>
        %ge3A_655 = arith.cmpi sge, %sub3A_652, %ge3A_654 : vector<16xi32>
        %broadcast_in_dim3A_656 = arith.constant 0 : i32
        %broadcast_in_dim3A_657 = vector.broadcast %broadcast_in_dim3A_656 : i32 to vector<16xi32>
        %gather3A_658 = tpu.vector_load_idx %arg7[%broadcast_in_dim3A_657, %sub3A_646] masked %lt3A_649 : memref<2x25088xf32, #tpu.memory_space<vmem>>[vector<16xi32>, vector<16xi32>], vector<16xf32>, vector<16xi1>
        %mul3A_659 = arith.constant 16 : i32
        %mul3A_660 = arith.muli %scan3A_639, %mul3A_659 : i32
        %swap3A_661 = arith.index_cast %mul3A_660 : i32 to index
        %swap3A_662 = tpu.vector_load %arg14[%swap3A_661] {strides = array<i32>} : memref<4096xf32, #tpu.memory_space<vmem>>, vector<16xf32>,
        tpu.vector_store %arg14[%swap3A_661], %gather3A_658 {add = true, strides = array<i32>} : memref<4096xf32, #tpu.memory_space<vmem>>, vector<16xf32>,
        %gather3A_663 = tpu.vector_load_idx %arg10[%sub3A_652] masked %ge3A_655 : memref<32xf32, #tpu.memory_space<vmem>>[vector<16xi32>], vector<16xf32>, vector<16xi1>
        %mul3A_664 = arith.constant 16 : i32
        %mul3A_665 = arith.muli %scan3A_639, %mul3A_664 : i32
        %swap3A_666 = arith.index_cast %mul3A_665 : i32 to index
        %swap3A_667 = tpu.vector_load %arg14[%swap3A_666] {strides = array<i32>} : memref<4096xf32, #tpu.memory_space<vmem>>, vector<16xf32>,
        tpu.vector_store %arg14[%swap3A_666], %gather3A_663 {add = true, strides = array<i32>} : memref<4096xf32, #tpu.memory_space<vmem>>, vector<16xf32>,
        %broadcast_in_dim3A_668 = arith.constant 1 : i32
        %broadcast_in_dim3A_669 = vector.broadcast %broadcast_in_dim3A_668 : i32 to vector<16xi32>
        %gather3A_670 = tpu.vector_load_idx %arg7[%broadcast_in_dim3A_669, %sub3A_646] masked %lt3A_649 : memref<2x25088xf32, #tpu.memory_space<vmem>>[vector<16xi32>, vector<16xi32>], vector<16xf32>, vector<16xi1>
        %mul3A_671 = arith.constant 16 : i32
        %mul3A_672 = arith.muli %scan3A_639, %mul3A_671 : i32
        %swap3A_673 = arith.index_cast %mul3A_672 : i32 to index
        %swap3A_674 = tpu.vector_load %arg15[%swap3A_673] {strides = array<i32>} : memref<4096xf32, #tpu.memory_space<vmem>>, vector<16xf32>,
        tpu.vector_store %arg15[%swap3A_673], %gather3A_670 {add = true, strides = array<i32>} : memref<4096xf32, #tpu.memory_space<vmem>>, vector<16xf32>,
        %gather3A_675 = tpu.vector_load_idx %arg11[%sub3A_652] masked %ge3A_655 : memref<32xf32, #tpu.memory_space<vmem>>[vector<16xi32>], vector<16xf32>, vector<16xi1>
        %mul3A_676 = arith.constant 16 : i32
        %mul3A_677 = arith.muli %scan3A_639, %mul3A_676 : i32
        %swap3A_678 = arith.index_cast %mul3A_677 : i32 to index
        %swap3A_679 = tpu.vector_load %arg15[%swap3A_678] {strides = array<i32>} : memref<4096xf32, #tpu.memory_space<vmem>>, vector<16xf32>,
        tpu.vector_store %arg15[%swap3A_678], %gather3A_675 {add = true, strides = array<i32>} : memref<4096xf32, #tpu.memory_space<vmem>>, vector<16xf32>,
        %scan3A_680 = arith.constant 7 : i32
        %scan3A_681 = arith.addi %scan3A_393, %scan3A_680 : i32
        %mul3A_682 = arith.constant 16 : i32
        %mul3A_683 = arith.muli %scan3A_681, %mul3A_682 : i32
        %get3A_684 = arith.index_cast %mul3A_683 : i32 to index
        %get3A_685 = tpu.vector_load %arg8[%get3A_684] {strides = array<i32>} : memref<4096xi32, #tpu.memory_space<vmem>>, vector<16xi32>,
        %sub3A_686 = arith.constant 75264 : i32
        %sub3A_687 = vector.broadcast %sub3A_686 : i32 to vector<16xi32>
        %sub3A_688 = arith.subi %get3A_685, %sub3A_687 : vector<16xi32>
        %lt3A_689 = arith.constant 24704 : i32
        %lt3A_690 = vector.broadcast %lt3A_689 : i32 to vector<16xi32>
        %lt3A_691 = arith.cmpi ult, %sub3A_688, %lt3A_690 : vector<16xi32>
        %sub3A_692 = arith.constant 99968 : i32
        %sub3A_693 = vector.broadcast %sub3A_692 : i32 to vector<16xi32>
        %sub3A_694 = arith.subi %get3A_685, %sub3A_693 : vector<16xi32>
        %ge3A_695 = arith.constant 0 : i32
        %ge3A_696 = vector.broadcast %ge3A_695 : i32 to vector<16xi32>
        %ge3A_697 = arith.cmpi sge, %sub3A_694, %ge3A_696 : vector<16xi32>
        %broadcast_in_dim3A_698 = arith.constant 0 : i32
        %broadcast_in_dim3A_699 = vector.broadcast %broadcast_in_dim3A_698 : i32 to vector<16xi32>
        %gather3A_700 = tpu.vector_load_idx %arg7[%broadcast_in_dim3A_699, %sub3A_688] masked %lt3A_691 : memref<2x25088xf32, #tpu.memory_space<vmem>>[vector<16xi32>, vector<16xi32>], vector<16xf32>, vector<16xi1>
        %mul3A_701 = arith.constant 16 : i32
        %mul3A_702 = arith.muli %scan3A_681, %mul3A_701 : i32
        %swap3A_703 = arith.index_cast %mul3A_702 : i32 to index
        %swap3A_704 = tpu.vector_load %arg14[%swap3A_703] {strides = array<i32>} : memref<4096xf32, #tpu.memory_space<vmem>>, vector<16xf32>,
        tpu.vector_store %arg14[%swap3A_703], %gather3A_700 {add = true, strides = array<i32>} : memref<4096xf32, #tpu.memory_space<vmem>>, vector<16xf32>,
        %gather3A_705 = tpu.vector_load_idx %arg10[%sub3A_694] masked %ge3A_697 : memref<32xf32, #tpu.memory_space<vmem>>[vector<16xi32>], vector<16xf32>, vector<16xi1>
        %mul3A_706 = arith.constant 16 : i32
        %mul3A_707 = arith.muli %scan3A_681, %mul3A_706 : i32
        %swap3A_708 = arith.index_cast %mul3A_707 : i32 to index
        %swap3A_709 = tpu.vector_load %arg14[%swap3A_708] {strides = array<i32>} : memref<4096xf32, #tpu.memory_space<vmem>>, vector<16xf32>,
        tpu.vector_store %arg14[%swap3A_708], %gather3A_705 {add = true, strides = array<i32>} : memref<4096xf32, #tpu.memory_space<vmem>>, vector<16xf32>,
        %broadcast_in_dim3A_710 = arith.constant 1 : i32
        %broadcast_in_dim3A_711 = vector.broadcast %broadcast_in_dim3A_710 : i32 to vector<16xi32>
        %gather3A_712 = tpu.vector_load_idx %arg7[%broadcast_in_dim3A_711, %sub3A_688] masked %lt3A_691 : memref<2x25088xf32, #tpu.memory_space<vmem>>[vector<16xi32>, vector<16xi32>], vector<16xf32>, vector<16xi1>
        %mul3A_713 = arith.constant 16 : i32
        %mul3A_714 = arith.muli %scan3A_681, %mul3A_713 : i32
        %swap3A_715 = arith.index_cast %mul3A_714 : i32 to index
        %swap3A_716 = tpu.vector_load %arg15[%swap3A_715] {strides = array<i32>} : memref<4096xf32, #tpu.memory_space<vmem>>, vector<16xf32>,
        tpu.vector_store %arg15[%swap3A_715], %gather3A_712 {add = true, strides = array<i32>} : memref<4096xf32, #tpu.memory_space<vmem>>, vector<16xf32>,
        %gather3A_717 = tpu.vector_load_idx %arg11[%sub3A_694] masked %ge3A_697 : memref<32xf32, #tpu.memory_space<vmem>>[vector<16xi32>], vector<16xf32>, vector<16xi1>
        %mul3A_718 = arith.constant 16 : i32
        %mul3A_719 = arith.muli %scan3A_681, %mul3A_718 : i32
        %swap3A_720 = arith.index_cast %mul3A_719 : i32 to index
        %swap3A_721 = tpu.vector_load %arg15[%swap3A_720] {strides = array<i32>} : memref<4096xf32, #tpu.memory_space<vmem>>, vector<16xf32>,
        tpu.vector_store %arg15[%swap3A_720], %gather3A_717 {add = true, strides = array<i32>} : memref<4096xf32, #tpu.memory_space<vmem>>, vector<16xf32>,
      }
      %scan3A_208 = arith.constant 256 : i32
      %convert_element_type3A_209 = arith.extui %lt3A_77 : i1 to i32
      %cond3A_210 = arith.constant 0 : i32
      %cond3A_211 = arith.cmpi ne, %convert_element_type3A_209, %cond3A_210 : i32
      scf.if %cond3A_211 {
        %dma_start3A_393 = arith.constant 0 : i32
        %dma_start3A_394 = arith.constant 0 : i32
        %dma_start3A_395 = tpu.memref_slice %arg7[%dma_start3A_393, %dma_start3A_394] : memref<2x25088xf32, #tpu.memory_space<vmem>> -> memref<2x25088xf32, #tpu.memory_space<vmem>>
        %dma_start3A_396 = arith.constant 25088 : i32
        %dma_start3A_397 = tpu.memref_slice %arg2[%mul3A_95, %dma_start3A_396] : memref<1664x100000xf32, #tpu.memory_space<hbm>> -> memref<2x25088xf32, #tpu.memory_space<hbm>>
        %dma_start3A_398 = arith.constant 0 : i32
        %dma_start3A_399 = arith.constant 0 : i32
        %dma_start3A_400 = tpu.memref_slice %arg7[%dma_start3A_398, %dma_start3A_399] : memref<2x25088xf32, #tpu.memory_space<vmem>> -> memref<2x25088xf32, #tpu.memory_space<vmem>>
        %dma_start3A_401 = arith.constant 25088 : i32
        %dma_start3A_402 = tpu.memref_slice %arg2[%mul3A_95, %dma_start3A_401] : memref<1664x100000xf32, #tpu.memory_space<hbm>> -> memref<2x25088xf32, #tpu.memory_space<hbm>>
        tpu.enqueue_dma source(%dma_start3A_402 : memref<2x25088xf32, #tpu.memory_space<hbm>>) target(%dma_start3A_400 : memref<2x25088xf32, #tpu.memory_space<vmem>>) target_semaphore(%arg17 : memref<!tpu.dma_semaphore, #tpu.memory_space<semaphore_mem>>)
      } else {
      }
      %add3A_212 = arith.constant 13 : i32
      %add3A_213 = arith.addi %add3A_212, %mul3A_85 : i32
      %dma_start3A_214 = arith.constant 0 : i32
      %dma_start3A_215 = tpu.memref_slice %arg5[%add3A_213, %dma_start3A_214] : memref<1677x4096xf32, #tpu.memory_space<hbm>> -> memref<1x4096xf32, #tpu.memory_space<hbm>>
      %dma_start3A_216 = tpu.memref_squeeze %dma_start3A_215 : memref<1x4096xf32, #tpu.memory_space<hbm>> -> memref<4096xf32, #tpu.memory_space<hbm>>
      %dma_start3A_217 = arith.constant 0 : i32
      %dma_start3A_218 = tpu.memref_slice %arg5[%add3A_213, %dma_start3A_217] : memref<1677x4096xf32, #tpu.memory_space<hbm>> -> memref<1x4096xf32, #tpu.memory_space<hbm>>
      %dma_start3A_219 = tpu.memref_squeeze %dma_start3A_218 : memref<1x4096xf32, #tpu.memory_space<hbm>> -> memref<4096xf32, #tpu.memory_space<hbm>>
      tpu.enqueue_dma source(%arg14 : memref<4096xf32, #tpu.memory_space<vmem>>) target(%dma_start3A_219 : memref<4096xf32, #tpu.memory_space<hbm>>) target_semaphore(%arg19 : memref<!tpu.dma_semaphore, #tpu.memory_space<semaphore_mem>>)
      %add3A_220 = arith.constant 13 : i32
      %add3A_221 = arith.addi %add3A_220, %mul3A_85 : i32
      %add3A_222 = arith.constant 1 : i32
      %add3A_223 = arith.addi %add3A_221, %add3A_222 : i32
      %dma_start3A_224 = arith.constant 0 : i32
      %dma_start3A_225 = tpu.memref_slice %arg5[%add3A_223, %dma_start3A_224] : memref<1677x4096xf32, #tpu.memory_space<hbm>> -> memref<1x4096xf32, #tpu.memory_space<hbm>>
      %dma_start3A_226 = tpu.memref_squeeze %dma_start3A_225 : memref<1x4096xf32, #tpu.memory_space<hbm>> -> memref<4096xf32, #tpu.memory_space<hbm>>
      %dma_start3A_227 = arith.constant 0 : i32
      %dma_start3A_228 = tpu.memref_slice %arg5[%add3A_223, %dma_start3A_227] : memref<1677x4096xf32, #tpu.memory_space<hbm>> -> memref<1x4096xf32, #tpu.memory_space<hbm>>
      %dma_start3A_229 = tpu.memref_squeeze %dma_start3A_228 : memref<1x4096xf32, #tpu.memory_space<hbm>> -> memref<4096xf32, #tpu.memory_space<hbm>>
      tpu.enqueue_dma source(%arg15 : memref<4096xf32, #tpu.memory_space<vmem>>) target(%dma_start3A_229 : memref<4096xf32, #tpu.memory_space<hbm>>) target_semaphore(%arg19 : memref<!tpu.dma_semaphore, #tpu.memory_space<semaphore_mem>>)
      %mul3A_230 = arith.constant 2 : i32
      %mul3A_231 = arith.muli %mul3A_230, %scan3A_70 : i32
      %add3A_232 = arith.constant 1 : i32
      %add3A_233 = arith.addi %mul3A_231, %add3A_232 : i32
      %mul3A_234 = arith.constant 2 : i32
      %mul3A_235 = arith.muli %mul3A_234, %scan3A_70 : i32
      %add3A_236 = arith.constant 2 : i32
      %add3A_237 = arith.addi %mul3A_235, %add3A_236 : i32
      %lt3A_238 = arith.constant 26 : i32
      %lt3A_239 = arith.cmpi slt, %add3A_237, %lt3A_238 : i32
      %mul3A_240 = arith.constant 8 : i32
      %mul3A_241 = arith.muli %mul3A_240, %add3A_233 : i32
      %add3A_242 = arith.addi %shift_right_arithmetic3A_1, %mul3A_241 : i32
      %mul3A_243 = arith.constant 4 : i32
      %mul3A_244 = arith.muli %mul3A_243, %add3A_242 : i32
      %add3A_245 = arith.addi %mul3A_244, %and3A_2 : i32
      %mul3A_246 = arith.constant 2 : i32
      %mul3A_247 = arith.muli %add3A_245, %mul3A_246 : i32
      %add3A_248 = arith.constant 1 : i32
      %add3A_249 = arith.addi %add3A_233, %add3A_248 : i32
      %mul3A_250 = arith.constant 8 : i32
      %mul3A_251 = arith.muli %mul3A_250, %add3A_249 : i32
      %add3A_252 = arith.addi %shift_right_arithmetic3A_1, %mul3A_251 : i32
      %mul3A_253 = arith.constant 4 : i32
      %mul3A_254 = arith.muli %mul3A_253, %add3A_252 : i32
      %add3A_255 = arith.addi %mul3A_254, %and3A_2 : i32
      %mul3A_256 = arith.constant 2 : i32
      %mul3A_257 = arith.muli %add3A_255, %mul3A_256 : i32
      %dma_wait3A_258 = arith.constant 0 : i32
      %dma_wait3A_259 = tpu.memref_slice %arg3[%dma_wait3A_258] : memref<106496xi32, #tpu.memory_space<hbm>> -> memref<4096xi32, #tpu.memory_space<hbm>>
      %dma_wait3A_260 = arith.constant 0 : i32
      %dma_wait3A_261 = tpu.memref_slice %arg3[%dma_wait3A_260] : memref<106496xi32, #tpu.memory_space<hbm>> -> memref<4096xi32, #tpu.memory_space<hbm>>
      tpu.wait_dma2 semaphore(%arg18 : memref<!tpu.dma_semaphore, #tpu.memory_space<semaphore_mem>>) src(%dma_wait3A_261 : memref<4096xi32, #tpu.memory_space<hbm>>) dst(%arg9 : memref<4096xi32, #tpu.memory_space<vmem>>)
      %dma_wait3A_262 = arith.constant 0 : i32
      %dma_wait3A_263 = arith.constant 99968 : i32
      %dma_wait3A_264 = tpu.memref_slice %arg2[%dma_wait3A_262, %dma_wait3A_263] : memref<1664x100000xf32, #tpu.memory_space<hbm>> -> memref<1x32xf32, #tpu.memory_space<hbm>>
      %dma_wait3A_265 = tpu.memref_squeeze %dma_wait3A_264 : memref<1x32xf32, #tpu.memory_space<hbm>> -> memref<32xf32, #tpu.memory_space<hbm>>
      %dma_wait3A_266 = arith.constant 99968 : i32
      %dma_wait3A_267 = tpu.memref_slice %arg2[%dma_wait3A_262, %dma_wait3A_266] : memref<1664x100000xf32, #tpu.memory_space<hbm>> -> memref<1x32xf32, #tpu.memory_space<hbm>>
      %dma_wait3A_268 = tpu.memref_squeeze %dma_wait3A_267 : memref<1x32xf32, #tpu.memory_space<hbm>> -> memref<32xf32, #tpu.memory_space<hbm>>
      tpu.wait_dma2 semaphore(%arg18 : memref<!tpu.dma_semaphore, #tpu.memory_space<semaphore_mem>>) src(%dma_wait3A_268 : memref<32xf32, #tpu.memory_space<hbm>>) dst(%arg12 : memref<32xf32, #tpu.memory_space<vmem>>)
      %dma_wait3A_269 = arith.constant 0 : i32
      %dma_wait3A_270 = arith.constant 99968 : i32
      %dma_wait3A_271 = tpu.memref_slice %arg2[%dma_wait3A_269, %dma_wait3A_270] : memref<1664x100000xf32, #tpu.memory_space<hbm>> -> memref<1x32xf32, #tpu.memory_space<hbm>>
      %dma_wait3A_272 = tpu.memref_squeeze %dma_wait3A_271 : memref<1x32xf32, #tpu.memory_space<hbm>> -> memref<32xf32, #tpu.memory_space<hbm>>
      %dma_wait3A_273 = arith.constant 99968 : i32
      %dma_wait3A_274 = tpu.memref_slice %arg2[%dma_wait3A_269, %dma_wait3A_273] : memref<1664x100000xf32, #tpu.memory_space<hbm>> -> memref<1x32xf32, #tpu.memory_space<hbm>>
      %dma_wait3A_275 = tpu.memref_squeeze %dma_wait3A_274 : memref<1x32xf32, #tpu.memory_space<hbm>> -> memref<32xf32, #tpu.memory_space<hbm>>
      tpu.wait_dma2 semaphore(%arg18 : memref<!tpu.dma_semaphore, #tpu.memory_space<semaphore_mem>>) src(%dma_wait3A_275 : memref<32xf32, #tpu.memory_space<hbm>>) dst(%arg13 : memref<32xf32, #tpu.memory_space<vmem>>)
      %dma_wait3A_276 = arith.constant 0 : i32
      %dma_wait3A_277 = arith.constant 0 : i32
      %dma_wait3A_278 = tpu.memref_slice %arg6[%dma_wait3A_276, %dma_wait3A_277] : memref<2x25088xf32, #tpu.memory_space<vmem>> -> memref<2x25088xf32, #tpu.memory_space<vmem>>
      %dma_wait3A_279 = arith.constant 0 : i32
      %dma_wait3A_280 = arith.constant 0 : i32
      %dma_wait3A_281 = tpu.memref_slice %arg2[%dma_wait3A_279, %dma_wait3A_280] : memref<1664x100000xf32, #tpu.memory_space<hbm>> -> memref<2x25088xf32, #tpu.memory_space<hbm>>
      %dma_wait3A_282 = arith.constant 0 : i32
      %dma_wait3A_283 = arith.constant 0 : i32
      %dma_wait3A_284 = tpu.memref_slice %arg6[%dma_wait3A_282, %dma_wait3A_283] : memref<2x25088xf32, #tpu.memory_space<vmem>> -> memref<2x25088xf32, #tpu.memory_space<vmem>>
      %dma_wait3A_285 = arith.constant 0 : i32
      %dma_wait3A_286 = arith.constant 0 : i32
      %dma_wait3A_287 = tpu.memref_slice %arg2[%dma_wait3A_285, %dma_wait3A_286] : memref<1664x100000xf32, #tpu.memory_space<hbm>> -> memref<2x25088xf32, #tpu.memory_space<hbm>>
      tpu.wait_dma2 semaphore(%arg16 : memref<!tpu.dma_semaphore, #tpu.memory_space<semaphore_mem>>) src(%dma_wait3A_287 : memref<2x25088xf32, #tpu.memory_space<hbm>>) dst(%dma_wait3A_284 : memref<2x25088xf32, #tpu.memory_space<vmem>>)
      %gt3A_288 = arith.constant 0 : i32
      %gt3A_289 = arith.cmpi sgt, %add3A_233, %gt3A_288 : i32
      %convert_element_type3A_290 = arith.extui %gt3A_289 : i1 to i32
      %cond3A_291 = arith.constant 0 : i32
      %cond3A_292 = arith.cmpi ne, %convert_element_type3A_290, %cond3A_291 : i32
      scf.if %cond3A_292 {
        %dma_wait3A_393 = arith.constant 0 : i32
        %dma_wait3A_394 = arith.constant 0 : i32
        %dma_wait3A_395 = tpu.memref_slice %arg5[%dma_wait3A_393, %dma_wait3A_394] : memref<1677x4096xf32, #tpu.memory_space<hbm>> -> memref<1x4096xf32, #tpu.memory_space<hbm>>
        %dma_wait3A_396 = tpu.memref_squeeze %dma_wait3A_395 : memref<1x4096xf32, #tpu.memory_space<hbm>> -> memref<4096xf32, #tpu.memory_space<hbm>>
        %dma_wait3A_397 = arith.constant 0 : i32
        %dma_wait3A_398 = tpu.memref_slice %arg5[%dma_wait3A_393, %dma_wait3A_397] : memref<1677x4096xf32, #tpu.memory_space<hbm>> -> memref<1x4096xf32, #tpu.memory_space<hbm>>
        %dma_wait3A_399 = tpu.memref_squeeze %dma_wait3A_398 : memref<1x4096xf32, #tpu.memory_space<hbm>> -> memref<4096xf32, #tpu.memory_space<hbm>>
        tpu.wait_dma2 semaphore(%arg19 : memref<!tpu.dma_semaphore, #tpu.memory_space<semaphore_mem>>) src(%arg14 : memref<4096xf32, #tpu.memory_space<vmem>>) dst(%dma_wait3A_399 : memref<4096xf32, #tpu.memory_space<hbm>>)
        %dma_wait3A_400 = arith.constant 0 : i32
        %dma_wait3A_401 = arith.constant 0 : i32
        %dma_wait3A_402 = tpu.memref_slice %arg5[%dma_wait3A_400, %dma_wait3A_401] : memref<1677x4096xf32, #tpu.memory_space<hbm>> -> memref<1x4096xf32, #tpu.memory_space<hbm>>
        %dma_wait3A_403 = tpu.memref_squeeze %dma_wait3A_402 : memref<1x4096xf32, #tpu.memory_space<hbm>> -> memref<4096xf32, #tpu.memory_space<hbm>>
        %dma_wait3A_404 = arith.constant 0 : i32
        %dma_wait3A_405 = tpu.memref_slice %arg5[%dma_wait3A_400, %dma_wait3A_404] : memref<1677x4096xf32, #tpu.memory_space<hbm>> -> memref<1x4096xf32, #tpu.memory_space<hbm>>
        %dma_wait3A_406 = tpu.memref_squeeze %dma_wait3A_405 : memref<1x4096xf32, #tpu.memory_space<hbm>> -> memref<4096xf32, #tpu.memory_space<hbm>>
        tpu.wait_dma2 semaphore(%arg19 : memref<!tpu.dma_semaphore, #tpu.memory_space<semaphore_mem>>) src(%arg15 : memref<4096xf32, #tpu.memory_space<vmem>>) dst(%dma_wait3A_406 : memref<4096xf32, #tpu.memory_space<hbm>>)
      } else {
      }
      %scan3A_293 = arith.constant 0 : i32
      %scan3A_294 = arith.constant 256 : i32
      %scan3A_295 = arith.addi %scan3A_293, %scan3A_294 : i32
      %scan3A_296 = arith.constant 8 : i32
      scf.for %scan3A_393 = %scan3A_293 to %scan3A_295 step %scan3A_296  : i32 {
        %mul3A_394 = arith.constant 16 : i32
        %mul3A_395 = arith.muli %scan3A_393, %mul3A_394 : i32
        %get3A = arith.index_cast %mul3A_395 : i32 to index
        %get3A_396 = tpu.vector_load %arg9[%get3A] {strides = array<i32>} : memref<4096xi32, #tpu.memory_space<vmem>>, vector<16xi32>,
        %sub3A = arith.constant 0 : i32
        %sub3A_397 = vector.broadcast %sub3A : i32 to vector<16xi32>
        %sub3A_398 = arith.subi %get3A_396, %sub3A_397 : vector<16xi32>
        %lt3A_399 = arith.constant 25088 : i32
        %lt3A_400 = vector.broadcast %lt3A_399 : i32 to vector<16xi32>
        %lt3A_401 = arith.cmpi ult, %sub3A_398, %lt3A_400 : vector<16xi32>
        %broadcast_in_dim3A = arith.constant 0 : i32
        %broadcast_in_dim3A_402 = vector.broadcast %broadcast_in_dim3A : i32 to vector<16xi32>
        %gather3A = tpu.vector_load_idx %arg6[%broadcast_in_dim3A_402, %sub3A_398] masked %lt3A_401 : memref<2x25088xf32, #tpu.memory_space<vmem>>[vector<16xi32>, vector<16xi32>], vector<16xf32>, vector<16xi1>
        %mul3A_403 = arith.constant 16 : i32
        %mul3A_404 = arith.muli %scan3A_393, %mul3A_403 : i32
        %swap3A = arith.index_cast %mul3A_404 : i32 to index
        %swap3A_405 = tpu.vector_load %arg14[%swap3A] {strides = array<i32>} : memref<4096xf32, #tpu.memory_space<vmem>>, vector<16xf32>,
        tpu.vector_store %arg14[%swap3A], %gather3A {strides = array<i32>} : memref<4096xf32, #tpu.memory_space<vmem>>, vector<16xf32>,
        %broadcast_in_dim3A_406 = arith.constant 1 : i32
        %broadcast_in_dim3A_407 = vector.broadcast %broadcast_in_dim3A_406 : i32 to vector<16xi32>
        %gather3A_408 = tpu.vector_load_idx %arg6[%broadcast_in_dim3A_407, %sub3A_398] masked %lt3A_401 : memref<2x25088xf32, #tpu.memory_space<vmem>>[vector<16xi32>, vector<16xi32>], vector<16xf32>, vector<16xi1>
        %mul3A_409 = arith.constant 16 : i32
        %mul3A_410 = arith.muli %scan3A_393, %mul3A_409 : i32
        %swap3A_411 = arith.index_cast %mul3A_410 : i32 to index
        %swap3A_412 = tpu.vector_load %arg15[%swap3A_411] {strides = array<i32>} : memref<4096xf32, #tpu.memory_space<vmem>>, vector<16xf32>,
        tpu.vector_store %arg15[%swap3A_411], %gather3A_408 {strides = array<i32>} : memref<4096xf32, #tpu.memory_space<vmem>>, vector<16xf32>,
        %scan3A_413 = arith.constant 1 : i32
        %scan3A_414 = arith.addi %scan3A_393, %scan3A_413 : i32
        %mul3A_415 = arith.constant 16 : i32
        %mul3A_416 = arith.muli %scan3A_414, %mul3A_415 : i32
        %get3A_417 = arith.index_cast %mul3A_416 : i32 to index
        %get3A_418 = tpu.vector_load %arg9[%get3A_417] {strides = array<i32>} : memref<4096xi32, #tpu.memory_space<vmem>>, vector<16xi32>,
        %sub3A_419 = arith.constant 0 : i32
        %sub3A_420 = vector.broadcast %sub3A_419 : i32 to vector<16xi32>
        %sub3A_421 = arith.subi %get3A_418, %sub3A_420 : vector<16xi32>
        %lt3A_422 = arith.constant 25088 : i32
        %lt3A_423 = vector.broadcast %lt3A_422 : i32 to vector<16xi32>
        %lt3A_424 = arith.cmpi ult, %sub3A_421, %lt3A_423 : vector<16xi32>
        %broadcast_in_dim3A_425 = arith.constant 0 : i32
        %broadcast_in_dim3A_426 = vector.broadcast %broadcast_in_dim3A_425 : i32 to vector<16xi32>
        %gather3A_427 = tpu.vector_load_idx %arg6[%broadcast_in_dim3A_426, %sub3A_421] masked %lt3A_424 : memref<2x25088xf32, #tpu.memory_space<vmem>>[vector<16xi32>, vector<16xi32>], vector<16xf32>, vector<16xi1>
        %mul3A_428 = arith.constant 16 : i32
        %mul3A_429 = arith.muli %scan3A_414, %mul3A_428 : i32
        %swap3A_430 = arith.index_cast %mul3A_429 : i32 to index
        %swap3A_431 = tpu.vector_load %arg14[%swap3A_430] {strides = array<i32>} : memref<4096xf32, #tpu.memory_space<vmem>>, vector<16xf32>,
        tpu.vector_store %arg14[%swap3A_430], %gather3A_427 {strides = array<i32>} : memref<4096xf32, #tpu.memory_space<vmem>>, vector<16xf32>,
        %broadcast_in_dim3A_432 = arith.constant 1 : i32
        %broadcast_in_dim3A_433 = vector.broadcast %broadcast_in_dim3A_432 : i32 to vector<16xi32>
        %gather3A_434 = tpu.vector_load_idx %arg6[%broadcast_in_dim3A_433, %sub3A_421] masked %lt3A_424 : memref<2x25088xf32, #tpu.memory_space<vmem>>[vector<16xi32>, vector<16xi32>], vector<16xf32>, vector<16xi1>
        %mul3A_435 = arith.constant 16 : i32
        %mul3A_436 = arith.muli %scan3A_414, %mul3A_435 : i32
        %swap3A_437 = arith.index_cast %mul3A_436 : i32 to index
        %swap3A_438 = tpu.vector_load %arg15[%swap3A_437] {strides = array<i32>} : memref<4096xf32, #tpu.memory_space<vmem>>, vector<16xf32>,
        tpu.vector_store %arg15[%swap3A_437], %gather3A_434 {strides = array<i32>} : memref<4096xf32, #tpu.memory_space<vmem>>, vector<16xf32>,
        %scan3A_439 = arith.constant 2 : i32
        %scan3A_440 = arith.addi %scan3A_393, %scan3A_439 : i32
        %mul3A_441 = arith.constant 16 : i32
        %mul3A_442 = arith.muli %scan3A_440, %mul3A_441 : i32
        %get3A_443 = arith.index_cast %mul3A_442 : i32 to index
        %get3A_444 = tpu.vector_load %arg9[%get3A_443] {strides = array<i32>} : memref<4096xi32, #tpu.memory_space<vmem>>, vector<16xi32>,
        %sub3A_445 = arith.constant 0 : i32
        %sub3A_446 = vector.broadcast %sub3A_445 : i32 to vector<16xi32>
        %sub3A_447 = arith.subi %get3A_444, %sub3A_446 : vector<16xi32>
        %lt3A_448 = arith.constant 25088 : i32
        %lt3A_449 = vector.broadcast %lt3A_448 : i32 to vector<16xi32>
        %lt3A_450 = arith.cmpi ult, %sub3A_447, %lt3A_449 : vector<16xi32>
        %broadcast_in_dim3A_451 = arith.constant 0 : i32
        %broadcast_in_dim3A_452 = vector.broadcast %broadcast_in_dim3A_451 : i32 to vector<16xi32>
        %gather3A_453 = tpu.vector_load_idx %arg6[%broadcast_in_dim3A_452, %sub3A_447] masked %lt3A_450 : memref<2x25088xf32, #tpu.memory_space<vmem>>[vector<16xi32>, vector<16xi32>], vector<16xf32>, vector<16xi1>
        %mul3A_454 = arith.constant 16 : i32
        %mul3A_455 = arith.muli %scan3A_440, %mul3A_454 : i32
        %swap3A_456 = arith.index_cast %mul3A_455 : i32 to index
        %swap3A_457 = tpu.vector_load %arg14[%swap3A_456] {strides = array<i32>} : memref<4096xf32, #tpu.memory_space<vmem>>, vector<16xf32>,
        tpu.vector_store %arg14[%swap3A_456], %gather3A_453 {strides = array<i32>} : memref<4096xf32, #tpu.memory_space<vmem>>, vector<16xf32>,
        %broadcast_in_dim3A_458 = arith.constant 1 : i32
        %broadcast_in_dim3A_459 = vector.broadcast %broadcast_in_dim3A_458 : i32 to vector<16xi32>
        %gather3A_460 = tpu.vector_load_idx %arg6[%broadcast_in_dim3A_459, %sub3A_447] masked %lt3A_450 : memref<2x25088xf32, #tpu.memory_space<vmem>>[vector<16xi32>, vector<16xi32>], vector<16xf32>, vector<16xi1>
        %mul3A_461 = arith.constant 16 : i32
        %mul3A_462 = arith.muli %scan3A_440, %mul3A_461 : i32
        %swap3A_463 = arith.index_cast %mul3A_462 : i32 to index
        %swap3A_464 = tpu.vector_load %arg15[%swap3A_463] {strides = array<i32>} : memref<4096xf32, #tpu.memory_space<vmem>>, vector<16xf32>,
        tpu.vector_store %arg15[%swap3A_463], %gather3A_460 {strides = array<i32>} : memref<4096xf32, #tpu.memory_space<vmem>>, vector<16xf32>,
        %scan3A_465 = arith.constant 3 : i32
        %scan3A_466 = arith.addi %scan3A_393, %scan3A_465 : i32
        %mul3A_467 = arith.constant 16 : i32
        %mul3A_468 = arith.muli %scan3A_466, %mul3A_467 : i32
        %get3A_469 = arith.index_cast %mul3A_468 : i32 to index
        %get3A_470 = tpu.vector_load %arg9[%get3A_469] {strides = array<i32>} : memref<4096xi32, #tpu.memory_space<vmem>>, vector<16xi32>,
        %sub3A_471 = arith.constant 0 : i32
        %sub3A_472 = vector.broadcast %sub3A_471 : i32 to vector<16xi32>
        %sub3A_473 = arith.subi %get3A_470, %sub3A_472 : vector<16xi32>
        %lt3A_474 = arith.constant 25088 : i32
        %lt3A_475 = vector.broadcast %lt3A_474 : i32 to vector<16xi32>
        %lt3A_476 = arith.cmpi ult, %sub3A_473, %lt3A_475 : vector<16xi32>
        %broadcast_in_dim3A_477 = arith.constant 0 : i32
        %broadcast_in_dim3A_478 = vector.broadcast %broadcast_in_dim3A_477 : i32 to vector<16xi32>
        %gather3A_479 = tpu.vector_load_idx %arg6[%broadcast_in_dim3A_478, %sub3A_473] masked %lt3A_476 : memref<2x25088xf32, #tpu.memory_space<vmem>>[vector<16xi32>, vector<16xi32>], vector<16xf32>, vector<16xi1>
        %mul3A_480 = arith.constant 16 : i32
        %mul3A_481 = arith.muli %scan3A_466, %mul3A_480 : i32
        %swap3A_482 = arith.index_cast %mul3A_481 : i32 to index
        %swap3A_483 = tpu.vector_load %arg14[%swap3A_482] {strides = array<i32>} : memref<4096xf32, #tpu.memory_space<vmem>>, vector<16xf32>,
        tpu.vector_store %arg14[%swap3A_482], %gather3A_479 {strides = array<i32>} : memref<4096xf32, #tpu.memory_space<vmem>>, vector<16xf32>,
        %broadcast_in_dim3A_484 = arith.constant 1 : i32
        %broadcast_in_dim3A_485 = vector.broadcast %broadcast_in_dim3A_484 : i32 to vector<16xi32>
        %gather3A_486 = tpu.vector_load_idx %arg6[%broadcast_in_dim3A_485, %sub3A_473] masked %lt3A_476 : memref<2x25088xf32, #tpu.memory_space<vmem>>[vector<16xi32>, vector<16xi32>], vector<16xf32>, vector<16xi1>
        %mul3A_487 = arith.constant 16 : i32
        %mul3A_488 = arith.muli %scan3A_466, %mul3A_487 : i32
        %swap3A_489 = arith.index_cast %mul3A_488 : i32 to index
        %swap3A_490 = tpu.vector_load %arg15[%swap3A_489] {strides = array<i32>} : memref<4096xf32, #tpu.memory_space<vmem>>, vector<16xf32>,
        tpu.vector_store %arg15[%swap3A_489], %gather3A_486 {strides = array<i32>} : memref<4096xf32, #tpu.memory_space<vmem>>, vector<16xf32>,
        %scan3A_491 = arith.constant 4 : i32
        %scan3A_492 = arith.addi %scan3A_393, %scan3A_491 : i32
        %mul3A_493 = arith.constant 16 : i32
        %mul3A_494 = arith.muli %scan3A_492, %mul3A_493 : i32
        %get3A_495 = arith.index_cast %mul3A_494 : i32 to index
        %get3A_496 = tpu.vector_load %arg9[%get3A_495] {strides = array<i32>} : memref<4096xi32, #tpu.memory_space<vmem>>, vector<16xi32>,
        %sub3A_497 = arith.constant 0 : i32
        %sub3A_498 = vector.broadcast %sub3A_497 : i32 to vector<16xi32>
        %sub3A_499 = arith.subi %get3A_496, %sub3A_498 : vector<16xi32>
        %lt3A_500 = arith.constant 25088 : i32
        %lt3A_501 = vector.broadcast %lt3A_500 : i32 to vector<16xi32>
        %lt3A_502 = arith.cmpi ult, %sub3A_499, %lt3A_501 : vector<16xi32>
        %broadcast_in_dim3A_503 = arith.constant 0 : i32
        %broadcast_in_dim3A_504 = vector.broadcast %broadcast_in_dim3A_503 : i32 to vector<16xi32>
        %gather3A_505 = tpu.vector_load_idx %arg6[%broadcast_in_dim3A_504, %sub3A_499] masked %lt3A_502 : memref<2x25088xf32, #tpu.memory_space<vmem>>[vector<16xi32>, vector<16xi32>], vector<16xf32>, vector<16xi1>
        %mul3A_506 = arith.constant 16 : i32
        %mul3A_507 = arith.muli %scan3A_492, %mul3A_506 : i32
        %swap3A_508 = arith.index_cast %mul3A_507 : i32 to index
        %swap3A_509 = tpu.vector_load %arg14[%swap3A_508] {strides = array<i32>} : memref<4096xf32, #tpu.memory_space<vmem>>, vector<16xf32>,
        tpu.vector_store %arg14[%swap3A_508], %gather3A_505 {strides = array<i32>} : memref<4096xf32, #tpu.memory_space<vmem>>, vector<16xf32>,
        %broadcast_in_dim3A_510 = arith.constant 1 : i32
        %broadcast_in_dim3A_511 = vector.broadcast %broadcast_in_dim3A_510 : i32 to vector<16xi32>
        %gather3A_512 = tpu.vector_load_idx %arg6[%broadcast_in_dim3A_511, %sub3A_499] masked %lt3A_502 : memref<2x25088xf32, #tpu.memory_space<vmem>>[vector<16xi32>, vector<16xi32>], vector<16xf32>, vector<16xi1>
        %mul3A_513 = arith.constant 16 : i32
        %mul3A_514 = arith.muli %scan3A_492, %mul3A_513 : i32
        %swap3A_515 = arith.index_cast %mul3A_514 : i32 to index
        %swap3A_516 = tpu.vector_load %arg15[%swap3A_515] {strides = array<i32>} : memref<4096xf32, #tpu.memory_space<vmem>>, vector<16xf32>,
        tpu.vector_store %arg15[%swap3A_515], %gather3A_512 {strides = array<i32>} : memref<4096xf32, #tpu.memory_space<vmem>>, vector<16xf32>,
        %scan3A_517 = arith.constant 5 : i32
        %scan3A_518 = arith.addi %scan3A_393, %scan3A_517 : i32
        %mul3A_519 = arith.constant 16 : i32
        %mul3A_520 = arith.muli %scan3A_518, %mul3A_519 : i32
        %get3A_521 = arith.index_cast %mul3A_520 : i32 to index
        %get3A_522 = tpu.vector_load %arg9[%get3A_521] {strides = array<i32>} : memref<4096xi32, #tpu.memory_space<vmem>>, vector<16xi32>,
        %sub3A_523 = arith.constant 0 : i32
        %sub3A_524 = vector.broadcast %sub3A_523 : i32 to vector<16xi32>
        %sub3A_525 = arith.subi %get3A_522, %sub3A_524 : vector<16xi32>
        %lt3A_526 = arith.constant 25088 : i32
        %lt3A_527 = vector.broadcast %lt3A_526 : i32 to vector<16xi32>
        %lt3A_528 = arith.cmpi ult, %sub3A_525, %lt3A_527 : vector<16xi32>
        %broadcast_in_dim3A_529 = arith.constant 0 : i32
        %broadcast_in_dim3A_530 = vector.broadcast %broadcast_in_dim3A_529 : i32 to vector<16xi32>
        %gather3A_531 = tpu.vector_load_idx %arg6[%broadcast_in_dim3A_530, %sub3A_525] masked %lt3A_528 : memref<2x25088xf32, #tpu.memory_space<vmem>>[vector<16xi32>, vector<16xi32>], vector<16xf32>, vector<16xi1>
        %mul3A_532 = arith.constant 16 : i32
        %mul3A_533 = arith.muli %scan3A_518, %mul3A_532 : i32
        %swap3A_534 = arith.index_cast %mul3A_533 : i32 to index
        %swap3A_535 = tpu.vector_load %arg14[%swap3A_534] {strides = array<i32>} : memref<4096xf32, #tpu.memory_space<vmem>>, vector<16xf32>,
        tpu.vector_store %arg14[%swap3A_534], %gather3A_531 {strides = array<i32>} : memref<4096xf32, #tpu.memory_space<vmem>>, vector<16xf32>,
        %broadcast_in_dim3A_536 = arith.constant 1 : i32
        %broadcast_in_dim3A_537 = vector.broadcast %broadcast_in_dim3A_536 : i32 to vector<16xi32>
        %gather3A_538 = tpu.vector_load_idx %arg6[%broadcast_in_dim3A_537, %sub3A_525] masked %lt3A_528 : memref<2x25088xf32, #tpu.memory_space<vmem>>[vector<16xi32>, vector<16xi32>], vector<16xf32>, vector<16xi1>
        %mul3A_539 = arith.constant 16 : i32
        %mul3A_540 = arith.muli %scan3A_518, %mul3A_539 : i32
        %swap3A_541 = arith.index_cast %mul3A_540 : i32 to index
        %swap3A_542 = tpu.vector_load %arg15[%swap3A_541] {strides = array<i32>} : memref<4096xf32, #tpu.memory_space<vmem>>, vector<16xf32>,
        tpu.vector_store %arg15[%swap3A_541], %gather3A_538 {strides = array<i32>} : memref<4096xf32, #tpu.memory_space<vmem>>, vector<16xf32>,
        %scan3A_543 = arith.constant 6 : i32
        %scan3A_544 = arith.addi %scan3A_393, %scan3A_543 : i32
        %mul3A_545 = arith.constant 16 : i32
        %mul3A_546 = arith.muli %scan3A_544, %mul3A_545 : i32
        %get3A_547 = arith.index_cast %mul3A_546 : i32 to index
        %get3A_548 = tpu.vector_load %arg9[%get3A_547] {strides = array<i32>} : memref<4096xi32, #tpu.memory_space<vmem>>, vector<16xi32>,
        %sub3A_549 = arith.constant 0 : i32
        %sub3A_550 = vector.broadcast %sub3A_549 : i32 to vector<16xi32>
        %sub3A_551 = arith.subi %get3A_548, %sub3A_550 : vector<16xi32>
        %lt3A_552 = arith.constant 25088 : i32
        %lt3A_553 = vector.broadcast %lt3A_552 : i32 to vector<16xi32>
        %lt3A_554 = arith.cmpi ult, %sub3A_551, %lt3A_553 : vector<16xi32>
        %broadcast_in_dim3A_555 = arith.constant 0 : i32
        %broadcast_in_dim3A_556 = vector.broadcast %broadcast_in_dim3A_555 : i32 to vector<16xi32>
        %gather3A_557 = tpu.vector_load_idx %arg6[%broadcast_in_dim3A_556, %sub3A_551] masked %lt3A_554 : memref<2x25088xf32, #tpu.memory_space<vmem>>[vector<16xi32>, vector<16xi32>], vector<16xf32>, vector<16xi1>
        %mul3A_558 = arith.constant 16 : i32
        %mul3A_559 = arith.muli %scan3A_544, %mul3A_558 : i32
        %swap3A_560 = arith.index_cast %mul3A_559 : i32 to index
        %swap3A_561 = tpu.vector_load %arg14[%swap3A_560] {strides = array<i32>} : memref<4096xf32, #tpu.memory_space<vmem>>, vector<16xf32>,
        tpu.vector_store %arg14[%swap3A_560], %gather3A_557 {strides = array<i32>} : memref<4096xf32, #tpu.memory_space<vmem>>, vector<16xf32>,
        %broadcast_in_dim3A_562 = arith.constant 1 : i32
        %broadcast_in_dim3A_563 = vector.broadcast %broadcast_in_dim3A_562 : i32 to vector<16xi32>
        %gather3A_564 = tpu.vector_load_idx %arg6[%broadcast_in_dim3A_563, %sub3A_551] masked %lt3A_554 : memref<2x25088xf32, #tpu.memory_space<vmem>>[vector<16xi32>, vector<16xi32>], vector<16xf32>, vector<16xi1>
        %mul3A_565 = arith.constant 16 : i32
        %mul3A_566 = arith.muli %scan3A_544, %mul3A_565 : i32
        %swap3A_567 = arith.index_cast %mul3A_566 : i32 to index
        %swap3A_568 = tpu.vector_load %arg15[%swap3A_567] {strides = array<i32>} : memref<4096xf32, #tpu.memory_space<vmem>>, vector<16xf32>,
        tpu.vector_store %arg15[%swap3A_567], %gather3A_564 {strides = array<i32>} : memref<4096xf32, #tpu.memory_space<vmem>>, vector<16xf32>,
        %scan3A_569 = arith.constant 7 : i32
        %scan3A_570 = arith.addi %scan3A_393, %scan3A_569 : i32
        %mul3A_571 = arith.constant 16 : i32
        %mul3A_572 = arith.muli %scan3A_570, %mul3A_571 : i32
        %get3A_573 = arith.index_cast %mul3A_572 : i32 to index
        %get3A_574 = tpu.vector_load %arg9[%get3A_573] {strides = array<i32>} : memref<4096xi32, #tpu.memory_space<vmem>>, vector<16xi32>,
        %sub3A_575 = arith.constant 0 : i32
        %sub3A_576 = vector.broadcast %sub3A_575 : i32 to vector<16xi32>
        %sub3A_577 = arith.subi %get3A_574, %sub3A_576 : vector<16xi32>
        %lt3A_578 = arith.constant 25088 : i32
        %lt3A_579 = vector.broadcast %lt3A_578 : i32 to vector<16xi32>
        %lt3A_580 = arith.cmpi ult, %sub3A_577, %lt3A_579 : vector<16xi32>
        %broadcast_in_dim3A_581 = arith.constant 0 : i32
        %broadcast_in_dim3A_582 = vector.broadcast %broadcast_in_dim3A_581 : i32 to vector<16xi32>
        %gather3A_583 = tpu.vector_load_idx %arg6[%broadcast_in_dim3A_582, %sub3A_577] masked %lt3A_580 : memref<2x25088xf32, #tpu.memory_space<vmem>>[vector<16xi32>, vector<16xi32>], vector<16xf32>, vector<16xi1>
        %mul3A_584 = arith.constant 16 : i32
        %mul3A_585 = arith.muli %scan3A_570, %mul3A_584 : i32
        %swap3A_586 = arith.index_cast %mul3A_585 : i32 to index
        %swap3A_587 = tpu.vector_load %arg14[%swap3A_586] {strides = array<i32>} : memref<4096xf32, #tpu.memory_space<vmem>>, vector<16xf32>,
        tpu.vector_store %arg14[%swap3A_586], %gather3A_583 {strides = array<i32>} : memref<4096xf32, #tpu.memory_space<vmem>>, vector<16xf32>,
        %broadcast_in_dim3A_588 = arith.constant 1 : i32
        %broadcast_in_dim3A_589 = vector.broadcast %broadcast_in_dim3A_588 : i32 to vector<16xi32>
        %gather3A_590 = tpu.vector_load_idx %arg6[%broadcast_in_dim3A_589, %sub3A_577] masked %lt3A_580 : memref<2x25088xf32, #tpu.memory_space<vmem>>[vector<16xi32>, vector<16xi32>], vector<16xf32>, vector<16xi1>
        %mul3A_591 = arith.constant 16 : i32
        %mul3A_592 = arith.muli %scan3A_570, %mul3A_591 : i32
        %swap3A_593 = arith.index_cast %mul3A_592 : i32 to index
        %swap3A_594 = tpu.vector_load %arg15[%swap3A_593] {strides = array<i32>} : memref<4096xf32, #tpu.memory_space<vmem>>, vector<16xf32>,
        tpu.vector_store %arg15[%swap3A_593], %gather3A_590 {strides = array<i32>} : memref<4096xf32, #tpu.memory_space<vmem>>, vector<16xf32>,
      }
      %scan3A_297 = arith.constant 256 : i32
      %dma_start3A_298 = arith.constant 0 : i32
      %dma_start3A_299 = arith.constant 0 : i32
      %dma_start3A_300 = tpu.memref_slice %arg6[%dma_start3A_298, %dma_start3A_299] : memref<2x25088xf32, #tpu.memory_space<vmem>> -> memref<2x25088xf32, #tpu.memory_space<vmem>>
      %dma_start3A_301 = arith.constant 50176 : i32
      %dma_start3A_302 = tpu.memref_slice %arg2[%mul3A_247, %dma_start3A_301] : memref<1664x100000xf32, #tpu.memory_space<hbm>> -> memref<2x25088xf32, #tpu.memory_space<hbm>>
      %dma_start3A_303 = arith.constant 0 : i32
      %dma_start3A_304 = arith.constant 0 : i32
      %dma_start3A_305 = tpu.memref_slice %arg6[%dma_start3A_303, %dma_start3A_304] : memref<2x25088xf32, #tpu.memory_space<vmem>> -> memref<2x25088xf32, #tpu.memory_space<vmem>>
      %dma_start3A_306 = arith.constant 50176 : i32
      %dma_start3A_307 = tpu.memref_slice %arg2[%mul3A_247, %dma_start3A_306] : memref<1664x100000xf32, #tpu.memory_space<hbm>> -> memref<2x25088xf32, #tpu.memory_space<hbm>>
      tpu.enqueue_dma source(%dma_start3A_307 : memref<2x25088xf32, #tpu.memory_space<hbm>>) target(%dma_start3A_305 : memref<2x25088xf32, #tpu.memory_space<vmem>>) target_semaphore(%arg16 : memref<!tpu.dma_semaphore, #tpu.memory_space<semaphore_mem>>)
      %dma_wait3A_308 = arith.constant 0 : i32
      %dma_wait3A_309 = arith.constant 0 : i32
      %dma_wait3A_310 = tpu.memref_slice %arg7[%dma_wait3A_308, %dma_wait3A_309] : memref<2x25088xf32, #tpu.memory_space<vmem>> -> memref<2x25088xf32, #tpu.memory_space<vmem>>
      %dma_wait3A_311 = arith.constant 0 : i32
      %dma_wait3A_312 = arith.constant 25088 : i32
      %dma_wait3A_313 = tpu.memref_slice %arg2[%dma_wait3A_311, %dma_wait3A_312] : memref<1664x100000xf32, #tpu.memory_space<hbm>> -> memref<2x25088xf32, #tpu.memory_space<hbm>>
      %dma_wait3A_314 = arith.constant 0 : i32
      %dma_wait3A_315 = arith.constant 0 : i32
      %dma_wait3A_316 = tpu.memref_slice %arg7[%dma_wait3A_314, %dma_wait3A_315] : memref<2x25088xf32, #tpu.memory_space<vmem>> -> memref<2x25088xf32, #tpu.memory_space<vmem>>
      %dma_wait3A_317 = arith.constant 0 : i32
      %dma_wait3A_318 = arith.constant 25088 : i32
      %dma_wait3A_319 = tpu.memref_slice %arg2[%dma_wait3A_317, %dma_wait3A_318] : memref<1664x100000xf32, #tpu.memory_space<hbm>> -> memref<2x25088xf32, #tpu.memory_space<hbm>>
      tpu.wait_dma2 semaphore(%arg17 : memref<!tpu.dma_semaphore, #tpu.memory_space<semaphore_mem>>) src(%dma_wait3A_319 : memref<2x25088xf32, #tpu.memory_space<hbm>>) dst(%dma_wait3A_316 : memref<2x25088xf32, #tpu.memory_space<vmem>>)
      %scan3A_320 = arith.constant 0 : i32
      %scan3A_321 = arith.constant 256 : i32
      %scan3A_322 = arith.addi %scan3A_320, %scan3A_321 : i32
      %scan3A_323 = arith.constant 8 : i32
      scf.for %scan3A_393 = %scan3A_320 to %scan3A_322 step %scan3A_323  : i32 {
        %mul3A_394 = arith.constant 16 : i32
        %mul3A_395 = arith.muli %scan3A_393, %mul3A_394 : i32
        %get3A = arith.index_cast %mul3A_395 : i32 to index
        %get3A_396 = tpu.vector_load %arg9[%get3A] {strides = array<i32>} : memref<4096xi32, #tpu.memory_space<vmem>>, vector<16xi32>,
        %sub3A = arith.constant 25088 : i32
        %sub3A_397 = vector.broadcast %sub3A : i32 to vector<16xi32>
        %sub3A_398 = arith.subi %get3A_396, %sub3A_397 : vector<16xi32>
        %lt3A_399 = arith.constant 25088 : i32
        %lt3A_400 = vector.broadcast %lt3A_399 : i32 to vector<16xi32>
        %lt3A_401 = arith.cmpi ult, %sub3A_398, %lt3A_400 : vector<16xi32>
        %broadcast_in_dim3A = arith.constant 0 : i32
        %broadcast_in_dim3A_402 = vector.broadcast %broadcast_in_dim3A : i32 to vector<16xi32>
        %gather3A = tpu.vector_load_idx %arg7[%broadcast_in_dim3A_402, %sub3A_398] masked %lt3A_401 : memref<2x25088xf32, #tpu.memory_space<vmem>>[vector<16xi32>, vector<16xi32>], vector<16xf32>, vector<16xi1>
        %mul3A_403 = arith.constant 16 : i32
        %mul3A_404 = arith.muli %scan3A_393, %mul3A_403 : i32
        %swap3A = arith.index_cast %mul3A_404 : i32 to index
        %swap3A_405 = tpu.vector_load %arg14[%swap3A] {strides = array<i32>} : memref<4096xf32, #tpu.memory_space<vmem>>, vector<16xf32>,
        tpu.vector_store %arg14[%swap3A], %gather3A {add = true, strides = array<i32>} : memref<4096xf32, #tpu.memory_space<vmem>>, vector<16xf32>,
        %broadcast_in_dim3A_406 = arith.constant 1 : i32
        %broadcast_in_dim3A_407 = vector.broadcast %broadcast_in_dim3A_406 : i32 to vector<16xi32>
        %gather3A_408 = tpu.vector_load_idx %arg7[%broadcast_in_dim3A_407, %sub3A_398] masked %lt3A_401 : memref<2x25088xf32, #tpu.memory_space<vmem>>[vector<16xi32>, vector<16xi32>], vector<16xf32>, vector<16xi1>
        %mul3A_409 = arith.constant 16 : i32
        %mul3A_410 = arith.muli %scan3A_393, %mul3A_409 : i32
        %swap3A_411 = arith.index_cast %mul3A_410 : i32 to index
        %swap3A_412 = tpu.vector_load %arg15[%swap3A_411] {strides = array<i32>} : memref<4096xf32, #tpu.memory_space<vmem>>, vector<16xf32>,
        tpu.vector_store %arg15[%swap3A_411], %gather3A_408 {add = true, strides = array<i32>} : memref<4096xf32, #tpu.memory_space<vmem>>, vector<16xf32>,
        %scan3A_413 = arith.constant 1 : i32
        %scan3A_414 = arith.addi %scan3A_393, %scan3A_413 : i32
        %mul3A_415 = arith.constant 16 : i32
        %mul3A_416 = arith.muli %scan3A_414, %mul3A_415 : i32
        %get3A_417 = arith.index_cast %mul3A_416 : i32 to index
        %get3A_418 = tpu.vector_load %arg9[%get3A_417] {strides = array<i32>} : memref<4096xi32, #tpu.memory_space<vmem>>, vector<16xi32>,
        %sub3A_419 = arith.constant 25088 : i32
        %sub3A_420 = vector.broadcast %sub3A_419 : i32 to vector<16xi32>
        %sub3A_421 = arith.subi %get3A_418, %sub3A_420 : vector<16xi32>
        %lt3A_422 = arith.constant 25088 : i32
        %lt3A_423 = vector.broadcast %lt3A_422 : i32 to vector<16xi32>
        %lt3A_424 = arith.cmpi ult, %sub3A_421, %lt3A_423 : vector<16xi32>
        %broadcast_in_dim3A_425 = arith.constant 0 : i32
        %broadcast_in_dim3A_426 = vector.broadcast %broadcast_in_dim3A_425 : i32 to vector<16xi32>
        %gather3A_427 = tpu.vector_load_idx %arg7[%broadcast_in_dim3A_426, %sub3A_421] masked %lt3A_424 : memref<2x25088xf32, #tpu.memory_space<vmem>>[vector<16xi32>, vector<16xi32>], vector<16xf32>, vector<16xi1>
        %mul3A_428 = arith.constant 16 : i32
        %mul3A_429 = arith.muli %scan3A_414, %mul3A_428 : i32
        %swap3A_430 = arith.index_cast %mul3A_429 : i32 to index
        %swap3A_431 = tpu.vector_load %arg14[%swap3A_430] {strides = array<i32>} : memref<4096xf32, #tpu.memory_space<vmem>>, vector<16xf32>,
        tpu.vector_store %arg14[%swap3A_430], %gather3A_427 {add = true, strides = array<i32>} : memref<4096xf32, #tpu.memory_space<vmem>>, vector<16xf32>,
        %broadcast_in_dim3A_432 = arith.constant 1 : i32
        %broadcast_in_dim3A_433 = vector.broadcast %broadcast_in_dim3A_432 : i32 to vector<16xi32>
        %gather3A_434 = tpu.vector_load_idx %arg7[%broadcast_in_dim3A_433, %sub3A_421] masked %lt3A_424 : memref<2x25088xf32, #tpu.memory_space<vmem>>[vector<16xi32>, vector<16xi32>], vector<16xf32>, vector<16xi1>
        %mul3A_435 = arith.constant 16 : i32
        %mul3A_436 = arith.muli %scan3A_414, %mul3A_435 : i32
        %swap3A_437 = arith.index_cast %mul3A_436 : i32 to index
        %swap3A_438 = tpu.vector_load %arg15[%swap3A_437] {strides = array<i32>} : memref<4096xf32, #tpu.memory_space<vmem>>, vector<16xf32>,
        tpu.vector_store %arg15[%swap3A_437], %gather3A_434 {add = true, strides = array<i32>} : memref<4096xf32, #tpu.memory_space<vmem>>, vector<16xf32>,
        %scan3A_439 = arith.constant 2 : i32
        %scan3A_440 = arith.addi %scan3A_393, %scan3A_439 : i32
        %mul3A_441 = arith.constant 16 : i32
        %mul3A_442 = arith.muli %scan3A_440, %mul3A_441 : i32
        %get3A_443 = arith.index_cast %mul3A_442 : i32 to index
        %get3A_444 = tpu.vector_load %arg9[%get3A_443] {strides = array<i32>} : memref<4096xi32, #tpu.memory_space<vmem>>, vector<16xi32>,
        %sub3A_445 = arith.constant 25088 : i32
        %sub3A_446 = vector.broadcast %sub3A_445 : i32 to vector<16xi32>
        %sub3A_447 = arith.subi %get3A_444, %sub3A_446 : vector<16xi32>
        %lt3A_448 = arith.constant 25088 : i32
        %lt3A_449 = vector.broadcast %lt3A_448 : i32 to vector<16xi32>
        %lt3A_450 = arith.cmpi ult, %sub3A_447, %lt3A_449 : vector<16xi32>
        %broadcast_in_dim3A_451 = arith.constant 0 : i32
        %broadcast_in_dim3A_452 = vector.broadcast %broadcast_in_dim3A_451 : i32 to vector<16xi32>
        %gather3A_453 = tpu.vector_load_idx %arg7[%broadcast_in_dim3A_452, %sub3A_447] masked %lt3A_450 : memref<2x25088xf32, #tpu.memory_space<vmem>>[vector<16xi32>, vector<16xi32>], vector<16xf32>, vector<16xi1>
        %mul3A_454 = arith.constant 16 : i32
        %mul3A_455 = arith.muli %scan3A_440, %mul3A_454 : i32
        %swap3A_456 = arith.index_cast %mul3A_455 : i32 to index
        %swap3A_457 = tpu.vector_load %arg14[%swap3A_456] {strides = array<i32>} : memref<4096xf32, #tpu.memory_space<vmem>>, vector<16xf32>,
        tpu.vector_store %arg14[%swap3A_456], %gather3A_453 {add = true, strides = array<i32>} : memref<4096xf32, #tpu.memory_space<vmem>>, vector<16xf32>,
        %broadcast_in_dim3A_458 = arith.constant 1 : i32
        %broadcast_in_dim3A_459 = vector.broadcast %broadcast_in_dim3A_458 : i32 to vector<16xi32>
        %gather3A_460 = tpu.vector_load_idx %arg7[%broadcast_in_dim3A_459, %sub3A_447] masked %lt3A_450 : memref<2x25088xf32, #tpu.memory_space<vmem>>[vector<16xi32>, vector<16xi32>], vector<16xf32>, vector<16xi1>
        %mul3A_461 = arith.constant 16 : i32
        %mul3A_462 = arith.muli %scan3A_440, %mul3A_461 : i32
        %swap3A_463 = arith.index_cast %mul3A_462 : i32 to index
        %swap3A_464 = tpu.vector_load %arg15[%swap3A_463] {strides = array<i32>} : memref<4096xf32, #tpu.memory_space<vmem>>, vector<16xf32>,
        tpu.vector_store %arg15[%swap3A_463], %gather3A_460 {add = true, strides = array<i32>} : memref<4096xf32, #tpu.memory_space<vmem>>, vector<16xf32>,
        %scan3A_465 = arith.constant 3 : i32
        %scan3A_466 = arith.addi %scan3A_393, %scan3A_465 : i32
        %mul3A_467 = arith.constant 16 : i32
        %mul3A_468 = arith.muli %scan3A_466, %mul3A_467 : i32
        %get3A_469 = arith.index_cast %mul3A_468 : i32 to index
        %get3A_470 = tpu.vector_load %arg9[%get3A_469] {strides = array<i32>} : memref<4096xi32, #tpu.memory_space<vmem>>, vector<16xi32>,
        %sub3A_471 = arith.constant 25088 : i32
        %sub3A_472 = vector.broadcast %sub3A_471 : i32 to vector<16xi32>
        %sub3A_473 = arith.subi %get3A_470, %sub3A_472 : vector<16xi32>
        %lt3A_474 = arith.constant 25088 : i32
        %lt3A_475 = vector.broadcast %lt3A_474 : i32 to vector<16xi32>
        %lt3A_476 = arith.cmpi ult, %sub3A_473, %lt3A_475 : vector<16xi32>
        %broadcast_in_dim3A_477 = arith.constant 0 : i32
        %broadcast_in_dim3A_478 = vector.broadcast %broadcast_in_dim3A_477 : i32 to vector<16xi32>
        %gather3A_479 = tpu.vector_load_idx %arg7[%broadcast_in_dim3A_478, %sub3A_473] masked %lt3A_476 : memref<2x25088xf32, #tpu.memory_space<vmem>>[vector<16xi32>, vector<16xi32>], vector<16xf32>, vector<16xi1>
        %mul3A_480 = arith.constant 16 : i32
        %mul3A_481 = arith.muli %scan3A_466, %mul3A_480 : i32
        %swap3A_482 = arith.index_cast %mul3A_481 : i32 to index
        %swap3A_483 = tpu.vector_load %arg14[%swap3A_482] {strides = array<i32>} : memref<4096xf32, #tpu.memory_space<vmem>>, vector<16xf32>,
        tpu.vector_store %arg14[%swap3A_482], %gather3A_479 {add = true, strides = array<i32>} : memref<4096xf32, #tpu.memory_space<vmem>>, vector<16xf32>,
        %broadcast_in_dim3A_484 = arith.constant 1 : i32
        %broadcast_in_dim3A_485 = vector.broadcast %broadcast_in_dim3A_484 : i32 to vector<16xi32>
        %gather3A_486 = tpu.vector_load_idx %arg7[%broadcast_in_dim3A_485, %sub3A_473] masked %lt3A_476 : memref<2x25088xf32, #tpu.memory_space<vmem>>[vector<16xi32>, vector<16xi32>], vector<16xf32>, vector<16xi1>
        %mul3A_487 = arith.constant 16 : i32
        %mul3A_488 = arith.muli %scan3A_466, %mul3A_487 : i32
        %swap3A_489 = arith.index_cast %mul3A_488 : i32 to index
        %swap3A_490 = tpu.vector_load %arg15[%swap3A_489] {strides = array<i32>} : memref<4096xf32, #tpu.memory_space<vmem>>, vector<16xf32>,
        tpu.vector_store %arg15[%swap3A_489], %gather3A_486 {add = true, strides = array<i32>} : memref<4096xf32, #tpu.memory_space<vmem>>, vector<16xf32>,
        %scan3A_491 = arith.constant 4 : i32
        %scan3A_492 = arith.addi %scan3A_393, %scan3A_491 : i32
        %mul3A_493 = arith.constant 16 : i32
        %mul3A_494 = arith.muli %scan3A_492, %mul3A_493 : i32
        %get3A_495 = arith.index_cast %mul3A_494 : i32 to index
        %get3A_496 = tpu.vector_load %arg9[%get3A_495] {strides = array<i32>} : memref<4096xi32, #tpu.memory_space<vmem>>, vector<16xi32>,
        %sub3A_497 = arith.constant 25088 : i32
        %sub3A_498 = vector.broadcast %sub3A_497 : i32 to vector<16xi32>
        %sub3A_499 = arith.subi %get3A_496, %sub3A_498 : vector<16xi32>
        %lt3A_500 = arith.constant 25088 : i32
        %lt3A_501 = vector.broadcast %lt3A_500 : i32 to vector<16xi32>
        %lt3A_502 = arith.cmpi ult, %sub3A_499, %lt3A_501 : vector<16xi32>
        %broadcast_in_dim3A_503 = arith.constant 0 : i32
        %broadcast_in_dim3A_504 = vector.broadcast %broadcast_in_dim3A_503 : i32 to vector<16xi32>
        %gather3A_505 = tpu.vector_load_idx %arg7[%broadcast_in_dim3A_504, %sub3A_499] masked %lt3A_502 : memref<2x25088xf32, #tpu.memory_space<vmem>>[vector<16xi32>, vector<16xi32>], vector<16xf32>, vector<16xi1>
        %mul3A_506 = arith.constant 16 : i32
        %mul3A_507 = arith.muli %scan3A_492, %mul3A_506 : i32
        %swap3A_508 = arith.index_cast %mul3A_507 : i32 to index
        %swap3A_509 = tpu.vector_load %arg14[%swap3A_508] {strides = array<i32>} : memref<4096xf32, #tpu.memory_space<vmem>>, vector<16xf32>,
        tpu.vector_store %arg14[%swap3A_508], %gather3A_505 {add = true, strides = array<i32>} : memref<4096xf32, #tpu.memory_space<vmem>>, vector<16xf32>,
        %broadcast_in_dim3A_510 = arith.constant 1 : i32
        %broadcast_in_dim3A_511 = vector.broadcast %broadcast_in_dim3A_510 : i32 to vector<16xi32>
        %gather3A_512 = tpu.vector_load_idx %arg7[%broadcast_in_dim3A_511, %sub3A_499] masked %lt3A_502 : memref<2x25088xf32, #tpu.memory_space<vmem>>[vector<16xi32>, vector<16xi32>], vector<16xf32>, vector<16xi1>
        %mul3A_513 = arith.constant 16 : i32
        %mul3A_514 = arith.muli %scan3A_492, %mul3A_513 : i32
        %swap3A_515 = arith.index_cast %mul3A_514 : i32 to index
        %swap3A_516 = tpu.vector_load %arg15[%swap3A_515] {strides = array<i32>} : memref<4096xf32, #tpu.memory_space<vmem>>, vector<16xf32>,
        tpu.vector_store %arg15[%swap3A_515], %gather3A_512 {add = true, strides = array<i32>} : memref<4096xf32, #tpu.memory_space<vmem>>, vector<16xf32>,
        %scan3A_517 = arith.constant 5 : i32
        %scan3A_518 = arith.addi %scan3A_393, %scan3A_517 : i32
        %mul3A_519 = arith.constant 16 : i32
        %mul3A_520 = arith.muli %scan3A_518, %mul3A_519 : i32
        %get3A_521 = arith.index_cast %mul3A_520 : i32 to index
        %get3A_522 = tpu.vector_load %arg9[%get3A_521] {strides = array<i32>} : memref<4096xi32, #tpu.memory_space<vmem>>, vector<16xi32>,
        %sub3A_523 = arith.constant 25088 : i32
        %sub3A_524 = vector.broadcast %sub3A_523 : i32 to vector<16xi32>
        %sub3A_525 = arith.subi %get3A_522, %sub3A_524 : vector<16xi32>
        %lt3A_526 = arith.constant 25088 : i32
        %lt3A_527 = vector.broadcast %lt3A_526 : i32 to vector<16xi32>
        %lt3A_528 = arith.cmpi ult, %sub3A_525, %lt3A_527 : vector<16xi32>
        %broadcast_in_dim3A_529 = arith.constant 0 : i32
        %broadcast_in_dim3A_530 = vector.broadcast %broadcast_in_dim3A_529 : i32 to vector<16xi32>
        %gather3A_531 = tpu.vector_load_idx %arg7[%broadcast_in_dim3A_530, %sub3A_525] masked %lt3A_528 : memref<2x25088xf32, #tpu.memory_space<vmem>>[vector<16xi32>, vector<16xi32>], vector<16xf32>, vector<16xi1>
        %mul3A_532 = arith.constant 16 : i32
        %mul3A_533 = arith.muli %scan3A_518, %mul3A_532 : i32
        %swap3A_534 = arith.index_cast %mul3A_533 : i32 to index
        %swap3A_535 = tpu.vector_load %arg14[%swap3A_534] {strides = array<i32>} : memref<4096xf32, #tpu.memory_space<vmem>>, vector<16xf32>,
        tpu.vector_store %arg14[%swap3A_534], %gather3A_531 {add = true, strides = array<i32>} : memref<4096xf32, #tpu.memory_space<vmem>>, vector<16xf32>,
        %broadcast_in_dim3A_536 = arith.constant 1 : i32
        %broadcast_in_dim3A_537 = vector.broadcast %broadcast_in_dim3A_536 : i32 to vector<16xi32>
        %gather3A_538 = tpu.vector_load_idx %arg7[%broadcast_in_dim3A_537, %sub3A_525] masked %lt3A_528 : memref<2x25088xf32, #tpu.memory_space<vmem>>[vector<16xi32>, vector<16xi32>], vector<16xf32>, vector<16xi1>
        %mul3A_539 = arith.constant 16 : i32
        %mul3A_540 = arith.muli %scan3A_518, %mul3A_539 : i32
        %swap3A_541 = arith.index_cast %mul3A_540 : i32 to index
        %swap3A_542 = tpu.vector_load %arg15[%swap3A_541] {strides = array<i32>} : memref<4096xf32, #tpu.memory_space<vmem>>, vector<16xf32>,
        tpu.vector_store %arg15[%swap3A_541], %gather3A_538 {add = true, strides = array<i32>} : memref<4096xf32, #tpu.memory_space<vmem>>, vector<16xf32>,
        %scan3A_543 = arith.constant 6 : i32
        %scan3A_544 = arith.addi %scan3A_393, %scan3A_543 : i32
        %mul3A_545 = arith.constant 16 : i32
        %mul3A_546 = arith.muli %scan3A_544, %mul3A_545 : i32
        %get3A_547 = arith.index_cast %mul3A_546 : i32 to index
        %get3A_548 = tpu.vector_load %arg9[%get3A_547] {strides = array<i32>} : memref<4096xi32, #tpu.memory_space<vmem>>, vector<16xi32>,
        %sub3A_549 = arith.constant 25088 : i32
        %sub3A_550 = vector.broadcast %sub3A_549 : i32 to vector<16xi32>
        %sub3A_551 = arith.subi %get3A_548, %sub3A_550 : vector<16xi32>
        %lt3A_552 = arith.constant 25088 : i32
        %lt3A_553 = vector.broadcast %lt3A_552 : i32 to vector<16xi32>
        %lt3A_554 = arith.cmpi ult, %sub3A_551, %lt3A_553 : vector<16xi32>
        %broadcast_in_dim3A_555 = arith.constant 0 : i32
        %broadcast_in_dim3A_556 = vector.broadcast %broadcast_in_dim3A_555 : i32 to vector<16xi32>
        %gather3A_557 = tpu.vector_load_idx %arg7[%broadcast_in_dim3A_556, %sub3A_551] masked %lt3A_554 : memref<2x25088xf32, #tpu.memory_space<vmem>>[vector<16xi32>, vector<16xi32>], vector<16xf32>, vector<16xi1>
        %mul3A_558 = arith.constant 16 : i32
        %mul3A_559 = arith.muli %scan3A_544, %mul3A_558 : i32
        %swap3A_560 = arith.index_cast %mul3A_559 : i32 to index
        %swap3A_561 = tpu.vector_load %arg14[%swap3A_560] {strides = array<i32>} : memref<4096xf32, #tpu.memory_space<vmem>>, vector<16xf32>,
        tpu.vector_store %arg14[%swap3A_560], %gather3A_557 {add = true, strides = array<i32>} : memref<4096xf32, #tpu.memory_space<vmem>>, vector<16xf32>,
        %broadcast_in_dim3A_562 = arith.constant 1 : i32
        %broadcast_in_dim3A_563 = vector.broadcast %broadcast_in_dim3A_562 : i32 to vector<16xi32>
        %gather3A_564 = tpu.vector_load_idx %arg7[%broadcast_in_dim3A_563, %sub3A_551] masked %lt3A_554 : memref<2x25088xf32, #tpu.memory_space<vmem>>[vector<16xi32>, vector<16xi32>], vector<16xf32>, vector<16xi1>
        %mul3A_565 = arith.constant 16 : i32
        %mul3A_566 = arith.muli %scan3A_544, %mul3A_565 : i32
        %swap3A_567 = arith.index_cast %mul3A_566 : i32 to index
        %swap3A_568 = tpu.vector_load %arg15[%swap3A_567] {strides = array<i32>} : memref<4096xf32, #tpu.memory_space<vmem>>, vector<16xf32>,
        tpu.vector_store %arg15[%swap3A_567], %gather3A_564 {add = true, strides = array<i32>} : memref<4096xf32, #tpu.memory_space<vmem>>, vector<16xf32>,
        %scan3A_569 = arith.constant 7 : i32
        %scan3A_570 = arith.addi %scan3A_393, %scan3A_569 : i32
        %mul3A_571 = arith.constant 16 : i32
        %mul3A_572 = arith.muli %scan3A_570, %mul3A_571 : i32
        %get3A_573 = arith.index_cast %mul3A_572 : i32 to index
        %get3A_574 = tpu.vector_load %arg9[%get3A_573] {strides = array<i32>} : memref<4096xi32, #tpu.memory_space<vmem>>, vector<16xi32>,
        %sub3A_575 = arith.constant 25088 : i32
        %sub3A_576 = vector.broadcast %sub3A_575 : i32 to vector<16xi32>
        %sub3A_577 = arith.subi %get3A_574, %sub3A_576 : vector<16xi32>
        %lt3A_578 = arith.constant 25088 : i32
        %lt3A_579 = vector.broadcast %lt3A_578 : i32 to vector<16xi32>
        %lt3A_580 = arith.cmpi ult, %sub3A_577, %lt3A_579 : vector<16xi32>
        %broadcast_in_dim3A_581 = arith.constant 0 : i32
        %broadcast_in_dim3A_582 = vector.broadcast %broadcast_in_dim3A_581 : i32 to vector<16xi32>
        %gather3A_583 = tpu.vector_load_idx %arg7[%broadcast_in_dim3A_582, %sub3A_577] masked %lt3A_580 : memref<2x25088xf32, #tpu.memory_space<vmem>>[vector<16xi32>, vector<16xi32>], vector<16xf32>, vector<16xi1>
        %mul3A_584 = arith.constant 16 : i32
        %mul3A_585 = arith.muli %scan3A_570, %mul3A_584 : i32
        %swap3A_586 = arith.index_cast %mul3A_585 : i32 to index
        %swap3A_587 = tpu.vector_load %arg14[%swap3A_586] {strides = array<i32>} : memref<4096xf32, #tpu.memory_space<vmem>>, vector<16xf32>,
        tpu.vector_store %arg14[%swap3A_586], %gather3A_583 {add = true, strides = array<i32>} : memref<4096xf32, #tpu.memory_space<vmem>>, vector<16xf32>,
        %broadcast_in_dim3A_588 = arith.constant 1 : i32
        %broadcast_in_dim3A_589 = vector.broadcast %broadcast_in_dim3A_588 : i32 to vector<16xi32>
        %gather3A_590 = tpu.vector_load_idx %arg7[%broadcast_in_dim3A_589, %sub3A_577] masked %lt3A_580 : memref<2x25088xf32, #tpu.memory_space<vmem>>[vector<16xi32>, vector<16xi32>], vector<16xf32>, vector<16xi1>
        %mul3A_591 = arith.constant 16 : i32
        %mul3A_592 = arith.muli %scan3A_570, %mul3A_591 : i32
        %swap3A_593 = arith.index_cast %mul3A_592 : i32 to index
        %swap3A_594 = tpu.vector_load %arg15[%swap3A_593] {strides = array<i32>} : memref<4096xf32, #tpu.memory_space<vmem>>, vector<16xf32>,
        tpu.vector_store %arg15[%swap3A_593], %gather3A_590 {add = true, strides = array<i32>} : memref<4096xf32, #tpu.memory_space<vmem>>, vector<16xf32>,
      }
      %scan3A_324 = arith.constant 256 : i32
      %dma_start3A_325 = arith.constant 0 : i32
      %dma_start3A_326 = arith.constant 0 : i32
      %dma_start3A_327 = tpu.memref_slice %arg7[%dma_start3A_325, %dma_start3A_326] : memref<2x25088xf32, #tpu.memory_space<vmem>> -> memref<2x24704xf32, #tpu.memory_space<vmem>>
      %dma_start3A_328 = arith.constant 75264 : i32
      %dma_start3A_329 = tpu.memref_slice %arg2[%mul3A_247, %dma_start3A_328] : memref<1664x100000xf32, #tpu.memory_space<hbm>> -> memref<2x24704xf32, #tpu.memory_space<hbm>>
      %dma_start3A_330 = arith.constant 0 : i32
      %dma_start3A_331 = arith.constant 0 : i32
      %dma_start3A_332 = tpu.memref_slice %arg7[%dma_start3A_330, %dma_start3A_331] : memref<2x25088xf32, #tpu.memory_space<vmem>> -> memref<2x24704xf32, #tpu.memory_space<vmem>>
      %dma_start3A_333 = arith.constant 75264 : i32
      %dma_start3A_334 = tpu.memref_slice %arg2[%mul3A_247, %dma_start3A_333] : memref<1664x100000xf32, #tpu.memory_space<hbm>> -> memref<2x24704xf32, #tpu.memory_space<hbm>>
      tpu.enqueue_dma source(%dma_start3A_334 : memref<2x24704xf32, #tpu.memory_space<hbm>>) target(%dma_start3A_332 : memref<2x24704xf32, #tpu.memory_space<vmem>>) target_semaphore(%arg17 : memref<!tpu.dma_semaphore, #tpu.memory_space<semaphore_mem>>)
      %dma_wait3A_335 = arith.constant 0 : i32
      %dma_wait3A_336 = arith.constant 0 : i32
      %dma_wait3A_337 = tpu.memref_slice %arg6[%dma_wait3A_335, %dma_wait3A_336] : memref<2x25088xf32, #tpu.memory_space<vmem>> -> memref<2x25088xf32, #tpu.memory_space<vmem>>
      %dma_wait3A_338 = arith.constant 0 : i32
      %dma_wait3A_339 = arith.constant 50176 : i32
      %dma_wait3A_340 = tpu.memref_slice %arg2[%dma_wait3A_338, %dma_wait3A_339] : memref<1664x100000xf32, #tpu.memory_space<hbm>> -> memref<2x25088xf32, #tpu.memory_space<hbm>>
      %dma_wait3A_341 = arith.constant 0 : i32
      %dma_wait3A_342 = arith.constant 0 : i32
      %dma_wait3A_343 = tpu.memref_slice %arg6[%dma_wait3A_341, %dma_wait3A_342] : memref<2x25088xf32, #tpu.memory_space<vmem>> -> memref<2x25088xf32, #tpu.memory_space<vmem>>
      %dma_wait3A_344 = arith.constant 0 : i32
      %dma_wait3A_345 = arith.constant 50176 : i32
      %dma_wait3A_346 = tpu.memref_slice %arg2[%dma_wait3A_344, %dma_wait3A_345] : memref<1664x100000xf32, #tpu.memory_space<hbm>> -> memref<2x25088xf32, #tpu.memory_space<hbm>>
      tpu.wait_dma2 semaphore(%arg16 : memref<!tpu.dma_semaphore, #tpu.memory_space<semaphore_mem>>) src(%dma_wait3A_346 : memref<2x25088xf32, #tpu.memory_space<hbm>>) dst(%dma_wait3A_343 : memref<2x25088xf32, #tpu.memory_space<vmem>>)
      %scan3A_347 = arith.constant 0 : i32
      %scan3A_348 = arith.constant 256 : i32
      %scan3A_349 = arith.addi %scan3A_347, %scan3A_348 : i32
      %scan3A_350 = arith.constant 8 : i32
      scf.for %scan3A_393 = %scan3A_347 to %scan3A_349 step %scan3A_350  : i32 {
        %mul3A_394 = arith.constant 16 : i32
        %mul3A_395 = arith.muli %scan3A_393, %mul3A_394 : i32
        %get3A = arith.index_cast %mul3A_395 : i32 to index
        %get3A_396 = tpu.vector_load %arg9[%get3A] {strides = array<i32>} : memref<4096xi32, #tpu.memory_space<vmem>>, vector<16xi32>,
        %sub3A = arith.constant 50176 : i32
        %sub3A_397 = vector.broadcast %sub3A : i32 to vector<16xi32>
        %sub3A_398 = arith.subi %get3A_396, %sub3A_397 : vector<16xi32>
        %lt3A_399 = arith.constant 25088 : i32
        %lt3A_400 = vector.broadcast %lt3A_399 : i32 to vector<16xi32>
        %lt3A_401 = arith.cmpi ult, %sub3A_398, %lt3A_400 : vector<16xi32>
        %broadcast_in_dim3A = arith.constant 0 : i32
        %broadcast_in_dim3A_402 = vector.broadcast %broadcast_in_dim3A : i32 to vector<16xi32>
        %gather3A = tpu.vector_load_idx %arg6[%broadcast_in_dim3A_402, %sub3A_398] masked %lt3A_401 : memref<2x25088xf32, #tpu.memory_space<vmem>>[vector<16xi32>, vector<16xi32>], vector<16xf32>, vector<16xi1>
        %mul3A_403 = arith.constant 16 : i32
        %mul3A_404 = arith.muli %scan3A_393, %mul3A_403 : i32
        %swap3A = arith.index_cast %mul3A_404 : i32 to index
        %swap3A_405 = tpu.vector_load %arg14[%swap3A] {strides = array<i32>} : memref<4096xf32, #tpu.memory_space<vmem>>, vector<16xf32>,
        tpu.vector_store %arg14[%swap3A], %gather3A {add = true, strides = array<i32>} : memref<4096xf32, #tpu.memory_space<vmem>>, vector<16xf32>,
        %broadcast_in_dim3A_406 = arith.constant 1 : i32
        %broadcast_in_dim3A_407 = vector.broadcast %broadcast_in_dim3A_406 : i32 to vector<16xi32>
        %gather3A_408 = tpu.vector_load_idx %arg6[%broadcast_in_dim3A_407, %sub3A_398] masked %lt3A_401 : memref<2x25088xf32, #tpu.memory_space<vmem>>[vector<16xi32>, vector<16xi32>], vector<16xf32>, vector<16xi1>
        %mul3A_409 = arith.constant 16 : i32
        %mul3A_410 = arith.muli %scan3A_393, %mul3A_409 : i32
        %swap3A_411 = arith.index_cast %mul3A_410 : i32 to index
        %swap3A_412 = tpu.vector_load %arg15[%swap3A_411] {strides = array<i32>} : memref<4096xf32, #tpu.memory_space<vmem>>, vector<16xf32>,
        tpu.vector_store %arg15[%swap3A_411], %gather3A_408 {add = true, strides = array<i32>} : memref<4096xf32, #tpu.memory_space<vmem>>, vector<16xf32>,
        %scan3A_413 = arith.constant 1 : i32
        %scan3A_414 = arith.addi %scan3A_393, %scan3A_413 : i32
        %mul3A_415 = arith.constant 16 : i32
        %mul3A_416 = arith.muli %scan3A_414, %mul3A_415 : i32
        %get3A_417 = arith.index_cast %mul3A_416 : i32 to index
        %get3A_418 = tpu.vector_load %arg9[%get3A_417] {strides = array<i32>} : memref<4096xi32, #tpu.memory_space<vmem>>, vector<16xi32>,
        %sub3A_419 = arith.constant 50176 : i32
        %sub3A_420 = vector.broadcast %sub3A_419 : i32 to vector<16xi32>
        %sub3A_421 = arith.subi %get3A_418, %sub3A_420 : vector<16xi32>
        %lt3A_422 = arith.constant 25088 : i32
        %lt3A_423 = vector.broadcast %lt3A_422 : i32 to vector<16xi32>
        %lt3A_424 = arith.cmpi ult, %sub3A_421, %lt3A_423 : vector<16xi32>
        %broadcast_in_dim3A_425 = arith.constant 0 : i32
        %broadcast_in_dim3A_426 = vector.broadcast %broadcast_in_dim3A_425 : i32 to vector<16xi32>
        %gather3A_427 = tpu.vector_load_idx %arg6[%broadcast_in_dim3A_426, %sub3A_421] masked %lt3A_424 : memref<2x25088xf32, #tpu.memory_space<vmem>>[vector<16xi32>, vector<16xi32>], vector<16xf32>, vector<16xi1>
        %mul3A_428 = arith.constant 16 : i32
        %mul3A_429 = arith.muli %scan3A_414, %mul3A_428 : i32
        %swap3A_430 = arith.index_cast %mul3A_429 : i32 to index
        %swap3A_431 = tpu.vector_load %arg14[%swap3A_430] {strides = array<i32>} : memref<4096xf32, #tpu.memory_space<vmem>>, vector<16xf32>,
        tpu.vector_store %arg14[%swap3A_430], %gather3A_427 {add = true, strides = array<i32>} : memref<4096xf32, #tpu.memory_space<vmem>>, vector<16xf32>,
        %broadcast_in_dim3A_432 = arith.constant 1 : i32
        %broadcast_in_dim3A_433 = vector.broadcast %broadcast_in_dim3A_432 : i32 to vector<16xi32>
        %gather3A_434 = tpu.vector_load_idx %arg6[%broadcast_in_dim3A_433, %sub3A_421] masked %lt3A_424 : memref<2x25088xf32, #tpu.memory_space<vmem>>[vector<16xi32>, vector<16xi32>], vector<16xf32>, vector<16xi1>
        %mul3A_435 = arith.constant 16 : i32
        %mul3A_436 = arith.muli %scan3A_414, %mul3A_435 : i32
        %swap3A_437 = arith.index_cast %mul3A_436 : i32 to index
        %swap3A_438 = tpu.vector_load %arg15[%swap3A_437] {strides = array<i32>} : memref<4096xf32, #tpu.memory_space<vmem>>, vector<16xf32>,
        tpu.vector_store %arg15[%swap3A_437], %gather3A_434 {add = true, strides = array<i32>} : memref<4096xf32, #tpu.memory_space<vmem>>, vector<16xf32>,
        %scan3A_439 = arith.constant 2 : i32
        %scan3A_440 = arith.addi %scan3A_393, %scan3A_439 : i32
        %mul3A_441 = arith.constant 16 : i32
        %mul3A_442 = arith.muli %scan3A_440, %mul3A_441 : i32
        %get3A_443 = arith.index_cast %mul3A_442 : i32 to index
        %get3A_444 = tpu.vector_load %arg9[%get3A_443] {strides = array<i32>} : memref<4096xi32, #tpu.memory_space<vmem>>, vector<16xi32>,
        %sub3A_445 = arith.constant 50176 : i32
        %sub3A_446 = vector.broadcast %sub3A_445 : i32 to vector<16xi32>
        %sub3A_447 = arith.subi %get3A_444, %sub3A_446 : vector<16xi32>
        %lt3A_448 = arith.constant 25088 : i32
        %lt3A_449 = vector.broadcast %lt3A_448 : i32 to vector<16xi32>
        %lt3A_450 = arith.cmpi ult, %sub3A_447, %lt3A_449 : vector<16xi32>
        %broadcast_in_dim3A_451 = arith.constant 0 : i32
        %broadcast_in_dim3A_452 = vector.broadcast %broadcast_in_dim3A_451 : i32 to vector<16xi32>
        %gather3A_453 = tpu.vector_load_idx %arg6[%broadcast_in_dim3A_452, %sub3A_447] masked %lt3A_450 : memref<2x25088xf32, #tpu.memory_space<vmem>>[vector<16xi32>, vector<16xi32>], vector<16xf32>, vector<16xi1>
        %mul3A_454 = arith.constant 16 : i32
        %mul3A_455 = arith.muli %scan3A_440, %mul3A_454 : i32
        %swap3A_456 = arith.index_cast %mul3A_455 : i32 to index
        %swap3A_457 = tpu.vector_load %arg14[%swap3A_456] {strides = array<i32>} : memref<4096xf32, #tpu.memory_space<vmem>>, vector<16xf32>,
        tpu.vector_store %arg14[%swap3A_456], %gather3A_453 {add = true, strides = array<i32>} : memref<4096xf32, #tpu.memory_space<vmem>>, vector<16xf32>,
        %broadcast_in_dim3A_458 = arith.constant 1 : i32
        %broadcast_in_dim3A_459 = vector.broadcast %broadcast_in_dim3A_458 : i32 to vector<16xi32>
        %gather3A_460 = tpu.vector_load_idx %arg6[%broadcast_in_dim3A_459, %sub3A_447] masked %lt3A_450 : memref<2x25088xf32, #tpu.memory_space<vmem>>[vector<16xi32>, vector<16xi32>], vector<16xf32>, vector<16xi1>
        %mul3A_461 = arith.constant 16 : i32
        %mul3A_462 = arith.muli %scan3A_440, %mul3A_461 : i32
        %swap3A_463 = arith.index_cast %mul3A_462 : i32 to index
        %swap3A_464 = tpu.vector_load %arg15[%swap3A_463] {strides = array<i32>} : memref<4096xf32, #tpu.memory_space<vmem>>, vector<16xf32>,
        tpu.vector_store %arg15[%swap3A_463], %gather3A_460 {add = true, strides = array<i32>} : memref<4096xf32, #tpu.memory_space<vmem>>, vector<16xf32>,
        %scan3A_465 = arith.constant 3 : i32
        %scan3A_466 = arith.addi %scan3A_393, %scan3A_465 : i32
        %mul3A_467 = arith.constant 16 : i32
        %mul3A_468 = arith.muli %scan3A_466, %mul3A_467 : i32
        %get3A_469 = arith.index_cast %mul3A_468 : i32 to index
        %get3A_470 = tpu.vector_load %arg9[%get3A_469] {strides = array<i32>} : memref<4096xi32, #tpu.memory_space<vmem>>, vector<16xi32>,
        %sub3A_471 = arith.constant 50176 : i32
        %sub3A_472 = vector.broadcast %sub3A_471 : i32 to vector<16xi32>
        %sub3A_473 = arith.subi %get3A_470, %sub3A_472 : vector<16xi32>
        %lt3A_474 = arith.constant 25088 : i32
        %lt3A_475 = vector.broadcast %lt3A_474 : i32 to vector<16xi32>
        %lt3A_476 = arith.cmpi ult, %sub3A_473, %lt3A_475 : vector<16xi32>
        %broadcast_in_dim3A_477 = arith.constant 0 : i32
        %broadcast_in_dim3A_478 = vector.broadcast %broadcast_in_dim3A_477 : i32 to vector<16xi32>
        %gather3A_479 = tpu.vector_load_idx %arg6[%broadcast_in_dim3A_478, %sub3A_473] masked %lt3A_476 : memref<2x25088xf32, #tpu.memory_space<vmem>>[vector<16xi32>, vector<16xi32>], vector<16xf32>, vector<16xi1>
        %mul3A_480 = arith.constant 16 : i32
        %mul3A_481 = arith.muli %scan3A_466, %mul3A_480 : i32
        %swap3A_482 = arith.index_cast %mul3A_481 : i32 to index
        %swap3A_483 = tpu.vector_load %arg14[%swap3A_482] {strides = array<i32>} : memref<4096xf32, #tpu.memory_space<vmem>>, vector<16xf32>,
        tpu.vector_store %arg14[%swap3A_482], %gather3A_479 {add = true, strides = array<i32>} : memref<4096xf32, #tpu.memory_space<vmem>>, vector<16xf32>,
        %broadcast_in_dim3A_484 = arith.constant 1 : i32
        %broadcast_in_dim3A_485 = vector.broadcast %broadcast_in_dim3A_484 : i32 to vector<16xi32>
        %gather3A_486 = tpu.vector_load_idx %arg6[%broadcast_in_dim3A_485, %sub3A_473] masked %lt3A_476 : memref<2x25088xf32, #tpu.memory_space<vmem>>[vector<16xi32>, vector<16xi32>], vector<16xf32>, vector<16xi1>
        %mul3A_487 = arith.constant 16 : i32
        %mul3A_488 = arith.muli %scan3A_466, %mul3A_487 : i32
        %swap3A_489 = arith.index_cast %mul3A_488 : i32 to index
        %swap3A_490 = tpu.vector_load %arg15[%swap3A_489] {strides = array<i32>} : memref<4096xf32, #tpu.memory_space<vmem>>, vector<16xf32>,
        tpu.vector_store %arg15[%swap3A_489], %gather3A_486 {add = true, strides = array<i32>} : memref<4096xf32, #tpu.memory_space<vmem>>, vector<16xf32>,
        %scan3A_491 = arith.constant 4 : i32
        %scan3A_492 = arith.addi %scan3A_393, %scan3A_491 : i32
        %mul3A_493 = arith.constant 16 : i32
        %mul3A_494 = arith.muli %scan3A_492, %mul3A_493 : i32
        %get3A_495 = arith.index_cast %mul3A_494 : i32 to index
        %get3A_496 = tpu.vector_load %arg9[%get3A_495] {strides = array<i32>} : memref<4096xi32, #tpu.memory_space<vmem>>, vector<16xi32>,
        %sub3A_497 = arith.constant 50176 : i32
        %sub3A_498 = vector.broadcast %sub3A_497 : i32 to vector<16xi32>
        %sub3A_499 = arith.subi %get3A_496, %sub3A_498 : vector<16xi32>
        %lt3A_500 = arith.constant 25088 : i32
        %lt3A_501 = vector.broadcast %lt3A_500 : i32 to vector<16xi32>
        %lt3A_502 = arith.cmpi ult, %sub3A_499, %lt3A_501 : vector<16xi32>
        %broadcast_in_dim3A_503 = arith.constant 0 : i32
        %broadcast_in_dim3A_504 = vector.broadcast %broadcast_in_dim3A_503 : i32 to vector<16xi32>
        %gather3A_505 = tpu.vector_load_idx %arg6[%broadcast_in_dim3A_504, %sub3A_499] masked %lt3A_502 : memref<2x25088xf32, #tpu.memory_space<vmem>>[vector<16xi32>, vector<16xi32>], vector<16xf32>, vector<16xi1>
        %mul3A_506 = arith.constant 16 : i32
        %mul3A_507 = arith.muli %scan3A_492, %mul3A_506 : i32
        %swap3A_508 = arith.index_cast %mul3A_507 : i32 to index
        %swap3A_509 = tpu.vector_load %arg14[%swap3A_508] {strides = array<i32>} : memref<4096xf32, #tpu.memory_space<vmem>>, vector<16xf32>,
        tpu.vector_store %arg14[%swap3A_508], %gather3A_505 {add = true, strides = array<i32>} : memref<4096xf32, #tpu.memory_space<vmem>>, vector<16xf32>,
        %broadcast_in_dim3A_510 = arith.constant 1 : i32
        %broadcast_in_dim3A_511 = vector.broadcast %broadcast_in_dim3A_510 : i32 to vector<16xi32>
        %gather3A_512 = tpu.vector_load_idx %arg6[%broadcast_in_dim3A_511, %sub3A_499] masked %lt3A_502 : memref<2x25088xf32, #tpu.memory_space<vmem>>[vector<16xi32>, vector<16xi32>], vector<16xf32>, vector<16xi1>
        %mul3A_513 = arith.constant 16 : i32
        %mul3A_514 = arith.muli %scan3A_492, %mul3A_513 : i32
        %swap3A_515 = arith.index_cast %mul3A_514 : i32 to index
        %swap3A_516 = tpu.vector_load %arg15[%swap3A_515] {strides = array<i32>} : memref<4096xf32, #tpu.memory_space<vmem>>, vector<16xf32>,
        tpu.vector_store %arg15[%swap3A_515], %gather3A_512 {add = true, strides = array<i32>} : memref<4096xf32, #tpu.memory_space<vmem>>, vector<16xf32>,
        %scan3A_517 = arith.constant 5 : i32
        %scan3A_518 = arith.addi %scan3A_393, %scan3A_517 : i32
        %mul3A_519 = arith.constant 16 : i32
        %mul3A_520 = arith.muli %scan3A_518, %mul3A_519 : i32
        %get3A_521 = arith.index_cast %mul3A_520 : i32 to index
        %get3A_522 = tpu.vector_load %arg9[%get3A_521] {strides = array<i32>} : memref<4096xi32, #tpu.memory_space<vmem>>, vector<16xi32>,
        %sub3A_523 = arith.constant 50176 : i32
        %sub3A_524 = vector.broadcast %sub3A_523 : i32 to vector<16xi32>
        %sub3A_525 = arith.subi %get3A_522, %sub3A_524 : vector<16xi32>
        %lt3A_526 = arith.constant 25088 : i32
        %lt3A_527 = vector.broadcast %lt3A_526 : i32 to vector<16xi32>
        %lt3A_528 = arith.cmpi ult, %sub3A_525, %lt3A_527 : vector<16xi32>
        %broadcast_in_dim3A_529 = arith.constant 0 : i32
        %broadcast_in_dim3A_530 = vector.broadcast %broadcast_in_dim3A_529 : i32 to vector<16xi32>
        %gather3A_531 = tpu.vector_load_idx %arg6[%broadcast_in_dim3A_530, %sub3A_525] masked %lt3A_528 : memref<2x25088xf32, #tpu.memory_space<vmem>>[vector<16xi32>, vector<16xi32>], vector<16xf32>, vector<16xi1>
        %mul3A_532 = arith.constant 16 : i32
        %mul3A_533 = arith.muli %scan3A_518, %mul3A_532 : i32
        %swap3A_534 = arith.index_cast %mul3A_533 : i32 to index
        %swap3A_535 = tpu.vector_load %arg14[%swap3A_534] {strides = array<i32>} : memref<4096xf32, #tpu.memory_space<vmem>>, vector<16xf32>,
        tpu.vector_store %arg14[%swap3A_534], %gather3A_531 {add = true, strides = array<i32>} : memref<4096xf32, #tpu.memory_space<vmem>>, vector<16xf32>,
        %broadcast_in_dim3A_536 = arith.constant 1 : i32
        %broadcast_in_dim3A_537 = vector.broadcast %broadcast_in_dim3A_536 : i32 to vector<16xi32>
        %gather3A_538 = tpu.vector_load_idx %arg6[%broadcast_in_dim3A_537, %sub3A_525] masked %lt3A_528 : memref<2x25088xf32, #tpu.memory_space<vmem>>[vector<16xi32>, vector<16xi32>], vector<16xf32>, vector<16xi1>
        %mul3A_539 = arith.constant 16 : i32
        %mul3A_540 = arith.muli %scan3A_518, %mul3A_539 : i32
        %swap3A_541 = arith.index_cast %mul3A_540 : i32 to index
        %swap3A_542 = tpu.vector_load %arg15[%swap3A_541] {strides = array<i32>} : memref<4096xf32, #tpu.memory_space<vmem>>, vector<16xf32>,
        tpu.vector_store %arg15[%swap3A_541], %gather3A_538 {add = true, strides = array<i32>} : memref<4096xf32, #tpu.memory_space<vmem>>, vector<16xf32>,
        %scan3A_543 = arith.constant 6 : i32
        %scan3A_544 = arith.addi %scan3A_393, %scan3A_543 : i32
        %mul3A_545 = arith.constant 16 : i32
        %mul3A_546 = arith.muli %scan3A_544, %mul3A_545 : i32
        %get3A_547 = arith.index_cast %mul3A_546 : i32 to index
        %get3A_548 = tpu.vector_load %arg9[%get3A_547] {strides = array<i32>} : memref<4096xi32, #tpu.memory_space<vmem>>, vector<16xi32>,
        %sub3A_549 = arith.constant 50176 : i32
        %sub3A_550 = vector.broadcast %sub3A_549 : i32 to vector<16xi32>
        %sub3A_551 = arith.subi %get3A_548, %sub3A_550 : vector<16xi32>
        %lt3A_552 = arith.constant 25088 : i32
        %lt3A_553 = vector.broadcast %lt3A_552 : i32 to vector<16xi32>
        %lt3A_554 = arith.cmpi ult, %sub3A_551, %lt3A_553 : vector<16xi32>
        %broadcast_in_dim3A_555 = arith.constant 0 : i32
        %broadcast_in_dim3A_556 = vector.broadcast %broadcast_in_dim3A_555 : i32 to vector<16xi32>
        %gather3A_557 = tpu.vector_load_idx %arg6[%broadcast_in_dim3A_556, %sub3A_551] masked %lt3A_554 : memref<2x25088xf32, #tpu.memory_space<vmem>>[vector<16xi32>, vector<16xi32>], vector<16xf32>, vector<16xi1>
        %mul3A_558 = arith.constant 16 : i32
        %mul3A_559 = arith.muli %scan3A_544, %mul3A_558 : i32
        %swap3A_560 = arith.index_cast %mul3A_559 : i32 to index
        %swap3A_561 = tpu.vector_load %arg14[%swap3A_560] {strides = array<i32>} : memref<4096xf32, #tpu.memory_space<vmem>>, vector<16xf32>,
        tpu.vector_store %arg14[%swap3A_560], %gather3A_557 {add = true, strides = array<i32>} : memref<4096xf32, #tpu.memory_space<vmem>>, vector<16xf32>,
        %broadcast_in_dim3A_562 = arith.constant 1 : i32
        %broadcast_in_dim3A_563 = vector.broadcast %broadcast_in_dim3A_562 : i32 to vector<16xi32>
        %gather3A_564 = tpu.vector_load_idx %arg6[%broadcast_in_dim3A_563, %sub3A_551] masked %lt3A_554 : memref<2x25088xf32, #tpu.memory_space<vmem>>[vector<16xi32>, vector<16xi32>], vector<16xf32>, vector<16xi1>
        %mul3A_565 = arith.constant 16 : i32
        %mul3A_566 = arith.muli %scan3A_544, %mul3A_565 : i32
        %swap3A_567 = arith.index_cast %mul3A_566 : i32 to index
        %swap3A_568 = tpu.vector_load %arg15[%swap3A_567] {strides = array<i32>} : memref<4096xf32, #tpu.memory_space<vmem>>, vector<16xf32>,
        tpu.vector_store %arg15[%swap3A_567], %gather3A_564 {add = true, strides = array<i32>} : memref<4096xf32, #tpu.memory_space<vmem>>, vector<16xf32>,
        %scan3A_569 = arith.constant 7 : i32
        %scan3A_570 = arith.addi %scan3A_393, %scan3A_569 : i32
        %mul3A_571 = arith.constant 16 : i32
        %mul3A_572 = arith.muli %scan3A_570, %mul3A_571 : i32
        %get3A_573 = arith.index_cast %mul3A_572 : i32 to index
        %get3A_574 = tpu.vector_load %arg9[%get3A_573] {strides = array<i32>} : memref<4096xi32, #tpu.memory_space<vmem>>, vector<16xi32>,
        %sub3A_575 = arith.constant 50176 : i32
        %sub3A_576 = vector.broadcast %sub3A_575 : i32 to vector<16xi32>
        %sub3A_577 = arith.subi %get3A_574, %sub3A_576 : vector<16xi32>
        %lt3A_578 = arith.constant 25088 : i32
        %lt3A_579 = vector.broadcast %lt3A_578 : i32 to vector<16xi32>
        %lt3A_580 = arith.cmpi ult, %sub3A_577, %lt3A_579 : vector<16xi32>
        %broadcast_in_dim3A_581 = arith.constant 0 : i32
        %broadcast_in_dim3A_582 = vector.broadcast %broadcast_in_dim3A_581 : i32 to vector<16xi32>
        %gather3A_583 = tpu.vector_load_idx %arg6[%broadcast_in_dim3A_582, %sub3A_577] masked %lt3A_580 : memref<2x25088xf32, #tpu.memory_space<vmem>>[vector<16xi32>, vector<16xi32>], vector<16xf32>, vector<16xi1>
        %mul3A_584 = arith.constant 16 : i32
        %mul3A_585 = arith.muli %scan3A_570, %mul3A_584 : i32
        %swap3A_586 = arith.index_cast %mul3A_585 : i32 to index
        %swap3A_587 = tpu.vector_load %arg14[%swap3A_586] {strides = array<i32>} : memref<4096xf32, #tpu.memory_space<vmem>>, vector<16xf32>,
        tpu.vector_store %arg14[%swap3A_586], %gather3A_583 {add = true, strides = array<i32>} : memref<4096xf32, #tpu.memory_space<vmem>>, vector<16xf32>,
        %broadcast_in_dim3A_588 = arith.constant 1 : i32
        %broadcast_in_dim3A_589 = vector.broadcast %broadcast_in_dim3A_588 : i32 to vector<16xi32>
        %gather3A_590 = tpu.vector_load_idx %arg6[%broadcast_in_dim3A_589, %sub3A_577] masked %lt3A_580 : memref<2x25088xf32, #tpu.memory_space<vmem>>[vector<16xi32>, vector<16xi32>], vector<16xf32>, vector<16xi1>
        %mul3A_591 = arith.constant 16 : i32
        %mul3A_592 = arith.muli %scan3A_570, %mul3A_591 : i32
        %swap3A_593 = arith.index_cast %mul3A_592 : i32 to index
        %swap3A_594 = tpu.vector_load %arg15[%swap3A_593] {strides = array<i32>} : memref<4096xf32, #tpu.memory_space<vmem>>, vector<16xf32>,
        tpu.vector_store %arg15[%swap3A_593], %gather3A_590 {add = true, strides = array<i32>} : memref<4096xf32, #tpu.memory_space<vmem>>, vector<16xf32>,
      }
      %scan3A_351 = arith.constant 256 : i32
      %convert_element_type3A_352 = arith.extui %lt3A_239 : i1 to i32
      %cond3A_353 = arith.constant 0 : i32
      %cond3A_354 = arith.cmpi ne, %convert_element_type3A_352, %cond3A_353 : i32
      scf.if %cond3A_354 {
        %dma_start3A_393 = arith.constant 0 : i32
        %dma_start3A_394 = arith.constant 0 : i32
        %dma_start3A_395 = tpu.memref_slice %arg6[%dma_start3A_393, %dma_start3A_394] : memref<2x25088xf32, #tpu.memory_space<vmem>> -> memref<2x25088xf32, #tpu.memory_space<vmem>>
        %dma_start3A_396 = arith.constant 0 : i32
        %dma_start3A_397 = tpu.memref_slice %arg2[%mul3A_257, %dma_start3A_396] : memref<1664x100000xf32, #tpu.memory_space<hbm>> -> memref<2x25088xf32, #tpu.memory_space<hbm>>
        %dma_start3A_398 = arith.constant 0 : i32
        %dma_start3A_399 = arith.constant 0 : i32
        %dma_start3A_400 = tpu.memref_slice %arg6[%dma_start3A_398, %dma_start3A_399] : memref<2x25088xf32, #tpu.memory_space<vmem>> -> memref<2x25088xf32, #tpu.memory_space<vmem>>
        %dma_start3A_401 = arith.constant 0 : i32
        %dma_start3A_402 = tpu.memref_slice %arg2[%mul3A_257, %dma_start3A_401] : memref<1664x100000xf32, #tpu.memory_space<hbm>> -> memref<2x25088xf32, #tpu.memory_space<hbm>>
        tpu.enqueue_dma source(%dma_start3A_402 : memref<2x25088xf32, #tpu.memory_space<hbm>>) target(%dma_start3A_400 : memref<2x25088xf32, #tpu.memory_space<vmem>>) target_semaphore(%arg16 : memref<!tpu.dma_semaphore, #tpu.memory_space<semaphore_mem>>)
        %shift_right_arithmetic3A_403 = arith.constant 6 : i32
        %shift_right_arithmetic3A_404 = arith.shrsi %mul3A_257, %shift_right_arithmetic3A_403 : i32
        %mul3A_405 = arith.constant 4096 : i32
        %mul3A_406 = arith.muli %shift_right_arithmetic3A_404, %mul3A_405 : i32
        %dma_start3A_407 = tpu.memref_slice %arg3[%mul3A_406] : memref<106496xi32, #tpu.memory_space<hbm>> -> memref<4096xi32, #tpu.memory_space<hbm>>
        %dma_start3A_408 = tpu.memref_slice %arg3[%mul3A_406] : memref<106496xi32, #tpu.memory_space<hbm>> -> memref<4096xi32, #tpu.memory_space<hbm>>
        tpu.enqueue_dma source(%dma_start3A_408 : memref<4096xi32, #tpu.memory_space<hbm>>) target(%arg8 : memref<4096xi32, #tpu.memory_space<vmem>>) target_semaphore(%arg18 : memref<!tpu.dma_semaphore, #tpu.memory_space<semaphore_mem>>)
        %add3A_409 = arith.constant 0 : i32
        %add3A_410 = arith.addi %mul3A_257, %add3A_409 : i32
        %dma_start3A_411 = arith.constant 99968 : i32
        %dma_start3A_412 = tpu.memref_slice %arg2[%add3A_410, %dma_start3A_411] : memref<1664x100000xf32, #tpu.memory_space<hbm>> -> memref<1x32xf32, #tpu.memory_space<hbm>>
        %dma_start3A_413 = tpu.memref_squeeze %dma_start3A_412 : memref<1x32xf32, #tpu.memory_space<hbm>> -> memref<32xf32, #tpu.memory_space<hbm>>
        %dma_start3A_414 = arith.constant 99968 : i32
        %dma_start3A_415 = tpu.memref_slice %arg2[%add3A_410, %dma_start3A_414] : memref<1664x100000xf32, #tpu.memory_space<hbm>> -> memref<1x32xf32, #tpu.memory_space<hbm>>
        %dma_start3A_416 = tpu.memref_squeeze %dma_start3A_415 : memref<1x32xf32, #tpu.memory_space<hbm>> -> memref<32xf32, #tpu.memory_space<hbm>>
        tpu.enqueue_dma source(%dma_start3A_416 : memref<32xf32, #tpu.memory_space<hbm>>) target(%arg10 : memref<32xf32, #tpu.memory_space<vmem>>) target_semaphore(%arg18 : memref<!tpu.dma_semaphore, #tpu.memory_space<semaphore_mem>>)
        %add3A_417 = arith.constant 1 : i32
        %add3A_418 = arith.addi %mul3A_257, %add3A_417 : i32
        %dma_start3A_419 = arith.constant 99968 : i32
        %dma_start3A_420 = tpu.memref_slice %arg2[%add3A_418, %dma_start3A_419] : memref<1664x100000xf32, #tpu.memory_space<hbm>> -> memref<1x32xf32, #tpu.memory_space<hbm>>
        %dma_start3A_421 = tpu.memref_squeeze %dma_start3A_420 : memref<1x32xf32, #tpu.memory_space<hbm>> -> memref<32xf32, #tpu.memory_space<hbm>>
        %dma_start3A_422 = arith.constant 99968 : i32
        %dma_start3A_423 = tpu.memref_slice %arg2[%add3A_418, %dma_start3A_422] : memref<1664x100000xf32, #tpu.memory_space<hbm>> -> memref<1x32xf32, #tpu.memory_space<hbm>>
        %dma_start3A_424 = tpu.memref_squeeze %dma_start3A_423 : memref<1x32xf32, #tpu.memory_space<hbm>> -> memref<32xf32, #tpu.memory_space<hbm>>
        tpu.enqueue_dma source(%dma_start3A_424 : memref<32xf32, #tpu.memory_space<hbm>>) target(%arg11 : memref<32xf32, #tpu.memory_space<vmem>>) target_semaphore(%arg18 : memref<!tpu.dma_semaphore, #tpu.memory_space<semaphore_mem>>)
      } else {
      }
      %dma_wait3A_355 = arith.constant 0 : i32
      %dma_wait3A_356 = arith.constant 0 : i32
      %dma_wait3A_357 = tpu.memref_slice %arg7[%dma_wait3A_355, %dma_wait3A_356] : memref<2x25088xf32, #tpu.memory_space<vmem>> -> memref<2x24704xf32, #tpu.memory_space<vmem>>
      %dma_wait3A_358 = arith.constant 0 : i32
      %dma_wait3A_359 = arith.constant 75264 : i32
      %dma_wait3A_360 = tpu.memref_slice %arg2[%dma_wait3A_358, %dma_wait3A_359] : memref<1664x100000xf32, #tpu.memory_space<hbm>> -> memref<2x24704xf32, #tpu.memory_space<hbm>>
      %dma_wait3A_361 = arith.constant 0 : i32
      %dma_wait3A_362 = arith.constant 0 : i32
      %dma_wait3A_363 = tpu.memref_slice %arg7[%dma_wait3A_361, %dma_wait3A_362] : memref<2x25088xf32, #tpu.memory_space<vmem>> -> memref<2x24704xf32, #tpu.memory_space<vmem>>
      %dma_wait3A_364 = arith.constant 0 : i32
      %dma_wait3A_365 = arith.constant 75264 : i32
      %dma_wait3A_366 = tpu.memref_slice %arg2[%dma_wait3A_364, %dma_wait3A_365] : memref<1664x100000xf32, #tpu.memory_space<hbm>> -> memref<2x24704xf32, #tpu.memory_space<hbm>>
      tpu.wait_dma2 semaphore(%arg17 : memref<!tpu.dma_semaphore, #tpu.memory_space<semaphore_mem>>) src(%dma_wait3A_366 : memref<2x24704xf32, #tpu.memory_space<hbm>>) dst(%dma_wait3A_363 : memref<2x24704xf32, #tpu.memory_space<vmem>>)
      %scan3A_367 = arith.constant 0 : i32
      %scan3A_368 = arith.constant 256 : i32
      %scan3A_369 = arith.addi %scan3A_367, %scan3A_368 : i32
      %scan3A_370 = arith.constant 8 : i32
      scf.for %scan3A_393 = %scan3A_367 to %scan3A_369 step %scan3A_370  : i32 {
        %mul3A_394 = arith.constant 16 : i32
        %mul3A_395 = arith.muli %scan3A_393, %mul3A_394 : i32
        %get3A = arith.index_cast %mul3A_395 : i32 to index
        %get3A_396 = tpu.vector_load %arg9[%get3A] {strides = array<i32>} : memref<4096xi32, #tpu.memory_space<vmem>>, vector<16xi32>,
        %sub3A = arith.constant 75264 : i32
        %sub3A_397 = vector.broadcast %sub3A : i32 to vector<16xi32>
        %sub3A_398 = arith.subi %get3A_396, %sub3A_397 : vector<16xi32>
        %lt3A_399 = arith.constant 24704 : i32
        %lt3A_400 = vector.broadcast %lt3A_399 : i32 to vector<16xi32>
        %lt3A_401 = arith.cmpi ult, %sub3A_398, %lt3A_400 : vector<16xi32>
        %sub3A_402 = arith.constant 99968 : i32
        %sub3A_403 = vector.broadcast %sub3A_402 : i32 to vector<16xi32>
        %sub3A_404 = arith.subi %get3A_396, %sub3A_403 : vector<16xi32>
        %ge3A = arith.constant 0 : i32
        %ge3A_405 = vector.broadcast %ge3A : i32 to vector<16xi32>
        %ge3A_406 = arith.cmpi sge, %sub3A_404, %ge3A_405 : vector<16xi32>
        %broadcast_in_dim3A = arith.constant 0 : i32
        %broadcast_in_dim3A_407 = vector.broadcast %broadcast_in_dim3A : i32 to vector<16xi32>
        %gather3A = tpu.vector_load_idx %arg7[%broadcast_in_dim3A_407, %sub3A_398] masked %lt3A_401 : memref<2x25088xf32, #tpu.memory_space<vmem>>[vector<16xi32>, vector<16xi32>], vector<16xf32>, vector<16xi1>
        %mul3A_408 = arith.constant 16 : i32
        %mul3A_409 = arith.muli %scan3A_393, %mul3A_408 : i32
        %swap3A = arith.index_cast %mul3A_409 : i32 to index
        %swap3A_410 = tpu.vector_load %arg14[%swap3A] {strides = array<i32>} : memref<4096xf32, #tpu.memory_space<vmem>>, vector<16xf32>,
        tpu.vector_store %arg14[%swap3A], %gather3A {add = true, strides = array<i32>} : memref<4096xf32, #tpu.memory_space<vmem>>, vector<16xf32>,
        %gather3A_411 = tpu.vector_load_idx %arg12[%sub3A_404] masked %ge3A_406 : memref<32xf32, #tpu.memory_space<vmem>>[vector<16xi32>], vector<16xf32>, vector<16xi1>
        %mul3A_412 = arith.constant 16 : i32
        %mul3A_413 = arith.muli %scan3A_393, %mul3A_412 : i32
        %swap3A_414 = arith.index_cast %mul3A_413 : i32 to index
        %swap3A_415 = tpu.vector_load %arg14[%swap3A_414] {strides = array<i32>} : memref<4096xf32, #tpu.memory_space<vmem>>, vector<16xf32>,
        tpu.vector_store %arg14[%swap3A_414], %gather3A_411 {add = true, strides = array<i32>} : memref<4096xf32, #tpu.memory_space<vmem>>, vector<16xf32>,
        %broadcast_in_dim3A_416 = arith.constant 1 : i32
        %broadcast_in_dim3A_417 = vector.broadcast %broadcast_in_dim3A_416 : i32 to vector<16xi32>
        %gather3A_418 = tpu.vector_load_idx %arg7[%broadcast_in_dim3A_417, %sub3A_398] masked %lt3A_401 : memref<2x25088xf32, #tpu.memory_space<vmem>>[vector<16xi32>, vector<16xi32>], vector<16xf32>, vector<16xi1>
        %mul3A_419 = arith.constant 16 : i32
        %mul3A_420 = arith.muli %scan3A_393, %mul3A_419 : i32
        %swap3A_421 = arith.index_cast %mul3A_420 : i32 to index
        %swap3A_422 = tpu.vector_load %arg15[%swap3A_421] {strides = array<i32>} : memref<4096xf32, #tpu.memory_space<vmem>>, vector<16xf32>,
        tpu.vector_store %arg15[%swap3A_421], %gather3A_418 {add = true, strides = array<i32>} : memref<4096xf32, #tpu.memory_space<vmem>>, vector<16xf32>,
        %gather3A_423 = tpu.vector_load_idx %arg13[%sub3A_404] masked %ge3A_406 : memref<32xf32, #tpu.memory_space<vmem>>[vector<16xi32>], vector<16xf32>, vector<16xi1>
        %mul3A_424 = arith.constant 16 : i32
        %mul3A_425 = arith.muli %scan3A_393, %mul3A_424 : i32
        %swap3A_426 = arith.index_cast %mul3A_425 : i32 to index
        %swap3A_427 = tpu.vector_load %arg15[%swap3A_426] {strides = array<i32>} : memref<4096xf32, #tpu.memory_space<vmem>>, vector<16xf32>,
        tpu.vector_store %arg15[%swap3A_426], %gather3A_423 {add = true, strides = array<i32>} : memref<4096xf32, #tpu.memory_space<vmem>>, vector<16xf32>,
        %scan3A_428 = arith.constant 1 : i32
        %scan3A_429 = arith.addi %scan3A_393, %scan3A_428 : i32
        %mul3A_430 = arith.constant 16 : i32
        %mul3A_431 = arith.muli %scan3A_429, %mul3A_430 : i32
        %get3A_432 = arith.index_cast %mul3A_431 : i32 to index
        %get3A_433 = tpu.vector_load %arg9[%get3A_432] {strides = array<i32>} : memref<4096xi32, #tpu.memory_space<vmem>>, vector<16xi32>,
        %sub3A_434 = arith.constant 75264 : i32
        %sub3A_435 = vector.broadcast %sub3A_434 : i32 to vector<16xi32>
        %sub3A_436 = arith.subi %get3A_433, %sub3A_435 : vector<16xi32>
        %lt3A_437 = arith.constant 24704 : i32
        %lt3A_438 = vector.broadcast %lt3A_437 : i32 to vector<16xi32>
        %lt3A_439 = arith.cmpi ult, %sub3A_436, %lt3A_438 : vector<16xi32>
        %sub3A_440 = arith.constant 99968 : i32
        %sub3A_441 = vector.broadcast %sub3A_440 : i32 to vector<16xi32>
        %sub3A_442 = arith.subi %get3A_433, %sub3A_441 : vector<16xi32>
        %ge3A_443 = arith.constant 0 : i32
        %ge3A_444 = vector.broadcast %ge3A_443 : i32 to vector<16xi32>
        %ge3A_445 = arith.cmpi sge, %sub3A_442, %ge3A_444 : vector<16xi32>
        %broadcast_in_dim3A_446 = arith.constant 0 : i32
        %broadcast_in_dim3A_447 = vector.broadcast %broadcast_in_dim3A_446 : i32 to vector<16xi32>
        %gather3A_448 = tpu.vector_load_idx %arg7[%broadcast_in_dim3A_447, %sub3A_436] masked %lt3A_439 : memref<2x25088xf32, #tpu.memory_space<vmem>>[vector<16xi32>, vector<16xi32>], vector<16xf32>, vector<16xi1>
        %mul3A_449 = arith.constant 16 : i32
        %mul3A_450 = arith.muli %scan3A_429, %mul3A_449 : i32
        %swap3A_451 = arith.index_cast %mul3A_450 : i32 to index
        %swap3A_452 = tpu.vector_load %arg14[%swap3A_451] {strides = array<i32>} : memref<4096xf32, #tpu.memory_space<vmem>>, vector<16xf32>,
        tpu.vector_store %arg14[%swap3A_451], %gather3A_448 {add = true, strides = array<i32>} : memref<4096xf32, #tpu.memory_space<vmem>>, vector<16xf32>,
        %gather3A_453 = tpu.vector_load_idx %arg12[%sub3A_442] masked %ge3A_445 : memref<32xf32, #tpu.memory_space<vmem>>[vector<16xi32>], vector<16xf32>, vector<16xi1>
        %mul3A_454 = arith.constant 16 : i32
        %mul3A_455 = arith.muli %scan3A_429, %mul3A_454 : i32
        %swap3A_456 = arith.index_cast %mul3A_455 : i32 to index
        %swap3A_457 = tpu.vector_load %arg14[%swap3A_456] {strides = array<i32>} : memref<4096xf32, #tpu.memory_space<vmem>>, vector<16xf32>,
        tpu.vector_store %arg14[%swap3A_456], %gather3A_453 {add = true, strides = array<i32>} : memref<4096xf32, #tpu.memory_space<vmem>>, vector<16xf32>,
        %broadcast_in_dim3A_458 = arith.constant 1 : i32
        %broadcast_in_dim3A_459 = vector.broadcast %broadcast_in_dim3A_458 : i32 to vector<16xi32>
        %gather3A_460 = tpu.vector_load_idx %arg7[%broadcast_in_dim3A_459, %sub3A_436] masked %lt3A_439 : memref<2x25088xf32, #tpu.memory_space<vmem>>[vector<16xi32>, vector<16xi32>], vector<16xf32>, vector<16xi1>
        %mul3A_461 = arith.constant 16 : i32
        %mul3A_462 = arith.muli %scan3A_429, %mul3A_461 : i32
        %swap3A_463 = arith.index_cast %mul3A_462 : i32 to index
        %swap3A_464 = tpu.vector_load %arg15[%swap3A_463] {strides = array<i32>} : memref<4096xf32, #tpu.memory_space<vmem>>, vector<16xf32>,
        tpu.vector_store %arg15[%swap3A_463], %gather3A_460 {add = true, strides = array<i32>} : memref<4096xf32, #tpu.memory_space<vmem>>, vector<16xf32>,
        %gather3A_465 = tpu.vector_load_idx %arg13[%sub3A_442] masked %ge3A_445 : memref<32xf32, #tpu.memory_space<vmem>>[vector<16xi32>], vector<16xf32>, vector<16xi1>
        %mul3A_466 = arith.constant 16 : i32
        %mul3A_467 = arith.muli %scan3A_429, %mul3A_466 : i32
        %swap3A_468 = arith.index_cast %mul3A_467 : i32 to index
        %swap3A_469 = tpu.vector_load %arg15[%swap3A_468] {strides = array<i32>} : memref<4096xf32, #tpu.memory_space<vmem>>, vector<16xf32>,
        tpu.vector_store %arg15[%swap3A_468], %gather3A_465 {add = true, strides = array<i32>} : memref<4096xf32, #tpu.memory_space<vmem>>, vector<16xf32>,
        %scan3A_470 = arith.constant 2 : i32
        %scan3A_471 = arith.addi %scan3A_393, %scan3A_470 : i32
        %mul3A_472 = arith.constant 16 : i32
        %mul3A_473 = arith.muli %scan3A_471, %mul3A_472 : i32
        %get3A_474 = arith.index_cast %mul3A_473 : i32 to index
        %get3A_475 = tpu.vector_load %arg9[%get3A_474] {strides = array<i32>} : memref<4096xi32, #tpu.memory_space<vmem>>, vector<16xi32>,
        %sub3A_476 = arith.constant 75264 : i32
        %sub3A_477 = vector.broadcast %sub3A_476 : i32 to vector<16xi32>
        %sub3A_478 = arith.subi %get3A_475, %sub3A_477 : vector<16xi32>
        %lt3A_479 = arith.constant 24704 : i32
        %lt3A_480 = vector.broadcast %lt3A_479 : i32 to vector<16xi32>
        %lt3A_481 = arith.cmpi ult, %sub3A_478, %lt3A_480 : vector<16xi32>
        %sub3A_482 = arith.constant 99968 : i32
        %sub3A_483 = vector.broadcast %sub3A_482 : i32 to vector<16xi32>
        %sub3A_484 = arith.subi %get3A_475, %sub3A_483 : vector<16xi32>
        %ge3A_485 = arith.constant 0 : i32
        %ge3A_486 = vector.broadcast %ge3A_485 : i32 to vector<16xi32>
        %ge3A_487 = arith.cmpi sge, %sub3A_484, %ge3A_486 : vector<16xi32>
        %broadcast_in_dim3A_488 = arith.constant 0 : i32
        %broadcast_in_dim3A_489 = vector.broadcast %broadcast_in_dim3A_488 : i32 to vector<16xi32>
        %gather3A_490 = tpu.vector_load_idx %arg7[%broadcast_in_dim3A_489, %sub3A_478] masked %lt3A_481 : memref<2x25088xf32, #tpu.memory_space<vmem>>[vector<16xi32>, vector<16xi32>], vector<16xf32>, vector<16xi1>
        %mul3A_491 = arith.constant 16 : i32
        %mul3A_492 = arith.muli %scan3A_471, %mul3A_491 : i32
        %swap3A_493 = arith.index_cast %mul3A_492 : i32 to index
        %swap3A_494 = tpu.vector_load %arg14[%swap3A_493] {strides = array<i32>} : memref<4096xf32, #tpu.memory_space<vmem>>, vector<16xf32>,
        tpu.vector_store %arg14[%swap3A_493], %gather3A_490 {add = true, strides = array<i32>} : memref<4096xf32, #tpu.memory_space<vmem>>, vector<16xf32>,
        %gather3A_495 = tpu.vector_load_idx %arg12[%sub3A_484] masked %ge3A_487 : memref<32xf32, #tpu.memory_space<vmem>>[vector<16xi32>], vector<16xf32>, vector<16xi1>
        %mul3A_496 = arith.constant 16 : i32
        %mul3A_497 = arith.muli %scan3A_471, %mul3A_496 : i32
        %swap3A_498 = arith.index_cast %mul3A_497 : i32 to index
        %swap3A_499 = tpu.vector_load %arg14[%swap3A_498] {strides = array<i32>} : memref<4096xf32, #tpu.memory_space<vmem>>, vector<16xf32>,
        tpu.vector_store %arg14[%swap3A_498], %gather3A_495 {add = true, strides = array<i32>} : memref<4096xf32, #tpu.memory_space<vmem>>, vector<16xf32>,
        %broadcast_in_dim3A_500 = arith.constant 1 : i32
        %broadcast_in_dim3A_501 = vector.broadcast %broadcast_in_dim3A_500 : i32 to vector<16xi32>
        %gather3A_502 = tpu.vector_load_idx %arg7[%broadcast_in_dim3A_501, %sub3A_478] masked %lt3A_481 : memref<2x25088xf32, #tpu.memory_space<vmem>>[vector<16xi32>, vector<16xi32>], vector<16xf32>, vector<16xi1>
        %mul3A_503 = arith.constant 16 : i32
        %mul3A_504 = arith.muli %scan3A_471, %mul3A_503 : i32
        %swap3A_505 = arith.index_cast %mul3A_504 : i32 to index
        %swap3A_506 = tpu.vector_load %arg15[%swap3A_505] {strides = array<i32>} : memref<4096xf32, #tpu.memory_space<vmem>>, vector<16xf32>,
        tpu.vector_store %arg15[%swap3A_505], %gather3A_502 {add = true, strides = array<i32>} : memref<4096xf32, #tpu.memory_space<vmem>>, vector<16xf32>,
        %gather3A_507 = tpu.vector_load_idx %arg13[%sub3A_484] masked %ge3A_487 : memref<32xf32, #tpu.memory_space<vmem>>[vector<16xi32>], vector<16xf32>, vector<16xi1>
        %mul3A_508 = arith.constant 16 : i32
        %mul3A_509 = arith.muli %scan3A_471, %mul3A_508 : i32
        %swap3A_510 = arith.index_cast %mul3A_509 : i32 to index
        %swap3A_511 = tpu.vector_load %arg15[%swap3A_510] {strides = array<i32>} : memref<4096xf32, #tpu.memory_space<vmem>>, vector<16xf32>,
        tpu.vector_store %arg15[%swap3A_510], %gather3A_507 {add = true, strides = array<i32>} : memref<4096xf32, #tpu.memory_space<vmem>>, vector<16xf32>,
        %scan3A_512 = arith.constant 3 : i32
        %scan3A_513 = arith.addi %scan3A_393, %scan3A_512 : i32
        %mul3A_514 = arith.constant 16 : i32
        %mul3A_515 = arith.muli %scan3A_513, %mul3A_514 : i32
        %get3A_516 = arith.index_cast %mul3A_515 : i32 to index
        %get3A_517 = tpu.vector_load %arg9[%get3A_516] {strides = array<i32>} : memref<4096xi32, #tpu.memory_space<vmem>>, vector<16xi32>,
        %sub3A_518 = arith.constant 75264 : i32
        %sub3A_519 = vector.broadcast %sub3A_518 : i32 to vector<16xi32>
        %sub3A_520 = arith.subi %get3A_517, %sub3A_519 : vector<16xi32>
        %lt3A_521 = arith.constant 24704 : i32
        %lt3A_522 = vector.broadcast %lt3A_521 : i32 to vector<16xi32>
        %lt3A_523 = arith.cmpi ult, %sub3A_520, %lt3A_522 : vector<16xi32>
        %sub3A_524 = arith.constant 99968 : i32
        %sub3A_525 = vector.broadcast %sub3A_524 : i32 to vector<16xi32>
        %sub3A_526 = arith.subi %get3A_517, %sub3A_525 : vector<16xi32>
        %ge3A_527 = arith.constant 0 : i32
        %ge3A_528 = vector.broadcast %ge3A_527 : i32 to vector<16xi32>
        %ge3A_529 = arith.cmpi sge, %sub3A_526, %ge3A_528 : vector<16xi32>
        %broadcast_in_dim3A_530 = arith.constant 0 : i32
        %broadcast_in_dim3A_531 = vector.broadcast %broadcast_in_dim3A_530 : i32 to vector<16xi32>
        %gather3A_532 = tpu.vector_load_idx %arg7[%broadcast_in_dim3A_531, %sub3A_520] masked %lt3A_523 : memref<2x25088xf32, #tpu.memory_space<vmem>>[vector<16xi32>, vector<16xi32>], vector<16xf32>, vector<16xi1>
        %mul3A_533 = arith.constant 16 : i32
        %mul3A_534 = arith.muli %scan3A_513, %mul3A_533 : i32
        %swap3A_535 = arith.index_cast %mul3A_534 : i32 to index
        %swap3A_536 = tpu.vector_load %arg14[%swap3A_535] {strides = array<i32>} : memref<4096xf32, #tpu.memory_space<vmem>>, vector<16xf32>,
        tpu.vector_store %arg14[%swap3A_535], %gather3A_532 {add = true, strides = array<i32>} : memref<4096xf32, #tpu.memory_space<vmem>>, vector<16xf32>,
        %gather3A_537 = tpu.vector_load_idx %arg12[%sub3A_526] masked %ge3A_529 : memref<32xf32, #tpu.memory_space<vmem>>[vector<16xi32>], vector<16xf32>, vector<16xi1>
        %mul3A_538 = arith.constant 16 : i32
        %mul3A_539 = arith.muli %scan3A_513, %mul3A_538 : i32
        %swap3A_540 = arith.index_cast %mul3A_539 : i32 to index
        %swap3A_541 = tpu.vector_load %arg14[%swap3A_540] {strides = array<i32>} : memref<4096xf32, #tpu.memory_space<vmem>>, vector<16xf32>,
        tpu.vector_store %arg14[%swap3A_540], %gather3A_537 {add = true, strides = array<i32>} : memref<4096xf32, #tpu.memory_space<vmem>>, vector<16xf32>,
        %broadcast_in_dim3A_542 = arith.constant 1 : i32
        %broadcast_in_dim3A_543 = vector.broadcast %broadcast_in_dim3A_542 : i32 to vector<16xi32>
        %gather3A_544 = tpu.vector_load_idx %arg7[%broadcast_in_dim3A_543, %sub3A_520] masked %lt3A_523 : memref<2x25088xf32, #tpu.memory_space<vmem>>[vector<16xi32>, vector<16xi32>], vector<16xf32>, vector<16xi1>
        %mul3A_545 = arith.constant 16 : i32
        %mul3A_546 = arith.muli %scan3A_513, %mul3A_545 : i32
        %swap3A_547 = arith.index_cast %mul3A_546 : i32 to index
        %swap3A_548 = tpu.vector_load %arg15[%swap3A_547] {strides = array<i32>} : memref<4096xf32, #tpu.memory_space<vmem>>, vector<16xf32>,
        tpu.vector_store %arg15[%swap3A_547], %gather3A_544 {add = true, strides = array<i32>} : memref<4096xf32, #tpu.memory_space<vmem>>, vector<16xf32>,
        %gather3A_549 = tpu.vector_load_idx %arg13[%sub3A_526] masked %ge3A_529 : memref<32xf32, #tpu.memory_space<vmem>>[vector<16xi32>], vector<16xf32>, vector<16xi1>
        %mul3A_550 = arith.constant 16 : i32
        %mul3A_551 = arith.muli %scan3A_513, %mul3A_550 : i32
        %swap3A_552 = arith.index_cast %mul3A_551 : i32 to index
        %swap3A_553 = tpu.vector_load %arg15[%swap3A_552] {strides = array<i32>} : memref<4096xf32, #tpu.memory_space<vmem>>, vector<16xf32>,
        tpu.vector_store %arg15[%swap3A_552], %gather3A_549 {add = true, strides = array<i32>} : memref<4096xf32, #tpu.memory_space<vmem>>, vector<16xf32>,
        %scan3A_554 = arith.constant 4 : i32
        %scan3A_555 = arith.addi %scan3A_393, %scan3A_554 : i32
        %mul3A_556 = arith.constant 16 : i32
        %mul3A_557 = arith.muli %scan3A_555, %mul3A_556 : i32
        %get3A_558 = arith.index_cast %mul3A_557 : i32 to index
        %get3A_559 = tpu.vector_load %arg9[%get3A_558] {strides = array<i32>} : memref<4096xi32, #tpu.memory_space<vmem>>, vector<16xi32>,
        %sub3A_560 = arith.constant 75264 : i32
        %sub3A_561 = vector.broadcast %sub3A_560 : i32 to vector<16xi32>
        %sub3A_562 = arith.subi %get3A_559, %sub3A_561 : vector<16xi32>
        %lt3A_563 = arith.constant 24704 : i32
        %lt3A_564 = vector.broadcast %lt3A_563 : i32 to vector<16xi32>
        %lt3A_565 = arith.cmpi ult, %sub3A_562, %lt3A_564 : vector<16xi32>
        %sub3A_566 = arith.constant 99968 : i32
        %sub3A_567 = vector.broadcast %sub3A_566 : i32 to vector<16xi32>
        %sub3A_568 = arith.subi %get3A_559, %sub3A_567 : vector<16xi32>
        %ge3A_569 = arith.constant 0 : i32
        %ge3A_570 = vector.broadcast %ge3A_569 : i32 to vector<16xi32>
        %ge3A_571 = arith.cmpi sge, %sub3A_568, %ge3A_570 : vector<16xi32>
        %broadcast_in_dim3A_572 = arith.constant 0 : i32
        %broadcast_in_dim3A_573 = vector.broadcast %broadcast_in_dim3A_572 : i32 to vector<16xi32>
        %gather3A_574 = tpu.vector_load_idx %arg7[%broadcast_in_dim3A_573, %sub3A_562] masked %lt3A_565 : memref<2x25088xf32, #tpu.memory_space<vmem>>[vector<16xi32>, vector<16xi32>], vector<16xf32>, vector<16xi1>
        %mul3A_575 = arith.constant 16 : i32
        %mul3A_576 = arith.muli %scan3A_555, %mul3A_575 : i32
        %swap3A_577 = arith.index_cast %mul3A_576 : i32 to index
        %swap3A_578 = tpu.vector_load %arg14[%swap3A_577] {strides = array<i32>} : memref<4096xf32, #tpu.memory_space<vmem>>, vector<16xf32>,
        tpu.vector_store %arg14[%swap3A_577], %gather3A_574 {add = true, strides = array<i32>} : memref<4096xf32, #tpu.memory_space<vmem>>, vector<16xf32>,
        %gather3A_579 = tpu.vector_load_idx %arg12[%sub3A_568] masked %ge3A_571 : memref<32xf32, #tpu.memory_space<vmem>>[vector<16xi32>], vector<16xf32>, vector<16xi1>
        %mul3A_580 = arith.constant 16 : i32
        %mul3A_581 = arith.muli %scan3A_555, %mul3A_580 : i32
        %swap3A_582 = arith.index_cast %mul3A_581 : i32 to index
        %swap3A_583 = tpu.vector_load %arg14[%swap3A_582] {strides = array<i32>} : memref<4096xf32, #tpu.memory_space<vmem>>, vector<16xf32>,
        tpu.vector_store %arg14[%swap3A_582], %gather3A_579 {add = true, strides = array<i32>} : memref<4096xf32, #tpu.memory_space<vmem>>, vector<16xf32>,
        %broadcast_in_dim3A_584 = arith.constant 1 : i32
        %broadcast_in_dim3A_585 = vector.broadcast %broadcast_in_dim3A_584 : i32 to vector<16xi32>
        %gather3A_586 = tpu.vector_load_idx %arg7[%broadcast_in_dim3A_585, %sub3A_562] masked %lt3A_565 : memref<2x25088xf32, #tpu.memory_space<vmem>>[vector<16xi32>, vector<16xi32>], vector<16xf32>, vector<16xi1>
        %mul3A_587 = arith.constant 16 : i32
        %mul3A_588 = arith.muli %scan3A_555, %mul3A_587 : i32
        %swap3A_589 = arith.index_cast %mul3A_588 : i32 to index
        %swap3A_590 = tpu.vector_load %arg15[%swap3A_589] {strides = array<i32>} : memref<4096xf32, #tpu.memory_space<vmem>>, vector<16xf32>,
        tpu.vector_store %arg15[%swap3A_589], %gather3A_586 {add = true, strides = array<i32>} : memref<4096xf32, #tpu.memory_space<vmem>>, vector<16xf32>,
        %gather3A_591 = tpu.vector_load_idx %arg13[%sub3A_568] masked %ge3A_571 : memref<32xf32, #tpu.memory_space<vmem>>[vector<16xi32>], vector<16xf32>, vector<16xi1>
        %mul3A_592 = arith.constant 16 : i32
        %mul3A_593 = arith.muli %scan3A_555, %mul3A_592 : i32
        %swap3A_594 = arith.index_cast %mul3A_593 : i32 to index
        %swap3A_595 = tpu.vector_load %arg15[%swap3A_594] {strides = array<i32>} : memref<4096xf32, #tpu.memory_space<vmem>>, vector<16xf32>,
        tpu.vector_store %arg15[%swap3A_594], %gather3A_591 {add = true, strides = array<i32>} : memref<4096xf32, #tpu.memory_space<vmem>>, vector<16xf32>,
        %scan3A_596 = arith.constant 5 : i32
        %scan3A_597 = arith.addi %scan3A_393, %scan3A_596 : i32
        %mul3A_598 = arith.constant 16 : i32
        %mul3A_599 = arith.muli %scan3A_597, %mul3A_598 : i32
        %get3A_600 = arith.index_cast %mul3A_599 : i32 to index
        %get3A_601 = tpu.vector_load %arg9[%get3A_600] {strides = array<i32>} : memref<4096xi32, #tpu.memory_space<vmem>>, vector<16xi32>,
        %sub3A_602 = arith.constant 75264 : i32
        %sub3A_603 = vector.broadcast %sub3A_602 : i32 to vector<16xi32>
        %sub3A_604 = arith.subi %get3A_601, %sub3A_603 : vector<16xi32>
        %lt3A_605 = arith.constant 24704 : i32
        %lt3A_606 = vector.broadcast %lt3A_605 : i32 to vector<16xi32>
        %lt3A_607 = arith.cmpi ult, %sub3A_604, %lt3A_606 : vector<16xi32>
        %sub3A_608 = arith.constant 99968 : i32
        %sub3A_609 = vector.broadcast %sub3A_608 : i32 to vector<16xi32>
        %sub3A_610 = arith.subi %get3A_601, %sub3A_609 : vector<16xi32>
        %ge3A_611 = arith.constant 0 : i32
        %ge3A_612 = vector.broadcast %ge3A_611 : i32 to vector<16xi32>
        %ge3A_613 = arith.cmpi sge, %sub3A_610, %ge3A_612 : vector<16xi32>
        %broadcast_in_dim3A_614 = arith.constant 0 : i32
        %broadcast_in_dim3A_615 = vector.broadcast %broadcast_in_dim3A_614 : i32 to vector<16xi32>
        %gather3A_616 = tpu.vector_load_idx %arg7[%broadcast_in_dim3A_615, %sub3A_604] masked %lt3A_607 : memref<2x25088xf32, #tpu.memory_space<vmem>>[vector<16xi32>, vector<16xi32>], vector<16xf32>, vector<16xi1>
        %mul3A_617 = arith.constant 16 : i32
        %mul3A_618 = arith.muli %scan3A_597, %mul3A_617 : i32
        %swap3A_619 = arith.index_cast %mul3A_618 : i32 to index
        %swap3A_620 = tpu.vector_load %arg14[%swap3A_619] {strides = array<i32>} : memref<4096xf32, #tpu.memory_space<vmem>>, vector<16xf32>,
        tpu.vector_store %arg14[%swap3A_619], %gather3A_616 {add = true, strides = array<i32>} : memref<4096xf32, #tpu.memory_space<vmem>>, vector<16xf32>,
        %gather3A_621 = tpu.vector_load_idx %arg12[%sub3A_610] masked %ge3A_613 : memref<32xf32, #tpu.memory_space<vmem>>[vector<16xi32>], vector<16xf32>, vector<16xi1>
        %mul3A_622 = arith.constant 16 : i32
        %mul3A_623 = arith.muli %scan3A_597, %mul3A_622 : i32
        %swap3A_624 = arith.index_cast %mul3A_623 : i32 to index
        %swap3A_625 = tpu.vector_load %arg14[%swap3A_624] {strides = array<i32>} : memref<4096xf32, #tpu.memory_space<vmem>>, vector<16xf32>,
        tpu.vector_store %arg14[%swap3A_624], %gather3A_621 {add = true, strides = array<i32>} : memref<4096xf32, #tpu.memory_space<vmem>>, vector<16xf32>,
        %broadcast_in_dim3A_626 = arith.constant 1 : i32
        %broadcast_in_dim3A_627 = vector.broadcast %broadcast_in_dim3A_626 : i32 to vector<16xi32>
        %gather3A_628 = tpu.vector_load_idx %arg7[%broadcast_in_dim3A_627, %sub3A_604] masked %lt3A_607 : memref<2x25088xf32, #tpu.memory_space<vmem>>[vector<16xi32>, vector<16xi32>], vector<16xf32>, vector<16xi1>
        %mul3A_629 = arith.constant 16 : i32
        %mul3A_630 = arith.muli %scan3A_597, %mul3A_629 : i32
        %swap3A_631 = arith.index_cast %mul3A_630 : i32 to index
        %swap3A_632 = tpu.vector_load %arg15[%swap3A_631] {strides = array<i32>} : memref<4096xf32, #tpu.memory_space<vmem>>, vector<16xf32>,
        tpu.vector_store %arg15[%swap3A_631], %gather3A_628 {add = true, strides = array<i32>} : memref<4096xf32, #tpu.memory_space<vmem>>, vector<16xf32>,
        %gather3A_633 = tpu.vector_load_idx %arg13[%sub3A_610] masked %ge3A_613 : memref<32xf32, #tpu.memory_space<vmem>>[vector<16xi32>], vector<16xf32>, vector<16xi1>
        %mul3A_634 = arith.constant 16 : i32
        %mul3A_635 = arith.muli %scan3A_597, %mul3A_634 : i32
        %swap3A_636 = arith.index_cast %mul3A_635 : i32 to index
        %swap3A_637 = tpu.vector_load %arg15[%swap3A_636] {strides = array<i32>} : memref<4096xf32, #tpu.memory_space<vmem>>, vector<16xf32>,
        tpu.vector_store %arg15[%swap3A_636], %gather3A_633 {add = true, strides = array<i32>} : memref<4096xf32, #tpu.memory_space<vmem>>, vector<16xf32>,
        %scan3A_638 = arith.constant 6 : i32
        %scan3A_639 = arith.addi %scan3A_393, %scan3A_638 : i32
        %mul3A_640 = arith.constant 16 : i32
        %mul3A_641 = arith.muli %scan3A_639, %mul3A_640 : i32
        %get3A_642 = arith.index_cast %mul3A_641 : i32 to index
        %get3A_643 = tpu.vector_load %arg9[%get3A_642] {strides = array<i32>} : memref<4096xi32, #tpu.memory_space<vmem>>, vector<16xi32>,
        %sub3A_644 = arith.constant 75264 : i32
        %sub3A_645 = vector.broadcast %sub3A_644 : i32 to vector<16xi32>
        %sub3A_646 = arith.subi %get3A_643, %sub3A_645 : vector<16xi32>
        %lt3A_647 = arith.constant 24704 : i32
        %lt3A_648 = vector.broadcast %lt3A_647 : i32 to vector<16xi32>
        %lt3A_649 = arith.cmpi ult, %sub3A_646, %lt3A_648 : vector<16xi32>
        %sub3A_650 = arith.constant 99968 : i32
        %sub3A_651 = vector.broadcast %sub3A_650 : i32 to vector<16xi32>
        %sub3A_652 = arith.subi %get3A_643, %sub3A_651 : vector<16xi32>
        %ge3A_653 = arith.constant 0 : i32
        %ge3A_654 = vector.broadcast %ge3A_653 : i32 to vector<16xi32>
        %ge3A_655 = arith.cmpi sge, %sub3A_652, %ge3A_654 : vector<16xi32>
        %broadcast_in_dim3A_656 = arith.constant 0 : i32
        %broadcast_in_dim3A_657 = vector.broadcast %broadcast_in_dim3A_656 : i32 to vector<16xi32>
        %gather3A_658 = tpu.vector_load_idx %arg7[%broadcast_in_dim3A_657, %sub3A_646] masked %lt3A_649 : memref<2x25088xf32, #tpu.memory_space<vmem>>[vector<16xi32>, vector<16xi32>], vector<16xf32>, vector<16xi1>
        %mul3A_659 = arith.constant 16 : i32
        %mul3A_660 = arith.muli %scan3A_639, %mul3A_659 : i32
        %swap3A_661 = arith.index_cast %mul3A_660 : i32 to index
        %swap3A_662 = tpu.vector_load %arg14[%swap3A_661] {strides = array<i32>} : memref<4096xf32, #tpu.memory_space<vmem>>, vector<16xf32>,
        tpu.vector_store %arg14[%swap3A_661], %gather3A_658 {add = true, strides = array<i32>} : memref<4096xf32, #tpu.memory_space<vmem>>, vector<16xf32>,
        %gather3A_663 = tpu.vector_load_idx %arg12[%sub3A_652] masked %ge3A_655 : memref<32xf32, #tpu.memory_space<vmem>>[vector<16xi32>], vector<16xf32>, vector<16xi1>
        %mul3A_664 = arith.constant 16 : i32
        %mul3A_665 = arith.muli %scan3A_639, %mul3A_664 : i32
        %swap3A_666 = arith.index_cast %mul3A_665 : i32 to index
        %swap3A_667 = tpu.vector_load %arg14[%swap3A_666] {strides = array<i32>} : memref<4096xf32, #tpu.memory_space<vmem>>, vector<16xf32>,
        tpu.vector_store %arg14[%swap3A_666], %gather3A_663 {add = true, strides = array<i32>} : memref<4096xf32, #tpu.memory_space<vmem>>, vector<16xf32>,
        %broadcast_in_dim3A_668 = arith.constant 1 : i32
        %broadcast_in_dim3A_669 = vector.broadcast %broadcast_in_dim3A_668 : i32 to vector<16xi32>
        %gather3A_670 = tpu.vector_load_idx %arg7[%broadcast_in_dim3A_669, %sub3A_646] masked %lt3A_649 : memref<2x25088xf32, #tpu.memory_space<vmem>>[vector<16xi32>, vector<16xi32>], vector<16xf32>, vector<16xi1>
        %mul3A_671 = arith.constant 16 : i32
        %mul3A_672 = arith.muli %scan3A_639, %mul3A_671 : i32
        %swap3A_673 = arith.index_cast %mul3A_672 : i32 to index
        %swap3A_674 = tpu.vector_load %arg15[%swap3A_673] {strides = array<i32>} : memref<4096xf32, #tpu.memory_space<vmem>>, vector<16xf32>,
        tpu.vector_store %arg15[%swap3A_673], %gather3A_670 {add = true, strides = array<i32>} : memref<4096xf32, #tpu.memory_space<vmem>>, vector<16xf32>,
        %gather3A_675 = tpu.vector_load_idx %arg13[%sub3A_652] masked %ge3A_655 : memref<32xf32, #tpu.memory_space<vmem>>[vector<16xi32>], vector<16xf32>, vector<16xi1>
        %mul3A_676 = arith.constant 16 : i32
        %mul3A_677 = arith.muli %scan3A_639, %mul3A_676 : i32
        %swap3A_678 = arith.index_cast %mul3A_677 : i32 to index
        %swap3A_679 = tpu.vector_load %arg15[%swap3A_678] {strides = array<i32>} : memref<4096xf32, #tpu.memory_space<vmem>>, vector<16xf32>,
        tpu.vector_store %arg15[%swap3A_678], %gather3A_675 {add = true, strides = array<i32>} : memref<4096xf32, #tpu.memory_space<vmem>>, vector<16xf32>,
        %scan3A_680 = arith.constant 7 : i32
        %scan3A_681 = arith.addi %scan3A_393, %scan3A_680 : i32
        %mul3A_682 = arith.constant 16 : i32
        %mul3A_683 = arith.muli %scan3A_681, %mul3A_682 : i32
        %get3A_684 = arith.index_cast %mul3A_683 : i32 to index
        %get3A_685 = tpu.vector_load %arg9[%get3A_684] {strides = array<i32>} : memref<4096xi32, #tpu.memory_space<vmem>>, vector<16xi32>,
        %sub3A_686 = arith.constant 75264 : i32
        %sub3A_687 = vector.broadcast %sub3A_686 : i32 to vector<16xi32>
        %sub3A_688 = arith.subi %get3A_685, %sub3A_687 : vector<16xi32>
        %lt3A_689 = arith.constant 24704 : i32
        %lt3A_690 = vector.broadcast %lt3A_689 : i32 to vector<16xi32>
        %lt3A_691 = arith.cmpi ult, %sub3A_688, %lt3A_690 : vector<16xi32>
        %sub3A_692 = arith.constant 99968 : i32
        %sub3A_693 = vector.broadcast %sub3A_692 : i32 to vector<16xi32>
        %sub3A_694 = arith.subi %get3A_685, %sub3A_693 : vector<16xi32>
        %ge3A_695 = arith.constant 0 : i32
        %ge3A_696 = vector.broadcast %ge3A_695 : i32 to vector<16xi32>
        %ge3A_697 = arith.cmpi sge, %sub3A_694, %ge3A_696 : vector<16xi32>
        %broadcast_in_dim3A_698 = arith.constant 0 : i32
        %broadcast_in_dim3A_699 = vector.broadcast %broadcast_in_dim3A_698 : i32 to vector<16xi32>
        %gather3A_700 = tpu.vector_load_idx %arg7[%broadcast_in_dim3A_699, %sub3A_688] masked %lt3A_691 : memref<2x25088xf32, #tpu.memory_space<vmem>>[vector<16xi32>, vector<16xi32>], vector<16xf32>, vector<16xi1>
        %mul3A_701 = arith.constant 16 : i32
        %mul3A_702 = arith.muli %scan3A_681, %mul3A_701 : i32
        %swap3A_703 = arith.index_cast %mul3A_702 : i32 to index
        %swap3A_704 = tpu.vector_load %arg14[%swap3A_703] {strides = array<i32>} : memref<4096xf32, #tpu.memory_space<vmem>>, vector<16xf32>,
        tpu.vector_store %arg14[%swap3A_703], %gather3A_700 {add = true, strides = array<i32>} : memref<4096xf32, #tpu.memory_space<vmem>>, vector<16xf32>,
        %gather3A_705 = tpu.vector_load_idx %arg12[%sub3A_694] masked %ge3A_697 : memref<32xf32, #tpu.memory_space<vmem>>[vector<16xi32>], vector<16xf32>, vector<16xi1>
        %mul3A_706 = arith.constant 16 : i32
        %mul3A_707 = arith.muli %scan3A_681, %mul3A_706 : i32
        %swap3A_708 = arith.index_cast %mul3A_707 : i32 to index
        %swap3A_709 = tpu.vector_load %arg14[%swap3A_708] {strides = array<i32>} : memref<4096xf32, #tpu.memory_space<vmem>>, vector<16xf32>,
        tpu.vector_store %arg14[%swap3A_708], %gather3A_705 {add = true, strides = array<i32>} : memref<4096xf32, #tpu.memory_space<vmem>>, vector<16xf32>,
        %broadcast_in_dim3A_710 = arith.constant 1 : i32
        %broadcast_in_dim3A_711 = vector.broadcast %broadcast_in_dim3A_710 : i32 to vector<16xi32>
        %gather3A_712 = tpu.vector_load_idx %arg7[%broadcast_in_dim3A_711, %sub3A_688] masked %lt3A_691 : memref<2x25088xf32, #tpu.memory_space<vmem>>[vector<16xi32>, vector<16xi32>], vector<16xf32>, vector<16xi1>
        %mul3A_713 = arith.constant 16 : i32
        %mul3A_714 = arith.muli %scan3A_681, %mul3A_713 : i32
        %swap3A_715 = arith.index_cast %mul3A_714 : i32 to index
        %swap3A_716 = tpu.vector_load %arg15[%swap3A_715] {strides = array<i32>} : memref<4096xf32, #tpu.memory_space<vmem>>, vector<16xf32>,
        tpu.vector_store %arg15[%swap3A_715], %gather3A_712 {add = true, strides = array<i32>} : memref<4096xf32, #tpu.memory_space<vmem>>, vector<16xf32>,
        %gather3A_717 = tpu.vector_load_idx %arg13[%sub3A_694] masked %ge3A_697 : memref<32xf32, #tpu.memory_space<vmem>>[vector<16xi32>], vector<16xf32>, vector<16xi1>
        %mul3A_718 = arith.constant 16 : i32
        %mul3A_719 = arith.muli %scan3A_681, %mul3A_718 : i32
        %swap3A_720 = arith.index_cast %mul3A_719 : i32 to index
        %swap3A_721 = tpu.vector_load %arg15[%swap3A_720] {strides = array<i32>} : memref<4096xf32, #tpu.memory_space<vmem>>, vector<16xf32>,
        tpu.vector_store %arg15[%swap3A_720], %gather3A_717 {add = true, strides = array<i32>} : memref<4096xf32, #tpu.memory_space<vmem>>, vector<16xf32>,
      }
      %scan3A_371 = arith.constant 256 : i32
      %convert_element_type3A_372 = arith.extui %lt3A_239 : i1 to i32
      %cond3A_373 = arith.constant 0 : i32
      %cond3A_374 = arith.cmpi ne, %convert_element_type3A_372, %cond3A_373 : i32
      scf.if %cond3A_374 {
        %dma_start3A_393 = arith.constant 0 : i32
        %dma_start3A_394 = arith.constant 0 : i32
        %dma_start3A_395 = tpu.memref_slice %arg7[%dma_start3A_393, %dma_start3A_394] : memref<2x25088xf32, #tpu.memory_space<vmem>> -> memref<2x25088xf32, #tpu.memory_space<vmem>>
        %dma_start3A_396 = arith.constant 25088 : i32
        %dma_start3A_397 = tpu.memref_slice %arg2[%mul3A_257, %dma_start3A_396] : memref<1664x100000xf32, #tpu.memory_space<hbm>> -> memref<2x25088xf32, #tpu.memory_space<hbm>>
        %dma_start3A_398 = arith.constant 0 : i32
        %dma_start3A_399 = arith.constant 0 : i32
        %dma_start3A_400 = tpu.memref_slice %arg7[%dma_start3A_398, %dma_start3A_399] : memref<2x25088xf32, #tpu.memory_space<vmem>> -> memref<2x25088xf32, #tpu.memory_space<vmem>>
        %dma_start3A_401 = arith.constant 25088 : i32
        %dma_start3A_402 = tpu.memref_slice %arg2[%mul3A_257, %dma_start3A_401] : memref<1664x100000xf32, #tpu.memory_space<hbm>> -> memref<2x25088xf32, #tpu.memory_space<hbm>>
        tpu.enqueue_dma source(%dma_start3A_402 : memref<2x25088xf32, #tpu.memory_space<hbm>>) target(%dma_start3A_400 : memref<2x25088xf32, #tpu.memory_space<vmem>>) target_semaphore(%arg17 : memref<!tpu.dma_semaphore, #tpu.memory_space<semaphore_mem>>)
      } else {
      }
      %add3A_375 = arith.constant 13 : i32
      %add3A_376 = arith.addi %add3A_375, %mul3A_247 : i32
      %dma_start3A_377 = arith.constant 0 : i32
      %dma_start3A_378 = tpu.memref_slice %arg5[%add3A_376, %dma_start3A_377] : memref<1677x4096xf32, #tpu.memory_space<hbm>> -> memref<1x4096xf32, #tpu.memory_space<hbm>>
      %dma_start3A_379 = tpu.memref_squeeze %dma_start3A_378 : memref<1x4096xf32, #tpu.memory_space<hbm>> -> memref<4096xf32, #tpu.memory_space<hbm>>
      %dma_start3A_380 = arith.constant 0 : i32
      %dma_start3A_381 = tpu.memref_slice %arg5[%add3A_376, %dma_start3A_380] : memref<1677x4096xf32, #tpu.memory_space<hbm>> -> memref<1x4096xf32, #tpu.memory_space<hbm>>
      %dma_start3A_382 = tpu.memref_squeeze %dma_start3A_381 : memref<1x4096xf32, #tpu.memory_space<hbm>> -> memref<4096xf32, #tpu.memory_space<hbm>>
      tpu.enqueue_dma source(%arg14 : memref<4096xf32, #tpu.memory_space<vmem>>) target(%dma_start3A_382 : memref<4096xf32, #tpu.memory_space<hbm>>) target_semaphore(%arg19 : memref<!tpu.dma_semaphore, #tpu.memory_space<semaphore_mem>>)
      %add3A_383 = arith.constant 13 : i32
      %add3A_384 = arith.addi %add3A_383, %mul3A_247 : i32
      %add3A_385 = arith.constant 1 : i32
      %add3A_386 = arith.addi %add3A_384, %add3A_385 : i32
      %dma_start3A_387 = arith.constant 0 : i32
      %dma_start3A_388 = tpu.memref_slice %arg5[%add3A_386, %dma_start3A_387] : memref<1677x4096xf32, #tpu.memory_space<hbm>> -> memref<1x4096xf32, #tpu.memory_space<hbm>>
      %dma_start3A_389 = tpu.memref_squeeze %dma_start3A_388 : memref<1x4096xf32, #tpu.memory_space<hbm>> -> memref<4096xf32, #tpu.memory_space<hbm>>
      %dma_start3A_390 = arith.constant 0 : i32
      %dma_start3A_391 = tpu.memref_slice %arg5[%add3A_386, %dma_start3A_390] : memref<1677x4096xf32, #tpu.memory_space<hbm>> -> memref<1x4096xf32, #tpu.memory_space<hbm>>
      %dma_start3A_392 = tpu.memref_squeeze %dma_start3A_391 : memref<1x4096xf32, #tpu.memory_space<hbm>> -> memref<4096xf32, #tpu.memory_space<hbm>>
      tpu.enqueue_dma source(%arg15 : memref<4096xf32, #tpu.memory_space<vmem>>) target(%dma_start3A_392 : memref<4096xf32, #tpu.memory_space<hbm>>) target_semaphore(%arg19 : memref<!tpu.dma_semaphore, #tpu.memory_space<semaphore_mem>>)
    }
    %scan3A_54 = arith.constant 13 : i32
    %dma_wait3A = arith.constant 0 : i32
    %dma_wait3A_55 = arith.constant 0 : i32
    %dma_wait3A_56 = tpu.memref_slice %arg5[%dma_wait3A, %dma_wait3A_55] : memref<1677x4096xf32, #tpu.memory_space<hbm>> -> memref<1x4096xf32, #tpu.memory_space<hbm>>
    %dma_wait3A_57 = tpu.memref_squeeze %dma_wait3A_56 : memref<1x4096xf32, #tpu.memory_space<hbm>> -> memref<4096xf32, #tpu.memory_space<hbm>>
    %dma_wait3A_58 = arith.constant 0 : i32
    %dma_wait3A_59 = tpu.memref_slice %arg5[%dma_wait3A, %dma_wait3A_58] : memref<1677x4096xf32, #tpu.memory_space<hbm>> -> memref<1x4096xf32, #tpu.memory_space<hbm>>
    %dma_wait3A_60 = tpu.memref_squeeze %dma_wait3A_59 : memref<1x4096xf32, #tpu.memory_space<hbm>> -> memref<4096xf32, #tpu.memory_space<hbm>>
    tpu.wait_dma2 semaphore(%arg19 : memref<!tpu.dma_semaphore, #tpu.memory_space<semaphore_mem>>) src(%arg14 : memref<4096xf32, #tpu.memory_space<vmem>>) dst(%dma_wait3A_60 : memref<4096xf32, #tpu.memory_space<hbm>>)
    %dma_wait3A_61 = arith.constant 0 : i32
    %dma_wait3A_62 = arith.constant 0 : i32
    %dma_wait3A_63 = tpu.memref_slice %arg5[%dma_wait3A_61, %dma_wait3A_62] : memref<1677x4096xf32, #tpu.memory_space<hbm>> -> memref<1x4096xf32, #tpu.memory_space<hbm>>
    %dma_wait3A_64 = tpu.memref_squeeze %dma_wait3A_63 : memref<1x4096xf32, #tpu.memory_space<hbm>> -> memref<4096xf32, #tpu.memory_space<hbm>>
    %dma_wait3A_65 = arith.constant 0 : i32
    %dma_wait3A_66 = tpu.memref_slice %arg5[%dma_wait3A_61, %dma_wait3A_65] : memref<1677x4096xf32, #tpu.memory_space<hbm>> -> memref<1x4096xf32, #tpu.memory_space<hbm>>
    %dma_wait3A_67 = tpu.memref_squeeze %dma_wait3A_66 : memref<1x4096xf32, #tpu.memory_space<hbm>> -> memref<4096xf32, #tpu.memory_space<hbm>>
    tpu.wait_dma2 semaphore(%arg19 : memref<!tpu.dma_semaphore, #tpu.memory_space<semaphore_mem>>) src(%arg15 : memref<4096xf32, #tpu.memory_space<vmem>>) dst(%dma_wait3A_67 : memref<4096xf32, #tpu.memory_space<hbm>>)
    %eq3A = arith.constant 31 : i32
    %eq3A_68 = arith.cmpi eq, %add3A, %eq3A : i32
    %convert_element_type3A = arith.extui %eq3A_68 : i1 to i32
    %cond3A = arith.constant 0 : i32
    %cond3A_69 = arith.cmpi ne, %convert_element_type3A, %cond3A : i32
    scf.if %cond3A_69 {
      %scan3A_70 = arith.constant 0 : i32
      %scan3A_71 = arith.constant 13 : i32
      %scan3A_72 = arith.addi %scan3A_70, %scan3A_71 : i32
      %scan3A_73 = arith.constant 1 : i32
      scf.for %scan3A_75 = %scan3A_70 to %scan3A_72 step %scan3A_73  : i32 {
        "tpu.region"() ({
          %run_scoped3A = tpu.sem_alloc : memref<!tpu.dma_semaphore, #tpu.memory_space<semaphore_mem>>
          %dma_start3A_76 = arith.constant 0 : i32
          %dma_start3A_77 = tpu.memref_slice %arg4[%scan3A_75, %dma_start3A_76] : memref<13x4096xf32, #tpu.memory_space<hbm>> -> memref<1x4096xf32, #tpu.memory_space<hbm>>
          %dma_start3A_78 = tpu.memref_squeeze %dma_start3A_77 : memref<1x4096xf32, #tpu.memory_space<hbm>> -> memref<4096xf32, #tpu.memory_space<hbm>>
          %dma_start3A_79 = arith.constant 0 : i32
          %dma_start3A_80 = tpu.memref_slice %arg4[%scan3A_75, %dma_start3A_79] : memref<13x4096xf32, #tpu.memory_space<hbm>> -> memref<1x4096xf32, #tpu.memory_space<hbm>>
          %dma_start3A_81 = tpu.memref_squeeze %dma_start3A_80 : memref<1x4096xf32, #tpu.memory_space<hbm>> -> memref<4096xf32, #tpu.memory_space<hbm>>
          tpu.enqueue_dma source(%dma_start3A_81 : memref<4096xf32, #tpu.memory_space<hbm>>) target(%arg14 : memref<4096xf32, #tpu.memory_space<vmem>>) target_semaphore(%run_scoped3A : memref<!tpu.dma_semaphore, #tpu.memory_space<semaphore_mem>>)
          %dma_wait3A_82 = arith.constant 0 : i32
          %dma_wait3A_83 = tpu.memref_slice %arg4[%scan3A_75, %dma_wait3A_82] : memref<13x4096xf32, #tpu.memory_space<hbm>> -> memref<1x4096xf32, #tpu.memory_space<hbm>>
          %dma_wait3A_84 = tpu.memref_squeeze %dma_wait3A_83 : memref<1x4096xf32, #tpu.memory_space<hbm>> -> memref<4096xf32, #tpu.memory_space<hbm>>
          %dma_wait3A_85 = arith.constant 0 : i32
          %dma_wait3A_86 = tpu.memref_slice %arg4[%scan3A_75, %dma_wait3A_85] : memref<13x4096xf32, #tpu.memory_space<hbm>> -> memref<1x4096xf32, #tpu.memory_space<hbm>>
          %dma_wait3A_87 = tpu.memref_squeeze %dma_wait3A_86 : memref<1x4096xf32, #tpu.memory_space<hbm>> -> memref<4096xf32, #tpu.memory_space<hbm>>
          tpu.wait_dma2 semaphore(%run_scoped3A : memref<!tpu.dma_semaphore, #tpu.memory_space<semaphore_mem>>) src(%dma_wait3A_87 : memref<4096xf32, #tpu.memory_space<hbm>>) dst(%arg14 : memref<4096xf32, #tpu.memory_space<vmem>>)
          tpu.yield
        }) : () -> ()
        "tpu.region"() ({
          %run_scoped3A = tpu.sem_alloc : memref<!tpu.dma_semaphore, #tpu.memory_space<semaphore_mem>>
          %dma_start3A_76 = arith.constant 0 : i32
          %dma_start3A_77 = tpu.memref_slice %arg5[%scan3A_75, %dma_start3A_76] : memref<1677x4096xf32, #tpu.memory_space<hbm>> -> memref<1x4096xf32, #tpu.memory_space<hbm>>
          %dma_start3A_78 = tpu.memref_squeeze %dma_start3A_77 : memref<1x4096xf32, #tpu.memory_space<hbm>> -> memref<4096xf32, #tpu.memory_space<hbm>>
          %dma_start3A_79 = arith.constant 0 : i32
          %dma_start3A_80 = tpu.memref_slice %arg5[%scan3A_75, %dma_start3A_79] : memref<1677x4096xf32, #tpu.memory_space<hbm>> -> memref<1x4096xf32, #tpu.memory_space<hbm>>
          %dma_start3A_81 = tpu.memref_squeeze %dma_start3A_80 : memref<1x4096xf32, #tpu.memory_space<hbm>> -> memref<4096xf32, #tpu.memory_space<hbm>>
          tpu.enqueue_dma source(%arg14 : memref<4096xf32, #tpu.memory_space<vmem>>) target(%dma_start3A_81 : memref<4096xf32, #tpu.memory_space<hbm>>) target_semaphore(%run_scoped3A : memref<!tpu.dma_semaphore, #tpu.memory_space<semaphore_mem>>)
          %dma_wait3A_82 = arith.constant 0 : i32
          %dma_wait3A_83 = tpu.memref_slice %arg5[%scan3A_75, %dma_wait3A_82] : memref<1677x4096xf32, #tpu.memory_space<hbm>> -> memref<1x4096xf32, #tpu.memory_space<hbm>>
          %dma_wait3A_84 = tpu.memref_squeeze %dma_wait3A_83 : memref<1x4096xf32, #tpu.memory_space<hbm>> -> memref<4096xf32, #tpu.memory_space<hbm>>
          %dma_wait3A_85 = arith.constant 0 : i32
          %dma_wait3A_86 = tpu.memref_slice %arg5[%scan3A_75, %dma_wait3A_85] : memref<1677x4096xf32, #tpu.memory_space<hbm>> -> memref<1x4096xf32, #tpu.memory_space<hbm>>
          %dma_wait3A_87 = tpu.memref_squeeze %dma_wait3A_86 : memref<1x4096xf32, #tpu.memory_space<hbm>> -> memref<4096xf32, #tpu.memory_space<hbm>>
          tpu.wait_dma2 semaphore(%run_scoped3A : memref<!tpu.dma_semaphore, #tpu.memory_space<semaphore_mem>>) src(%arg14 : memref<4096xf32, #tpu.memory_space<vmem>>) dst(%dma_wait3A_87 : memref<4096xf32, #tpu.memory_space<hbm>>)
          tpu.yield
        }) : () -> ()
      }
      %scan3A_74 = arith.constant 13 : i32
    } else {
    }
    return
  }
}

</mosaic_0001>

<sc_bundles>
// kernel: kernel.3.cloned.1.call-start
scs
__scs_entry_jumppad:
0x0: {  	(pc) =	sbr.rel $0x88, $3  }
0x1: {  	(tag) =	ssettag $0x0;
	lr =	simm.s32 $0x1  }
0x2: {  	[smem:$0x3F9E] =	sst lr;
	_ =	strace $0xD0000000  }
0x3: {  	_ = 	snop  }
0x4: {  	_ = 	snop  }
0x5: {  	_ = 	snop  }
0x6: {  	_ = 	snop  }
0x7: {  	_ = 	snop  }
__scs_overlays_trampoline_lowered:
0x8: {  	[smem:$0x3FAD] =	sst s0  }
0x9: {  	[smem:$0x3FAE] =	sst s1  }
0xa: {  	[smem:$0x3FAF] =	sst s2  }
0xb: {  	[smem:$0x3FB0] =	sst s3  }
0xc: {  	[smem:$0x3FB1] =	sst s4  }
0xd: {  	[smem:$0x3FB2] =	sst s5  }
0xe: {  	[smem:$0x3FB3] =	sst s6  }
0xf: {  	[smem:$0x3FB4] =	sst s7  }
0x10: {  	[smem:$0x3FB5] =	sst s8  }
0x11: {  	[smem:$0x3FB6] =	sst s9;
	s0 =	simm.s32 @!p0 $0x0  }
0x12: {  	s1 =	sld [smem:$0x3F9C];
	s0 =	simm.s32 @p0 $0x1  }
0x13: {  	[smem:$0x3FB7] =	sst s0;
	s0 =	simm.s32 @!p1 $0x0  }
0x14: {  	s2 =	sld [smem:$0x3F9B];
	s0 =	simm.s32 @p1 $0x1  }
0x15: {  	[smem:$0x3FB8] =	sst s0;
	s0 =	simm.s32 @!p2 $0x0  }
0x16: {  	s3 =	sld [smem:$0x3FDB];
	s0 =	simm.s32 @p2 $0x1  }
0x17: {  	s4 =	simm.s32 $0x1BF5;
	[smem:$0x3FBA] =	sst s0  }
0x18: {  	s0 =	sld [smem:$0x3F9D];
	_ =	swait.ge [sflag:s4], $0x0  }
0x19: {  	s7 =	sld [smem:$0x3F9E]  }
0x1a: {  	s8 =	sadd.s32 $0xFFFFE003, lr  }
0x1b: {  	s9 =	sadd.s32 $0xFFFFFEF7, lr;
	s5 =	simm.s32 $0xFFFFFFFF;
	p2 =	slt.u32 s8, $0xFFFFF086  }
0x1c: {  	p1 =	slt.u32 s9, $0xF7A;
	s5 =	simm.s32 @!p2 $0x0  }
0x1d: {  	s5 =	simm.s32 @p1 $0x1;
	p0 =	seq.s32 s7, s2  }
0x1e: {  	s7 =	smul.u32 @!p0 $0xF7A, s2;
	p2 =	seq.s32 @!p0 s5, $0x0  }
0x1f: {  	s9 =	smul.u32 $0xF7A, s1;
	s8 =	simm.s32 @!p0 $0x1BF5;
	p2 =	por !p2, p0  }
0x20: {  	[sflag:s8] =	ssyncset.s32 @!p0 $0xFFFFF086;
	s6 =	sadd.s32 @!p0 s3, s7;
	s7 =	simm.s32 @!p0 $0x108  }
0x21: {  	s3 =	sadd.s32 s3, s9;
	s6 =	sadd.s32 @!p0 $0x88, s6;
	s7 =	simm.s32 @p2 $0x1082  }
0x22: {  	[simem:s7], [sflag:s8] =	dma.local @!p0 [hbm:s6], $0xF7A  }
0x23: {  	s9 =	sor.u32 $0xD0000000, s2;
	s6 =	simm.s32 $0x108;
	_ =	swait.ge @!p0 [sflag:s8], $0x0  }
0x24: {  	s3 =	sadd.s32 $0x88, s3;
	s6 =	simm.s32 @!p1 $0x1082;
	[sflag:s4] =	ssyncset.s32 $0xFFFFF086  }
0x25: {  	[simem:s6], [sflag:s4] =	dma.local [hbm:s3], $0xF7A  }
0x26: {  	[smem:$0x3F9E] =	sst s1;
	(tag) =	ssettag s2;
	_ =	strace s9  }
0x27: {  	s1 =	sld [smem:$0x3FAE]  }
0x28: {  	s2 =	sld [smem:$0x3FAF]  }
0x29: {  	s4 =	sld [smem:$0x3FB1]  }
0x2a: {  	p0 =	seq.s32 s5, $0x0;
	s5 =	sld [smem:$0x3FB2]  }
0x2b: {  	s6 =	sld [smem:$0x3FB3]  }
0x2c: {  	s7 =	sld [smem:$0x3FB4]  }
0x2d: {  	s3 =	simm.s32 $0x108;
	s8 =	sld [smem:$0x3FB5]  }
0x2e: {  	s3 =	simm.s32 @!p0 $0x1082;
	s9 =	sld [smem:$0x3FB6]  }
0x2f: {  	lr =	sadd.s32 s0, s3;
	s0 =	sld [smem:$0x3FAD]  }
0x30: {  	s3 =	sld [smem:$0x3FB0]  }
0x31: {  	[smem:$0x3FB9] =	sst s10  }
0x32: {  	s10 =	sld [smem:$0x3FB7];
	_ =	sdelay $0x3  }
0x33: {  	p0 =	seq.s32 s10, $0x1;
	s10 =	sld [smem:$0x3FB9];
	_ =	sdelay $0x3  }
0x34: {  	[smem:$0x3FB9] =	sst s10  }
0x35: {  	s10 =	sld [smem:$0x3FB8];
	_ =	sdelay $0x3  }
0x36: {  	p1 =	seq.s32 s10, $0x1;
	s10 =	sld [smem:$0x3FB9];
	_ =	sdelay $0x3  }
0x37: {  	[smem:$0x3FB9] =	sst s10  }
0x38: {  	s10 =	sld [smem:$0x3FBA]  }
0x39: {  	_ = 	snop;
	(pc) =	sbr.ind lr, $3  }
0x3a: {  	_ = 	snop  }
0x3b: {  	_ = 	snop  }
0x3c: {  	p2 =	seq.s32 s10, $0x1;
	s10 =	sld [smem:$0x3FB9]  }
0x3d: {  	_ =	shalt  }
0x3e: {  	_ =	shalt  }
0x3f: {  	_ =	shalt  }
0x40: {  	_ =	shalt  }
0x41: {  	_ =	shalt  }
0x42: {  	_ =	shalt  }
0x43: {  	_ =	shalt  }
0x44: {  	_ =	shalt  }
0x45: {  	_ =	shalt  }
0x46: {  	_ =	shalt  }
0x47: {  	_ =	shalt  }
0x48: {  	_ =	shalt  }
0x49: {  	_ =	shalt  }
0x4a: {  	_ =	shalt  }
0x4b: {  	_ =	shalt  }
0x4c: {  	_ =	shalt  }
0x4d: {  	_ =	shalt  }
0x4e: {  	_ =	shalt  }
0x4f: {  	_ =	shalt  }
0x50: {  	_ =	shalt  }
0x51: {  	_ =	shalt  }
0x52: {  	_ =	shalt  }
0x53: {  	_ =	shalt  }
0x54: {  	_ =	shalt  }
0x55: {  	_ =	shalt  }
0x56: {  	_ =	shalt  }
0x57: {  	_ =	shalt  }
0x58: {  	_ =	shalt  }
0x59: {  	_ =	shalt  }
0x5a: {  	_ =	shalt  }
0x5b: {  	_ =	shalt  }
0x5c: {  	_ =	shalt  }
0x5d: {  	_ =	shalt  }
0x5e: {  	_ =	shalt  }
0x5f: {  	_ =	shalt  }
0x60: {  	_ =	shalt  }
0x61: {  	_ =	shalt  }
0x62: {  	_ =	shalt  }
0x63: {  	_ =	shalt  }
0x64: {  	_ =	shalt  }
0x65: {  	_ =	shalt  }
0x66: {  	_ =	shalt  }
0x67: {  	_ =	shalt  }
0x68: {  	_ =	shalt  }
0x69: {  	_ =	shalt  }
0x6a: {  	_ =	shalt  }
0x6b: {  	_ =	shalt  }
0x6c: {  	_ =	shalt  }
0x6d: {  	_ =	shalt  }
0x6e: {  	_ =	shalt  }
0x6f: {  	_ =	shalt  }
0x70: {  	_ =	shalt  }
0x71: {  	_ =	shalt  }
0x72: {  	_ =	shalt  }
0x73: {  	_ =	shalt  }
0x74: {  	_ =	shalt  }
0x75: {  	_ =	shalt  }
0x76: {  	_ =	shalt  }
0x77: {  	_ =	shalt  }
0x78: {  	_ =	shalt  }
0x79: {  	_ =	shalt  }
0x7a: {  	_ =	shalt  }
0x7b: {  	_ =	shalt  }
0x7c: {  	_ =	shalt  }
0x7d: {  	_ =	shalt  }
0x7e: {  	_ =	shalt  }
0x7f: {  	_ =	shalt  }
0x80: {  	_ =	shalt  }
0x81: {  	_ =	shalt  }
0x82: {  	_ =	shalt  }
0x83: {  	_ =	shalt  }
0x84: {  	_ =	shalt  }
0x85: {  	_ =	shalt  }
0x86: {  	_ =	shalt  }
0x87: {  	_ =	shalt  }
.Lfunc_end0:
.L_simem_size_0:
called_computation_lowered:
.L_overlay_start_0:
0x88: {  	s2 =	sld [smem:$0x3FD9]  }
0x89: {  	s3 =	sld [smem:$0x3FFE];
	_ =	sdelay $0x1  }
0x8a: {  	s1 =	srdreg.scid  }
0x8b: {  	s0 =	sand.u32 $0x1, s1  }
0x8c: {  	s17 =	sshll.u32 s0, $0xA;
	s2 =	sadd.s32 s3, s2  }
0x8d: {  	s2 =	sadd.s32 s2, s17  }
0x8e: {  	[smem:$0x3FC5] =	sst s2  }
0x8f: {  	_ = 	snop  }
0x90: {  	s2 =	sld [smem:$0x3FC9]  }
0x91: {  	s18 =	sld [smem:$0x3FC7]  }
0x92: {  	s4 =	sld [smem:$0x3FD0];
	(tm) =	ssettm $0x1  }
0x93: {  	s5 =	sld [smem:$0x3FFB];
	_ =	sdelay $0x3  }
0x94: {  	_ =	strace s5  }
0x95: {  	s5 =	sld [smem:$0x3FFC];
	_ =	sdelay $0x3  }
0x96: {  	_ =	strace s5  }
0x97: {  	s5 =	sld [smem:$0x3FFD];
	_ =	sdelay $0x3  }
0x98: {  	_ =	strace s5  }
0x99: {  	_ =	strace $0x8FFFFFFF  }
0x9a: {  	s19 =	sld [smem:$0x3FDB];
	_ =	sdelay $0x1  }
0x9b: {  	s6 =	simm.s32 $_scs_section_size  }
0x9c: {  	s7 =	simm.s32 $_size__tile_overlayer_lowered;
	s8 =	simm.s32 $_tile_overlayer_lowered  }
0x9d: {  	s22 =	simm.s32 $0x1BFF;
	s21 =	sshll.u32 s8, $0x1;
	s5 =	sadd.s32 s6, s19  }
0x9e: {  	s9 =	simm.s32 $0x0;
	s20 =	sshll.u32 s7, $0x1;
	s7 =	sadd.s32 s21, s5  }
0x9f: {  	[timem:s9], [sflag:s22] =	dma.local [hbm:s7], s20  }
0xa0: {  	_ =	swait.ge [sflag:s22], s20  }
0xa1: {  	s6 =	ssub.s32 $0x0, s20;
	[sflag:s22] =	ssyncset.done $0x0  }
0xa2: {  	[sflag:s22] =	ssyncadd.s32 s6;
	_ =	sdelay $0x1  }
0xa3: {  	s23 =	simm.s32 $0x1B8B  }
0xa4: {  	_ =	swait.ge [sflag:s23], $0x1  }
0xa5: {  	[sflag:s23] =	ssyncset.done $0x0  }
0xa6: {  	s25 =	simm.s32 $0x1B8E;
	s24 =	sld [smem:$0x3FFE];
	[sflag:s23] =	ssyncadd.s32 $0xFFFFFFFF  }
0xa7: {  	s26 =	simm.s32 $execute0_lowered;
	[smem:$0x3FD2] =	sst s25  }
0xa8: {  	s7 =	sshll.u32 s26, $0x1;
	_ =	strace $0x80000046;
	[dreg:$0x1] =	wrdreg $0xFFFFFFFF  }
0xa9: {  	s28 =	simm.s32 $_size_execute0_lowered;
	s5 =	sadd.s32 s5, s7;
	[dreg:$0x0] =	wrdreg $0x0  }
0xaa: {  	s7 =	sshll.u32 s28, $0x1;
	[dreg:$0x2] =	wrdreg s5  }
0xab: {  	[dreg:$0x3] =	wrdreg s7  }
0xac: {  	[dreg:$0x4] =	wrdreg $0xC0  }
0xad: {  	_ =	task [dreg:s9], $0x5FFFF  }
0xae: {  	[dreg:$0x1] =	wrdreg $0xFFFFFFFF  }
0xaf: {  	[dreg:$0x0] =	wrdreg $0x60  }
0xb0: {  	[dreg:$0x2] =	wrdreg s18  }
0xb1: {  	[dreg:$0x3] =	wrdreg s24  }
0xb2: {  	[dreg:$0x4] =	wrdreg s2  }
0xb3: {  	[dreg:$0x5] =	wrdreg s4  }
0xb4: {  	[dreg:$0x6] =	wrdreg $0x9  }
0xb5: {  	_ =	task.clear_ibuf [dreg:s9], $0x7FFFF;
	_ =	strace $0x90000046  }
0xb6: {  	s29 =	simm.s32 $0x9;
	_ =	strace $0x80000048  }
0xb7: {  	_ =	swait.ge [sflag:s29], $0x1  }
0xb8: {  	[sflag:s29] =	ssyncadd.s32 $0xFFFFFFFF  }
0xb9: {  	_ =	strace $0x90000048  }
0xba: {  	_ =	sfence  }
0xbb: {  	s30 =	sld [smem:$0x0];
	_ =	sdelay $0x2  }
0xbc: {  	s31 =	sshll.u32 s1, $0xD;
	s1 =	sshrl.u32 s1, $0x2  }
0xbd: {  	s3 =	sand.u32 $0x4000, s31;
	s1 =	sadd.s32 s1, s30  }
0xbe: {  	s0 =	sor.u32 s3, s0;
	s1 =	sshll.u32 s1, $0x11  }
0xbf: {  	s0 =	sor.u32 s1, s0  }
0xc0: {  	s0 =	sadd.s32 $0x8F2B, s0  }
0xc1: {  	[sflag:s0] =	ssyncadd.remote.s32 $0x1  }
0xc2: {  	_ =	sfence.sel $0xFFFF  }
0xc3: {  	[dreg:$0x0] =	wrdreg $0xFFFFFFFF;
	(pc) =	sbr.abs _section_cstart, $3  }
0xc4: {  	[dreg:$0x1] =	wrdreg $0xFFFFFFFF  }
0xc5: {  	_ =	task.clear_ibuf [dreg:s9], $0x2FFFF;
	_ =	strace $0x9FFFFFFF  }
0xc6: {  	(tm) =	ssettm $0x7FFFFFFF  }
0xc7: {  	_ =	shalt  }
tec
execute0_lowered:
.L_overlay_start_1:
0x0: {  	(tag) =	ssettag $0x1  }
0x1: {  	s1 =	rddreg [dreg:$0x0]  }
0x2: {  	s0 =	rddreg [dreg:$0x1]  }
0x3: {  	s3 =	rddreg [dreg:$0x2]  }
0x4: {  	s4 =	rddreg [dreg:$0x3];
	s2 =	srdreg.scid  }
0x5: {  	s6 =	stileid.u32;
	s5 =	simm.s32 $0x0;
	s28 =	simm.s32 $0x2  }
0x6: {  	s30 =	simm.s32 $0x1A900;
	s31 =	simm.s32 $0x1A980;
	s2 =	sand.u32 $0x1, s2  }
0x7: {  	s7 =	sshll.u32 s6, $0x1;
	[smem:$0x7FF] =	sst s5;
	s6 =	sshrl.u32 s6, $0x1  }
0x8: {  	s8 =	sor.u32 s2, s7;
	s2 =	ssub.s32 $0x2, s2;
	s9 =	smul.u32 $0xC3800, s6  }
0x9: {  	_ =	strace $0x80000047;
	s6 =	sadd.s32 $0x400, s0;
	s22 =	sand.u32 $0x1C, s7  }
0xa: {  	s17 =	sshll.u32 s8, $0x8;
	s10 =	sshrl.u32 s2, $0x1;
	s20 =	sand.u32 $0x3, s8  }
0xb: {  	p0 =	sne.s32 s8, $0x1F;
	s8 =	simm.s32 $0x0;
	s11 =	sand.u32 $0x300, s17  }
0xc: {  	s18 =	ssub.s32 s2, s10;
	[dreg:$0x5] =	wrdreg s20;
	s13 =	sshll.u32 s20, $0x8  }
0xd: {  	s20 =	simm.s32 $0x400;
	s19 =	sor.u32 s9, s11;
	s24 =	sor.u32 $0x62000, s13  }
0xe: {  	s25 =	sor.u32 $0x93000, s13;
	s26 =	sor.u32 $0x80, s13;
	[dreg:$0xa] =	wrdreg s24  }
0xf: {  	s29 =	sor.u32 $0x31000, s13;
	s0 =	smax.u32 s18, $0x1;
	[dreg:$0xb] =	wrdreg s25  }
0x10: {  	s11 =	simm.s32 $0x5;
	s21 =	sadd.s32 $0xC3400, s19;
	[dreg:$0xc] =	wrdreg s26  }
0x11: {  	s9 =	sshrl.u32 s19, $0x3;
	s2 =	sadd.s32 $0x31000, s19;
	[dreg:$0xd] =	wrdreg s29  }
0x12: {  	[dreg:$0xe] =	wrdreg s0;
	s19 =	simm.s32 $0x100;
	s24 =	simm.s32 $0x1A880  }
0x13: {  	s25 =	simm.s32 $0x3;
	s26 =	simm.s32 $0x1;
	s0 =	simm.s32 $0x80  }
.Ltmp0:
0x14: {  	s9 =	sadd.s32 s1, s9;
	s2 =	sshrl.u32 s2, $0x3;
	(pc) =	sbr.rel .LBB2_1-.Ltmp0, $4  }
0x15: {  	s7 =	sshrl.u32 s21, $0x3;
	[dreg:$0x6] =	wrdreg s9;
	s2 =	sadd.s32 s1, s2  }
0x16: {  	s21 =	simm.s32 $0xC400;
	s7 =	sadd.s32 s1, s7;
	[dreg:$0x8] =	wrdreg s2  }
0x17: {  	s9 =	simm.s32 $0x4;
	[dreg:$0x7] =	wrdreg s7;
	s23 =	sadd.s32 $0x10, s7  }
0x18: {  	s2 =	simm.s32 $0x1AA00;
	[dreg:$0x9] =	wrdreg s23;
	s23 =	simm.s32 $0x1A800  }
.LBB2_23:
0x19: {  	s8 =	sadd.s32 $0x1, s8;
	s7 =	rddreg [dreg:$0xe]  }
0x1a: {  	p1 =	sne.s32 s8, s7  }
.Ltmp1:
0x1b: {  	_ = 	snop;
	(pc) =	sbr.rel @!p1 .LBB2_24-.Ltmp1, $1  }
0x1c: {  	_ =	sdelay $0x3  }
.LBB2_1:
0x1d: {  	s7 =	rddreg [dreg:$0x6]  }
0x1e: {  	[tilespmem:s5], [sflag:$0x1] =	stream.strided.gather [hbm4b:s7+s19], $0xC400, s20, s19, $0x38;
	[tilespmem:$0x1CA00] =	vst v63  }
0x1f: {  	s16 =	rddreg [dreg:$0x8]  }
0x20: {  	[tilespmem:s21], [sflag:$0x2] =	stream.strided.gather [hbm4b:s16+s19], $0xC400, s20, s19, $0x38;
	[tilespmem:$0x1CA00] =	vst v63  }
0x21: {  	[dreg:$0xf] =	wrdreg s8;
	s17 =	simm.s32 $0x18800  }
0x22: {  	[tilespmem:s17], [sflag:$0x3] =	stream.linear.gather [hbm4b:s6+s5], $0x1000, $0x38;
	[tilespmem:$0x1CA00] =	vst v63  }
0x23: {  	s18 =	rddreg [dreg:$0x7]  }
0x24: {  	[tilespmem:s23], [sflag:$0x3] =	stream.linear.gather [hbm4b:s18+s5], $0x80, $0x38;
	[tilespmem:$0x1CA00] =	vst v63  }
0x25: {  	s29 =	rddreg [dreg:$0x9];
	s18 =	simm.s32 $0x0  }
0x26: {  	[tilespmem:s24], [sflag:$0x3] =	stream.linear.gather [hbm4b:s29+s5], $0x80, $0x38;
	[tilespmem:$0x1CA00] =	vst v63  }
.LBB2_2:
0x27: {  	_ =	swait.ge [sflag:s25], $0x1000  }
0x28: {  	[sflag:s25] =	ssyncset.done $0x0  }
0x29: {  	[sflag:s25] =	ssyncadd.s32 $0xFFFFF000  }
0x2a: {  	_ =	swait.ge [sflag:s25], $0x80  }
0x2b: {  	[sflag:s25] =	ssyncset.done $0x0  }
0x2c: {  	[sflag:s25] =	ssyncadd.s32 $0xFFFFFF80  }
0x2d: {  	_ =	swait.ge [sflag:s25], $0x80  }
0x2e: {  	[sflag:s25] =	ssyncset.done $0x0  }
0x2f: {  	[sflag:s25] =	ssyncadd.s32 $0xFFFFFF80  }
0x30: {  	_ =	swait.ge [sflag:s26], $0xC400  }
0x31: {  	p1 =	seq.s32 s18, $0x0;
	[sflag:s26] =	ssyncset.done $0x0  }
0x32: {  	s12 =	sshll.u32 s18, $0x6;
	s14 =	simm.s32 @!p1 $0x4;
	[sflag:s26] =	ssyncadd.s32 $0xFFFF3C00  }
0x33: {  	s17 =	smov.u32 s22;
	s16 =	simm.s32 $0x1BA40;
	_ =	swait.ge @!p1 [sflag:s14], $0x1000  }
0x34: {  	s8 =	sor.u32 s22, s12;
	[sflag:s14] =	ssyncset.done @!p1 $0x0;
	s15 =	rddreg [dreg:$0x5]  }
0x35: {  	s7 =	sor.u32 $0x20, s8;
	[sflag:s14] =	ssyncadd.s32 @!p1 $0xFFFFF000;
	s10 =	sor.u32 s15, s8  }
0x36: {  	s22 =	sor.u32 s15, s7;
	s15 =	simm.s32 $0x18840;
	_ =	swait.ge @!p1 [sflag:s14], $0x1000  }
0x37: {  	s29 =	sshll.u32 s10, $0x1;
	s10 =	sshll.u32 s22, $0x1;
	[sflag:s14] =	ssyncset.done @!p1 $0x0  }
0x38: {  	s22 =	simm.s32 $0x1AA40;
	[sflag:s14] =	ssyncadd.s32 @!p1 $0xFFFFF000;
	s14 =	simm.s32 $0xFFFFFFF8  }
.LBB2_3:
0x39: {  	v0 =	vld [tilespmem:s15+$0xFFFFFFC0];
	_ =	sdelay $0x4  }
0x3a: {  	v1 =	vshll.u32 v0, $0x1  }
0x3b: {  	vm0 =	vlt.u32 v0, $0x6200;
	v0 =	vand.u32 $0x7F, v0;
	v1 =	vand.u32 $0xFFFFFF00, v1  }
0x3c: {  	v0 =	vor.u32 v0, v1;
	_ =	sdelay $0x4  }
0x3d: {  	v1 =	vld.idx.msk [tilespmem:v0+s5+$0x0], vm0  }
0x3e: {  	v0 =	vor.u32 $0x80, v0;
	_ =	sdelay $0x3  }
0x3f: {  	[tilespmem:s22+$0xFFFFFFC0] =	vst v1  }
0x40: {  	v0 =	vld.idx.msk [tilespmem:v0+s5+$0x0], vm0;
	_ =	sdelay $0x4  }
0x41: {  	[tilespmem:s16+$0xFFFFFFC0] =	vst v0  }
0x42: {  	v0 =	vld [tilespmem:s15+$0xFFFFFFD0];
	_ =	sdelay $0x4  }
0x43: {  	v57 =	vshll.u32 v0, $0x1  }
0x44: {  	vm9 =	vlt.u32 v0, $0x6200;
	v0 =	vand.u32 $0x7F, v0;
	v1 =	vand.u32 $0xFFFFFF00, v57  }
0x45: {  	v0 =	vor.u32 v0, v1;
	_ =	sdelay $0x4  }
0x46: {  	v1 =	vld.idx.msk [tilespmem:v0+s5+$0x0], vm9  }
0x47: {  	v0 =	vor.u32 $0x80, v0;
	_ =	sdelay $0x3  }
0x48: {  	[tilespmem:s22+$0xFFFFFFD0] =	vst v1  }
0x49: {  	v0 =	vld.idx.msk [tilespmem:v0+s5+$0x0], vm9;
	_ =	sdelay $0x4  }
0x4a: {  	[tilespmem:s16+$0xFFFFFFD0] =	vst v0  }
0x4b: {  	v0 =	vld [tilespmem:s15+$0xFFFFFFE0];
	_ =	sdelay $0x4  }
0x4c: {  	v58 =	vshll.u32 v0, $0x1  }
0x4d: {  	vm10 =	vlt.u32 v0, $0x6200;
	v0 =	vand.u32 $0x7F, v0;
	v1 =	vand.u32 $0xFFFFFF00, v58  }
0x4e: {  	v0 =	vor.u32 v0, v1;
	_ =	sdelay $0x4  }
0x4f: {  	v1 =	vld.idx.msk [tilespmem:v0+s5+$0x0], vm10  }
0x50: {  	v0 =	vor.u32 $0x80, v0;
	_ =	sdelay $0x3  }
0x51: {  	[tilespmem:s22+$0xFFFFFFE0] =	vst v1  }
0x52: {  	v0 =	vld.idx.msk [tilespmem:v0+s5+$0x0], vm10;
	_ =	sdelay $0x4  }
0x53: {  	[tilespmem:s16+$0xFFFFFFE0] =	vst v0  }
0x54: {  	v0 =	vld [tilespmem:s15+$0xFFFFFFF0];
	_ =	sdelay $0x4  }
0x55: {  	v59 =	vshll.u32 v0, $0x1  }
0x56: {  	vm11 =	vlt.u32 v0, $0x6200;
	v0 =	vand.u32 $0x7F, v0;
	v1 =	vand.u32 $0xFFFFFF00, v59  }
0x57: {  	v0 =	vor.u32 v0, v1;
	_ =	sdelay $0x4  }
0x58: {  	v1 =	vld.idx.msk [tilespmem:v0+s5+$0x0], vm11  }
0x59: {  	v0 =	vor.u32 $0x80, v0;
	_ =	sdelay $0x3  }
0x5a: {  	[tilespmem:s22+$0xFFFFFFF0] =	vst v1  }
0x5b: {  	v0 =	vld.idx.msk [tilespmem:v0+s5+$0x0], vm11;
	_ =	sdelay $0x4  }
0x5c: {  	[tilespmem:s16+$0xFFFFFFF0] =	vst v0  }
0x5d: {  	v0 =	vld [tilespmem:s15+$0x0];
	_ =	sdelay $0x4  }
0x5e: {  	v60 =	vshll.u32 v0, $0x1  }
0x5f: {  	vm12 =	vlt.u32 v0, $0x6200;
	v0 =	vand.u32 $0x7F, v0;
	v1 =	vand.u32 $0xFFFFFF00, v60  }
0x60: {  	v0 =	vor.u32 v0, v1;
	_ =	sdelay $0x4  }
0x61: {  	v1 =	vld.idx.msk [tilespmem:v0+s5+$0x0], vm12  }
0x62: {  	v0 =	vor.u32 $0x80, v0;
	_ =	sdelay $0x3  }
0x63: {  	[tilespmem:s22+$0x0] =	vst v1  }
0x64: {  	v0 =	vld.idx.msk [tilespmem:v0+s5+$0x0], vm12;
	_ =	sdelay $0x4  }
0x65: {  	[tilespmem:s16+$0x0] =	vst v0  }
0x66: {  	v0 =	vld [tilespmem:s15+$0x10];
	_ =	sdelay $0x4  }
0x67: {  	v61 =	vshll.u32 v0, $0x1  }
0x68: {  	vm13 =	vlt.u32 v0, $0x6200;
	v0 =	vand.u32 $0x7F, v0;
	v1 =	vand.u32 $0xFFFFFF00, v61  }
0x69: {  	v0 =	vor.u32 v0, v1;
	_ =	sdelay $0x4  }
0x6a: {  	v1 =	vld.idx.msk [tilespmem:v0+s5+$0x0], vm13  }
0x6b: {  	v0 =	vor.u32 $0x80, v0;
	_ =	sdelay $0x3  }
0x6c: {  	[tilespmem:s22+$0x10] =	vst v1  }
0x6d: {  	v0 =	vld.idx.msk [tilespmem:v0+s5+$0x0], vm13;
	_ =	sdelay $0x4  }
0x6e: {  	[tilespmem:s16+$0x10] =	vst v0  }
0x6f: {  	v0 =	vld [tilespmem:s15+$0x20];
	_ =	sdelay $0x4  }
0x70: {  	v62 =	vshll.u32 v0, $0x1  }
0x71: {  	vm14 =	vlt.u32 v0, $0x6200;
	v0 =	vand.u32 $0x7F, v0;
	v1 =	vand.u32 $0xFFFFFF00, v62  }
0x72: {  	v0 =	vor.u32 v0, v1;
	_ =	sdelay $0x4  }
0x73: {  	v1 =	vld.idx.msk [tilespmem:v0+s5+$0x0], vm14  }
0x74: {  	v0 =	vor.u32 $0x80, v0;
	_ =	sdelay $0x3  }
0x75: {  	[tilespmem:s22+$0x20] =	vst v1  }
0x76: {  	v0 =	vld.idx.msk [tilespmem:v0+s5+$0x0], vm14;
	_ =	sdelay $0x4  }
0x77: {  	[tilespmem:s16+$0x20] =	vst v0  }
0x78: {  	v0 =	vld [tilespmem:s15+$0x30];
	_ =	sdelay $0x4  }
0x79: {  	v63 =	vshll.u32 v0, $0x1  }
0x7a: {  	vm15 =	vlt.u32 v0, $0x6200;
	v0 =	vand.u32 $0x7F, v0;
	v1 =	vand.u32 $0xFFFFFF00, v63  }
0x7b: {  	v0 =	vor.u32 v0, v1;
	_ =	sdelay $0x4  }
0x7c: {  	v1 =	vld.idx.msk [tilespmem:v0+s5+$0x0], vm15  }
0x7d: {  	v0 =	vor.u32 $0x80, v0;
	_ =	sdelay $0x3  }
0x7e: {  	s14 =	sadd.s32 $0x8, s14;
	[tilespmem:s22+$0x30] =	vst v1  }
0x7f: {  	p1 =	slt.u32 s14, $0xF8;
	v0 =	vld.idx.msk [tilespmem:v0+s5+$0x0], vm15  }
.Ltmp2:
0x80: {  	_ = 	snop;
	(pc) =	sbr.rel @p1 .LBB2_3-.Ltmp2, $2  }
0x81: {  	_ =	sdelay $0x2  }
0x82: {  	s15 =	sadd.s32 $0x80, s15;
	s22 =	sadd.s32 $0x80, s22;
	[tilespmem:s16+$0x30] =	vst v0;
	s16 =	sadd.s32 $0x80, s16  }
0x83: {  	s8 =	sshrl.u32 s8, $0x2  }
0x84: {  	s8 =	smul.u32 $0xC3800, s8  }
0x85: {  	s14 =	rddreg [dreg:$0xa]  }
0x86: {  	s14 =	sadd.s32 s14, s8  }
0x87: {  	s14 =	sshrl.u32 s14, $0x3  }
0x88: {  	s15 =	simm.s32 $0x0;
	s14 =	sadd.s32 s1, s14  }
0x89: {  	[tilespmem:s15], [sflag:$0x1] =	stream.strided.gather [hbm4b:s14+s19], $0xC400, s20, s19, $0x38;
	[tilespmem:$0x1CA00] =	vst v63  }
0x8a: {  	_ =	swait.ge [sflag:s28], $0xC400  }
0x8b: {  	[sflag:s28] =	ssyncset.done $0x0  }
0x8c: {  	s14 =	simm.s32 $0x0;
	[sflag:s28] =	ssyncadd.s32 $0xFFFF3C00  }
0x8d: {  	v0 =	vld [tilespmem:s14+$0x18800];
	_ =	sdelay $0x4  }
0x8e: {  	v1 =	vadd.s32 $0xFFFF9E00, v0  }
0x8f: {  	v2 =	vshll.u32 v1, $0x1  }
0x90: {  	v0 =	vand.u32 $0x7F, v0;
	vm0 =	vlt.u32 v1, $0x6200;
	v1 =	vand.u32 $0xFFFFFF00, v2  }
0x91: {  	v0 =	vor.u32 v0, v1;
	_ =	sdelay $0x3  }
0x92: {  	v2 =	vld [tilespmem:s14+$0x18810]  }
0x93: {  	v1 =	vld.idx.msk [tilespmem:v0+s21+$0x0], vm0  }
0x94: {  	v0 =	vor.u32 $0x80, v0;
	_ =	sdelay $0x3  }
0x95: {  	[tilespmem:s14+$0x1AA00] =	vst.add.f32.msk $0xffff, v1;
	v1 =	vadd.s32 $0xFFFF9E00, v2  }
0x96: {  	v0 =	vld.idx.msk [tilespmem:v0+s21+$0x0], vm0;
	v3 =	vshll.u32 v1, $0x1  }
0x97: {  	vm0 =	vlt.u32 v1, $0x6200;
	v1 =	vand.u32 $0x7F, v2;
	v2 =	vand.u32 $0xFFFFFF00, v3  }
0x98: {  	v1 =	vor.u32 v1, v2;
	_ =	sdelay $0x2  }
0x99: {  	[tilespmem:s14+$0x1BA00] =	vst.add.f32.msk $0xffff, v0  }
0x9a: {  	v0 =	vld [tilespmem:s14+$0x18820]  }
0x9b: {  	v2 =	vld.idx.msk [tilespmem:v1+s21+$0x0], vm0  }
0x9c: {  	v1 =	vor.u32 $0x80, v1;
	_ =	sdelay $0x2  }
0x9d: {  	v3 =	vadd.s32 $0xFFFF9E00, v0  }
0x9e: {  	[tilespmem:s14+$0x1AA10] =	vst.add.f32.msk $0xffff, v2;
	v2 =	vshll.u32 v3, $0x1  }
0x9f: {  	v0 =	vand.u32 $0x7F, v0;
	v1 =	vld.idx.msk [tilespmem:v1+s21+$0x0], vm0;
	vm0 =	vlt.u32 v3, $0x6200;
	v2 =	vand.u32 $0xFFFFFF00, v2  }
0xa0: {  	v0 =	vor.u32 v0, v2;
	_ =	sdelay $0x2  }
0xa1: {  	v2 =	vld [tilespmem:s14+$0x18830]  }
0xa2: {  	[tilespmem:s14+$0x1BA10] =	vst.add.f32.msk $0xffff, v1  }
0xa3: {  	v1 =	vld.idx.msk [tilespmem:v0+s21+$0x0], vm0  }
0xa4: {  	v0 =	vor.u32 $0x80, v0;
	_ =	sdelay $0x3  }
0xa5: {  	[tilespmem:s14+$0x1AA20] =	vst.add.f32.msk $0xffff, v1;
	v1 =	vadd.s32 $0xFFFF9E00, v2  }
0xa6: {  	v0 =	vld.idx.msk [tilespmem:v0+s21+$0x0], vm0;
	v3 =	vshll.u32 v1, $0x1  }
0xa7: {  	vm0 =	vlt.u32 v1, $0x6200;
	v1 =	vand.u32 $0x7F, v2;
	v2 =	vand.u32 $0xFFFFFF00, v3  }
0xa8: {  	v1 =	vor.u32 v1, v2;
	_ =	sdelay $0x2  }
0xa9: {  	[tilespmem:s14+$0x1BA20] =	vst.add.f32.msk $0xffff, v0  }
0xaa: {  	v0 =	vld [tilespmem:s14+$0x18840]  }
0xab: {  	v2 =	vld.idx.msk [tilespmem:v1+s21+$0x0], vm0  }
0xac: {  	v1 =	vor.u32 $0x80, v1;
	_ =	sdelay $0x2  }
0xad: {  	v3 =	vadd.s32 $0xFFFF9E00, v0  }
0xae: {  	[tilespmem:s14+$0x1AA30] =	vst.add.f32.msk $0xffff, v2;
	v2 =	vshll.u32 v3, $0x1  }
0xaf: {  	v0 =	vand.u32 $0x7F, v0;
	v1 =	vld.idx.msk [tilespmem:v1+s21+$0x0], vm0;
	vm0 =	vlt.u32 v3, $0x6200;
	v2 =	vand.u32 $0xFFFFFF00, v2  }
0xb0: {  	v0 =	vor.u32 v0, v2;
	_ =	sdelay $0x2  }
0xb1: {  	v2 =	vld [tilespmem:s14+$0x18850]  }
0xb2: {  	[tilespmem:s14+$0x1BA30] =	vst.add.f32.msk $0xffff, v1  }
0xb3: {  	v1 =	vld.idx.msk [tilespmem:v0+s21+$0x0], vm0  }
0xb4: {  	v0 =	vor.u32 $0x80, v0;
	_ =	sdelay $0x3  }
0xb5: {  	[tilespmem:s14+$0x1AA40] =	vst.add.f32.msk $0xffff, v1;
	v1 =	vadd.s32 $0xFFFF9E00, v2  }
0xb6: {  	v0 =	vld.idx.msk [tilespmem:v0+s21+$0x0], vm0;
	v3 =	vshll.u32 v1, $0x1  }
0xb7: {  	vm0 =	vlt.u32 v1, $0x6200;
	v1 =	vand.u32 $0x7F, v2;
	v2 =	vand.u32 $0xFFFFFF00, v3  }
0xb8: {  	v1 =	vor.u32 v1, v2;
	_ =	sdelay $0x2  }
0xb9: {  	[tilespmem:s14+$0x1BA40] =	vst.add.f32.msk $0xffff, v0  }
0xba: {  	v0 =	vld [tilespmem:s14+$0x18860]  }
0xbb: {  	v2 =	vld.idx.msk [tilespmem:v1+s21+$0x0], vm0  }
0xbc: {  	v1 =	vor.u32 $0x80, v1;
	_ =	sdelay $0x2  }
0xbd: {  	v3 =	vadd.s32 $0xFFFF9E00, v0  }
0xbe: {  	[tilespmem:s14+$0x1AA50] =	vst.add.f32.msk $0xffff, v2;
	v2 =	vshll.u32 v3, $0x1  }
0xbf: {  	v0 =	vand.u32 $0x7F, v0;
	v1 =	vld.idx.msk [tilespmem:v1+s21+$0x0], vm0;
	vm0 =	vlt.u32 v3, $0x6200;
	v2 =	vand.u32 $0xFFFFFF00, v2  }
0xc0: {  	v0 =	vor.u32 v0, v2;
	_ =	sdelay $0x3  }
0xc1: {  	[tilespmem:s14+$0x1BA50] =	vst.add.f32.msk $0xffff, v1  }
0xc2: {  	v1 =	vld.idx.msk [tilespmem:v0+s21+$0x0], vm0  }
0xc3: {  	v2 =	vld [tilespmem:s14+$0x18870];
	v0 =	vor.u32 $0x80, v0;
	_ =	sdelay $0x3  }
0xc4: {  	[tilespmem:s14+$0x1AA60] =	vst.add.f32.msk $0xffff, v1  }
0xc5: {  	v1 =	vld.idx.msk [tilespmem:v0+s21+$0x0], vm0;
	v0 =	vadd.s32 $0xFFFF9E00, v2  }
0xc6: {  	v3 =	vshll.u32 v0, $0x1  }
0xc7: {  	v2 =	vand.u32 $0x7F, v2;
	vm0 =	vlt.u32 v0, $0x6200;
	v3 =	vand.u32 $0xFFFFFF00, v3  }
0xc8: {  	v0 =	vor.u32 v2, v3;
	_ =	sdelay $0x3  }
0xc9: {  	s22 =	simm.s32 $0x0;
	s15 =	simm.s32 $0x200;
	[tilespmem:s14+$0x1BA60] =	vst.add.f32.msk $0xffff, v1  }
.LBB2_5:
0xca: {  	s16 =	sshra.s32 s15, $0x2;
	s22 =	sadd.s32 $0x8, s22;
	v1 =	vld.idx.msk [tilespmem:v0+s21+$0x0], vm0  }
0xcb: {  	v2 =	vld [tilespmem:s16+$0x18800];
	p1 =	slt.u32 s22, $0xF8  }
0xcc: {  	v0 =	vor.u32 $0x80, v0;
	_ =	sdelay $0x3  }
0xcd: {  	v3 =	vadd.s32 $0xFFFF9E00, v2;
	[tilespmem:s14+$0x1AA70] =	vst.add.f32.msk $0xffff, v1  }
0xce: {  	v1 =	vshll.u32 v3, $0x1;
	v0 =	vld.idx.msk [tilespmem:v0+s21+$0x0], vm0  }
0xcf: {  	v2 =	vand.u32 $0x7F, v2;
	vm0 =	vlt.u32 v3, $0x6200;
	v1 =	vand.u32 $0xFFFFFF00, v1  }
0xd0: {  	v1 =	vor.u32 v2, v1;
	_ =	sdelay $0x3  }
0xd1: {  	[tilespmem:s14+$0x1BA70] =	vst.add.f32.msk $0xffff, v0;
	s14 =	smov.u32 s16  }
0xd2: {  	v0 =	vld.idx.msk [tilespmem:v1+s21+$0x0], vm0  }
0xd3: {  	v2 =	vld [tilespmem:s14+$0x18810]  }
0xd4: {  	v1 =	vor.u32 $0x80, v1;
	_ =	sdelay $0x3  }
0xd5: {  	[tilespmem:s14+$0x1AA00] =	vst.add.f32.msk $0xffff, v0;
	v0 =	vadd.s32 $0xFFFF9E00, v2  }
0xd6: {  	v1 =	vld.idx.msk [tilespmem:v1+s21+$0x0], vm0;
	v3 =	vshll.u32 v0, $0x1  }
0xd7: {  	vm0 =	vlt.u32 v0, $0x6200;
	v0 =	vand.u32 $0x7F, v2;
	v2 =	vand.u32 $0xFFFFFF00, v3  }
0xd8: {  	v0 =	vor.u32 v0, v2;
	_ =	sdelay $0x3  }
0xd9: {  	[tilespmem:s14+$0x1BA00] =	vst.add.f32.msk $0xffff, v1  }
0xda: {  	v1 =	vld.idx.msk [tilespmem:v0+s21+$0x0], vm0  }
0xdb: {  	v2 =	vld [tilespmem:s14+$0x18820]  }
0xdc: {  	v0 =	vor.u32 $0x80, v0;
	_ =	sdelay $0x3  }
0xdd: {  	[tilespmem:s14+$0x1AA10] =	vst.add.f32.msk $0xffff, v1;
	v1 =	vadd.s32 $0xFFFF9E00, v2  }
0xde: {  	v0 =	vld.idx.msk [tilespmem:v0+s21+$0x0], vm0;
	v3 =	vshll.u32 v1, $0x1  }
0xdf: {  	vm0 =	vlt.u32 v1, $0x6200;
	v1 =	vand.u32 $0x7F, v2;
	v2 =	vand.u32 $0xFFFFFF00, v3  }
0xe0: {  	v1 =	vor.u32 v1, v2;
	_ =	sdelay $0x3  }
0xe1: {  	[tilespmem:s14+$0x1BA10] =	vst.add.f32.msk $0xffff, v0  }
0xe2: {  	v0 =	vld.idx.msk [tilespmem:v1+s21+$0x0], vm0  }
0xe3: {  	v2 =	vld [tilespmem:s14+$0x18830]  }
0xe4: {  	v1 =	vor.u32 $0x80, v1;
	_ =	sdelay $0x3  }
0xe5: {  	[tilespmem:s14+$0x1AA20] =	vst.add.f32.msk $0xffff, v0;
	v0 =	vadd.s32 $0xFFFF9E00, v2  }
0xe6: {  	v1 =	vld.idx.msk [tilespmem:v1+s21+$0x0], vm0;
	v3 =	vshll.u32 v0, $0x1  }
0xe7: {  	vm0 =	vlt.u32 v0, $0x6200;
	v0 =	vand.u32 $0x7F, v2;
	v2 =	vand.u32 $0xFFFFFF00, v3  }
0xe8: {  	v0 =	vor.u32 v0, v2;
	_ =	sdelay $0x3  }
0xe9: {  	[tilespmem:s14+$0x1BA20] =	vst.add.f32.msk $0xffff, v1  }
0xea: {  	v1 =	vld.idx.msk [tilespmem:v0+s21+$0x0], vm0  }
0xeb: {  	v2 =	vld [tilespmem:s14+$0x18840]  }
0xec: {  	v0 =	vor.u32 $0x80, v0;
	_ =	sdelay $0x3  }
0xed: {  	[tilespmem:s14+$0x1AA30] =	vst.add.f32.msk $0xffff, v1;
	v1 =	vadd.s32 $0xFFFF9E00, v2  }
0xee: {  	v0 =	vld.idx.msk [tilespmem:v0+s21+$0x0], vm0;
	v3 =	vshll.u32 v1, $0x1  }
0xef: {  	vm0 =	vlt.u32 v1, $0x6200;
	v1 =	vand.u32 $0x7F, v2;
	v2 =	vand.u32 $0xFFFFFF00, v3  }
0xf0: {  	v1 =	vor.u32 v1, v2;
	_ =	sdelay $0x3  }
0xf1: {  	[tilespmem:s14+$0x1BA30] =	vst.add.f32.msk $0xffff, v0  }
0xf2: {  	v0 =	vld.idx.msk [tilespmem:v1+s21+$0x0], vm0  }
0xf3: {  	v2 =	vld [tilespmem:s14+$0x18850]  }
0xf4: {  	v1 =	vor.u32 $0x80, v1;
	_ =	sdelay $0x3  }
0xf5: {  	[tilespmem:s14+$0x1AA40] =	vst.add.f32.msk $0xffff, v0;
	v0 =	vadd.s32 $0xFFFF9E00, v2  }
0xf6: {  	v1 =	vld.idx.msk [tilespmem:v1+s21+$0x0], vm0;
	v3 =	vshll.u32 v0, $0x1  }
0xf7: {  	vm0 =	vlt.u32 v0, $0x6200;
	v0 =	vand.u32 $0x7F, v2;
	v2 =	vand.u32 $0xFFFFFF00, v3  }
0xf8: {  	v0 =	vor.u32 v0, v2;
	_ =	sdelay $0x3  }
0xf9: {  	[tilespmem:s14+$0x1BA40] =	vst.add.f32.msk $0xffff, v1  }
0xfa: {  	v1 =	vld.idx.msk [tilespmem:v0+s21+$0x0], vm0  }
0xfb: {  	v2 =	vld [tilespmem:s14+$0x18860]  }
0xfc: {  	v0 =	vor.u32 $0x80, v0;
	_ =	sdelay $0x3  }
0xfd: {  	[tilespmem:s14+$0x1AA50] =	vst.add.f32.msk $0xffff, v1;
	v1 =	vadd.s32 $0xFFFF9E00, v2  }
0xfe: {  	v0 =	vld.idx.msk [tilespmem:v0+s21+$0x0], vm0;
	v3 =	vshll.u32 v1, $0x1  }
0xff: {  	vm0 =	vlt.u32 v1, $0x6200;
	v1 =	vand.u32 $0x7F, v2;
	v2 =	vand.u32 $0xFFFFFF00, v3  }
0x100: {  	v1 =	vor.u32 v1, v2;
	_ =	sdelay $0x3  }
0x101: {  	[tilespmem:s14+$0x1BA50] =	vst.add.f32.msk $0xffff, v0  }
0x102: {  	v0 =	vld.idx.msk [tilespmem:v1+s21+$0x0], vm0  }
0x103: {  	v2 =	vld [tilespmem:s14+$0x18870]  }
0x104: {  	v1 =	vor.u32 $0x80, v1;
	_ =	sdelay $0x3  }
0x105: {  	[tilespmem:s14+$0x1AA60] =	vst.add.f32.msk $0xffff, v0;
	v0 =	vadd.s32 $0xFFFF9E00, v2  }
0x106: {  	v1 =	vld.idx.msk [tilespmem:v1+s21+$0x0], vm0;
	v3 =	vshll.u32 v0, $0x1  }
0x107: {  	vm0 =	vlt.u32 v0, $0x6200;
	v0 =	vand.u32 $0x7F, v2;
	v2 =	vand.u32 $0xFFFFFF00, v3  }
.Ltmp3:
0x108: {  	v0 =	vor.u32 v0, v2;
	(pc) =	sbr.rel @p1 .LBB2_5-.Ltmp3, $2  }
0x109: {  	_ =	sdelay $0x2  }
0x10a: {  	s15 =	sadd.s32 $0x200, s15;
	[tilespmem:s14+$0x1BA60] =	vst.add.f32.msk $0xffff, v1  }
0x10b: {  	_ =	sdelay $0x4  }
0x10c: {  	v1 =	vld.idx.msk [tilespmem:v0+s21+$0x0], vm0  }
0x10d: {  	v0 =	vor.u32 $0x80, v0;
	_ =	sdelay $0x3  }
0x10e: {  	[tilespmem:s14+$0x1AA70] =	vst.add.f32.msk $0xffff, v1  }
0x10f: {  	v0 =	vld.idx.msk [tilespmem:v0+s21+$0x0], vm0;
	_ =	sdelay $0x1  }
0x110: {  	s15 =	rddreg [dreg:$0xb]  }
0x111: {  	s8 =	sadd.s32 s15, s8  }
0x112: {  	s8 =	sshrl.u32 s8, $0x3  }
0x113: {  	s8 =	sadd.s32 s1, s8;
	[tilespmem:s14+$0x1BA70] =	vst.add.f32.msk $0xffff, v0  }
0x114: {  	[tilespmem:s21], [sflag:$0x2] =	stream.strided.gather [hbm4b:s8+s19], $0xC100, s20, s19, $0x38;
	[tilespmem:$0x1CA00] =	vst v63  }
0x115: {  	_ =	swait.ge [sflag:s26], $0xC400  }
0x116: {  	[sflag:s26] =	ssyncset.done $0x0  }
0x117: {  	s8 =	simm.s32 $0x0;
	[sflag:s26] =	ssyncadd.s32 $0xFFFF3C00  }
0x118: {  	v0 =	vld [tilespmem:s8+$0x18800];
	_ =	sdelay $0x4  }
0x119: {  	v1 =	vadd.s32 $0xFFFF3C00, v0  }
0x11a: {  	v2 =	vshll.u32 v1, $0x1  }
0x11b: {  	v0 =	vand.u32 $0x7F, v0;
	vm0 =	vlt.u32 v1, $0x6200;
	v1 =	vand.u32 $0xFFFFFF00, v2  }
0x11c: {  	v0 =	vor.u32 v0, v1;
	_ =	sdelay $0x3  }
0x11d: {  	v2 =	vld [tilespmem:s8+$0x18810]  }
0x11e: {  	v1 =	vld.idx.msk [tilespmem:v0+s5+$0x0], vm0  }
0x11f: {  	v0 =	vor.u32 $0x80, v0;
	_ =	sdelay $0x3  }
0x120: {  	[tilespmem:s8+$0x1AA00] =	vst.add.f32.msk $0xffff, v1;
	v1 =	vadd.s32 $0xFFFF3C00, v2  }
0x121: {  	v0 =	vld.idx.msk [tilespmem:v0+s5+$0x0], vm0;
	v3 =	vshll.u32 v1, $0x1  }
0x122: {  	vm0 =	vlt.u32 v1, $0x6200;
	v1 =	vand.u32 $0x7F, v2;
	v2 =	vand.u32 $0xFFFFFF00, v3  }
0x123: {  	v1 =	vor.u32 v1, v2;
	_ =	sdelay $0x2  }
0x124: {  	[tilespmem:s8+$0x1BA00] =	vst.add.f32.msk $0xffff, v0  }
0x125: {  	v0 =	vld [tilespmem:s8+$0x18820]  }
0x126: {  	v2 =	vld.idx.msk [tilespmem:v1+s5+$0x0], vm0  }
0x127: {  	v1 =	vor.u32 $0x80, v1;
	_ =	sdelay $0x2  }
0x128: {  	v3 =	vadd.s32 $0xFFFF3C00, v0  }
0x129: {  	[tilespmem:s8+$0x1AA10] =	vst.add.f32.msk $0xffff, v2;
	v2 =	vshll.u32 v3, $0x1  }
0x12a: {  	v0 =	vand.u32 $0x7F, v0;
	v1 =	vld.idx.msk [tilespmem:v1+s5+$0x0], vm0;
	vm0 =	vlt.u32 v3, $0x6200;
	v2 =	vand.u32 $0xFFFFFF00, v2  }
0x12b: {  	v0 =	vor.u32 v0, v2;
	_ =	sdelay $0x2  }
0x12c: {  	v2 =	vld [tilespmem:s8+$0x18830]  }
0x12d: {  	[tilespmem:s8+$0x1BA10] =	vst.add.f32.msk $0xffff, v1  }
0x12e: {  	v1 =	vld.idx.msk [tilespmem:v0+s5+$0x0], vm0  }
0x12f: {  	v0 =	vor.u32 $0x80, v0;
	_ =	sdelay $0x3  }
0x130: {  	[tilespmem:s8+$0x1AA20] =	vst.add.f32.msk $0xffff, v1;
	v1 =	vadd.s32 $0xFFFF3C00, v2  }
0x131: {  	v0 =	vld.idx.msk [tilespmem:v0+s5+$0x0], vm0;
	v3 =	vshll.u32 v1, $0x1  }
0x132: {  	vm0 =	vlt.u32 v1, $0x6200;
	v1 =	vand.u32 $0x7F, v2;
	v2 =	vand.u32 $0xFFFFFF00, v3  }
0x133: {  	v1 =	vor.u32 v1, v2;
	_ =	sdelay $0x2  }
0x134: {  	[tilespmem:s8+$0x1BA20] =	vst.add.f32.msk $0xffff, v0  }
0x135: {  	v0 =	vld [tilespmem:s8+$0x18840]  }
0x136: {  	v2 =	vld.idx.msk [tilespmem:v1+s5+$0x0], vm0  }
0x137: {  	v1 =	vor.u32 $0x80, v1;
	_ =	sdelay $0x2  }
0x138: {  	v3 =	vadd.s32 $0xFFFF3C00, v0  }
0x139: {  	[tilespmem:s8+$0x1AA30] =	vst.add.f32.msk $0xffff, v2;
	v2 =	vshll.u32 v3, $0x1  }
0x13a: {  	v0 =	vand.u32 $0x7F, v0;
	v1 =	vld.idx.msk [tilespmem:v1+s5+$0x0], vm0;
	vm0 =	vlt.u32 v3, $0x6200;
	v2 =	vand.u32 $0xFFFFFF00, v2  }
0x13b: {  	v0 =	vor.u32 v0, v2;
	_ =	sdelay $0x2  }
0x13c: {  	v2 =	vld [tilespmem:s8+$0x18850]  }
0x13d: {  	[tilespmem:s8+$0x1BA30] =	vst.add.f32.msk $0xffff, v1  }
0x13e: {  	v1 =	vld.idx.msk [tilespmem:v0+s5+$0x0], vm0  }
0x13f: {  	v0 =	vor.u32 $0x80, v0;
	_ =	sdelay $0x3  }
0x140: {  	[tilespmem:s8+$0x1AA40] =	vst.add.f32.msk $0xffff, v1;
	v1 =	vadd.s32 $0xFFFF3C00, v2  }
0x141: {  	v0 =	vld.idx.msk [tilespmem:v0+s5+$0x0], vm0;
	v3 =	vshll.u32 v1, $0x1  }
0x142: {  	vm0 =	vlt.u32 v1, $0x6200;
	v1 =	vand.u32 $0x7F, v2;
	v2 =	vand.u32 $0xFFFFFF00, v3  }
0x143: {  	v1 =	vor.u32 v1, v2;
	_ =	sdelay $0x2  }
0x144: {  	[tilespmem:s8+$0x1BA40] =	vst.add.f32.msk $0xffff, v0  }
0x145: {  	v0 =	vld [tilespmem:s8+$0x18860]  }
0x146: {  	v2 =	vld.idx.msk [tilespmem:v1+s5+$0x0], vm0  }
0x147: {  	v1 =	vor.u32 $0x80, v1;
	_ =	sdelay $0x2  }
0x148: {  	v3 =	vadd.s32 $0xFFFF3C00, v0  }
0x149: {  	[tilespmem:s8+$0x1AA50] =	vst.add.f32.msk $0xffff, v2;
	v2 =	vshll.u32 v3, $0x1  }
0x14a: {  	v0 =	vand.u32 $0x7F, v0;
	v1 =	vld.idx.msk [tilespmem:v1+s5+$0x0], vm0;
	vm0 =	vlt.u32 v3, $0x6200;
	v2 =	vand.u32 $0xFFFFFF00, v2  }
0x14b: {  	v0 =	vor.u32 v0, v2;
	_ =	sdelay $0x3  }
0x14c: {  	[tilespmem:s8+$0x1BA50] =	vst.add.f32.msk $0xffff, v1  }
0x14d: {  	v1 =	vld.idx.msk [tilespmem:v0+s5+$0x0], vm0  }
0x14e: {  	v2 =	vld [tilespmem:s8+$0x18870];
	v0 =	vor.u32 $0x80, v0;
	_ =	sdelay $0x3  }
0x14f: {  	[tilespmem:s8+$0x1AA60] =	vst.add.f32.msk $0xffff, v1  }
0x150: {  	v1 =	vld.idx.msk [tilespmem:v0+s5+$0x0], vm0;
	v0 =	vadd.s32 $0xFFFF3C00, v2  }
0x151: {  	v3 =	vshll.u32 v0, $0x1  }
0x152: {  	v2 =	vand.u32 $0x7F, v2;
	vm0 =	vlt.u32 v0, $0x6200;
	v3 =	vand.u32 $0xFFFFFF00, v3  }
0x153: {  	v0 =	vor.u32 v2, v3;
	_ =	sdelay $0x3  }
0x154: {  	s15 =	simm.s32 $0x200;
	s14 =	simm.s32 $0x0;
	[tilespmem:s8+$0x1BA60] =	vst.add.f32.msk $0xffff, v1  }
.LBB2_7:
0x155: {  	s16 =	sshra.s32 s15, $0x2;
	s14 =	sadd.s32 $0x8, s14;
	v1 =	vld.idx.msk [tilespmem:v0+s5+$0x0], vm0  }
0x156: {  	v2 =	vld [tilespmem:s16+$0x18800];
	p1 =	slt.u32 s14, $0xF8  }
0x157: {  	v0 =	vor.u32 $0x80, v0;
	_ =	sdelay $0x3  }
0x158: {  	v3 =	vadd.s32 $0xFFFF3C00, v2;
	[tilespmem:s8+$0x1AA70] =	vst.add.f32.msk $0xffff, v1  }
0x159: {  	v1 =	vshll.u32 v3, $0x1;
	v0 =	vld.idx.msk [tilespmem:v0+s5+$0x0], vm0  }
0x15a: {  	v2 =	vand.u32 $0x7F, v2;
	vm0 =	vlt.u32 v3, $0x6200;
	v1 =	vand.u32 $0xFFFFFF00, v1  }
0x15b: {  	v1 =	vor.u32 v2, v1;
	_ =	sdelay $0x3  }
0x15c: {  	[tilespmem:s8+$0x1BA70] =	vst.add.f32.msk $0xffff, v0;
	s8 =	smov.u32 s16  }
0x15d: {  	v0 =	vld.idx.msk [tilespmem:v1+s5+$0x0], vm0  }
0x15e: {  	v2 =	vld [tilespmem:s8+$0x18810]  }
0x15f: {  	v1 =	vor.u32 $0x80, v1;
	_ =	sdelay $0x3  }
0x160: {  	[tilespmem:s8+$0x1AA00] =	vst.add.f32.msk $0xffff, v0;
	v0 =	vadd.s32 $0xFFFF3C00, v2  }
0x161: {  	v1 =	vld.idx.msk [tilespmem:v1+s5+$0x0], vm0;
	v3 =	vshll.u32 v0, $0x1  }
0x162: {  	vm0 =	vlt.u32 v0, $0x6200;
	v0 =	vand.u32 $0x7F, v2;
	v2 =	vand.u32 $0xFFFFFF00, v3  }
0x163: {  	v0 =	vor.u32 v0, v2;
	_ =	sdelay $0x3  }
0x164: {  	[tilespmem:s8+$0x1BA00] =	vst.add.f32.msk $0xffff, v1  }
0x165: {  	v1 =	vld.idx.msk [tilespmem:v0+s5+$0x0], vm0  }
0x166: {  	v2 =	vld [tilespmem:s8+$0x18820]  }
0x167: {  	v0 =	vor.u32 $0x80, v0;
	_ =	sdelay $0x3  }
0x168: {  	[tilespmem:s8+$0x1AA10] =	vst.add.f32.msk $0xffff, v1;
	v1 =	vadd.s32 $0xFFFF3C00, v2  }
0x169: {  	v0 =	vld.idx.msk [tilespmem:v0+s5+$0x0], vm0;
	v3 =	vshll.u32 v1, $0x1  }
0x16a: {  	vm0 =	vlt.u32 v1, $0x6200;
	v1 =	vand.u32 $0x7F, v2;
	v2 =	vand.u32 $0xFFFFFF00, v3  }
0x16b: {  	v1 =	vor.u32 v1, v2;
	_ =	sdelay $0x3  }
0x16c: {  	[tilespmem:s8+$0x1BA10] =	vst.add.f32.msk $0xffff, v0  }
0x16d: {  	v0 =	vld.idx.msk [tilespmem:v1+s5+$0x0], vm0  }
0x16e: {  	v2 =	vld [tilespmem:s8+$0x18830]  }
0x16f: {  	v1 =	vor.u32 $0x80, v1;
	_ =	sdelay $0x3  }
0x170: {  	[tilespmem:s8+$0x1AA20] =	vst.add.f32.msk $0xffff, v0;
	v0 =	vadd.s32 $0xFFFF3C00, v2  }
0x171: {  	v1 =	vld.idx.msk [tilespmem:v1+s5+$0x0], vm0;
	v3 =	vshll.u32 v0, $0x1  }
0x172: {  	vm0 =	vlt.u32 v0, $0x6200;
	v0 =	vand.u32 $0x7F, v2;
	v2 =	vand.u32 $0xFFFFFF00, v3  }
0x173: {  	v0 =	vor.u32 v0, v2;
	_ =	sdelay $0x3  }
0x174: {  	[tilespmem:s8+$0x1BA20] =	vst.add.f32.msk $0xffff, v1  }
0x175: {  	v1 =	vld.idx.msk [tilespmem:v0+s5+$0x0], vm0  }
0x176: {  	v2 =	vld [tilespmem:s8+$0x18840]  }
0x177: {  	v0 =	vor.u32 $0x80, v0;
	_ =	sdelay $0x3  }
0x178: {  	[tilespmem:s8+$0x1AA30] =	vst.add.f32.msk $0xffff, v1;
	v1 =	vadd.s32 $0xFFFF3C00, v2  }
0x179: {  	v0 =	vld.idx.msk [tilespmem:v0+s5+$0x0], vm0;
	v3 =	vshll.u32 v1, $0x1  }
0x17a: {  	vm0 =	vlt.u32 v1, $0x6200;
	v1 =	vand.u32 $0x7F, v2;
	v2 =	vand.u32 $0xFFFFFF00, v3  }
0x17b: {  	v1 =	vor.u32 v1, v2;
	_ =	sdelay $0x3  }
0x17c: {  	[tilespmem:s8+$0x1BA30] =	vst.add.f32.msk $0xffff, v0  }
0x17d: {  	v0 =	vld.idx.msk [tilespmem:v1+s5+$0x0], vm0  }
0x17e: {  	v2 =	vld [tilespmem:s8+$0x18850]  }
0x17f: {  	v1 =	vor.u32 $0x80, v1;
	_ =	sdelay $0x3  }
0x180: {  	[tilespmem:s8+$0x1AA40] =	vst.add.f32.msk $0xffff, v0;
	v0 =	vadd.s32 $0xFFFF3C00, v2  }
0x181: {  	v1 =	vld.idx.msk [tilespmem:v1+s5+$0x0], vm0;
	v3 =	vshll.u32 v0, $0x1  }
0x182: {  	vm0 =	vlt.u32 v0, $0x6200;
	v0 =	vand.u32 $0x7F, v2;
	v2 =	vand.u32 $0xFFFFFF00, v3  }
0x183: {  	v0 =	vor.u32 v0, v2;
	_ =	sdelay $0x3  }
0x184: {  	[tilespmem:s8+$0x1BA40] =	vst.add.f32.msk $0xffff, v1  }
0x185: {  	v1 =	vld.idx.msk [tilespmem:v0+s5+$0x0], vm0  }
0x186: {  	v2 =	vld [tilespmem:s8+$0x18860]  }
0x187: {  	v0 =	vor.u32 $0x80, v0;
	_ =	sdelay $0x3  }
0x188: {  	[tilespmem:s8+$0x1AA50] =	vst.add.f32.msk $0xffff, v1;
	v1 =	vadd.s32 $0xFFFF3C00, v2  }
0x189: {  	v0 =	vld.idx.msk [tilespmem:v0+s5+$0x0], vm0;
	v3 =	vshll.u32 v1, $0x1  }
0x18a: {  	vm0 =	vlt.u32 v1, $0x6200;
	v1 =	vand.u32 $0x7F, v2;
	v2 =	vand.u32 $0xFFFFFF00, v3  }
0x18b: {  	v1 =	vor.u32 v1, v2;
	_ =	sdelay $0x3  }
0x18c: {  	[tilespmem:s8+$0x1BA50] =	vst.add.f32.msk $0xffff, v0  }
0x18d: {  	v0 =	vld.idx.msk [tilespmem:v1+s5+$0x0], vm0  }
0x18e: {  	v2 =	vld [tilespmem:s8+$0x18870]  }
0x18f: {  	v1 =	vor.u32 $0x80, v1;
	_ =	sdelay $0x3  }
0x190: {  	[tilespmem:s8+$0x1AA60] =	vst.add.f32.msk $0xffff, v0;
	v0 =	vadd.s32 $0xFFFF3C00, v2  }
0x191: {  	v1 =	vld.idx.msk [tilespmem:v1+s5+$0x0], vm0;
	v3 =	vshll.u32 v0, $0x1  }
0x192: {  	vm0 =	vlt.u32 v0, $0x6200;
	v0 =	vand.u32 $0x7F, v2;
	v2 =	vand.u32 $0xFFFFFF00, v3  }
.Ltmp4:
0x193: {  	v0 =	vor.u32 v0, v2;
	(pc) =	sbr.rel @p1 .LBB2_7-.Ltmp4, $2  }
0x194: {  	_ =	sdelay $0x2  }
0x195: {  	s15 =	sadd.s32 $0x200, s15;
	[tilespmem:s8+$0x1BA60] =	vst.add.f32.msk $0xffff, v1  }
0x196: {  	_ =	sdelay $0x4  }
0x197: {  	v1 =	vld.idx.msk [tilespmem:v0+s5+$0x0], vm0  }
0x198: {  	v0 =	vor.u32 $0x80, v0;
	_ =	sdelay $0x3  }
0x199: {  	[tilespmem:s8+$0x1AA70] =	vst.add.f32.msk $0xffff, v1  }
0x19a: {  	s14 =	sshrl.u32 s7, $0x2;
	v0 =	vld.idx.msk [tilespmem:v0+s5+$0x0], vm0  }
0x19b: {  	s22 =	smul.u32 $0xC3800, s14;
	_ =	sdelay $0x1  }
0x19c: {  	s14 =	sor.u32 s13, s22  }
0x19d: {  	s15 =	sshll.u32 s7, $0x4;
	s14 =	sshrl.u32 s14, $0x3  }
0x19e: {  	s7 =	sand.u32 $0x3E00, s15;
	s16 =	sadd.s32 s1, s14;
	s14 =	simm.s32 $0x0;
	[tilespmem:s8+$0x1BA70] =	vst.add.f32.msk $0xffff, v0  }
0x19f: {  	[tilespmem:s14], [sflag:$0x1] =	stream.strided.gather [hbm4b:s16+s19], $0xC400, s20, s19, $0x38;
	[tilespmem:$0x1CA00] =	vst v63  }
0x1a0: {  	s7 =	sadd.s32 s6, s7;
	s16 =	simm.s32 $0x19800  }
0x1a1: {  	[tilespmem:s16], [sflag:$0x3] =	stream.linear.gather [hbm4b:s7+s14], $0x1000, $0x38;
	[tilespmem:$0x1CA00] =	vst v63  }
0x1a2: {  	s7 =	sadd.s32 $0xC3400, s22  }
0x1a3: {  	s16 =	rddreg [dreg:$0xc];
	s15 =	sor.u32 s13, s7  }
0x1a4: {  	s7 =	sor.u32 s16, s7;
	s8 =	sshrl.u32 s15, $0x3  }
0x1a5: {  	s7 =	sshrl.u32 s7, $0x3;
	s8 =	sadd.s32 s1, s8  }
0x1a6: {  	[tilespmem:s30], [sflag:$0x3] =	stream.linear.gather [hbm4b:s8+s14], $0x80, $0x38;
	[tilespmem:$0x1CA00] =	vst v63  }
0x1a7: {  	s7 =	sadd.s32 s1, s7  }
0x1a8: {  	[tilespmem:s31], [sflag:$0x3] =	stream.linear.gather [hbm4b:s7+s14], $0x80, $0x38;
	[tilespmem:$0x1CA00] =	vst v63  }
0x1a9: {  	_ =	swait.ge [sflag:s28], $0xC100  }
0x1aa: {  	[sflag:s28] =	ssyncset.done $0x0  }
0x1ab: {  	s7 =	simm.s32 $0x0;
	[sflag:s28] =	ssyncadd.s32 $0xFFFF3F00  }
0x1ac: {  	v0 =	vld [tilespmem:s7+$0x18800];
	_ =	sdelay $0x4  }
0x1ad: {  	v1 =	vadd.s32 $0xFFFEDA00, v0  }
0x1ae: {  	v2 =	vshll.u32 v1, $0x1  }
0x1af: {  	vm0 =	vlt.u32 v1, $0x6080;
	v1 =	vand.u32 $0x7F, v0;
	v2 =	vand.u32 $0xFFFFFF00, v2  }
0x1b0: {  	v1 =	vor.u32 v1, v2;
	_ =	sdelay $0x3  }
0x1b1: {  	v0 =	vadd.s32 $0xFFFE7980, v0  }
0x1b2: {  	vm1 =	vgt.s32 v0, $0xFFFFFFFF;
	v2 =	vld.idx.msk [tilespmem:v1+s21+$0x0], vm0;
	_ =	sdelay $0x4  }
0x1b3: {  	[tilespmem:s7+$0x1AA00] =	vst.add.f32.msk $0xffff, v2  }
0x1b4: {  	v2 =	vld.idx.msk [tilespmem:v0+s23+$0x0], vm1;
	_ =	sdelay $0x1  }
0x1b5: {  	v1 =	vor.u32 $0x80, v1;
	_ =	sdelay $0x2  }
0x1b6: {  	[tilespmem:s7+$0x1AA00] =	vst.add.f32.msk $0xffff, v2  }
0x1b7: {  	v2 =	vld [tilespmem:s7+$0x18810]  }
0x1b8: {  	v1 =	vld.idx.msk [tilespmem:v1+s21+$0x0], vm0;
	_ =	sdelay $0x3  }
0x1b9: {  	v3 =	vadd.s32 $0xFFFEDA00, v2  }
0x1ba: {  	[tilespmem:s7+$0x1BA00] =	vst.add.f32.msk $0xffff, v1;
	v1 =	vshll.u32 v3, $0x1  }
0x1bb: {  	vm0 =	vlt.u32 v3, $0x6080;
	v3 =	vand.u32 $0x7F, v2;
	v0 =	vld.idx.msk [tilespmem:v0+s24+$0x0], vm1;
	v1 =	vand.u32 $0xFFFFFF00, v1  }
0x1bc: {  	v1 =	vor.u32 v3, v1;
	_ =	sdelay $0x3  }
0x1bd: {  	[tilespmem:s7+$0x1BA00] =	vst.add.f32.msk $0xffff, v0;
	v0 =	vadd.s32 $0xFFFE7980, v2  }
0x1be: {  	v2 =	vld.idx.msk [tilespmem:v1+s21+$0x0], vm0;
	vm1 =	vgt.s32 v0, $0xFFFFFFFF;
	_ =	sdelay $0x4  }
0x1bf: {  	[tilespmem:s7+$0x1AA10] =	vst.add.f32.msk $0xffff, v2  }
0x1c0: {  	v2 =	vld.idx.msk [tilespmem:v0+s23+$0x0], vm1;
	_ =	sdelay $0x1  }
0x1c1: {  	v1 =	vor.u32 $0x80, v1;
	_ =	sdelay $0x2  }
0x1c2: {  	[tilespmem:s7+$0x1AA10] =	vst.add.f32.msk $0xffff, v2  }
0x1c3: {  	v2 =	vld [tilespmem:s7+$0x18820]  }
0x1c4: {  	v1 =	vld.idx.msk [tilespmem:v1+s21+$0x0], vm0;
	_ =	sdelay $0x3  }
0x1c5: {  	v3 =	vadd.s32 $0xFFFEDA00, v2  }
0x1c6: {  	[tilespmem:s7+$0x1BA10] =	vst.add.f32.msk $0xffff, v1;
	v1 =	vshll.u32 v3, $0x1  }
0x1c7: {  	vm0 =	vlt.u32 v3, $0x6080;
	v3 =	vand.u32 $0x7F, v2;
	v0 =	vld.idx.msk [tilespmem:v0+s24+$0x0], vm1;
	v1 =	vand.u32 $0xFFFFFF00, v1  }
0x1c8: {  	v1 =	vor.u32 v3, v1;
	_ =	sdelay $0x3  }
0x1c9: {  	[tilespmem:s7+$0x1BA10] =	vst.add.f32.msk $0xffff, v0;
	v0 =	vadd.s32 $0xFFFE7980, v2  }
0x1ca: {  	v2 =	vld.idx.msk [tilespmem:v1+s21+$0x0], vm0;
	vm1 =	vgt.s32 v0, $0xFFFFFFFF;
	_ =	sdelay $0x4  }
0x1cb: {  	[tilespmem:s7+$0x1AA20] =	vst.add.f32.msk $0xffff, v2  }
0x1cc: {  	v2 =	vld.idx.msk [tilespmem:v0+s23+$0x0], vm1;
	_ =	sdelay $0x1  }
0x1cd: {  	v1 =	vor.u32 $0x80, v1;
	_ =	sdelay $0x2  }
0x1ce: {  	[tilespmem:s7+$0x1AA20] =	vst.add.f32.msk $0xffff, v2  }
0x1cf: {  	v2 =	vld [tilespmem:s7+$0x18830]  }
0x1d0: {  	v1 =	vld.idx.msk [tilespmem:v1+s21+$0x0], vm0;
	_ =	sdelay $0x3  }
0x1d1: {  	v3 =	vadd.s32 $0xFFFEDA00, v2  }
0x1d2: {  	[tilespmem:s7+$0x1BA20] =	vst.add.f32.msk $0xffff, v1;
	v1 =	vshll.u32 v3, $0x1  }
0x1d3: {  	vm0 =	vlt.u32 v3, $0x6080;
	v3 =	vand.u32 $0x7F, v2;
	v0 =	vld.idx.msk [tilespmem:v0+s24+$0x0], vm1;
	v1 =	vand.u32 $0xFFFFFF00, v1  }
0x1d4: {  	v1 =	vor.u32 v3, v1;
	_ =	sdelay $0x3  }
0x1d5: {  	[tilespmem:s7+$0x1BA20] =	vst.add.f32.msk $0xffff, v0;
	v0 =	vadd.s32 $0xFFFE7980, v2  }
0x1d6: {  	v2 =	vld.idx.msk [tilespmem:v1+s21+$0x0], vm0;
	vm1 =	vgt.s32 v0, $0xFFFFFFFF;
	_ =	sdelay $0x4  }
0x1d7: {  	[tilespmem:s7+$0x1AA30] =	vst.add.f32.msk $0xffff, v2  }
0x1d8: {  	v2 =	vld.idx.msk [tilespmem:v0+s23+$0x0], vm1;
	_ =	sdelay $0x1  }
0x1d9: {  	v1 =	vor.u32 $0x80, v1;
	_ =	sdelay $0x2  }
0x1da: {  	[tilespmem:s7+$0x1AA30] =	vst.add.f32.msk $0xffff, v2  }
0x1db: {  	v2 =	vld [tilespmem:s7+$0x18840]  }
0x1dc: {  	v1 =	vld.idx.msk [tilespmem:v1+s21+$0x0], vm0;
	_ =	sdelay $0x3  }
0x1dd: {  	v3 =	vadd.s32 $0xFFFEDA00, v2  }
0x1de: {  	[tilespmem:s7+$0x1BA30] =	vst.add.f32.msk $0xffff, v1;
	v1 =	vshll.u32 v3, $0x1  }
0x1df: {  	vm0 =	vlt.u32 v3, $0x6080;
	v3 =	vand.u32 $0x7F, v2;
	v0 =	vld.idx.msk [tilespmem:v0+s24+$0x0], vm1;
	v1 =	vand.u32 $0xFFFFFF00, v1  }
0x1e0: {  	v1 =	vor.u32 v3, v1;
	_ =	sdelay $0x3  }
0x1e1: {  	[tilespmem:s7+$0x1BA30] =	vst.add.f32.msk $0xffff, v0;
	v0 =	vadd.s32 $0xFFFE7980, v2  }
0x1e2: {  	v2 =	vld.idx.msk [tilespmem:v1+s21+$0x0], vm0;
	vm1 =	vgt.s32 v0, $0xFFFFFFFF;
	_ =	sdelay $0x4  }
0x1e3: {  	[tilespmem:s7+$0x1AA40] =	vst.add.f32.msk $0xffff, v2  }
0x1e4: {  	v2 =	vld.idx.msk [tilespmem:v0+s23+$0x0], vm1;
	_ =	sdelay $0x1  }
0x1e5: {  	v1 =	vor.u32 $0x80, v1;
	_ =	sdelay $0x2  }
0x1e6: {  	[tilespmem:s7+$0x1AA40] =	vst.add.f32.msk $0xffff, v2  }
0x1e7: {  	v2 =	vld [tilespmem:s7+$0x18850]  }
0x1e8: {  	v1 =	vld.idx.msk [tilespmem:v1+s21+$0x0], vm0;
	_ =	sdelay $0x3  }
0x1e9: {  	v3 =	vadd.s32 $0xFFFEDA00, v2  }
0x1ea: {  	[tilespmem:s7+$0x1BA40] =	vst.add.f32.msk $0xffff, v1;
	v1 =	vshll.u32 v3, $0x1  }
0x1eb: {  	vm0 =	vlt.u32 v3, $0x6080;
	v3 =	vand.u32 $0x7F, v2;
	v0 =	vld.idx.msk [tilespmem:v0+s24+$0x0], vm1;
	v1 =	vand.u32 $0xFFFFFF00, v1  }
0x1ec: {  	v1 =	vor.u32 v3, v1;
	_ =	sdelay $0x3  }
0x1ed: {  	[tilespmem:s7+$0x1BA40] =	vst.add.f32.msk $0xffff, v0;
	v0 =	vadd.s32 $0xFFFE7980, v2  }
0x1ee: {  	v2 =	vld.idx.msk [tilespmem:v1+s21+$0x0], vm0;
	vm1 =	vgt.s32 v0, $0xFFFFFFFF;
	_ =	sdelay $0x4  }
0x1ef: {  	[tilespmem:s7+$0x1AA50] =	vst.add.f32.msk $0xffff, v2  }
0x1f0: {  	v2 =	vld.idx.msk [tilespmem:v0+s23+$0x0], vm1;
	_ =	sdelay $0x1  }
0x1f1: {  	v1 =	vor.u32 $0x80, v1;
	_ =	sdelay $0x2  }
0x1f2: {  	[tilespmem:s7+$0x1AA50] =	vst.add.f32.msk $0xffff, v2  }
0x1f3: {  	v2 =	vld [tilespmem:s7+$0x18860]  }
0x1f4: {  	v1 =	vld.idx.msk [tilespmem:v1+s21+$0x0], vm0;
	_ =	sdelay $0x3  }
0x1f5: {  	v3 =	vadd.s32 $0xFFFEDA00, v2  }
0x1f6: {  	[tilespmem:s7+$0x1BA50] =	vst.add.f32.msk $0xffff, v1;
	v1 =	vshll.u32 v3, $0x1  }
0x1f7: {  	vm0 =	vlt.u32 v3, $0x6080;
	v3 =	vand.u32 $0x7F, v2;
	v0 =	vld.idx.msk [tilespmem:v0+s24+$0x0], vm1;
	v1 =	vand.u32 $0xFFFFFF00, v1  }
0x1f8: {  	v1 =	vor.u32 v3, v1;
	_ =	sdelay $0x3  }
0x1f9: {  	[tilespmem:s7+$0x1BA50] =	vst.add.f32.msk $0xffff, v0;
	v0 =	vadd.s32 $0xFFFE7980, v2  }
0x1fa: {  	v2 =	vld.idx.msk [tilespmem:v1+s21+$0x0], vm0;
	vm1 =	vgt.s32 v0, $0xFFFFFFFF;
	_ =	sdelay $0x4  }
0x1fb: {  	[tilespmem:s7+$0x1AA60] =	vst.add.f32.msk $0xffff, v2  }
0x1fc: {  	v2 =	vld.idx.msk [tilespmem:v0+s23+$0x0], vm1;
	_ =	sdelay $0x1  }
0x1fd: {  	v1 =	vor.u32 $0x80, v1;
	_ =	sdelay $0x2  }
0x1fe: {  	[tilespmem:s7+$0x1AA60] =	vst.add.f32.msk $0xffff, v2  }
0x1ff: {  	v2 =	vld [tilespmem:s7+$0x18870]  }
0x200: {  	v1 =	vld.idx.msk [tilespmem:v1+s21+$0x0], vm0;
	_ =	sdelay $0x3  }
0x201: {  	v3 =	vadd.s32 $0xFFFEDA00, v2  }
0x202: {  	[tilespmem:s7+$0x1BA60] =	vst.add.f32.msk $0xffff, v1;
	v1 =	vshll.u32 v3, $0x1  }
0x203: {  	vm0 =	vlt.u32 v3, $0x6080;
	v3 =	vand.u32 $0x7F, v2;
	v0 =	vld.idx.msk [tilespmem:v0+s24+$0x0], vm1;
	v1 =	vand.u32 $0xFFFFFF00, v1  }
0x204: {  	v1 =	vor.u32 v3, v1;
	_ =	sdelay $0x3  }
0x205: {  	[tilespmem:s7+$0x1BA60] =	vst.add.f32.msk $0xffff, v0;
	v0 =	vadd.s32 $0xFFFE7980, v2  }
0x206: {  	v2 =	vld.idx.msk [tilespmem:v1+s21+$0x0], vm0;
	vm1 =	vgt.s32 v0, $0xFFFFFFFF;
	_ =	sdelay $0x4  }
0x207: {  	[tilespmem:s7+$0x1AA70] =	vst.add.f32.msk $0xffff, v2  }
0x208: {  	v2 =	vld.idx.msk [tilespmem:v0+s23+$0x0], vm1  }
0x209: {  	v1 =	vor.u32 $0x80, v1;
	_ =	sdelay $0x3  }
0x20a: {  	s8 =	simm.s32 $0x0;
	s14 =	simm.s32 $0x200;
	[tilespmem:s7+$0x1AA70] =	vst.add.f32.msk $0xffff, v2  }
.LBB2_9:
0x20b: {  	s15 =	sshra.s32 s14, $0x2;
	s8 =	sadd.s32 $0x8, s8;
	v1 =	vld.idx.msk [tilespmem:v1+s21+$0x0], vm0  }
0x20c: {  	v2 =	vld [tilespmem:s15+$0x18800];
	p1 =	slt.u32 s8, $0xF8;
	_ =	sdelay $0x4  }
0x20d: {  	v3 =	vadd.s32 $0xFFFEDA00, v2;
	[tilespmem:s7+$0x1BA70] =	vst.add.f32.msk $0xffff, v1  }
0x20e: {  	v1 =	vshll.u32 v3, $0x1;
	v0 =	vld.idx.msk [tilespmem:v0+s24+$0x0], vm1  }
0x20f: {  	vm0 =	vlt.u32 v3, $0x6080;
	v3 =	vand.u32 $0x7F, v2;
	v1 =	vand.u32 $0xFFFFFF00, v1  }
0x210: {  	v1 =	vor.u32 v3, v1;
	_ =	sdelay $0x3  }
0x211: {  	[tilespmem:s7+$0x1BA70] =	vst.add.f32.msk $0xffff, v0;
	s7 =	smov.u32 s15  }
0x212: {  	v0 =	vadd.s32 $0xFFFE7980, v2;
	v2 =	vld.idx.msk [tilespmem:v1+s21+$0x0], vm0  }
0x213: {  	vm1 =	vgt.s32 v0, $0xFFFFFFFF;
	_ =	sdelay $0x4  }
0x214: {  	[tilespmem:s7+$0x1AA00] =	vst.add.f32.msk $0xffff, v2  }
0x215: {  	v2 =	vld.idx.msk [tilespmem:v0+s23+$0x0], vm1;
	_ =	sdelay $0x1  }
0x216: {  	v1 =	vor.u32 $0x80, v1;
	_ =	sdelay $0x3  }
0x217: {  	[tilespmem:s7+$0x1AA00] =	vst.add.f32.msk $0xffff, v2  }
0x218: {  	v1 =	vld.idx.msk [tilespmem:v1+s21+$0x0], vm0  }
0x219: {  	v2 =	vld [tilespmem:s7+$0x18810];
	_ =	sdelay $0x4  }
0x21a: {  	[tilespmem:s7+$0x1BA00] =	vst.add.f32.msk $0xffff, v1;
	v1 =	vadd.s32 $0xFFFEDA00, v2  }
0x21b: {  	v0 =	vld.idx.msk [tilespmem:v0+s24+$0x0], vm1;
	v3 =	vshll.u32 v1, $0x1  }
0x21c: {  	vm0 =	vlt.u32 v1, $0x6080;
	v1 =	vand.u32 $0x7F, v2;
	v3 =	vand.u32 $0xFFFFFF00, v3  }
0x21d: {  	v1 =	vor.u32 v1, v3;
	_ =	sdelay $0x3  }
0x21e: {  	[tilespmem:s7+$0x1BA00] =	vst.add.f32.msk $0xffff, v0  }
0x21f: {  	v0 =	vadd.s32 $0xFFFE7980, v2;
	v2 =	vld.idx.msk [tilespmem:v1+s21+$0x0], vm0  }
0x220: {  	vm1 =	vgt.s32 v0, $0xFFFFFFFF;
	_ =	sdelay $0x4  }
0x221: {  	[tilespmem:s7+$0x1AA10] =	vst.add.f32.msk $0xffff, v2  }
0x222: {  	v2 =	vld.idx.msk [tilespmem:v0+s23+$0x0], vm1;
	_ =	sdelay $0x1  }
0x223: {  	v1 =	vor.u32 $0x80, v1;
	_ =	sdelay $0x3  }
0x224: {  	[tilespmem:s7+$0x1AA10] =	vst.add.f32.msk $0xffff, v2  }
0x225: {  	v1 =	vld.idx.msk [tilespmem:v1+s21+$0x0], vm0  }
0x226: {  	v2 =	vld [tilespmem:s7+$0x18820];
	_ =	sdelay $0x4  }
0x227: {  	[tilespmem:s7+$0x1BA10] =	vst.add.f32.msk $0xffff, v1;
	v1 =	vadd.s32 $0xFFFEDA00, v2  }
0x228: {  	v0 =	vld.idx.msk [tilespmem:v0+s24+$0x0], vm1;
	v3 =	vshll.u32 v1, $0x1  }
0x229: {  	vm0 =	vlt.u32 v1, $0x6080;
	v1 =	vand.u32 $0x7F, v2;
	v3 =	vand.u32 $0xFFFFFF00, v3  }
0x22a: {  	v1 =	vor.u32 v1, v3;
	_ =	sdelay $0x3  }
0x22b: {  	[tilespmem:s7+$0x1BA10] =	vst.add.f32.msk $0xffff, v0  }
0x22c: {  	v0 =	vadd.s32 $0xFFFE7980, v2;
	v2 =	vld.idx.msk [tilespmem:v1+s21+$0x0], vm0  }
0x22d: {  	vm1 =	vgt.s32 v0, $0xFFFFFFFF;
	_ =	sdelay $0x4  }
0x22e: {  	[tilespmem:s7+$0x1AA20] =	vst.add.f32.msk $0xffff, v2  }
0x22f: {  	v2 =	vld.idx.msk [tilespmem:v0+s23+$0x0], vm1;
	_ =	sdelay $0x1  }
0x230: {  	v1 =	vor.u32 $0x80, v1;
	_ =	sdelay $0x3  }
0x231: {  	[tilespmem:s7+$0x1AA20] =	vst.add.f32.msk $0xffff, v2  }
0x232: {  	v1 =	vld.idx.msk [tilespmem:v1+s21+$0x0], vm0  }
0x233: {  	v2 =	vld [tilespmem:s7+$0x18830];
	_ =	sdelay $0x4  }
0x234: {  	[tilespmem:s7+$0x1BA20] =	vst.add.f32.msk $0xffff, v1;
	v1 =	vadd.s32 $0xFFFEDA00, v2  }
0x235: {  	v0 =	vld.idx.msk [tilespmem:v0+s24+$0x0], vm1;
	v3 =	vshll.u32 v1, $0x1  }
0x236: {  	vm0 =	vlt.u32 v1, $0x6080;
	v1 =	vand.u32 $0x7F, v2;
	v3 =	vand.u32 $0xFFFFFF00, v3  }
0x237: {  	v1 =	vor.u32 v1, v3;
	_ =	sdelay $0x3  }
0x238: {  	[tilespmem:s7+$0x1BA20] =	vst.add.f32.msk $0xffff, v0  }
0x239: {  	v0 =	vadd.s32 $0xFFFE7980, v2;
	v2 =	vld.idx.msk [tilespmem:v1+s21+$0x0], vm0  }
0x23a: {  	vm1 =	vgt.s32 v0, $0xFFFFFFFF;
	_ =	sdelay $0x4  }
0x23b: {  	[tilespmem:s7+$0x1AA30] =	vst.add.f32.msk $0xffff, v2  }
0x23c: {  	v2 =	vld.idx.msk [tilespmem:v0+s23+$0x0], vm1;
	_ =	sdelay $0x1  }
0x23d: {  	v1 =	vor.u32 $0x80, v1;
	_ =	sdelay $0x3  }
0x23e: {  	[tilespmem:s7+$0x1AA30] =	vst.add.f32.msk $0xffff, v2  }
0x23f: {  	v1 =	vld.idx.msk [tilespmem:v1+s21+$0x0], vm0  }
0x240: {  	v2 =	vld [tilespmem:s7+$0x18840];
	_ =	sdelay $0x4  }
0x241: {  	[tilespmem:s7+$0x1BA30] =	vst.add.f32.msk $0xffff, v1;
	v1 =	vadd.s32 $0xFFFEDA00, v2  }
0x242: {  	v0 =	vld.idx.msk [tilespmem:v0+s24+$0x0], vm1;
	v3 =	vshll.u32 v1, $0x1  }
0x243: {  	vm0 =	vlt.u32 v1, $0x6080;
	v1 =	vand.u32 $0x7F, v2;
	v3 =	vand.u32 $0xFFFFFF00, v3  }
0x244: {  	v1 =	vor.u32 v1, v3;
	_ =	sdelay $0x3  }
0x245: {  	[tilespmem:s7+$0x1BA30] =	vst.add.f32.msk $0xffff, v0  }
0x246: {  	v0 =	vadd.s32 $0xFFFE7980, v2;
	v2 =	vld.idx.msk [tilespmem:v1+s21+$0x0], vm0  }
0x247: {  	vm1 =	vgt.s32 v0, $0xFFFFFFFF;
	_ =	sdelay $0x4  }
0x248: {  	[tilespmem:s7+$0x1AA40] =	vst.add.f32.msk $0xffff, v2  }
0x249: {  	v2 =	vld.idx.msk [tilespmem:v0+s23+$0x0], vm1;
	_ =	sdelay $0x1  }
0x24a: {  	v1 =	vor.u32 $0x80, v1;
	_ =	sdelay $0x3  }
0x24b: {  	[tilespmem:s7+$0x1AA40] =	vst.add.f32.msk $0xffff, v2  }
0x24c: {  	v1 =	vld.idx.msk [tilespmem:v1+s21+$0x0], vm0  }
0x24d: {  	v2 =	vld [tilespmem:s7+$0x18850];
	_ =	sdelay $0x4  }
0x24e: {  	[tilespmem:s7+$0x1BA40] =	vst.add.f32.msk $0xffff, v1;
	v1 =	vadd.s32 $0xFFFEDA00, v2  }
0x24f: {  	v0 =	vld.idx.msk [tilespmem:v0+s24+$0x0], vm1;
	v3 =	vshll.u32 v1, $0x1  }
0x250: {  	vm0 =	vlt.u32 v1, $0x6080;
	v1 =	vand.u32 $0x7F, v2;
	v3 =	vand.u32 $0xFFFFFF00, v3  }
0x251: {  	v1 =	vor.u32 v1, v3;
	_ =	sdelay $0x3  }
0x252: {  	[tilespmem:s7+$0x1BA40] =	vst.add.f32.msk $0xffff, v0  }
0x253: {  	v0 =	vadd.s32 $0xFFFE7980, v2;
	v2 =	vld.idx.msk [tilespmem:v1+s21+$0x0], vm0  }
0x254: {  	vm1 =	vgt.s32 v0, $0xFFFFFFFF;
	_ =	sdelay $0x4  }
0x255: {  	[tilespmem:s7+$0x1AA50] =	vst.add.f32.msk $0xffff, v2  }
0x256: {  	v2 =	vld.idx.msk [tilespmem:v0+s23+$0x0], vm1;
	_ =	sdelay $0x1  }
0x257: {  	v1 =	vor.u32 $0x80, v1;
	_ =	sdelay $0x3  }
0x258: {  	[tilespmem:s7+$0x1AA50] =	vst.add.f32.msk $0xffff, v2  }
0x259: {  	v1 =	vld.idx.msk [tilespmem:v1+s21+$0x0], vm0  }
0x25a: {  	v2 =	vld [tilespmem:s7+$0x18860];
	_ =	sdelay $0x4  }
0x25b: {  	[tilespmem:s7+$0x1BA50] =	vst.add.f32.msk $0xffff, v1;
	v1 =	vadd.s32 $0xFFFEDA00, v2  }
0x25c: {  	v0 =	vld.idx.msk [tilespmem:v0+s24+$0x0], vm1;
	v3 =	vshll.u32 v1, $0x1  }
0x25d: {  	vm0 =	vlt.u32 v1, $0x6080;
	v1 =	vand.u32 $0x7F, v2;
	v3 =	vand.u32 $0xFFFFFF00, v3  }
0x25e: {  	v1 =	vor.u32 v1, v3;
	_ =	sdelay $0x3  }
0x25f: {  	[tilespmem:s7+$0x1BA50] =	vst.add.f32.msk $0xffff, v0  }
0x260: {  	v0 =	vadd.s32 $0xFFFE7980, v2;
	v2 =	vld.idx.msk [tilespmem:v1+s21+$0x0], vm0  }
0x261: {  	vm1 =	vgt.s32 v0, $0xFFFFFFFF;
	_ =	sdelay $0x4  }
0x262: {  	[tilespmem:s7+$0x1AA60] =	vst.add.f32.msk $0xffff, v2  }
0x263: {  	v2 =	vld.idx.msk [tilespmem:v0+s23+$0x0], vm1;
	_ =	sdelay $0x1  }
0x264: {  	v1 =	vor.u32 $0x80, v1;
	_ =	sdelay $0x3  }
0x265: {  	[tilespmem:s7+$0x1AA60] =	vst.add.f32.msk $0xffff, v2  }
0x266: {  	v1 =	vld.idx.msk [tilespmem:v1+s21+$0x0], vm0  }
0x267: {  	v2 =	vld [tilespmem:s7+$0x18870];
	_ =	sdelay $0x4  }
0x268: {  	[tilespmem:s7+$0x1BA60] =	vst.add.f32.msk $0xffff, v1;
	v1 =	vadd.s32 $0xFFFEDA00, v2  }
0x269: {  	v0 =	vld.idx.msk [tilespmem:v0+s24+$0x0], vm1;
	v3 =	vshll.u32 v1, $0x1  }
0x26a: {  	vm0 =	vlt.u32 v1, $0x6080;
	v1 =	vand.u32 $0x7F, v2;
	v3 =	vand.u32 $0xFFFFFF00, v3  }
0x26b: {  	v1 =	vor.u32 v1, v3;
	_ =	sdelay $0x3  }
0x26c: {  	[tilespmem:s7+$0x1BA60] =	vst.add.f32.msk $0xffff, v0  }
0x26d: {  	v0 =	vadd.s32 $0xFFFE7980, v2;
	v2 =	vld.idx.msk [tilespmem:v1+s21+$0x0], vm0  }
0x26e: {  	vm1 =	vgt.s32 v0, $0xFFFFFFFF;
	_ =	sdelay $0x4  }
0x26f: {  	[tilespmem:s7+$0x1AA70] =	vst.add.f32.msk $0xffff, v2  }
0x270: {  	v2 =	vld.idx.msk [tilespmem:v0+s23+$0x0], vm1;
	_ =	sdelay $0x1  }
.Ltmp5:
0x271: {  	v1 =	vor.u32 $0x80, v1;
	(pc) =	sbr.rel @p1 .LBB2_9-.Ltmp5, $2  }
0x272: {  	_ =	sdelay $0x2  }
0x273: {  	s14 =	sadd.s32 $0x200, s14;
	[tilespmem:s7+$0x1AA70] =	vst.add.f32.msk $0xffff, v2  }
0x274: {  	_ =	sdelay $0x4  }
0x275: {  	v1 =	vld.idx.msk [tilespmem:v1+s21+$0x0], vm0;
	_ =	sdelay $0x4  }
0x276: {  	[tilespmem:s7+$0x1BA70] =	vst.add.f32.msk $0xffff, v1  }
0x277: {  	s8 =	rddreg [dreg:$0xd];
	v0 =	vld.idx.msk [tilespmem:v0+s24+$0x0], vm1  }
0x278: {  	s8 =	sadd.s32 s8, s22  }
0x279: {  	s8 =	sshrl.u32 s8, $0x3  }
0x27a: {  	s16 =	sadd.s32 s1, s8;
	s8 =	sadd.s32 $0xD, s29  }
0x27b: {  	s14 =	sshll.u32 s8, $0x4  }
0x27c: {  	[tilespmem:s7+$0x1BA70] =	vst.add.f32.msk $0xffff, v0;
	s7 =	sshll.u32 s8, $0x9;
	s8 =	sand.u32 $0x70, s14  }
0x27d: {  	[tilespmem:s21], [sflag:$0x2] =	stream.strided.gather [hbm4b:s16+s19], $0xC400, s20, s19, $0x38;
	[tilespmem:$0x1CA00] =	vst v63  }
0x27e: {  	s15 =	sadd.s32 $0xE, s29;
	s7 =	sand.u32 $0xFFFF000, s7;
	s8 =	sadd.s32 s4, s8  }
0x27f: {  	s16 =	sshll.u32 s15, $0x4;
	s7 =	sadd.s32 s7, s8  }
0x280: {  	[hbm4b:s7+s0] =	stream.strided.scatter [tilespmem:s2], [sflag:$0x4], $0x1000, s20, s0, $0x38;
	[tilespmem:$0x1CA00] =	vst v63  }
0x281: {  	s8 =	sand.u32 $0x60, s16;
	s7 =	sshll.u32 s15, $0x9  }
0x282: {  	s8 =	sadd.s32 s4, s8;
	s7 =	sand.u32 $0xFFFF000, s7  }
0x283: {  	s29 =	simm.s32 $0x1BA00;
	s7 =	sadd.s32 s7, s8  }
0x284: {  	[hbm4b:s7+s0] =	stream.strided.scatter [tilespmem:s29], [sflag:$0x4], $0x1000, s20, s0, $0x38;
	[tilespmem:$0x1CA00] =	vst v63  }
0x285: {  	_ =	swait.ge [sflag:s25], $0x1000  }
0x286: {  	[sflag:s25] =	ssyncset.done $0x0  }
0x287: {  	[sflag:s25] =	ssyncadd.s32 $0xFFFFF000  }
0x288: {  	_ =	swait.ge [sflag:s25], $0x80  }
0x289: {  	[sflag:s25] =	ssyncset.done $0x0  }
0x28a: {  	[sflag:s25] =	ssyncadd.s32 $0xFFFFFF80  }
0x28b: {  	_ =	swait.ge [sflag:s25], $0x80  }
0x28c: {  	[sflag:s25] =	ssyncset.done $0x0  }
0x28d: {  	[sflag:s25] =	ssyncadd.s32 $0xFFFFFF80  }
0x28e: {  	_ =	swait.ge [sflag:s26], $0xC400  }
0x28f: {  	[sflag:s26] =	ssyncset.done $0x0  }
0x290: {  	[sflag:s26] =	ssyncadd.s32 $0xFFFF3C00  }
0x291: {  	_ =	swait.ge [sflag:s9], $0x1000  }
0x292: {  	[sflag:s9] =	ssyncset.done $0x0  }
0x293: {  	[sflag:s9] =	ssyncadd.s32 $0xFFFFF000  }
0x294: {  	_ =	swait.ge [sflag:s9], $0x1000  }
0x295: {  	s14 =	simm.s32 $0x1AA40;
	s15 =	simm.s32 $0x1BA40;
	[sflag:s9] =	ssyncset.done $0x0  }
0x296: {  	s8 =	simm.s32 $0x19840;
	s7 =	simm.s32 $0xFFFFFFF8;
	[sflag:s9] =	ssyncadd.s32 $0xFFFFF000  }
.LBB2_11:
0x297: {  	v0 =	vld [tilespmem:s8+$0xFFFFFFC0];
	_ =	sdelay $0x4  }
0x298: {  	v1 =	vshll.u32 v0, $0x1  }
0x299: {  	vm0 =	vlt.u32 v0, $0x6200;
	v0 =	vand.u32 $0x7F, v0;
	v1 =	vand.u32 $0xFFFFFF00, v1  }
0x29a: {  	v0 =	vor.u32 v0, v1;
	_ =	sdelay $0x4  }
0x29b: {  	v1 =	vld.idx.msk [tilespmem:v0+s5+$0x0], vm0  }
0x29c: {  	v0 =	vor.u32 $0x80, v0;
	_ =	sdelay $0x3  }
0x29d: {  	[tilespmem:s14+$0xFFFFFFC0] =	vst v1  }
0x29e: {  	v0 =	vld.idx.msk [tilespmem:v0+s5+$0x0], vm0;
	_ =	sdelay $0x4  }
0x29f: {  	[tilespmem:s15+$0xFFFFFFC0] =	vst v0  }
0x2a0: {  	v0 =	vld [tilespmem:s8+$0xFFFFFFD0];
	_ =	sdelay $0x4  }
0x2a1: {  	v57 =	vshll.u32 v0, $0x1  }
0x2a2: {  	vm9 =	vlt.u32 v0, $0x6200;
	v0 =	vand.u32 $0x7F, v0;
	v1 =	vand.u32 $0xFFFFFF00, v57  }
0x2a3: {  	v0 =	vor.u32 v0, v1;
	_ =	sdelay $0x4  }
0x2a4: {  	v1 =	vld.idx.msk [tilespmem:v0+s5+$0x0], vm9  }
0x2a5: {  	v0 =	vor.u32 $0x80, v0;
	_ =	sdelay $0x3  }
0x2a6: {  	[tilespmem:s14+$0xFFFFFFD0] =	vst v1  }
0x2a7: {  	v0 =	vld.idx.msk [tilespmem:v0+s5+$0x0], vm9;
	_ =	sdelay $0x4  }
0x2a8: {  	[tilespmem:s15+$0xFFFFFFD0] =	vst v0  }
0x2a9: {  	v0 =	vld [tilespmem:s8+$0xFFFFFFE0];
	_ =	sdelay $0x4  }
0x2aa: {  	v58 =	vshll.u32 v0, $0x1  }
0x2ab: {  	vm10 =	vlt.u32 v0, $0x6200;
	v0 =	vand.u32 $0x7F, v0;
	v1 =	vand.u32 $0xFFFFFF00, v58  }
0x2ac: {  	v0 =	vor.u32 v0, v1;
	_ =	sdelay $0x4  }
0x2ad: {  	v1 =	vld.idx.msk [tilespmem:v0+s5+$0x0], vm10  }
0x2ae: {  	v0 =	vor.u32 $0x80, v0;
	_ =	sdelay $0x3  }
0x2af: {  	[tilespmem:s14+$0xFFFFFFE0] =	vst v1  }
0x2b0: {  	v0 =	vld.idx.msk [tilespmem:v0+s5+$0x0], vm10;
	_ =	sdelay $0x4  }
0x2b1: {  	[tilespmem:s15+$0xFFFFFFE0] =	vst v0  }
0x2b2: {  	v0 =	vld [tilespmem:s8+$0xFFFFFFF0];
	_ =	sdelay $0x4  }
0x2b3: {  	v59 =	vshll.u32 v0, $0x1  }
0x2b4: {  	vm11 =	vlt.u32 v0, $0x6200;
	v0 =	vand.u32 $0x7F, v0;
	v1 =	vand.u32 $0xFFFFFF00, v59  }
0x2b5: {  	v0 =	vor.u32 v0, v1;
	_ =	sdelay $0x4  }
0x2b6: {  	v1 =	vld.idx.msk [tilespmem:v0+s5+$0x0], vm11  }
0x2b7: {  	v0 =	vor.u32 $0x80, v0;
	_ =	sdelay $0x3  }
0x2b8: {  	[tilespmem:s14+$0xFFFFFFF0] =	vst v1  }
0x2b9: {  	v0 =	vld.idx.msk [tilespmem:v0+s5+$0x0], vm11;
	_ =	sdelay $0x4  }
0x2ba: {  	[tilespmem:s15+$0xFFFFFFF0] =	vst v0  }
0x2bb: {  	v0 =	vld [tilespmem:s8+$0x0];
	_ =	sdelay $0x4  }
0x2bc: {  	v60 =	vshll.u32 v0, $0x1  }
0x2bd: {  	vm12 =	vlt.u32 v0, $0x6200;
	v0 =	vand.u32 $0x7F, v0;
	v1 =	vand.u32 $0xFFFFFF00, v60  }
0x2be: {  	v0 =	vor.u32 v0, v1;
	_ =	sdelay $0x4  }
0x2bf: {  	v1 =	vld.idx.msk [tilespmem:v0+s5+$0x0], vm12  }
0x2c0: {  	v0 =	vor.u32 $0x80, v0;
	_ =	sdelay $0x3  }
0x2c1: {  	[tilespmem:s14+$0x0] =	vst v1  }
0x2c2: {  	v0 =	vld.idx.msk [tilespmem:v0+s5+$0x0], vm12;
	_ =	sdelay $0x4  }
0x2c3: {  	[tilespmem:s15+$0x0] =	vst v0  }
0x2c4: {  	v0 =	vld [tilespmem:s8+$0x10];
	_ =	sdelay $0x4  }
0x2c5: {  	v61 =	vshll.u32 v0, $0x1  }
0x2c6: {  	vm13 =	vlt.u32 v0, $0x6200;
	v0 =	vand.u32 $0x7F, v0;
	v1 =	vand.u32 $0xFFFFFF00, v61  }
0x2c7: {  	v0 =	vor.u32 v0, v1;
	_ =	sdelay $0x4  }
0x2c8: {  	v1 =	vld.idx.msk [tilespmem:v0+s5+$0x0], vm13  }
0x2c9: {  	v0 =	vor.u32 $0x80, v0;
	_ =	sdelay $0x3  }
0x2ca: {  	[tilespmem:s14+$0x10] =	vst v1  }
0x2cb: {  	v0 =	vld.idx.msk [tilespmem:v0+s5+$0x0], vm13;
	_ =	sdelay $0x4  }
0x2cc: {  	[tilespmem:s15+$0x10] =	vst v0  }
0x2cd: {  	v0 =	vld [tilespmem:s8+$0x20];
	_ =	sdelay $0x4  }
0x2ce: {  	v62 =	vshll.u32 v0, $0x1  }
0x2cf: {  	vm14 =	vlt.u32 v0, $0x6200;
	v0 =	vand.u32 $0x7F, v0;
	v1 =	vand.u32 $0xFFFFFF00, v62  }
0x2d0: {  	v0 =	vor.u32 v0, v1;
	_ =	sdelay $0x4  }
0x2d1: {  	v1 =	vld.idx.msk [tilespmem:v0+s5+$0x0], vm14  }
0x2d2: {  	v0 =	vor.u32 $0x80, v0;
	_ =	sdelay $0x3  }
0x2d3: {  	[tilespmem:s14+$0x20] =	vst v1  }
0x2d4: {  	v0 =	vld.idx.msk [tilespmem:v0+s5+$0x0], vm14;
	_ =	sdelay $0x4  }
0x2d5: {  	[tilespmem:s15+$0x20] =	vst v0  }
0x2d6: {  	v0 =	vld [tilespmem:s8+$0x30];
	_ =	sdelay $0x4  }
0x2d7: {  	v63 =	vshll.u32 v0, $0x1  }
0x2d8: {  	vm15 =	vlt.u32 v0, $0x6200;
	v0 =	vand.u32 $0x7F, v0;
	v1 =	vand.u32 $0xFFFFFF00, v63  }
0x2d9: {  	v0 =	vor.u32 v0, v1;
	_ =	sdelay $0x4  }
0x2da: {  	v1 =	vld.idx.msk [tilespmem:v0+s5+$0x0], vm15  }
0x2db: {  	v0 =	vor.u32 $0x80, v0;
	_ =	sdelay $0x3  }
0x2dc: {  	s7 =	sadd.s32 $0x8, s7;
	[tilespmem:s14+$0x30] =	vst v1  }
0x2dd: {  	p1 =	slt.u32 s7, $0xF8;
	v0 =	vld.idx.msk [tilespmem:v0+s5+$0x0], vm15  }
.Ltmp6:
0x2de: {  	_ = 	snop;
	(pc) =	sbr.rel @p1 .LBB2_11-.Ltmp6, $2  }
0x2df: {  	_ =	sdelay $0x2  }
0x2e0: {  	s8 =	sadd.s32 $0x80, s8;
	s14 =	sadd.s32 $0x80, s14;
	[tilespmem:s15+$0x30] =	vst v0;
	s15 =	sadd.s32 $0x80, s15  }
0x2e1: {  	s7 =	rddreg [dreg:$0xa]  }
0x2e2: {  	s7 =	sadd.s32 s7, s22  }
0x2e3: {  	s7 =	sshrl.u32 s7, $0x3  }
0x2e4: {  	s8 =	simm.s32 $0x0;
	s7 =	sadd.s32 s1, s7  }
0x2e5: {  	[tilespmem:s8], [sflag:$0x1] =	stream.strided.gather [hbm4b:s7+s19], $0xC400, s20, s19, $0x38;
	[tilespmem:$0x1CA00] =	vst v63  }
0x2e6: {  	_ =	swait.ge [sflag:s28], $0xC400  }
0x2e7: {  	[sflag:s28] =	ssyncset.done $0x0  }
0x2e8: {  	s7 =	simm.s32 $0x0;
	[sflag:s28] =	ssyncadd.s32 $0xFFFF3C00  }
0x2e9: {  	v0 =	vld [tilespmem:s7+$0x19800];
	_ =	sdelay $0x4  }
0x2ea: {  	v1 =	vadd.s32 $0xFFFF9E00, v0  }
0x2eb: {  	v2 =	vshll.u32 v1, $0x1  }
0x2ec: {  	v0 =	vand.u32 $0x7F, v0;
	vm0 =	vlt.u32 v1, $0x6200;
	v1 =	vand.u32 $0xFFFFFF00, v2  }
0x2ed: {  	v0 =	vor.u32 v0, v1;
	_ =	sdelay $0x3  }
0x2ee: {  	v2 =	vld [tilespmem:s7+$0x19810]  }
0x2ef: {  	v1 =	vld.idx.msk [tilespmem:v0+s21+$0x0], vm0  }
0x2f0: {  	v0 =	vor.u32 $0x80, v0;
	_ =	sdelay $0x3  }
0x2f1: {  	[tilespmem:s7+$0x1AA00] =	vst.add.f32.msk $0xffff, v1;
	v1 =	vadd.s32 $0xFFFF9E00, v2  }
0x2f2: {  	v0 =	vld.idx.msk [tilespmem:v0+s21+$0x0], vm0;
	v3 =	vshll.u32 v1, $0x1  }
0x2f3: {  	vm0 =	vlt.u32 v1, $0x6200;
	v1 =	vand.u32 $0x7F, v2;
	v2 =	vand.u32 $0xFFFFFF00, v3  }
0x2f4: {  	v1 =	vor.u32 v1, v2;
	_ =	sdelay $0x2  }
0x2f5: {  	[tilespmem:s7+$0x1BA00] =	vst.add.f32.msk $0xffff, v0  }
0x2f6: {  	v0 =	vld [tilespmem:s7+$0x19820]  }
0x2f7: {  	v2 =	vld.idx.msk [tilespmem:v1+s21+$0x0], vm0  }
0x2f8: {  	v1 =	vor.u32 $0x80, v1;
	_ =	sdelay $0x2  }
0x2f9: {  	v3 =	vadd.s32 $0xFFFF9E00, v0  }
0x2fa: {  	[tilespmem:s7+$0x1AA10] =	vst.add.f32.msk $0xffff, v2;
	v2 =	vshll.u32 v3, $0x1  }
0x2fb: {  	v0 =	vand.u32 $0x7F, v0;
	v1 =	vld.idx.msk [tilespmem:v1+s21+$0x0], vm0;
	vm0 =	vlt.u32 v3, $0x6200;
	v2 =	vand.u32 $0xFFFFFF00, v2  }
0x2fc: {  	v0 =	vor.u32 v0, v2;
	_ =	sdelay $0x2  }
0x2fd: {  	v2 =	vld [tilespmem:s7+$0x19830]  }
0x2fe: {  	[tilespmem:s7+$0x1BA10] =	vst.add.f32.msk $0xffff, v1  }
0x2ff: {  	v1 =	vld.idx.msk [tilespmem:v0+s21+$0x0], vm0  }
0x300: {  	v0 =	vor.u32 $0x80, v0;
	_ =	sdelay $0x3  }
0x301: {  	[tilespmem:s7+$0x1AA20] =	vst.add.f32.msk $0xffff, v1;
	v1 =	vadd.s32 $0xFFFF9E00, v2  }
0x302: {  	v0 =	vld.idx.msk [tilespmem:v0+s21+$0x0], vm0;
	v3 =	vshll.u32 v1, $0x1  }
0x303: {  	vm0 =	vlt.u32 v1, $0x6200;
	v1 =	vand.u32 $0x7F, v2;
	v2 =	vand.u32 $0xFFFFFF00, v3  }
0x304: {  	v1 =	vor.u32 v1, v2;
	_ =	sdelay $0x2  }
0x305: {  	[tilespmem:s7+$0x1BA20] =	vst.add.f32.msk $0xffff, v0  }
0x306: {  	v0 =	vld [tilespmem:s7+$0x19840]  }
0x307: {  	v2 =	vld.idx.msk [tilespmem:v1+s21+$0x0], vm0  }
0x308: {  	v1 =	vor.u32 $0x80, v1;
	_ =	sdelay $0x2  }
0x309: {  	v3 =	vadd.s32 $0xFFFF9E00, v0  }
0x30a: {  	[tilespmem:s7+$0x1AA30] =	vst.add.f32.msk $0xffff, v2;
	v2 =	vshll.u32 v3, $0x1  }
0x30b: {  	v0 =	vand.u32 $0x7F, v0;
	v1 =	vld.idx.msk [tilespmem:v1+s21+$0x0], vm0;
	vm0 =	vlt.u32 v3, $0x6200;
	v2 =	vand.u32 $0xFFFFFF00, v2  }
0x30c: {  	v0 =	vor.u32 v0, v2;
	_ =	sdelay $0x2  }
0x30d: {  	v2 =	vld [tilespmem:s7+$0x19850]  }
0x30e: {  	[tilespmem:s7+$0x1BA30] =	vst.add.f32.msk $0xffff, v1  }
0x30f: {  	v1 =	vld.idx.msk [tilespmem:v0+s21+$0x0], vm0  }
0x310: {  	v0 =	vor.u32 $0x80, v0;
	_ =	sdelay $0x3  }
0x311: {  	[tilespmem:s7+$0x1AA40] =	vst.add.f32.msk $0xffff, v1;
	v1 =	vadd.s32 $0xFFFF9E00, v2  }
0x312: {  	v0 =	vld.idx.msk [tilespmem:v0+s21+$0x0], vm0;
	v3 =	vshll.u32 v1, $0x1  }
0x313: {  	vm0 =	vlt.u32 v1, $0x6200;
	v1 =	vand.u32 $0x7F, v2;
	v2 =	vand.u32 $0xFFFFFF00, v3  }
0x314: {  	v1 =	vor.u32 v1, v2;
	_ =	sdelay $0x2  }
0x315: {  	[tilespmem:s7+$0x1BA40] =	vst.add.f32.msk $0xffff, v0  }
0x316: {  	v0 =	vld [tilespmem:s7+$0x19860]  }
0x317: {  	v2 =	vld.idx.msk [tilespmem:v1+s21+$0x0], vm0  }
0x318: {  	v1 =	vor.u32 $0x80, v1;
	_ =	sdelay $0x2  }
0x319: {  	v3 =	vadd.s32 $0xFFFF9E00, v0  }
0x31a: {  	[tilespmem:s7+$0x1AA50] =	vst.add.f32.msk $0xffff, v2;
	v2 =	vshll.u32 v3, $0x1  }
0x31b: {  	v0 =	vand.u32 $0x7F, v0;
	v1 =	vld.idx.msk [tilespmem:v1+s21+$0x0], vm0;
	vm0 =	vlt.u32 v3, $0x6200;
	v2 =	vand.u32 $0xFFFFFF00, v2  }
0x31c: {  	v0 =	vor.u32 v0, v2;
	_ =	sdelay $0x3  }
0x31d: {  	[tilespmem:s7+$0x1BA50] =	vst.add.f32.msk $0xffff, v1  }
0x31e: {  	v1 =	vld.idx.msk [tilespmem:v0+s21+$0x0], vm0  }
0x31f: {  	v2 =	vld [tilespmem:s7+$0x19870];
	v0 =	vor.u32 $0x80, v0;
	_ =	sdelay $0x3  }
0x320: {  	[tilespmem:s7+$0x1AA60] =	vst.add.f32.msk $0xffff, v1  }
0x321: {  	v1 =	vld.idx.msk [tilespmem:v0+s21+$0x0], vm0;
	v0 =	vadd.s32 $0xFFFF9E00, v2  }
0x322: {  	v3 =	vshll.u32 v0, $0x1  }
0x323: {  	v2 =	vand.u32 $0x7F, v2;
	vm0 =	vlt.u32 v0, $0x6200;
	v3 =	vand.u32 $0xFFFFFF00, v3  }
0x324: {  	v0 =	vor.u32 v2, v3;
	_ =	sdelay $0x3  }
0x325: {  	s14 =	simm.s32 $0x200;
	s8 =	simm.s32 $0x0;
	[tilespmem:s7+$0x1BA60] =	vst.add.f32.msk $0xffff, v1  }
.LBB2_13:
0x326: {  	s15 =	sshra.s32 s14, $0x2;
	s8 =	sadd.s32 $0x8, s8;
	v1 =	vld.idx.msk [tilespmem:v0+s21+$0x0], vm0  }
0x327: {  	v2 =	vld [tilespmem:s15+$0x19800];
	p1 =	slt.u32 s8, $0xF8  }
0x328: {  	v0 =	vor.u32 $0x80, v0;
	_ =	sdelay $0x3  }
0x329: {  	v3 =	vadd.s32 $0xFFFF9E00, v2;
	[tilespmem:s7+$0x1AA70] =	vst.add.f32.msk $0xffff, v1  }
0x32a: {  	v1 =	vshll.u32 v3, $0x1;
	v0 =	vld.idx.msk [tilespmem:v0+s21+$0x0], vm0  }
0x32b: {  	v2 =	vand.u32 $0x7F, v2;
	vm0 =	vlt.u32 v3, $0x6200;
	v1 =	vand.u32 $0xFFFFFF00, v1  }
0x32c: {  	v1 =	vor.u32 v2, v1;
	_ =	sdelay $0x3  }
0x32d: {  	[tilespmem:s7+$0x1BA70] =	vst.add.f32.msk $0xffff, v0;
	s7 =	smov.u32 s15  }
0x32e: {  	v0 =	vld.idx.msk [tilespmem:v1+s21+$0x0], vm0  }
0x32f: {  	v2 =	vld [tilespmem:s7+$0x19810]  }
0x330: {  	v1 =	vor.u32 $0x80, v1;
	_ =	sdelay $0x3  }
0x331: {  	[tilespmem:s7+$0x1AA00] =	vst.add.f32.msk $0xffff, v0;
	v0 =	vadd.s32 $0xFFFF9E00, v2  }
0x332: {  	v1 =	vld.idx.msk [tilespmem:v1+s21+$0x0], vm0;
	v3 =	vshll.u32 v0, $0x1  }
0x333: {  	vm0 =	vlt.u32 v0, $0x6200;
	v0 =	vand.u32 $0x7F, v2;
	v2 =	vand.u32 $0xFFFFFF00, v3  }
0x334: {  	v0 =	vor.u32 v0, v2;
	_ =	sdelay $0x3  }
0x335: {  	[tilespmem:s7+$0x1BA00] =	vst.add.f32.msk $0xffff, v1  }
0x336: {  	v1 =	vld.idx.msk [tilespmem:v0+s21+$0x0], vm0  }
0x337: {  	v2 =	vld [tilespmem:s7+$0x19820]  }
0x338: {  	v0 =	vor.u32 $0x80, v0;
	_ =	sdelay $0x3  }
0x339: {  	[tilespmem:s7+$0x1AA10] =	vst.add.f32.msk $0xffff, v1;
	v1 =	vadd.s32 $0xFFFF9E00, v2  }
0x33a: {  	v0 =	vld.idx.msk [tilespmem:v0+s21+$0x0], vm0;
	v3 =	vshll.u32 v1, $0x1  }
0x33b: {  	vm0 =	vlt.u32 v1, $0x6200;
	v1 =	vand.u32 $0x7F, v2;
	v2 =	vand.u32 $0xFFFFFF00, v3  }
0x33c: {  	v1 =	vor.u32 v1, v2;
	_ =	sdelay $0x3  }
0x33d: {  	[tilespmem:s7+$0x1BA10] =	vst.add.f32.msk $0xffff, v0  }
0x33e: {  	v0 =	vld.idx.msk [tilespmem:v1+s21+$0x0], vm0  }
0x33f: {  	v2 =	vld [tilespmem:s7+$0x19830]  }
0x340: {  	v1 =	vor.u32 $0x80, v1;
	_ =	sdelay $0x3  }
0x341: {  	[tilespmem:s7+$0x1AA20] =	vst.add.f32.msk $0xffff, v0;
	v0 =	vadd.s32 $0xFFFF9E00, v2  }
0x342: {  	v1 =	vld.idx.msk [tilespmem:v1+s21+$0x0], vm0;
	v3 =	vshll.u32 v0, $0x1  }
0x343: {  	vm0 =	vlt.u32 v0, $0x6200;
	v0 =	vand.u32 $0x7F, v2;
	v2 =	vand.u32 $0xFFFFFF00, v3  }
0x344: {  	v0 =	vor.u32 v0, v2;
	_ =	sdelay $0x3  }
0x345: {  	[tilespmem:s7+$0x1BA20] =	vst.add.f32.msk $0xffff, v1  }
0x346: {  	v1 =	vld.idx.msk [tilespmem:v0+s21+$0x0], vm0  }
0x347: {  	v2 =	vld [tilespmem:s7+$0x19840]  }
0x348: {  	v0 =	vor.u32 $0x80, v0;
	_ =	sdelay $0x3  }
0x349: {  	[tilespmem:s7+$0x1AA30] =	vst.add.f32.msk $0xffff, v1;
	v1 =	vadd.s32 $0xFFFF9E00, v2  }
0x34a: {  	v0 =	vld.idx.msk [tilespmem:v0+s21+$0x0], vm0;
	v3 =	vshll.u32 v1, $0x1  }
0x34b: {  	vm0 =	vlt.u32 v1, $0x6200;
	v1 =	vand.u32 $0x7F, v2;
	v2 =	vand.u32 $0xFFFFFF00, v3  }
0x34c: {  	v1 =	vor.u32 v1, v2;
	_ =	sdelay $0x3  }
0x34d: {  	[tilespmem:s7+$0x1BA30] =	vst.add.f32.msk $0xffff, v0  }
0x34e: {  	v0 =	vld.idx.msk [tilespmem:v1+s21+$0x0], vm0  }
0x34f: {  	v2 =	vld [tilespmem:s7+$0x19850]  }
0x350: {  	v1 =	vor.u32 $0x80, v1;
	_ =	sdelay $0x3  }
0x351: {  	[tilespmem:s7+$0x1AA40] =	vst.add.f32.msk $0xffff, v0;
	v0 =	vadd.s32 $0xFFFF9E00, v2  }
0x352: {  	v1 =	vld.idx.msk [tilespmem:v1+s21+$0x0], vm0;
	v3 =	vshll.u32 v0, $0x1  }
0x353: {  	vm0 =	vlt.u32 v0, $0x6200;
	v0 =	vand.u32 $0x7F, v2;
	v2 =	vand.u32 $0xFFFFFF00, v3  }
0x354: {  	v0 =	vor.u32 v0, v2;
	_ =	sdelay $0x3  }
0x355: {  	[tilespmem:s7+$0x1BA40] =	vst.add.f32.msk $0xffff, v1  }
0x356: {  	v1 =	vld.idx.msk [tilespmem:v0+s21+$0x0], vm0  }
0x357: {  	v2 =	vld [tilespmem:s7+$0x19860]  }
0x358: {  	v0 =	vor.u32 $0x80, v0;
	_ =	sdelay $0x3  }
0x359: {  	[tilespmem:s7+$0x1AA50] =	vst.add.f32.msk $0xffff, v1;
	v1 =	vadd.s32 $0xFFFF9E00, v2  }
0x35a: {  	v0 =	vld.idx.msk [tilespmem:v0+s21+$0x0], vm0;
	v3 =	vshll.u32 v1, $0x1  }
0x35b: {  	vm0 =	vlt.u32 v1, $0x6200;
	v1 =	vand.u32 $0x7F, v2;
	v2 =	vand.u32 $0xFFFFFF00, v3  }
0x35c: {  	v1 =	vor.u32 v1, v2;
	_ =	sdelay $0x3  }
0x35d: {  	[tilespmem:s7+$0x1BA50] =	vst.add.f32.msk $0xffff, v0  }
0x35e: {  	v0 =	vld.idx.msk [tilespmem:v1+s21+$0x0], vm0  }
0x35f: {  	v2 =	vld [tilespmem:s7+$0x19870]  }
0x360: {  	v1 =	vor.u32 $0x80, v1;
	_ =	sdelay $0x3  }
0x361: {  	[tilespmem:s7+$0x1AA60] =	vst.add.f32.msk $0xffff, v0;
	v0 =	vadd.s32 $0xFFFF9E00, v2  }
0x362: {  	v1 =	vld.idx.msk [tilespmem:v1+s21+$0x0], vm0;
	v3 =	vshll.u32 v0, $0x1  }
0x363: {  	vm0 =	vlt.u32 v0, $0x6200;
	v0 =	vand.u32 $0x7F, v2;
	v2 =	vand.u32 $0xFFFFFF00, v3  }
.Ltmp7:
0x364: {  	v0 =	vor.u32 v0, v2;
	(pc) =	sbr.rel @p1 .LBB2_13-.Ltmp7, $2  }
0x365: {  	_ =	sdelay $0x2  }
0x366: {  	s14 =	sadd.s32 $0x200, s14;
	[tilespmem:s7+$0x1BA60] =	vst.add.f32.msk $0xffff, v1  }
0x367: {  	_ =	sdelay $0x4  }
0x368: {  	v1 =	vld.idx.msk [tilespmem:v0+s21+$0x0], vm0  }
0x369: {  	v0 =	vor.u32 $0x80, v0;
	_ =	sdelay $0x3  }
0x36a: {  	[tilespmem:s7+$0x1AA70] =	vst.add.f32.msk $0xffff, v1  }
0x36b: {  	v0 =	vld.idx.msk [tilespmem:v0+s21+$0x0], vm0;
	_ =	sdelay $0x1  }
0x36c: {  	s8 =	rddreg [dreg:$0xb]  }
0x36d: {  	s8 =	sadd.s32 s8, s22  }
0x36e: {  	s8 =	sshrl.u32 s8, $0x3  }
0x36f: {  	s22 =	sadd.s32 s1, s8;
	[tilespmem:s7+$0x1BA70] =	vst.add.f32.msk $0xffff, v0  }
0x370: {  	[tilespmem:s21], [sflag:$0x2] =	stream.strided.gather [hbm4b:s22+s19], $0xC100, s20, s19, $0x38;
	[tilespmem:$0x1CA00] =	vst v63  }
0x371: {  	_ =	swait.ge [sflag:s26], $0xC400  }
0x372: {  	[sflag:s26] =	ssyncset.done $0x0  }
0x373: {  	s8 =	simm.s32 $0x0;
	[sflag:s26] =	ssyncadd.s32 $0xFFFF3C00  }
0x374: {  	v0 =	vld [tilespmem:s8+$0x19800];
	_ =	sdelay $0x4  }
0x375: {  	v1 =	vadd.s32 $0xFFFF3C00, v0  }
0x376: {  	v2 =	vshll.u32 v1, $0x1  }
0x377: {  	v0 =	vand.u32 $0x7F, v0;
	vm0 =	vlt.u32 v1, $0x6200;
	v1 =	vand.u32 $0xFFFFFF00, v2  }
0x378: {  	v0 =	vor.u32 v0, v1;
	_ =	sdelay $0x3  }
0x379: {  	v2 =	vld [tilespmem:s8+$0x19810]  }
0x37a: {  	v1 =	vld.idx.msk [tilespmem:v0+s5+$0x0], vm0  }
0x37b: {  	v0 =	vor.u32 $0x80, v0;
	_ =	sdelay $0x3  }
0x37c: {  	[tilespmem:s8+$0x1AA00] =	vst.add.f32.msk $0xffff, v1;
	v1 =	vadd.s32 $0xFFFF3C00, v2  }
0x37d: {  	v0 =	vld.idx.msk [tilespmem:v0+s5+$0x0], vm0;
	v3 =	vshll.u32 v1, $0x1  }
0x37e: {  	vm0 =	vlt.u32 v1, $0x6200;
	v1 =	vand.u32 $0x7F, v2;
	v2 =	vand.u32 $0xFFFFFF00, v3  }
0x37f: {  	v1 =	vor.u32 v1, v2;
	_ =	sdelay $0x2  }
0x380: {  	[tilespmem:s8+$0x1BA00] =	vst.add.f32.msk $0xffff, v0  }
0x381: {  	v0 =	vld [tilespmem:s8+$0x19820]  }
0x382: {  	v2 =	vld.idx.msk [tilespmem:v1+s5+$0x0], vm0  }
0x383: {  	v1 =	vor.u32 $0x80, v1;
	_ =	sdelay $0x2  }
0x384: {  	v3 =	vadd.s32 $0xFFFF3C00, v0  }
0x385: {  	[tilespmem:s8+$0x1AA10] =	vst.add.f32.msk $0xffff, v2;
	v2 =	vshll.u32 v3, $0x1  }
0x386: {  	v0 =	vand.u32 $0x7F, v0;
	v1 =	vld.idx.msk [tilespmem:v1+s5+$0x0], vm0;
	vm0 =	vlt.u32 v3, $0x6200;
	v2 =	vand.u32 $0xFFFFFF00, v2  }
0x387: {  	v0 =	vor.u32 v0, v2;
	_ =	sdelay $0x2  }
0x388: {  	v2 =	vld [tilespmem:s8+$0x19830]  }
0x389: {  	[tilespmem:s8+$0x1BA10] =	vst.add.f32.msk $0xffff, v1  }
0x38a: {  	v1 =	vld.idx.msk [tilespmem:v0+s5+$0x0], vm0  }
0x38b: {  	v0 =	vor.u32 $0x80, v0;
	_ =	sdelay $0x3  }
0x38c: {  	[tilespmem:s8+$0x1AA20] =	vst.add.f32.msk $0xffff, v1;
	v1 =	vadd.s32 $0xFFFF3C00, v2  }
0x38d: {  	v0 =	vld.idx.msk [tilespmem:v0+s5+$0x0], vm0;
	v3 =	vshll.u32 v1, $0x1  }
0x38e: {  	vm0 =	vlt.u32 v1, $0x6200;
	v1 =	vand.u32 $0x7F, v2;
	v2 =	vand.u32 $0xFFFFFF00, v3  }
0x38f: {  	v1 =	vor.u32 v1, v2;
	_ =	sdelay $0x2  }
0x390: {  	[tilespmem:s8+$0x1BA20] =	vst.add.f32.msk $0xffff, v0  }
0x391: {  	v0 =	vld [tilespmem:s8+$0x19840]  }
0x392: {  	v2 =	vld.idx.msk [tilespmem:v1+s5+$0x0], vm0  }
0x393: {  	v1 =	vor.u32 $0x80, v1;
	_ =	sdelay $0x2  }
0x394: {  	v3 =	vadd.s32 $0xFFFF3C00, v0  }
0x395: {  	[tilespmem:s8+$0x1AA30] =	vst.add.f32.msk $0xffff, v2;
	v2 =	vshll.u32 v3, $0x1  }
0x396: {  	v0 =	vand.u32 $0x7F, v0;
	v1 =	vld.idx.msk [tilespmem:v1+s5+$0x0], vm0;
	vm0 =	vlt.u32 v3, $0x6200;
	v2 =	vand.u32 $0xFFFFFF00, v2  }
0x397: {  	v0 =	vor.u32 v0, v2;
	_ =	sdelay $0x2  }
0x398: {  	v2 =	vld [tilespmem:s8+$0x19850]  }
0x399: {  	[tilespmem:s8+$0x1BA30] =	vst.add.f32.msk $0xffff, v1  }
0x39a: {  	v1 =	vld.idx.msk [tilespmem:v0+s5+$0x0], vm0  }
0x39b: {  	v0 =	vor.u32 $0x80, v0;
	_ =	sdelay $0x3  }
0x39c: {  	[tilespmem:s8+$0x1AA40] =	vst.add.f32.msk $0xffff, v1;
	v1 =	vadd.s32 $0xFFFF3C00, v2  }
0x39d: {  	v0 =	vld.idx.msk [tilespmem:v0+s5+$0x0], vm0;
	v3 =	vshll.u32 v1, $0x1  }
0x39e: {  	vm0 =	vlt.u32 v1, $0x6200;
	v1 =	vand.u32 $0x7F, v2;
	v2 =	vand.u32 $0xFFFFFF00, v3  }
0x39f: {  	v1 =	vor.u32 v1, v2;
	_ =	sdelay $0x2  }
0x3a0: {  	[tilespmem:s8+$0x1BA40] =	vst.add.f32.msk $0xffff, v0  }
0x3a1: {  	v0 =	vld [tilespmem:s8+$0x19860]  }
0x3a2: {  	v2 =	vld.idx.msk [tilespmem:v1+s5+$0x0], vm0  }
0x3a3: {  	v1 =	vor.u32 $0x80, v1;
	_ =	sdelay $0x2  }
0x3a4: {  	v3 =	vadd.s32 $0xFFFF3C00, v0  }
0x3a5: {  	[tilespmem:s8+$0x1AA50] =	vst.add.f32.msk $0xffff, v2;
	v2 =	vshll.u32 v3, $0x1  }
0x3a6: {  	v0 =	vand.u32 $0x7F, v0;
	v1 =	vld.idx.msk [tilespmem:v1+s5+$0x0], vm0;
	vm0 =	vlt.u32 v3, $0x6200;
	v2 =	vand.u32 $0xFFFFFF00, v2  }
0x3a7: {  	v0 =	vor.u32 v0, v2;
	_ =	sdelay $0x3  }
0x3a8: {  	[tilespmem:s8+$0x1BA50] =	vst.add.f32.msk $0xffff, v1  }
0x3a9: {  	v1 =	vld.idx.msk [tilespmem:v0+s5+$0x0], vm0  }
0x3aa: {  	v2 =	vld [tilespmem:s8+$0x19870];
	v0 =	vor.u32 $0x80, v0;
	_ =	sdelay $0x3  }
0x3ab: {  	[tilespmem:s8+$0x1AA60] =	vst.add.f32.msk $0xffff, v1  }
0x3ac: {  	v1 =	vld.idx.msk [tilespmem:v0+s5+$0x0], vm0;
	v0 =	vadd.s32 $0xFFFF3C00, v2  }
0x3ad: {  	v3 =	vshll.u32 v0, $0x1  }
0x3ae: {  	v2 =	vand.u32 $0x7F, v2;
	vm0 =	vlt.u32 v0, $0x6200;
	v3 =	vand.u32 $0xFFFFFF00, v3  }
0x3af: {  	v0 =	vor.u32 v2, v3;
	_ =	sdelay $0x3  }
0x3b0: {  	s14 =	simm.s32 $0x200;
	s7 =	simm.s32 $0x0;
	[tilespmem:s8+$0x1BA60] =	vst.add.f32.msk $0xffff, v1  }
.LBB2_15:
0x3b1: {  	s15 =	sshra.s32 s14, $0x2;
	s7 =	sadd.s32 $0x8, s7;
	v1 =	vld.idx.msk [tilespmem:v0+s5+$0x0], vm0  }
0x3b2: {  	v2 =	vld [tilespmem:s15+$0x19800];
	p1 =	slt.u32 s7, $0xF8  }
0x3b3: {  	v0 =	vor.u32 $0x80, v0;
	_ =	sdelay $0x3  }
0x3b4: {  	v3 =	vadd.s32 $0xFFFF3C00, v2;
	[tilespmem:s8+$0x1AA70] =	vst.add.f32.msk $0xffff, v1  }
0x3b5: {  	v1 =	vshll.u32 v3, $0x1;
	v0 =	vld.idx.msk [tilespmem:v0+s5+$0x0], vm0  }
0x3b6: {  	v2 =	vand.u32 $0x7F, v2;
	vm0 =	vlt.u32 v3, $0x6200;
	v1 =	vand.u32 $0xFFFFFF00, v1  }
0x3b7: {  	v1 =	vor.u32 v2, v1;
	_ =	sdelay $0x3  }
0x3b8: {  	[tilespmem:s8+$0x1BA70] =	vst.add.f32.msk $0xffff, v0;
	s8 =	smov.u32 s15  }
0x3b9: {  	v0 =	vld.idx.msk [tilespmem:v1+s5+$0x0], vm0  }
0x3ba: {  	v2 =	vld [tilespmem:s8+$0x19810]  }
0x3bb: {  	v1 =	vor.u32 $0x80, v1;
	_ =	sdelay $0x3  }
0x3bc: {  	[tilespmem:s8+$0x1AA00] =	vst.add.f32.msk $0xffff, v0;
	v0 =	vadd.s32 $0xFFFF3C00, v2  }
0x3bd: {  	v1 =	vld.idx.msk [tilespmem:v1+s5+$0x0], vm0;
	v3 =	vshll.u32 v0, $0x1  }
0x3be: {  	vm0 =	vlt.u32 v0, $0x6200;
	v0 =	vand.u32 $0x7F, v2;
	v2 =	vand.u32 $0xFFFFFF00, v3  }
0x3bf: {  	v0 =	vor.u32 v0, v2;
	_ =	sdelay $0x3  }
0x3c0: {  	[tilespmem:s8+$0x1BA00] =	vst.add.f32.msk $0xffff, v1  }
0x3c1: {  	v1 =	vld.idx.msk [tilespmem:v0+s5+$0x0], vm0  }
0x3c2: {  	v2 =	vld [tilespmem:s8+$0x19820]  }
0x3c3: {  	v0 =	vor.u32 $0x80, v0;
	_ =	sdelay $0x3  }
0x3c4: {  	[tilespmem:s8+$0x1AA10] =	vst.add.f32.msk $0xffff, v1;
	v1 =	vadd.s32 $0xFFFF3C00, v2  }
0x3c5: {  	v0 =	vld.idx.msk [tilespmem:v0+s5+$0x0], vm0;
	v3 =	vshll.u32 v1, $0x1  }
0x3c6: {  	vm0 =	vlt.u32 v1, $0x6200;
	v1 =	vand.u32 $0x7F, v2;
	v2 =	vand.u32 $0xFFFFFF00, v3  }
0x3c7: {  	v1 =	vor.u32 v1, v2;
	_ =	sdelay $0x3  }
0x3c8: {  	[tilespmem:s8+$0x1BA10] =	vst.add.f32.msk $0xffff, v0  }
0x3c9: {  	v0 =	vld.idx.msk [tilespmem:v1+s5+$0x0], vm0  }
0x3ca: {  	v2 =	vld [tilespmem:s8+$0x19830]  }
0x3cb: {  	v1 =	vor.u32 $0x80, v1;
	_ =	sdelay $0x3  }
0x3cc: {  	[tilespmem:s8+$0x1AA20] =	vst.add.f32.msk $0xffff, v0;
	v0 =	vadd.s32 $0xFFFF3C00, v2  }
0x3cd: {  	v1 =	vld.idx.msk [tilespmem:v1+s5+$0x0], vm0;
	v3 =	vshll.u32 v0, $0x1  }
0x3ce: {  	vm0 =	vlt.u32 v0, $0x6200;
	v0 =	vand.u32 $0x7F, v2;
	v2 =	vand.u32 $0xFFFFFF00, v3  }
0x3cf: {  	v0 =	vor.u32 v0, v2;
	_ =	sdelay $0x3  }
0x3d0: {  	[tilespmem:s8+$0x1BA20] =	vst.add.f32.msk $0xffff, v1  }
0x3d1: {  	v1 =	vld.idx.msk [tilespmem:v0+s5+$0x0], vm0  }
0x3d2: {  	v2 =	vld [tilespmem:s8+$0x19840]  }
0x3d3: {  	v0 =	vor.u32 $0x80, v0;
	_ =	sdelay $0x3  }
0x3d4: {  	[tilespmem:s8+$0x1AA30] =	vst.add.f32.msk $0xffff, v1;
	v1 =	vadd.s32 $0xFFFF3C00, v2  }
0x3d5: {  	v0 =	vld.idx.msk [tilespmem:v0+s5+$0x0], vm0;
	v3 =	vshll.u32 v1, $0x1  }
0x3d6: {  	vm0 =	vlt.u32 v1, $0x6200;
	v1 =	vand.u32 $0x7F, v2;
	v2 =	vand.u32 $0xFFFFFF00, v3  }
0x3d7: {  	v1 =	vor.u32 v1, v2;
	_ =	sdelay $0x3  }
0x3d8: {  	[tilespmem:s8+$0x1BA30] =	vst.add.f32.msk $0xffff, v0  }
0x3d9: {  	v0 =	vld.idx.msk [tilespmem:v1+s5+$0x0], vm0  }
0x3da: {  	v2 =	vld [tilespmem:s8+$0x19850]  }
0x3db: {  	v1 =	vor.u32 $0x80, v1;
	_ =	sdelay $0x3  }
0x3dc: {  	[tilespmem:s8+$0x1AA40] =	vst.add.f32.msk $0xffff, v0;
	v0 =	vadd.s32 $0xFFFF3C00, v2  }
0x3dd: {  	v1 =	vld.idx.msk [tilespmem:v1+s5+$0x0], vm0;
	v3 =	vshll.u32 v0, $0x1  }
0x3de: {  	vm0 =	vlt.u32 v0, $0x6200;
	v0 =	vand.u32 $0x7F, v2;
	v2 =	vand.u32 $0xFFFFFF00, v3  }
0x3df: {  	v0 =	vor.u32 v0, v2;
	_ =	sdelay $0x3  }
0x3e0: {  	[tilespmem:s8+$0x1BA40] =	vst.add.f32.msk $0xffff, v1  }
0x3e1: {  	v1 =	vld.idx.msk [tilespmem:v0+s5+$0x0], vm0  }
0x3e2: {  	v2 =	vld [tilespmem:s8+$0x19860]  }
0x3e3: {  	v0 =	vor.u32 $0x80, v0;
	_ =	sdelay $0x3  }
0x3e4: {  	[tilespmem:s8+$0x1AA50] =	vst.add.f32.msk $0xffff, v1;
	v1 =	vadd.s32 $0xFFFF3C00, v2  }
0x3e5: {  	v0 =	vld.idx.msk [tilespmem:v0+s5+$0x0], vm0;
	v3 =	vshll.u32 v1, $0x1  }
0x3e6: {  	vm0 =	vlt.u32 v1, $0x6200;
	v1 =	vand.u32 $0x7F, v2;
	v2 =	vand.u32 $0xFFFFFF00, v3  }
0x3e7: {  	v1 =	vor.u32 v1, v2;
	_ =	sdelay $0x3  }
0x3e8: {  	[tilespmem:s8+$0x1BA50] =	vst.add.f32.msk $0xffff, v0  }
0x3e9: {  	v0 =	vld.idx.msk [tilespmem:v1+s5+$0x0], vm0  }
0x3ea: {  	v2 =	vld [tilespmem:s8+$0x19870]  }
0x3eb: {  	v1 =	vor.u32 $0x80, v1;
	_ =	sdelay $0x3  }
0x3ec: {  	[tilespmem:s8+$0x1AA60] =	vst.add.f32.msk $0xffff, v0;
	v0 =	vadd.s32 $0xFFFF3C00, v2  }
0x3ed: {  	v1 =	vld.idx.msk [tilespmem:v1+s5+$0x0], vm0;
	v3 =	vshll.u32 v0, $0x1  }
0x3ee: {  	vm0 =	vlt.u32 v0, $0x6200;
	v0 =	vand.u32 $0x7F, v2;
	v2 =	vand.u32 $0xFFFFFF00, v3  }
.Ltmp8:
0x3ef: {  	v0 =	vor.u32 v0, v2;
	(pc) =	sbr.rel @p1 .LBB2_15-.Ltmp8, $2  }
0x3f0: {  	_ =	sdelay $0x2  }
0x3f1: {  	s14 =	sadd.s32 $0x200, s14;
	[tilespmem:s8+$0x1BA60] =	vst.add.f32.msk $0xffff, v1  }
0x3f2: {  	_ =	sdelay $0x4  }
0x3f3: {  	v1 =	vld.idx.msk [tilespmem:v0+s5+$0x0], vm0  }
0x3f4: {  	v0 =	vor.u32 $0x80, v0;
	_ =	sdelay $0x2  }
0x3f5: {  	s12 =	sadd.s32 $0x40, s12  }
0x3f6: {  	p1 =	seq.s32 s18, $0xC;
	s7 =	sor.u32 s17, s12;
	[tilespmem:s8+$0x1AA70] =	vst.add.f32.msk $0xffff, v1  }
0x3f7: {  	s7 =	sshrl.u32 @!p1 s7, $0x2;
	v0 =	vld.idx.msk [tilespmem:v0+s5+$0x0], vm0  }
0x3f8: {  	s7 =	smul.u32 @!p1 $0xC3800, s7;
	_ =	sdelay $0x1  }
0x3f9: {  	s14 =	sor.u32 @!p1 s13, s7  }
0x3fa: {  	s15 =	simm.s32 @!p1 $0x400;
	s14 =	sshrl.u32 @!p1 s14, $0x3  }
0x3fb: {  	s16 =	simm.s32 @!p1 $0x0;
	s14 =	sadd.s32 @!p1 s1, s14;
	[tilespmem:s8+$0x1BA70] =	vst.add.f32.msk $0xffff, v0;
	s8 =	simm.s32 @!p1 $0x100  }
0x3fc: {  	[tilespmem:s16], [sflag:$0x1] =	stream.strided.gather @!p1 [hbm4b:s14+s8], $0xC400, s15, s8, $0x38;
	[tilespmem:$0x1CA00] =	vst v63  }
0x3fd: {  	s8 =	sshll.u32 @!p1 s12, $0x4  }
0x3fe: {  	s12 =	simm.s32 @!p1 $0x18800;
	s8 =	sadd.s32 @!p1 s6, s8  }
0x3ff: {  	[tilespmem:s12], [sflag:$0x3] =	stream.linear.gather @!p1 [hbm4b:s8+s16], $0x1000, $0x38;
	[tilespmem:$0x1CA00] =	vst v63  }
0x400: {  	s8 =	sadd.s32 @!p1 $0xC3400, s7  }
0x401: {  	s12 =	sor.u32 @!p1 s13, s8  }
0x402: {  	s12 =	sshrl.u32 @!p1 s12, $0x3  }
0x403: {  	s14 =	simm.s32 @!p1 $0x1A800;
	s12 =	sadd.s32 @!p1 s1, s12  }
0x404: {  	[tilespmem:s14], [sflag:$0x3] =	stream.linear.gather @!p1 [hbm4b:s12+s16], $0x80, $0x38;
	[tilespmem:$0x1CA00] =	vst v63  }
0x405: {  	s12 =	rddreg [dreg:$0xc]  }
0x406: {  	s8 =	sor.u32 @!p1 s12, s8  }
0x407: {  	s8 =	sshrl.u32 @!p1 s8, $0x3  }
0x408: {  	s12 =	simm.s32 @!p1 $0x1A880;
	s8 =	sadd.s32 @!p1 s1, s8  }
0x409: {  	[tilespmem:s12], [sflag:$0x3] =	stream.linear.gather @!p1 [hbm4b:s8+s16], $0x80, $0x38;
	[tilespmem:$0x1CA00] =	vst v63  }
0x40a: {  	_ =	swait.ge [sflag:s28], $0xC100  }
0x40b: {  	[sflag:s28] =	ssyncset.done $0x0  }
0x40c: {  	s12 =	simm.s32 $0x0;
	[sflag:s28] =	ssyncadd.s32 $0xFFFF3F00  }
0x40d: {  	v0 =	vld [tilespmem:s12+$0x19800];
	_ =	sdelay $0x4  }
0x40e: {  	v1 =	vadd.s32 $0xFFFEDA00, v0  }
0x40f: {  	v2 =	vshll.u32 v1, $0x1  }
0x410: {  	vm0 =	vlt.u32 v1, $0x6080;
	v1 =	vand.u32 $0x7F, v0;
	v2 =	vand.u32 $0xFFFFFF00, v2  }
0x411: {  	v1 =	vor.u32 v1, v2;
	_ =	sdelay $0x3  }
0x412: {  	v0 =	vadd.s32 $0xFFFE7980, v0  }
0x413: {  	vm1 =	vgt.s32 v0, $0xFFFFFFFF;
	v2 =	vld.idx.msk [tilespmem:v1+s21+$0x0], vm0;
	_ =	sdelay $0x4  }
0x414: {  	[tilespmem:s12+$0x1AA00] =	vst.add.f32.msk $0xffff, v2  }
0x415: {  	v2 =	vld.idx.msk [tilespmem:v0+s30+$0x0], vm1;
	_ =	sdelay $0x1  }
0x416: {  	v1 =	vor.u32 $0x80, v1;
	_ =	sdelay $0x2  }
0x417: {  	[tilespmem:s12+$0x1AA00] =	vst.add.f32.msk $0xffff, v2  }
0x418: {  	v2 =	vld [tilespmem:s12+$0x19810]  }
0x419: {  	v1 =	vld.idx.msk [tilespmem:v1+s21+$0x0], vm0;
	_ =	sdelay $0x3  }
0x41a: {  	v3 =	vadd.s32 $0xFFFEDA00, v2  }
0x41b: {  	[tilespmem:s12+$0x1BA00] =	vst.add.f32.msk $0xffff, v1;
	v1 =	vshll.u32 v3, $0x1  }
0x41c: {  	vm0 =	vlt.u32 v3, $0x6080;
	v3 =	vand.u32 $0x7F, v2;
	v0 =	vld.idx.msk [tilespmem:v0+s31+$0x0], vm1;
	v1 =	vand.u32 $0xFFFFFF00, v1  }
0x41d: {  	v1 =	vor.u32 v3, v1;
	_ =	sdelay $0x3  }
0x41e: {  	[tilespmem:s12+$0x1BA00] =	vst.add.f32.msk $0xffff, v0;
	v0 =	vadd.s32 $0xFFFE7980, v2  }
0x41f: {  	v2 =	vld.idx.msk [tilespmem:v1+s21+$0x0], vm0;
	vm1 =	vgt.s32 v0, $0xFFFFFFFF;
	_ =	sdelay $0x4  }
0x420: {  	[tilespmem:s12+$0x1AA10] =	vst.add.f32.msk $0xffff, v2  }
0x421: {  	v2 =	vld.idx.msk [tilespmem:v0+s30+$0x0], vm1;
	_ =	sdelay $0x1  }
0x422: {  	v1 =	vor.u32 $0x80, v1;
	_ =	sdelay $0x2  }
0x423: {  	[tilespmem:s12+$0x1AA10] =	vst.add.f32.msk $0xffff, v2  }
0x424: {  	v2 =	vld [tilespmem:s12+$0x19820]  }
0x425: {  	v1 =	vld.idx.msk [tilespmem:v1+s21+$0x0], vm0;
	_ =	sdelay $0x3  }
0x426: {  	v3 =	vadd.s32 $0xFFFEDA00, v2  }
0x427: {  	[tilespmem:s12+$0x1BA10] =	vst.add.f32.msk $0xffff, v1;
	v1 =	vshll.u32 v3, $0x1  }
0x428: {  	vm0 =	vlt.u32 v3, $0x6080;
	v3 =	vand.u32 $0x7F, v2;
	v0 =	vld.idx.msk [tilespmem:v0+s31+$0x0], vm1;
	v1 =	vand.u32 $0xFFFFFF00, v1  }
0x429: {  	v1 =	vor.u32 v3, v1;
	_ =	sdelay $0x3  }
0x42a: {  	[tilespmem:s12+$0x1BA10] =	vst.add.f32.msk $0xffff, v0;
	v0 =	vadd.s32 $0xFFFE7980, v2  }
0x42b: {  	v2 =	vld.idx.msk [tilespmem:v1+s21+$0x0], vm0;
	vm1 =	vgt.s32 v0, $0xFFFFFFFF;
	_ =	sdelay $0x4  }
0x42c: {  	[tilespmem:s12+$0x1AA20] =	vst.add.f32.msk $0xffff, v2  }
0x42d: {  	v2 =	vld.idx.msk [tilespmem:v0+s30+$0x0], vm1;
	_ =	sdelay $0x1  }
0x42e: {  	v1 =	vor.u32 $0x80, v1;
	_ =	sdelay $0x2  }
0x42f: {  	[tilespmem:s12+$0x1AA20] =	vst.add.f32.msk $0xffff, v2  }
0x430: {  	v2 =	vld [tilespmem:s12+$0x19830]  }
0x431: {  	v1 =	vld.idx.msk [tilespmem:v1+s21+$0x0], vm0;
	_ =	sdelay $0x3  }
0x432: {  	v3 =	vadd.s32 $0xFFFEDA00, v2  }
0x433: {  	[tilespmem:s12+$0x1BA20] =	vst.add.f32.msk $0xffff, v1;
	v1 =	vshll.u32 v3, $0x1  }
0x434: {  	vm0 =	vlt.u32 v3, $0x6080;
	v3 =	vand.u32 $0x7F, v2;
	v0 =	vld.idx.msk [tilespmem:v0+s31+$0x0], vm1;
	v1 =	vand.u32 $0xFFFFFF00, v1  }
0x435: {  	v1 =	vor.u32 v3, v1;
	_ =	sdelay $0x3  }
0x436: {  	[tilespmem:s12+$0x1BA20] =	vst.add.f32.msk $0xffff, v0;
	v0 =	vadd.s32 $0xFFFE7980, v2  }
0x437: {  	v2 =	vld.idx.msk [tilespmem:v1+s21+$0x0], vm0;
	vm1 =	vgt.s32 v0, $0xFFFFFFFF;
	_ =	sdelay $0x4  }
0x438: {  	[tilespmem:s12+$0x1AA30] =	vst.add.f32.msk $0xffff, v2  }
0x439: {  	v2 =	vld.idx.msk [tilespmem:v0+s30+$0x0], vm1;
	_ =	sdelay $0x1  }
0x43a: {  	v1 =	vor.u32 $0x80, v1;
	_ =	sdelay $0x2  }
0x43b: {  	[tilespmem:s12+$0x1AA30] =	vst.add.f32.msk $0xffff, v2  }
0x43c: {  	v2 =	vld [tilespmem:s12+$0x19840]  }
0x43d: {  	v1 =	vld.idx.msk [tilespmem:v1+s21+$0x0], vm0;
	_ =	sdelay $0x3  }
0x43e: {  	v3 =	vadd.s32 $0xFFFEDA00, v2  }
0x43f: {  	[tilespmem:s12+$0x1BA30] =	vst.add.f32.msk $0xffff, v1;
	v1 =	vshll.u32 v3, $0x1  }
0x440: {  	vm0 =	vlt.u32 v3, $0x6080;
	v3 =	vand.u32 $0x7F, v2;
	v0 =	vld.idx.msk [tilespmem:v0+s31+$0x0], vm1;
	v1 =	vand.u32 $0xFFFFFF00, v1  }
0x441: {  	v1 =	vor.u32 v3, v1;
	_ =	sdelay $0x3  }
0x442: {  	[tilespmem:s12+$0x1BA30] =	vst.add.f32.msk $0xffff, v0;
	v0 =	vadd.s32 $0xFFFE7980, v2  }
0x443: {  	v2 =	vld.idx.msk [tilespmem:v1+s21+$0x0], vm0;
	vm1 =	vgt.s32 v0, $0xFFFFFFFF;
	_ =	sdelay $0x4  }
0x444: {  	[tilespmem:s12+$0x1AA40] =	vst.add.f32.msk $0xffff, v2  }
0x445: {  	v2 =	vld.idx.msk [tilespmem:v0+s30+$0x0], vm1;
	_ =	sdelay $0x1  }
0x446: {  	v1 =	vor.u32 $0x80, v1;
	_ =	sdelay $0x2  }
0x447: {  	[tilespmem:s12+$0x1AA40] =	vst.add.f32.msk $0xffff, v2  }
0x448: {  	v2 =	vld [tilespmem:s12+$0x19850]  }
0x449: {  	v1 =	vld.idx.msk [tilespmem:v1+s21+$0x0], vm0;
	_ =	sdelay $0x3  }
0x44a: {  	v3 =	vadd.s32 $0xFFFEDA00, v2  }
0x44b: {  	[tilespmem:s12+$0x1BA40] =	vst.add.f32.msk $0xffff, v1;
	v1 =	vshll.u32 v3, $0x1  }
0x44c: {  	vm0 =	vlt.u32 v3, $0x6080;
	v3 =	vand.u32 $0x7F, v2;
	v0 =	vld.idx.msk [tilespmem:v0+s31+$0x0], vm1;
	v1 =	vand.u32 $0xFFFFFF00, v1  }
0x44d: {  	v1 =	vor.u32 v3, v1;
	_ =	sdelay $0x3  }
0x44e: {  	[tilespmem:s12+$0x1BA40] =	vst.add.f32.msk $0xffff, v0;
	v0 =	vadd.s32 $0xFFFE7980, v2  }
0x44f: {  	v2 =	vld.idx.msk [tilespmem:v1+s21+$0x0], vm0;
	vm1 =	vgt.s32 v0, $0xFFFFFFFF;
	_ =	sdelay $0x4  }
0x450: {  	[tilespmem:s12+$0x1AA50] =	vst.add.f32.msk $0xffff, v2  }
0x451: {  	v2 =	vld.idx.msk [tilespmem:v0+s30+$0x0], vm1;
	_ =	sdelay $0x1  }
0x452: {  	v1 =	vor.u32 $0x80, v1;
	_ =	sdelay $0x2  }
0x453: {  	[tilespmem:s12+$0x1AA50] =	vst.add.f32.msk $0xffff, v2  }
0x454: {  	v2 =	vld [tilespmem:s12+$0x19860]  }
0x455: {  	v1 =	vld.idx.msk [tilespmem:v1+s21+$0x0], vm0;
	_ =	sdelay $0x3  }
0x456: {  	v3 =	vadd.s32 $0xFFFEDA00, v2  }
0x457: {  	[tilespmem:s12+$0x1BA50] =	vst.add.f32.msk $0xffff, v1;
	v1 =	vshll.u32 v3, $0x1  }
0x458: {  	vm0 =	vlt.u32 v3, $0x6080;
	v3 =	vand.u32 $0x7F, v2;
	v0 =	vld.idx.msk [tilespmem:v0+s31+$0x0], vm1;
	v1 =	vand.u32 $0xFFFFFF00, v1  }
0x459: {  	v1 =	vor.u32 v3, v1;
	_ =	sdelay $0x3  }
0x45a: {  	[tilespmem:s12+$0x1BA50] =	vst.add.f32.msk $0xffff, v0;
	v0 =	vadd.s32 $0xFFFE7980, v2  }
0x45b: {  	v2 =	vld.idx.msk [tilespmem:v1+s21+$0x0], vm0;
	vm1 =	vgt.s32 v0, $0xFFFFFFFF;
	_ =	sdelay $0x4  }
0x45c: {  	[tilespmem:s12+$0x1AA60] =	vst.add.f32.msk $0xffff, v2  }
0x45d: {  	v2 =	vld.idx.msk [tilespmem:v0+s30+$0x0], vm1;
	_ =	sdelay $0x1  }
0x45e: {  	v1 =	vor.u32 $0x80, v1;
	_ =	sdelay $0x2  }
0x45f: {  	[tilespmem:s12+$0x1AA60] =	vst.add.f32.msk $0xffff, v2  }
0x460: {  	v2 =	vld [tilespmem:s12+$0x19870]  }
0x461: {  	v1 =	vld.idx.msk [tilespmem:v1+s21+$0x0], vm0;
	_ =	sdelay $0x3  }
0x462: {  	v3 =	vadd.s32 $0xFFFEDA00, v2  }
0x463: {  	[tilespmem:s12+$0x1BA60] =	vst.add.f32.msk $0xffff, v1;
	v1 =	vshll.u32 v3, $0x1  }
0x464: {  	vm0 =	vlt.u32 v3, $0x6080;
	v3 =	vand.u32 $0x7F, v2;
	v0 =	vld.idx.msk [tilespmem:v0+s31+$0x0], vm1;
	v1 =	vand.u32 $0xFFFFFF00, v1  }
0x465: {  	v1 =	vor.u32 v3, v1;
	_ =	sdelay $0x3  }
0x466: {  	[tilespmem:s12+$0x1BA60] =	vst.add.f32.msk $0xffff, v0;
	v0 =	vadd.s32 $0xFFFE7980, v2  }
0x467: {  	v2 =	vld.idx.msk [tilespmem:v1+s21+$0x0], vm0;
	vm1 =	vgt.s32 v0, $0xFFFFFFFF;
	_ =	sdelay $0x4  }
0x468: {  	[tilespmem:s12+$0x1AA70] =	vst.add.f32.msk $0xffff, v2  }
0x469: {  	v2 =	vld.idx.msk [tilespmem:v0+s30+$0x0], vm1  }
0x46a: {  	v1 =	vor.u32 $0x80, v1;
	_ =	sdelay $0x3  }
0x46b: {  	s22 =	smov.u32 s17;
	s14 =	simm.s32 $0x200;
	s8 =	simm.s32 $0x0;
	[tilespmem:s12+$0x1AA70] =	vst.add.f32.msk $0xffff, v2  }
.LBB2_17:
0x46c: {  	s15 =	sshra.s32 s14, $0x2;
	s8 =	sadd.s32 $0x8, s8;
	v1 =	vld.idx.msk [tilespmem:v1+s21+$0x0], vm0  }
0x46d: {  	v2 =	vld [tilespmem:s15+$0x19800];
	p2 =	slt.u32 s8, $0xF8;
	_ =	sdelay $0x4  }
0x46e: {  	v3 =	vadd.s32 $0xFFFEDA00, v2;
	[tilespmem:s12+$0x1BA70] =	vst.add.f32.msk $0xffff, v1  }
0x46f: {  	v1 =	vshll.u32 v3, $0x1;
	v0 =	vld.idx.msk [tilespmem:v0+s31+$0x0], vm1  }
0x470: {  	vm0 =	vlt.u32 v3, $0x6080;
	v3 =	vand.u32 $0x7F, v2;
	v1 =	vand.u32 $0xFFFFFF00, v1  }
0x471: {  	v1 =	vor.u32 v3, v1;
	_ =	sdelay $0x3  }
0x472: {  	[tilespmem:s12+$0x1BA70] =	vst.add.f32.msk $0xffff, v0;
	s12 =	smov.u32 s15  }
0x473: {  	v0 =	vadd.s32 $0xFFFE7980, v2;
	v2 =	vld.idx.msk [tilespmem:v1+s21+$0x0], vm0  }
0x474: {  	vm1 =	vgt.s32 v0, $0xFFFFFFFF;
	_ =	sdelay $0x4  }
0x475: {  	[tilespmem:s12+$0x1AA00] =	vst.add.f32.msk $0xffff, v2  }
0x476: {  	v2 =	vld.idx.msk [tilespmem:v0+s30+$0x0], vm1;
	_ =	sdelay $0x1  }
0x477: {  	v1 =	vor.u32 $0x80, v1;
	_ =	sdelay $0x3  }
0x478: {  	[tilespmem:s12+$0x1AA00] =	vst.add.f32.msk $0xffff, v2  }
0x479: {  	v1 =	vld.idx.msk [tilespmem:v1+s21+$0x0], vm0  }
0x47a: {  	v2 =	vld [tilespmem:s12+$0x19810];
	_ =	sdelay $0x4  }
0x47b: {  	[tilespmem:s12+$0x1BA00] =	vst.add.f32.msk $0xffff, v1;
	v1 =	vadd.s32 $0xFFFEDA00, v2  }
0x47c: {  	v0 =	vld.idx.msk [tilespmem:v0+s31+$0x0], vm1;
	v3 =	vshll.u32 v1, $0x1  }
0x47d: {  	vm0 =	vlt.u32 v1, $0x6080;
	v1 =	vand.u32 $0x7F, v2;
	v3 =	vand.u32 $0xFFFFFF00, v3  }
0x47e: {  	v1 =	vor.u32 v1, v3;
	_ =	sdelay $0x3  }
0x47f: {  	[tilespmem:s12+$0x1BA00] =	vst.add.f32.msk $0xffff, v0  }
0x480: {  	v0 =	vadd.s32 $0xFFFE7980, v2;
	v2 =	vld.idx.msk [tilespmem:v1+s21+$0x0], vm0  }
0x481: {  	vm1 =	vgt.s32 v0, $0xFFFFFFFF;
	_ =	sdelay $0x4  }
0x482: {  	[tilespmem:s12+$0x1AA10] =	vst.add.f32.msk $0xffff, v2  }
0x483: {  	v2 =	vld.idx.msk [tilespmem:v0+s30+$0x0], vm1;
	_ =	sdelay $0x1  }
0x484: {  	v1 =	vor.u32 $0x80, v1;
	_ =	sdelay $0x3  }
0x485: {  	[tilespmem:s12+$0x1AA10] =	vst.add.f32.msk $0xffff, v2  }
0x486: {  	v1 =	vld.idx.msk [tilespmem:v1+s21+$0x0], vm0  }
0x487: {  	v2 =	vld [tilespmem:s12+$0x19820];
	_ =	sdelay $0x4  }
0x488: {  	[tilespmem:s12+$0x1BA10] =	vst.add.f32.msk $0xffff, v1;
	v1 =	vadd.s32 $0xFFFEDA00, v2  }
0x489: {  	v0 =	vld.idx.msk [tilespmem:v0+s31+$0x0], vm1;
	v3 =	vshll.u32 v1, $0x1  }
0x48a: {  	vm0 =	vlt.u32 v1, $0x6080;
	v1 =	vand.u32 $0x7F, v2;
	v3 =	vand.u32 $0xFFFFFF00, v3  }
0x48b: {  	v1 =	vor.u32 v1, v3;
	_ =	sdelay $0x3  }
0x48c: {  	[tilespmem:s12+$0x1BA10] =	vst.add.f32.msk $0xffff, v0  }
0x48d: {  	v0 =	vadd.s32 $0xFFFE7980, v2;
	v2 =	vld.idx.msk [tilespmem:v1+s21+$0x0], vm0  }
0x48e: {  	vm1 =	vgt.s32 v0, $0xFFFFFFFF;
	_ =	sdelay $0x4  }
0x48f: {  	[tilespmem:s12+$0x1AA20] =	vst.add.f32.msk $0xffff, v2  }
0x490: {  	v2 =	vld.idx.msk [tilespmem:v0+s30+$0x0], vm1;
	_ =	sdelay $0x1  }
0x491: {  	v1 =	vor.u32 $0x80, v1;
	_ =	sdelay $0x3  }
0x492: {  	[tilespmem:s12+$0x1AA20] =	vst.add.f32.msk $0xffff, v2  }
0x493: {  	v1 =	vld.idx.msk [tilespmem:v1+s21+$0x0], vm0  }
0x494: {  	v2 =	vld [tilespmem:s12+$0x19830];
	_ =	sdelay $0x4  }
0x495: {  	[tilespmem:s12+$0x1BA20] =	vst.add.f32.msk $0xffff, v1;
	v1 =	vadd.s32 $0xFFFEDA00, v2  }
0x496: {  	v0 =	vld.idx.msk [tilespmem:v0+s31+$0x0], vm1;
	v3 =	vshll.u32 v1, $0x1  }
0x497: {  	vm0 =	vlt.u32 v1, $0x6080;
	v1 =	vand.u32 $0x7F, v2;
	v3 =	vand.u32 $0xFFFFFF00, v3  }
0x498: {  	v1 =	vor.u32 v1, v3;
	_ =	sdelay $0x3  }
0x499: {  	[tilespmem:s12+$0x1BA20] =	vst.add.f32.msk $0xffff, v0  }
0x49a: {  	v0 =	vadd.s32 $0xFFFE7980, v2;
	v2 =	vld.idx.msk [tilespmem:v1+s21+$0x0], vm0  }
0x49b: {  	vm1 =	vgt.s32 v0, $0xFFFFFFFF;
	_ =	sdelay $0x4  }
0x49c: {  	[tilespmem:s12+$0x1AA30] =	vst.add.f32.msk $0xffff, v2  }
0x49d: {  	v2 =	vld.idx.msk [tilespmem:v0+s30+$0x0], vm1;
	_ =	sdelay $0x1  }
0x49e: {  	v1 =	vor.u32 $0x80, v1;
	_ =	sdelay $0x3  }
0x49f: {  	[tilespmem:s12+$0x1AA30] =	vst.add.f32.msk $0xffff, v2  }
0x4a0: {  	v1 =	vld.idx.msk [tilespmem:v1+s21+$0x0], vm0  }
0x4a1: {  	v2 =	vld [tilespmem:s12+$0x19840];
	_ =	sdelay $0x4  }
0x4a2: {  	[tilespmem:s12+$0x1BA30] =	vst.add.f32.msk $0xffff, v1;
	v1 =	vadd.s32 $0xFFFEDA00, v2  }
0x4a3: {  	v0 =	vld.idx.msk [tilespmem:v0+s31+$0x0], vm1;
	v3 =	vshll.u32 v1, $0x1  }
0x4a4: {  	vm0 =	vlt.u32 v1, $0x6080;
	v1 =	vand.u32 $0x7F, v2;
	v3 =	vand.u32 $0xFFFFFF00, v3  }
0x4a5: {  	v1 =	vor.u32 v1, v3;
	_ =	sdelay $0x3  }
0x4a6: {  	[tilespmem:s12+$0x1BA30] =	vst.add.f32.msk $0xffff, v0  }
0x4a7: {  	v0 =	vadd.s32 $0xFFFE7980, v2;
	v2 =	vld.idx.msk [tilespmem:v1+s21+$0x0], vm0  }
0x4a8: {  	vm1 =	vgt.s32 v0, $0xFFFFFFFF;
	_ =	sdelay $0x4  }
0x4a9: {  	[tilespmem:s12+$0x1AA40] =	vst.add.f32.msk $0xffff, v2  }
0x4aa: {  	v2 =	vld.idx.msk [tilespmem:v0+s30+$0x0], vm1;
	_ =	sdelay $0x1  }
0x4ab: {  	v1 =	vor.u32 $0x80, v1;
	_ =	sdelay $0x3  }
0x4ac: {  	[tilespmem:s12+$0x1AA40] =	vst.add.f32.msk $0xffff, v2  }
0x4ad: {  	v1 =	vld.idx.msk [tilespmem:v1+s21+$0x0], vm0  }
0x4ae: {  	v2 =	vld [tilespmem:s12+$0x19850];
	_ =	sdelay $0x4  }
0x4af: {  	[tilespmem:s12+$0x1BA40] =	vst.add.f32.msk $0xffff, v1;
	v1 =	vadd.s32 $0xFFFEDA00, v2  }
0x4b0: {  	v0 =	vld.idx.msk [tilespmem:v0+s31+$0x0], vm1;
	v3 =	vshll.u32 v1, $0x1  }
0x4b1: {  	vm0 =	vlt.u32 v1, $0x6080;
	v1 =	vand.u32 $0x7F, v2;
	v3 =	vand.u32 $0xFFFFFF00, v3  }
0x4b2: {  	v1 =	vor.u32 v1, v3;
	_ =	sdelay $0x3  }
0x4b3: {  	[tilespmem:s12+$0x1BA40] =	vst.add.f32.msk $0xffff, v0  }
0x4b4: {  	v0 =	vadd.s32 $0xFFFE7980, v2;
	v2 =	vld.idx.msk [tilespmem:v1+s21+$0x0], vm0  }
0x4b5: {  	vm1 =	vgt.s32 v0, $0xFFFFFFFF;
	_ =	sdelay $0x4  }
0x4b6: {  	[tilespmem:s12+$0x1AA50] =	vst.add.f32.msk $0xffff, v2  }
0x4b7: {  	v2 =	vld.idx.msk [tilespmem:v0+s30+$0x0], vm1;
	_ =	sdelay $0x1  }
0x4b8: {  	v1 =	vor.u32 $0x80, v1;
	_ =	sdelay $0x3  }
0x4b9: {  	[tilespmem:s12+$0x1AA50] =	vst.add.f32.msk $0xffff, v2  }
0x4ba: {  	v1 =	vld.idx.msk [tilespmem:v1+s21+$0x0], vm0  }
0x4bb: {  	v2 =	vld [tilespmem:s12+$0x19860];
	_ =	sdelay $0x4  }
0x4bc: {  	[tilespmem:s12+$0x1BA50] =	vst.add.f32.msk $0xffff, v1;
	v1 =	vadd.s32 $0xFFFEDA00, v2  }
0x4bd: {  	v0 =	vld.idx.msk [tilespmem:v0+s31+$0x0], vm1;
	v3 =	vshll.u32 v1, $0x1  }
0x4be: {  	vm0 =	vlt.u32 v1, $0x6080;
	v1 =	vand.u32 $0x7F, v2;
	v3 =	vand.u32 $0xFFFFFF00, v3  }
0x4bf: {  	v1 =	vor.u32 v1, v3;
	_ =	sdelay $0x3  }
0x4c0: {  	[tilespmem:s12+$0x1BA50] =	vst.add.f32.msk $0xffff, v0  }
0x4c1: {  	v0 =	vadd.s32 $0xFFFE7980, v2;
	v2 =	vld.idx.msk [tilespmem:v1+s21+$0x0], vm0  }
0x4c2: {  	vm1 =	vgt.s32 v0, $0xFFFFFFFF;
	_ =	sdelay $0x4  }
0x4c3: {  	[tilespmem:s12+$0x1AA60] =	vst.add.f32.msk $0xffff, v2  }
0x4c4: {  	v2 =	vld.idx.msk [tilespmem:v0+s30+$0x0], vm1;
	_ =	sdelay $0x1  }
0x4c5: {  	v1 =	vor.u32 $0x80, v1;
	_ =	sdelay $0x3  }
0x4c6: {  	[tilespmem:s12+$0x1AA60] =	vst.add.f32.msk $0xffff, v2  }
0x4c7: {  	v1 =	vld.idx.msk [tilespmem:v1+s21+$0x0], vm0  }
0x4c8: {  	v2 =	vld [tilespmem:s12+$0x19870];
	_ =	sdelay $0x4  }
0x4c9: {  	[tilespmem:s12+$0x1BA60] =	vst.add.f32.msk $0xffff, v1;
	v1 =	vadd.s32 $0xFFFEDA00, v2  }
0x4ca: {  	v0 =	vld.idx.msk [tilespmem:v0+s31+$0x0], vm1;
	v3 =	vshll.u32 v1, $0x1  }
0x4cb: {  	vm0 =	vlt.u32 v1, $0x6080;
	v1 =	vand.u32 $0x7F, v2;
	v3 =	vand.u32 $0xFFFFFF00, v3  }
0x4cc: {  	v1 =	vor.u32 v1, v3;
	_ =	sdelay $0x3  }
0x4cd: {  	[tilespmem:s12+$0x1BA60] =	vst.add.f32.msk $0xffff, v0  }
0x4ce: {  	v0 =	vadd.s32 $0xFFFE7980, v2;
	v2 =	vld.idx.msk [tilespmem:v1+s21+$0x0], vm0  }
0x4cf: {  	vm1 =	vgt.s32 v0, $0xFFFFFFFF;
	_ =	sdelay $0x4  }
0x4d0: {  	[tilespmem:s12+$0x1AA70] =	vst.add.f32.msk $0xffff, v2  }
0x4d1: {  	v2 =	vld.idx.msk [tilespmem:v0+s30+$0x0], vm1;
	_ =	sdelay $0x1  }
.Ltmp9:
0x4d2: {  	v1 =	vor.u32 $0x80, v1;
	(pc) =	sbr.rel @p2 .LBB2_17-.Ltmp9, $2  }
0x4d3: {  	_ =	sdelay $0x2  }
0x4d4: {  	s14 =	sadd.s32 $0x200, s14;
	[tilespmem:s12+$0x1AA70] =	vst.add.f32.msk $0xffff, v2  }
0x4d5: {  	_ =	sdelay $0x4  }
0x4d6: {  	v1 =	vld.idx.msk [tilespmem:v1+s21+$0x0], vm0;
	_ =	sdelay $0x4  }
0x4d7: {  	[tilespmem:s12+$0x1BA70] =	vst.add.f32.msk $0xffff, v1  }
0x4d8: {  	v0 =	vld.idx.msk [tilespmem:v0+s31+$0x0], vm1;
	_ =	sdelay $0x1  }
0x4d9: {  	s8 =	rddreg [dreg:$0xd]  }
0x4da: {  	s7 =	sadd.s32 @!p1 s8, s7  }
0x4db: {  	s14 =	simm.s32 @!p1 $0xC400;
	s7 =	sshrl.u32 @!p1 s7, $0x3  }
0x4dc: {  	s8 =	simm.s32 @!p1 $0x100;
	s7 =	sadd.s32 @!p1 s1, s7;
	[tilespmem:s12+$0x1BA70] =	vst.add.f32.msk $0xffff, v0;
	s12 =	simm.s32 @!p1 $0x400  }
0x4dd: {  	[tilespmem:s14], [sflag:$0x2] =	stream.strided.gather @!p1 [hbm4b:s7+s8], $0xC400, s12, s8, $0x38;
	[tilespmem:$0x1CA00] =	vst v63  }
0x4de: {  	s14 =	sadd.s32 $0xD, s10  }
0x4df: {  	s15 =	sshll.u32 s14, $0xC;
	s7 =	sshll.u32 s14, $0x7  }
0x4e0: {  	s8 =	sand.u32 $0xFFFF8000, s15;
	s7 =	sand.u32 $0x380, s7  }
0x4e1: {  	s7 =	sor.u32 s7, s8  }
0x4e2: {  	s7 =	sshrl.u32 s7, $0x3  }
0x4e3: {  	s16 =	sadd.s32 $0xE, s10;
	s18 =	sadd.s32 $0x1, s18;
	s7 =	sadd.s32 s4, s7  }
0x4e4: {  	[hbm4b:s7+s0] =	stream.strided.scatter [tilespmem:s2], [sflag:$0x4], $0x1000, s20, s0, $0x38;
	[tilespmem:$0x1CA00] =	vst v63  }
0x4e5: {  	s17 =	sshll.u32 s16, $0xC;
	p1 =	sne.s32 s18, $0xD;
	s7 =	sshll.u32 s16, $0x7  }
.Ltmp10:
0x4e6: {  	s8 =	sand.u32 $0xFFFF8000, s17;
	s7 =	sand.u32 $0x300, s7;
	(pc) =	sbr.rel @p1 .LBB2_2-.Ltmp10, $4  }
0x4e7: {  	s7 =	sor.u32 s7, s8  }
0x4e8: {  	s7 =	sshrl.u32 s7, $0x3  }
0x4e9: {  	s7 =	sadd.s32 s4, s7  }
0x4ea: {  	[hbm4b:s7+s0] =	stream.strided.scatter [tilespmem:s29], [sflag:$0x4], $0x1000, s20, s0, $0x38;
	[tilespmem:$0x1CA00] =	vst v63  }
0x4eb: {  	_ =	swait.ge [sflag:s9], $0x1000  }
.Ltmp11:
0x4ec: {  	[sflag:s9] =	ssyncset.done $0x0;
	(pc) =	sbr.rel @p0 .LBB2_23-.Ltmp11, $4  }
0x4ed: {  	[sflag:s9] =	ssyncadd.s32 $0xFFFFF000  }
0x4ee: {  	_ =	swait.ge [sflag:s9], $0x1000  }
0x4ef: {  	[sflag:s9] =	ssyncset.done $0x0  }
0x4f0: {  	s8 =	rddreg [dreg:$0xf];
	[sflag:s9] =	ssyncadd.s32 $0xFFFFF000  }
0x4f1: {  	s7 =	simm.s32 $0x0  }
0x4f2: {  	s8 =	sand.u32 $0x1000, s7;
	s7 =	sand.u32 $0x70, s7  }
0x4f3: {  	s7 =	sor.u32 s7, s8  }
0x4f4: {  	s8 =	sadd.s32 s3, s7  }
0x4f5: {  	[tilespmem:s2], [sflag:$0x5] =	stream.strided.gather [hbm4b:s8+s0], $0x1000, s20, s0, $0x38;
	[tilespmem:$0x1CA00] =	vst v63  }
0x4f6: {  	_ =	swait.ge [sflag:s11], $0x1000  }
0x4f7: {  	s29 =	simm.s32 $0x200;
	[sflag:s11] =	ssyncset.done $0x0  }
0x4f8: {  	s10 =	sadd.s32 s4, s7;
	s7 =	simm.s32 $0x10;
	[sflag:s11] =	ssyncadd.s32 $0xFFFFF000  }
0x4f9: {  	[hbm4b:s10+s0] =	stream.strided.scatter [tilespmem:s2], [sflag:$0x5], $0x1000, s20, s0, $0x38;
	[tilespmem:$0x1CA00] =	vst v63  }
0x4fa: {  	s8 =	sand.u32 $0x1000, s29;
	s12 =	sand.u32 $0x70, s7;
	_ =	swait.ge [sflag:s11], $0x1000  }
0x4fb: {  	s8 =	sor.u32 s12, s8;
	s10 =	simm.s32 $0x400;
	[sflag:s11] =	ssyncset.done $0x0  }
.LBB2_21:
0x4fc: {  	s12 =	sadd.s32 s3, s8  }
0x4fd: {  	[sflag:s11] =	ssyncadd.s32 $0xFFFFF000;
	s14 =	smov.u32 s10;
	s15 =	sadd.s32 $0x200, s10  }
0x4fe: {  	[tilespmem:s2], [sflag:$0x5] =	stream.strided.gather [hbm4b:s12+s0], $0x1000, s20, s0, $0x38;
	[tilespmem:$0x1CA00] =	vst v63  }
0x4ff: {  	p1 =	sne.s32 s10, $0x1800;
	_ =	swait.ge [sflag:s11], $0x1000  }
.Ltmp12:
0x500: {  	[sflag:s11] =	ssyncset.done $0x0;
	(pc) =	sbr.rel @p1 .LBB2_21-.Ltmp12, $4  }
0x501: {  	s8 =	sadd.s32 s4, s8;
	s7 =	sadd.s32 $0x10, s7;
	[sflag:s11] =	ssyncadd.s32 $0xFFFFF000  }
0x502: {  	[hbm4b:s8+s0] =	stream.strided.scatter [tilespmem:s2], [sflag:$0x5], $0x1000, s20, s0, $0x38;
	[tilespmem:$0x1CA00] =	vst v63  }
0x503: {  	s10 =	sand.u32 $0x70, s7;
	s8 =	sand.u32 $0x1000, s14;
	_ =	swait.ge [sflag:s11], $0x1000  }
0x504: {  	s8 =	sor.u32 s10, s8;
	s10 =	smov.u32 s15;
	[sflag:s11] =	ssyncset.done $0x0  }
0x505: {  	s7 =	sadd.s32 s3, s8;
	[sflag:s11] =	ssyncadd.s32 $0xFFFFF000  }
0x506: {  	[tilespmem:s2], [sflag:$0x5] =	stream.strided.gather [hbm4b:s7+s0], $0x1000, s20, s0, $0x38;
	[tilespmem:$0x1CA00] =	vst v63  }
0x507: {  	_ =	swait.ge [sflag:s11], $0x1000  }
0x508: {  	[sflag:s11] =	ssyncset.done $0x0  }
.Ltmp13:
0x509: {  	s29 =	sadd.s32 s4, s8;
	[sflag:s11] =	ssyncadd.s32 $0xFFFFF000;
	(pc) =	sbr.rel .LBB2_23-.Ltmp13, $4  }
0x50a: {  	[hbm4b:s29+s0] =	stream.strided.scatter [tilespmem:s2], [sflag:$0x5], $0x1000, s20, s0, $0x38;
	[tilespmem:$0x1CA00] =	vst v63  }
0x50b: {  	_ =	swait.ge [sflag:s11], $0x1000  }
0x50c: {  	[sflag:s11] =	ssyncset.done $0x0  }
0x50d: {  	s8 =	rddreg [dreg:$0xf];
	[sflag:s11] =	ssyncadd.s32 $0xFFFFF000  }
.LBB2_24:
0x50e: {  	_ =	sfence.sel $0x180000  }
0x50f: {  	[bflag:$0x0] =	sbarrier.arrive $0xFFFF  }
0x510: {  	_ =	strace $0x90000047  }
0x511: {  	s0 =	stileid.u32;
	[bflag:$0x2] =	sbarrier.arrive $0xFFFF  }
0x512: {  	p0 =	sne.s32 s0, $0x0;
	s0 =	rddreg [dreg:$0x4]  }
0x513: {  	s0 =	sadd.s32 @!p0 $0x100000, s0  }
0x514: {  	[sflag:s0] =	ssyncadd.tile.s32 @!p0 $0x1;
	_ =	shalt  }
.Lfunc_end2:
_tile_overlayer_lowered:
.L_overlay_start_2:
0x515: {  	(tag) =	ssettag $0x2  }
0x516: {  	s0 =	rddreg [dreg:$0x0];
	s2 =	stileid.u32  }
0x517: {  	s1 =	rddreg [dreg:$0x1];
	p0 =	sne.s32 s2, $0x0  }
0x518: {  	s3 =	rddreg [dreg:$0x2];
	[bflag:$0x3] =	sbarrier.arrive $0xFFFF;
	s2 =	simm.s32 @!p0 $0x1C05  }
0x519: {  	[timem:s3], [sflag:s2] =	dma.local @!p0 [hbm:s0], s1  }
0x51a: {  	s0 =	simm.s32 @!p0 $0x5  }
0x51b: {  	_ =	swait.ge @!p0 [sflag:s0], s1  }
0x51c: {  	s1 =	ssub.s32 @!p0 $0x0, s1;
	[sflag:s0] =	ssyncset.done @!p0 $0x0  }
0x51d: {  	[sflag:s0] =	ssyncadd.s32 @!p0 s1  }
0x51e: {  	[bflag:$0x3] =	sbarrier.arrive $0xFFFF  }
0x51f: {  	_ =	shalt  }

</sc_bundles>
